<compile_context>
chip_gen: v7x
topology: tpu7x:2x2x1
jax: 0.10.2.dev20260603
libtpu: 0.0.44.dev20260713+nightly
codegen_flags: <defaults>
</compile_context>

<pallas_src>
import functools

import jax
import jax.numpy as jnp
from jax import lax
from jax.experimental import pallas as pl
from jax.experimental.pallas import tpu as pltpu
from jax.experimental.pallas import tpu_sc as plsc

N = 10000
E = 320000
D = 128
R = 16

NC = 2
NS = 16
NW = NC * NS
C = 128
CPAD = 2560
EPAD = CPAD * C
CPT = CPAD // NW
CPT_H = CPT // 2
NPAD = 10240
ROWS_PER_TILE = NPAD // NS
ZROWS = 128

BN = 1000


def _matmul_body(h_ref, w_ref, z_ref):
    z_ref[0] = jnp.dot(h_ref[...], w_ref[0], preferred_element_type=jnp.float32)


def _tc_transform(h, wcat):
    nt = N // BN
    rp = R + 1
    return pl.pallas_call(
        _matmul_body,
        grid=(nt, rp),
        in_specs=[
            pl.BlockSpec((BN, D), lambda i, r: (i, 0)),
            pl.BlockSpec((1, D, D), lambda i, r: (r, 0, 0)),
        ],
        out_specs=pl.BlockSpec((1, BN, D), lambda i, r: (r, i, 0)),
        out_shape=jax.ShapeDtypeStruct((rp, N, D), jnp.float32),
    )(h, wcat)


def _fill_rows(ref, nrows, val):
    def _row(i, carry):
        for j in range(D // 16):
            ref[i, pl.ds(16 * j, 16)] = jnp.full((16,), val, jnp.float32)
        return carry

    lax.fori_loop(0, nrows, _row, 0)


def _zero_shared(acc_sh, zrows, s):
    for k in range(ROWS_PER_TILE // ZROWS):
        pltpu.sync_copy(
            zrows.at[pl.ds(0, ZROWS)],
            acc_sh.at[pl.ds(s * ROWS_PER_TILE + k * ZROWS, ZROWS)],
        )


def _writeback(acc_sh, stage, acc_out, c, s):
    row0 = s * ROWS_PER_TILE
    for k in range(ROWS_PER_TILE // ZROWS):
        r0 = row0 + k * ZROWS
        pltpu.sync_copy(acc_sh.at[pl.ds(r0, ZROWS)], stage)
        pltpu.sync_copy(stage, acc_out.at[c, pl.ds(r0, ZROWS)])


def _sc_body(z_ref, src_ref, dst_ref, et_ref, acc_out,
             src_a, et_a, dst_a, rid_a, src_b, et_b, dst_b, rid_b,
             rows_a, rows_b, acc_sh, gsa, gsb, ssa, ssb):
    c = lax.axis_index("c")
    s = lax.axis_index("s")
    wid = s * NC + c

    _fill_rows(rows_a, C, 0.0)
    _zero_shared(acc_sh, rows_a, s)
    plsc.subcore_barrier()

    def _loadidx(i, sv, ev, dv, rv):
        base = (wid + i * NW) * C
        pltpu.sync_copy(src_ref.at[pl.ds(base, C)], sv)
        pltpu.sync_copy(et_ref.at[pl.ds(base, C)], ev)
        pltpu.sync_copy(dst_ref.at[pl.ds(base, C)], dv)
        for j in range(C // 16):
            sl = pl.ds(16 * j, 16)
            rv[sl] = ev[sl] * N + sv[sl]

    def _chunk(i, carry):
        _loadidx(i, src_a, et_a, dst_a, rid_a)
        pltpu.async_copy(z_ref.at[rid_a], rows_a, gsa).wait()
        pltpu.sync_copy(rows_a, acc_sh.at[dst_a], add=True)
        return carry

    ntrips = (CPAD - 1 - wid) // NW + 1
    lax.fori_loop(0, ntrips, _chunk, 0)

    plsc.subcore_barrier()
    _writeback(acc_sh, rows_a, acc_out, c, s)


def _deg_body(dst_ref, deg_out, dst_all, ones_v, stage, deg_sh, sem):
    c = lax.axis_index("c")
    s = lax.axis_index("s")
    wid = s * NC + c

    _fill_rows(ones_v, C, 0.0)
    _zero_shared(deg_sh, ones_v, s)
    _fill_rows(ones_v, C, 1.0)

    base = wid * CPT
    pltpu.sync_copy(dst_ref.at[pl.ds(base, CPT)], dst_all)
    plsc.subcore_barrier()

    def _batch(i, carry):
        for j in range(8):
            pltpu.async_copy(ones_v, deg_sh.at[dst_all.at[8 * i + j]], sem,
                             add=True)
        for j in range(8):
            pltpu.make_async_copy(ones_v, deg_sh.at[dst_all.at[8 * i + j]],
                                  sem).wait()
        return carry

    lax.fori_loop(0, CPT // 8, _batch, 0)

    plsc.subcore_barrier()
    _writeback(deg_sh, stage, deg_out, c, s)


def _sc_mesh():
    return plsc.VectorSubcoreMesh(
        core_axis_name="c", subcore_axis_name="s",
        num_cores=NC, num_subcores=NS,
    )


@functools.lru_cache(maxsize=None)
def _make_sc():
    return pl.kernel(
        _sc_body,
        out_type=[jax.ShapeDtypeStruct((NC, NPAD, D), jnp.float32)],
        mesh=_sc_mesh(),
        scratch_types=[
            pltpu.VMEM((C,), jnp.int32),
            pltpu.VMEM((C,), jnp.int32),
            pltpu.VMEM((C,), jnp.int32),
            pltpu.VMEM((C,), jnp.int32),
            pltpu.VMEM((C,), jnp.int32),
            pltpu.VMEM((C,), jnp.int32),
            pltpu.VMEM((C,), jnp.int32),
            pltpu.VMEM((C,), jnp.int32),
            pltpu.VMEM((C, D), jnp.float32),
            pltpu.VMEM((C, D), jnp.float32),
            pltpu.VMEM_SHARED((NPAD, D), jnp.float32),
            pltpu.SemaphoreType.DMA,
            pltpu.SemaphoreType.DMA,
            pltpu.SemaphoreType.DMA,
            pltpu.SemaphoreType.DMA,
        ],
    )


@functools.lru_cache(maxsize=None)
def _make_deg():
    return pl.kernel(
        _deg_body,
        out_type=[jax.ShapeDtypeStruct((NC, NPAD, D), jnp.float32)],
        mesh=_sc_mesh(),
        scratch_types=[
            pltpu.VMEM((CPT, C), jnp.int32),
            pltpu.VMEM((C, D), jnp.float32),
            pltpu.VMEM((ZROWS, D), jnp.float32),
            pltpu.VMEM_SHARED((NPAD, D), jnp.float32),
            pltpu.SemaphoreType.DMA,
        ],
    )


def _combine_body(acc_ref, degp_ref, z_ref, out_ref):
    d = jnp.maximum(degp_ref[0, :, 0:1] + degp_ref[1, :, 0:1], 1.0)
    agg = acc_ref[0] + acc_ref[1]
    out_ref[...] = jnp.maximum(agg / d + z_ref[0], 0.0)


def _combine(acc, degp, z):
    nt = N // BN
    return pl.pallas_call(
        _combine_body,
        grid=(nt,),
        in_specs=[
            pl.BlockSpec((NC, BN, D), lambda i: (0, i, 0)),
            pl.BlockSpec((NC, BN, D), lambda i: (0, i, 0)),
            pl.BlockSpec((1, BN, D), lambda i: (R, i, 0)),
        ],
        out_specs=pl.BlockSpec((BN, D), lambda i: (i, 0)),
        out_shape=jax.ShapeDtypeStruct((N, D), jnp.float32),
    )(acc, degp, z)


def kernel(x, edge_index, edge_type, W, W_self):
    src = edge_index[0]
    dst = edge_index[1]
    et = edge_type
    pad = EPAD - E
    src1 = jnp.concatenate([src, jnp.zeros((pad,), jnp.int32)])
    dst1 = jnp.concatenate([dst, jnp.full((pad,), N, jnp.int32)])
    et1 = jnp.concatenate([et, jnp.zeros((pad,), jnp.int32)])
    (degp,) = _make_deg()(dst1.reshape(CPAD, C))
    h = x
    for l in range(2):
        wcat = jnp.concatenate([W[l], W_self[l][None]], axis=0)
        z = _tc_transform(h, wcat)
        zflat = z.reshape(((R + 1) * N, D))
        (acc,) = _make_sc()(zflat, src1, dst1, et1)
        h = _combine(acc, degp, z)
    return h

# --- scband reference (transcript-rebuilt; emitter-appended) ---
"""Pipeline reference for scband-graph-classifier-35287451304615 (READ-ONLY COPY).

The authoritative reference and input builder live on the scoring server;
editing this copy changes nothing except your own understanding.
"""

import jax, jax.numpy as jnp
import numpy as np

NUM_NODES = 10000
NUM_EDGES = 320000
D = 128
NUM_RELS = 16
NUM_LAYERS = 2


def setup_inputs(seed: int = 0) -> dict:
    key = jax.random.key(seed)
    k_x, k_ei, k_et, k_w, k_ws = (jax.random.fold_in(key, i) for i in range(5))
    x = jax.random.normal(k_x, (NUM_NODES, D), dtype=jnp.float32)
    edge_index = jax.random.randint(k_ei, (2, NUM_EDGES), 0, NUM_NODES, dtype=jnp.int64 if jax.config.jax_enable_x64 else jnp.int32).astype(jnp.int32)
    edge_type = jax.random.randint(k_et, (NUM_EDGES,), 0, NUM_RELS).astype(jnp.int32)
    W = jax.random.normal(k_w, (NUM_LAYERS, NUM_RELS, D, D), dtype=jnp.float32) * (1.0 / np.sqrt(D))
    W_self = jax.random.normal(k_ws, (NUM_LAYERS, D, D), dtype=jnp.float32) * (1.0 / np.sqrt(D))
    return {"x": x, "edge_index": edge_index, "edge_type": edge_type, "W": W, "W_self": W_self}


def reference(x, edge_index, edge_type, W, W_self):
    # RGCN message passing (the self.gnn = RGCN(params) core of GraphClassifier):
    # per-relation transform, gather by (relation, src), scatter-add to dst,
    # degree-normalize, add self-loop transform, LeakyReLU-style nonlinearity.
    src = edge_index[0]
    dst = edge_index[1]
    n = x.shape[0]
    e = src.shape[0]
    deg = jax.ops.segment_sum(jnp.ones((e,), dtype=jnp.float32), dst, num_segments=n)
    deg = jnp.maximum(deg, 1.0)[:, None]
    h = x
    for l in range(NUM_LAYERS):
        # transform node features for every relation: [R, N, D]
        xr = jnp.einsum('nd,rdh->rnh', h, W[l])
        # gather per-edge messages by (edge_type, src)
        msgs = xr[edge_type, src]
        # scatter-add messages at destination nodes
        agg = jax.ops.segment_sum(msgs, dst, num_segments=n)
        h = jax.nn.relu(agg / deg + h @ W_self[l])
    return h

if __name__ == "__main__":
    import jax
    _d = setup_inputs()
    print(jax.jit(kernel)(*tuple(_d.values())))

</pallas_src>

<mosaic_0001>
#map = affine_map<(d0, d1) -> (0, 0)>
#map1 = affine_map<(d0, d1) -> (0)>
#map2 = affine_map<(d0, d1) -> (0, 0, 0)>
module attributes {stable_mosaic.version = 14 : i64} {
  func.func @_sc_body(%arg0: i32, %arg1: i32, %arg2: memref<170000x128xf32, #tpu.memory_space<hbm>>, %arg3: memref<327680xi32, #tpu.memory_space<hbm>>, %arg4: memref<327680xi32, #tpu.memory_space<hbm>>, %arg5: memref<327680xi32, #tpu.memory_space<hbm>>, %arg6: memref<2x10240x128xf32, #tpu.memory_space<hbm>>, %arg7: memref<128xi32, #tpu.memory_space<vmem>>, %arg8: memref<128xi32, #tpu.memory_space<vmem>>, %arg9: memref<128xi32, #tpu.memory_space<vmem>>, %arg10: memref<128xi32, #tpu.memory_space<vmem>>, %arg11: memref<128xi32, #tpu.memory_space<vmem>>, %arg12: memref<128xi32, #tpu.memory_space<vmem>>, %arg13: memref<128xi32, #tpu.memory_space<vmem>>, %arg14: memref<128xi32, #tpu.memory_space<vmem>>, %arg15: memref<128x128xf32, #tpu.memory_space<vmem>>, %arg16: memref<128x128xf32, #tpu.memory_space<vmem>>, %arg17: memref<10240x128xf32, #tpu.memory_space<vmem_shared>>, %arg18: memref<!tpu.dma_semaphore, #tpu.memory_space<semaphore_mem>>, %arg19: memref<!tpu.dma_semaphore, #tpu.memory_space<semaphore_mem>>, %arg20: memref<!tpu.dma_semaphore, #tpu.memory_space<semaphore_mem>>, %arg21: memref<!tpu.dma_semaphore, #tpu.memory_space<semaphore_mem>>) attributes {dimension_semantics = [#tpu.dimension_semantics<core_parallel>, #tpu.dimension_semantics<subcore_parallel>], iteration_bounds = array<i64: 2, 16>, scalar_prefetch = 0 : i64, scratch_operands = 15 : i64, tpu.core_type = #tpu.core_type<sc_vector_subcore>, window_params = [{transform_indices = #map}, {transform_indices = #map1}, {transform_indices = #map1}, {transform_indices = #map1}, {transform_indices = #map2}]} {
    %mul3A = arith.constant 2 : i32
    %mul3A_0 = arith.muli %arg1, %mul3A : i32
    %add3A = arith.addi %mul3A_0, %arg0 : i32
    %scan3A = arith.constant 0 : i32
    %scan3A_1 = arith.constant 0 : i32
    %scan3A_2 = arith.constant 128 : i32
    %scan3A_3 = arith.addi %scan3A_1, %scan3A_2 : i32
    %scan3A_4 = arith.constant 1 : i32
    scf.for %scan3A_68 = %scan3A_1 to %scan3A_3 step %scan3A_4  : i32 {
      %broadcast_in_dim3A = arith.constant 0.000000e+00 : f32
      %broadcast_in_dim3A_69 = vector.broadcast %broadcast_in_dim3A : f32 to vector<16xf32>
      %swap3A = arith.index_cast %scan3A_68 : i32 to index
      %swap3A_70 = arith.constant 0 : index
      %swap3A_71 = tpu.vector_load %arg15[%swap3A, %swap3A_70] {strides = array<i32>} : memref<128x128xf32, #tpu.memory_space<vmem>>, vector<1x16xf32>,
      %swap3A_72 = vector.shape_cast %swap3A_71 : vector<1x16xf32> to vector<16xf32>
      %swap3A_73 = vector.shape_cast %broadcast_in_dim3A_69 : vector<16xf32> to vector<1x16xf32>
      tpu.vector_store %arg15[%swap3A, %swap3A_70], %swap3A_73 {strides = array<i32>} : memref<128x128xf32, #tpu.memory_space<vmem>>, vector<1x16xf32>,
      %broadcast_in_dim3A_74 = arith.constant 0.000000e+00 : f32
      %broadcast_in_dim3A_75 = vector.broadcast %broadcast_in_dim3A_74 : f32 to vector<16xf32>
      %swap3A_76 = arith.index_cast %scan3A_68 : i32 to index
      %swap3A_77 = arith.constant 16 : index
      %swap3A_78 = tpu.vector_load %arg15[%swap3A_76, %swap3A_77] {strides = array<i32>} : memref<128x128xf32, #tpu.memory_space<vmem>>, vector<1x16xf32>,
      %swap3A_79 = vector.shape_cast %swap3A_78 : vector<1x16xf32> to vector<16xf32>
      %swap3A_80 = vector.shape_cast %broadcast_in_dim3A_75 : vector<16xf32> to vector<1x16xf32>
      tpu.vector_store %arg15[%swap3A_76, %swap3A_77], %swap3A_80 {strides = array<i32>} : memref<128x128xf32, #tpu.memory_space<vmem>>, vector<1x16xf32>,
      %broadcast_in_dim3A_81 = arith.constant 0.000000e+00 : f32
      %broadcast_in_dim3A_82 = vector.broadcast %broadcast_in_dim3A_81 : f32 to vector<16xf32>
      %swap3A_83 = arith.index_cast %scan3A_68 : i32 to index
      %swap3A_84 = arith.constant 32 : index
      %swap3A_85 = tpu.vector_load %arg15[%swap3A_83, %swap3A_84] {strides = array<i32>} : memref<128x128xf32, #tpu.memory_space<vmem>>, vector<1x16xf32>,
      %swap3A_86 = vector.shape_cast %swap3A_85 : vector<1x16xf32> to vector<16xf32>
      %swap3A_87 = vector.shape_cast %broadcast_in_dim3A_82 : vector<16xf32> to vector<1x16xf32>
      tpu.vector_store %arg15[%swap3A_83, %swap3A_84], %swap3A_87 {strides = array<i32>} : memref<128x128xf32, #tpu.memory_space<vmem>>, vector<1x16xf32>,
      %broadcast_in_dim3A_88 = arith.constant 0.000000e+00 : f32
      %broadcast_in_dim3A_89 = vector.broadcast %broadcast_in_dim3A_88 : f32 to vector<16xf32>
      %swap3A_90 = arith.index_cast %scan3A_68 : i32 to index
      %swap3A_91 = arith.constant 48 : index
      %swap3A_92 = tpu.vector_load %arg15[%swap3A_90, %swap3A_91] {strides = array<i32>} : memref<128x128xf32, #tpu.memory_space<vmem>>, vector<1x16xf32>,
      %swap3A_93 = vector.shape_cast %swap3A_92 : vector<1x16xf32> to vector<16xf32>
      %swap3A_94 = vector.shape_cast %broadcast_in_dim3A_89 : vector<16xf32> to vector<1x16xf32>
      tpu.vector_store %arg15[%swap3A_90, %swap3A_91], %swap3A_94 {strides = array<i32>} : memref<128x128xf32, #tpu.memory_space<vmem>>, vector<1x16xf32>,
      %broadcast_in_dim3A_95 = arith.constant 0.000000e+00 : f32
      %broadcast_in_dim3A_96 = vector.broadcast %broadcast_in_dim3A_95 : f32 to vector<16xf32>
      %swap3A_97 = arith.index_cast %scan3A_68 : i32 to index
      %swap3A_98 = arith.constant 64 : index
      %swap3A_99 = tpu.vector_load %arg15[%swap3A_97, %swap3A_98] {strides = array<i32>} : memref<128x128xf32, #tpu.memory_space<vmem>>, vector<1x16xf32>,
      %swap3A_100 = vector.shape_cast %swap3A_99 : vector<1x16xf32> to vector<16xf32>
      %swap3A_101 = vector.shape_cast %broadcast_in_dim3A_96 : vector<16xf32> to vector<1x16xf32>
      tpu.vector_store %arg15[%swap3A_97, %swap3A_98], %swap3A_101 {strides = array<i32>} : memref<128x128xf32, #tpu.memory_space<vmem>>, vector<1x16xf32>,
      %broadcast_in_dim3A_102 = arith.constant 0.000000e+00 : f32
      %broadcast_in_dim3A_103 = vector.broadcast %broadcast_in_dim3A_102 : f32 to vector<16xf32>
      %swap3A_104 = arith.index_cast %scan3A_68 : i32 to index
      %swap3A_105 = arith.constant 80 : index
      %swap3A_106 = tpu.vector_load %arg15[%swap3A_104, %swap3A_105] {strides = array<i32>} : memref<128x128xf32, #tpu.memory_space<vmem>>, vector<1x16xf32>,
      %swap3A_107 = vector.shape_cast %swap3A_106 : vector<1x16xf32> to vector<16xf32>
      %swap3A_108 = vector.shape_cast %broadcast_in_dim3A_103 : vector<16xf32> to vector<1x16xf32>
      tpu.vector_store %arg15[%swap3A_104, %swap3A_105], %swap3A_108 {strides = array<i32>} : memref<128x128xf32, #tpu.memory_space<vmem>>, vector<1x16xf32>,
      %broadcast_in_dim3A_109 = arith.constant 0.000000e+00 : f32
      %broadcast_in_dim3A_110 = vector.broadcast %broadcast_in_dim3A_109 : f32 to vector<16xf32>
      %swap3A_111 = arith.index_cast %scan3A_68 : i32 to index
      %swap3A_112 = arith.constant 96 : index
      %swap3A_113 = tpu.vector_load %arg15[%swap3A_111, %swap3A_112] {strides = array<i32>} : memref<128x128xf32, #tpu.memory_space<vmem>>, vector<1x16xf32>,
      %swap3A_114 = vector.shape_cast %swap3A_113 : vector<1x16xf32> to vector<16xf32>
      %swap3A_115 = vector.shape_cast %broadcast_in_dim3A_110 : vector<16xf32> to vector<1x16xf32>
      tpu.vector_store %arg15[%swap3A_111, %swap3A_112], %swap3A_115 {strides = array<i32>} : memref<128x128xf32, #tpu.memory_space<vmem>>, vector<1x16xf32>,
      %broadcast_in_dim3A_116 = arith.constant 0.000000e+00 : f32
      %broadcast_in_dim3A_117 = vector.broadcast %broadcast_in_dim3A_116 : f32 to vector<16xf32>
      %swap3A_118 = arith.index_cast %scan3A_68 : i32 to index
      %swap3A_119 = arith.constant 112 : index
      %swap3A_120 = tpu.vector_load %arg15[%swap3A_118, %swap3A_119] {strides = array<i32>} : memref<128x128xf32, #tpu.memory_space<vmem>>, vector<1x16xf32>,
      %swap3A_121 = vector.shape_cast %swap3A_120 : vector<1x16xf32> to vector<16xf32>
      %swap3A_122 = vector.shape_cast %broadcast_in_dim3A_117 : vector<16xf32> to vector<1x16xf32>
      tpu.vector_store %arg15[%swap3A_118, %swap3A_119], %swap3A_122 {strides = array<i32>} : memref<128x128xf32, #tpu.memory_space<vmem>>, vector<1x16xf32>,
    }
    %scan3A_5 = arith.constant 128 : i32
    %mul3A_6 = arith.constant 640 : i32
    %mul3A_7 = arith.muli %arg1, %mul3A_6 : i32
    %add3A_8 = arith.constant 0 : i32
    %add3A_9 = arith.addi %mul3A_7, %add3A_8 : i32
    "tpu.region"() ({
      %run_scoped3A = tpu.sem_alloc : memref<!tpu.dma_semaphore, #tpu.memory_space<semaphore_mem>>
      %dma_start3A = arith.constant 0 : i32
      %dma_start3A_68 = arith.constant 0 : i32
      %dma_start3A_69 = tpu.memref_slice %arg15[%dma_start3A, %dma_start3A_68] : memref<128x128xf32, #tpu.memory_space<vmem>> -> memref<128x128xf32, #tpu.memory_space<vmem>>
      %dma_start3A_70 = arith.constant 0 : i32
      %dma_start3A_71 = tpu.memref_slice %arg17[%add3A_9, %dma_start3A_70] : memref<10240x128xf32, #tpu.memory_space<vmem_shared>> -> memref<128x128xf32, #tpu.memory_space<vmem_shared>>
      %dma_start3A_72 = arith.constant 0 : i32
      %dma_start3A_73 = tpu.memref_slice %arg17[%add3A_9, %dma_start3A_72] : memref<10240x128xf32, #tpu.memory_space<vmem_shared>> -> memref<128x128xf32, #tpu.memory_space<vmem_shared>>
      %dma_start3A_74 = arith.constant 0 : i32
      %dma_start3A_75 = arith.constant 0 : i32
      %dma_start3A_76 = tpu.memref_slice %arg15[%dma_start3A_74, %dma_start3A_75] : memref<128x128xf32, #tpu.memory_space<vmem>> -> memref<128x128xf32, #tpu.memory_space<vmem>>
      tpu.enqueue_dma source(%dma_start3A_76 : memref<128x128xf32, #tpu.memory_space<vmem>>) target(%dma_start3A_73 : memref<128x128xf32, #tpu.memory_space<vmem_shared>>) target_semaphore(%run_scoped3A : memref<!tpu.dma_semaphore, #tpu.memory_space<semaphore_mem>>)
      %dma_wait3A = arith.constant 0 : i32
      %dma_wait3A_77 = arith.constant 0 : i32
      %dma_wait3A_78 = tpu.memref_slice %arg15[%dma_wait3A, %dma_wait3A_77] : memref<128x128xf32, #tpu.memory_space<vmem>> -> memref<128x128xf32, #tpu.memory_space<vmem>>
      %dma_wait3A_79 = arith.constant 0 : i32
      %dma_wait3A_80 = tpu.memref_slice %arg17[%add3A_9, %dma_wait3A_79] : memref<10240x128xf32, #tpu.memory_space<vmem_shared>> -> memref<128x128xf32, #tpu.memory_space<vmem_shared>>
      %dma_wait3A_81 = arith.constant 0 : i32
      %dma_wait3A_82 = tpu.memref_slice %arg17[%add3A_9, %dma_wait3A_81] : memref<10240x128xf32, #tpu.memory_space<vmem_shared>> -> memref<128x128xf32, #tpu.memory_space<vmem_shared>>
      %dma_wait3A_83 = arith.constant 0 : i32
      %dma_wait3A_84 = arith.constant 0 : i32
      %dma_wait3A_85 = tpu.memref_slice %arg15[%dma_wait3A_83, %dma_wait3A_84] : memref<128x128xf32, #tpu.memory_space<vmem>> -> memref<128x128xf32, #tpu.memory_space<vmem>>
      tpu.wait_dma2 semaphore(%run_scoped3A : memref<!tpu.dma_semaphore, #tpu.memory_space<semaphore_mem>>) src(%dma_wait3A_85 : memref<128x128xf32, #tpu.memory_space<vmem>>) dst(%dma_wait3A_82 : memref<128x128xf32, #tpu.memory_space<vmem_shared>>)
      tpu.yield
    }) : () -> ()
    %mul3A_10 = arith.constant 640 : i32
    %mul3A_11 = arith.muli %arg1, %mul3A_10 : i32
    %add3A_12 = arith.constant 128 : i32
    %add3A_13 = arith.addi %mul3A_11, %add3A_12 : i32
    "tpu.region"() ({
      %run_scoped3A = tpu.sem_alloc : memref<!tpu.dma_semaphore, #tpu.memory_space<semaphore_mem>>
      %dma_start3A = arith.constant 0 : i32
      %dma_start3A_68 = arith.constant 0 : i32
      %dma_start3A_69 = tpu.memref_slice %arg15[%dma_start3A, %dma_start3A_68] : memref<128x128xf32, #tpu.memory_space<vmem>> -> memref<128x128xf32, #tpu.memory_space<vmem>>
      %dma_start3A_70 = arith.constant 0 : i32
      %dma_start3A_71 = tpu.memref_slice %arg17[%add3A_13, %dma_start3A_70] : memref<10240x128xf32, #tpu.memory_space<vmem_shared>> -> memref<128x128xf32, #tpu.memory_space<vmem_shared>>
      %dma_start3A_72 = arith.constant 0 : i32
      %dma_start3A_73 = tpu.memref_slice %arg17[%add3A_13, %dma_start3A_72] : memref<10240x128xf32, #tpu.memory_space<vmem_shared>> -> memref<128x128xf32, #tpu.memory_space<vmem_shared>>
      %dma_start3A_74 = arith.constant 0 : i32
      %dma_start3A_75 = arith.constant 0 : i32
      %dma_start3A_76 = tpu.memref_slice %arg15[%dma_start3A_74, %dma_start3A_75] : memref<128x128xf32, #tpu.memory_space<vmem>> -> memref<128x128xf32, #tpu.memory_space<vmem>>
      tpu.enqueue_dma source(%dma_start3A_76 : memref<128x128xf32, #tpu.memory_space<vmem>>) target(%dma_start3A_73 : memref<128x128xf32, #tpu.memory_space<vmem_shared>>) target_semaphore(%run_scoped3A : memref<!tpu.dma_semaphore, #tpu.memory_space<semaphore_mem>>)
      %dma_wait3A = arith.constant 0 : i32
      %dma_wait3A_77 = arith.constant 0 : i32
      %dma_wait3A_78 = tpu.memref_slice %arg15[%dma_wait3A, %dma_wait3A_77] : memref<128x128xf32, #tpu.memory_space<vmem>> -> memref<128x128xf32, #tpu.memory_space<vmem>>
      %dma_wait3A_79 = arith.constant 0 : i32
      %dma_wait3A_80 = tpu.memref_slice %arg17[%add3A_13, %dma_wait3A_79] : memref<10240x128xf32, #tpu.memory_space<vmem_shared>> -> memref<128x128xf32, #tpu.memory_space<vmem_shared>>
      %dma_wait3A_81 = arith.constant 0 : i32
      %dma_wait3A_82 = tpu.memref_slice %arg17[%add3A_13, %dma_wait3A_81] : memref<10240x128xf32, #tpu.memory_space<vmem_shared>> -> memref<128x128xf32, #tpu.memory_space<vmem_shared>>
      %dma_wait3A_83 = arith.constant 0 : i32
      %dma_wait3A_84 = arith.constant 0 : i32
      %dma_wait3A_85 = tpu.memref_slice %arg15[%dma_wait3A_83, %dma_wait3A_84] : memref<128x128xf32, #tpu.memory_space<vmem>> -> memref<128x128xf32, #tpu.memory_space<vmem>>
      tpu.wait_dma2 semaphore(%run_scoped3A : memref<!tpu.dma_semaphore, #tpu.memory_space<semaphore_mem>>) src(%dma_wait3A_85 : memref<128x128xf32, #tpu.memory_space<vmem>>) dst(%dma_wait3A_82 : memref<128x128xf32, #tpu.memory_space<vmem_shared>>)
      tpu.yield
    }) : () -> ()
    %mul3A_14 = arith.constant 640 : i32
    %mul3A_15 = arith.muli %arg1, %mul3A_14 : i32
    %add3A_16 = arith.constant 256 : i32
    %add3A_17 = arith.addi %mul3A_15, %add3A_16 : i32
    "tpu.region"() ({
      %run_scoped3A = tpu.sem_alloc : memref<!tpu.dma_semaphore, #tpu.memory_space<semaphore_mem>>
      %dma_start3A = arith.constant 0 : i32
      %dma_start3A_68 = arith.constant 0 : i32
      %dma_start3A_69 = tpu.memref_slice %arg15[%dma_start3A, %dma_start3A_68] : memref<128x128xf32, #tpu.memory_space<vmem>> -> memref<128x128xf32, #tpu.memory_space<vmem>>
      %dma_start3A_70 = arith.constant 0 : i32
      %dma_start3A_71 = tpu.memref_slice %arg17[%add3A_17, %dma_start3A_70] : memref<10240x128xf32, #tpu.memory_space<vmem_shared>> -> memref<128x128xf32, #tpu.memory_space<vmem_shared>>
      %dma_start3A_72 = arith.constant 0 : i32
      %dma_start3A_73 = tpu.memref_slice %arg17[%add3A_17, %dma_start3A_72] : memref<10240x128xf32, #tpu.memory_space<vmem_shared>> -> memref<128x128xf32, #tpu.memory_space<vmem_shared>>
      %dma_start3A_74 = arith.constant 0 : i32
      %dma_start3A_75 = arith.constant 0 : i32
      %dma_start3A_76 = tpu.memref_slice %arg15[%dma_start3A_74, %dma_start3A_75] : memref<128x128xf32, #tpu.memory_space<vmem>> -> memref<128x128xf32, #tpu.memory_space<vmem>>
      tpu.enqueue_dma source(%dma_start3A_76 : memref<128x128xf32, #tpu.memory_space<vmem>>) target(%dma_start3A_73 : memref<128x128xf32, #tpu.memory_space<vmem_shared>>) target_semaphore(%run_scoped3A : memref<!tpu.dma_semaphore, #tpu.memory_space<semaphore_mem>>)
      %dma_wait3A = arith.constant 0 : i32
      %dma_wait3A_77 = arith.constant 0 : i32
      %dma_wait3A_78 = tpu.memref_slice %arg15[%dma_wait3A, %dma_wait3A_77] : memref<128x128xf32, #tpu.memory_space<vmem>> -> memref<128x128xf32, #tpu.memory_space<vmem>>
      %dma_wait3A_79 = arith.constant 0 : i32
      %dma_wait3A_80 = tpu.memref_slice %arg17[%add3A_17, %dma_wait3A_79] : memref<10240x128xf32, #tpu.memory_space<vmem_shared>> -> memref<128x128xf32, #tpu.memory_space<vmem_shared>>
      %dma_wait3A_81 = arith.constant 0 : i32
      %dma_wait3A_82 = tpu.memref_slice %arg17[%add3A_17, %dma_wait3A_81] : memref<10240x128xf32, #tpu.memory_space<vmem_shared>> -> memref<128x128xf32, #tpu.memory_space<vmem_shared>>
      %dma_wait3A_83 = arith.constant 0 : i32
      %dma_wait3A_84 = arith.constant 0 : i32
      %dma_wait3A_85 = tpu.memref_slice %arg15[%dma_wait3A_83, %dma_wait3A_84] : memref<128x128xf32, #tpu.memory_space<vmem>> -> memref<128x128xf32, #tpu.memory_space<vmem>>
      tpu.wait_dma2 semaphore(%run_scoped3A : memref<!tpu.dma_semaphore, #tpu.memory_space<semaphore_mem>>) src(%dma_wait3A_85 : memref<128x128xf32, #tpu.memory_space<vmem>>) dst(%dma_wait3A_82 : memref<128x128xf32, #tpu.memory_space<vmem_shared>>)
      tpu.yield
    }) : () -> ()
    %mul3A_18 = arith.constant 640 : i32
    %mul3A_19 = arith.muli %arg1, %mul3A_18 : i32
    %add3A_20 = arith.constant 384 : i32
    %add3A_21 = arith.addi %mul3A_19, %add3A_20 : i32
    "tpu.region"() ({
      %run_scoped3A = tpu.sem_alloc : memref<!tpu.dma_semaphore, #tpu.memory_space<semaphore_mem>>
      %dma_start3A = arith.constant 0 : i32
      %dma_start3A_68 = arith.constant 0 : i32
      %dma_start3A_69 = tpu.memref_slice %arg15[%dma_start3A, %dma_start3A_68] : memref<128x128xf32, #tpu.memory_space<vmem>> -> memref<128x128xf32, #tpu.memory_space<vmem>>
      %dma_start3A_70 = arith.constant 0 : i32
      %dma_start3A_71 = tpu.memref_slice %arg17[%add3A_21, %dma_start3A_70] : memref<10240x128xf32, #tpu.memory_space<vmem_shared>> -> memref<128x128xf32, #tpu.memory_space<vmem_shared>>
      %dma_start3A_72 = arith.constant 0 : i32
      %dma_start3A_73 = tpu.memref_slice %arg17[%add3A_21, %dma_start3A_72] : memref<10240x128xf32, #tpu.memory_space<vmem_shared>> -> memref<128x128xf32, #tpu.memory_space<vmem_shared>>
      %dma_start3A_74 = arith.constant 0 : i32
      %dma_start3A_75 = arith.constant 0 : i32
      %dma_start3A_76 = tpu.memref_slice %arg15[%dma_start3A_74, %dma_start3A_75] : memref<128x128xf32, #tpu.memory_space<vmem>> -> memref<128x128xf32, #tpu.memory_space<vmem>>
      tpu.enqueue_dma source(%dma_start3A_76 : memref<128x128xf32, #tpu.memory_space<vmem>>) target(%dma_start3A_73 : memref<128x128xf32, #tpu.memory_space<vmem_shared>>) target_semaphore(%run_scoped3A : memref<!tpu.dma_semaphore, #tpu.memory_space<semaphore_mem>>)
      %dma_wait3A = arith.constant 0 : i32
      %dma_wait3A_77 = arith.constant 0 : i32
      %dma_wait3A_78 = tpu.memref_slice %arg15[%dma_wait3A, %dma_wait3A_77] : memref<128x128xf32, #tpu.memory_space<vmem>> -> memref<128x128xf32, #tpu.memory_space<vmem>>
      %dma_wait3A_79 = arith.constant 0 : i32
      %dma_wait3A_80 = tpu.memref_slice %arg17[%add3A_21, %dma_wait3A_79] : memref<10240x128xf32, #tpu.memory_space<vmem_shared>> -> memref<128x128xf32, #tpu.memory_space<vmem_shared>>
      %dma_wait3A_81 = arith.constant 0 : i32
      %dma_wait3A_82 = tpu.memref_slice %arg17[%add3A_21, %dma_wait3A_81] : memref<10240x128xf32, #tpu.memory_space<vmem_shared>> -> memref<128x128xf32, #tpu.memory_space<vmem_shared>>
      %dma_wait3A_83 = arith.constant 0 : i32
      %dma_wait3A_84 = arith.constant 0 : i32
      %dma_wait3A_85 = tpu.memref_slice %arg15[%dma_wait3A_83, %dma_wait3A_84] : memref<128x128xf32, #tpu.memory_space<vmem>> -> memref<128x128xf32, #tpu.memory_space<vmem>>
      tpu.wait_dma2 semaphore(%run_scoped3A : memref<!tpu.dma_semaphore, #tpu.memory_space<semaphore_mem>>) src(%dma_wait3A_85 : memref<128x128xf32, #tpu.memory_space<vmem>>) dst(%dma_wait3A_82 : memref<128x128xf32, #tpu.memory_space<vmem_shared>>)
      tpu.yield
    }) : () -> ()
    %mul3A_22 = arith.constant 640 : i32
    %mul3A_23 = arith.muli %arg1, %mul3A_22 : i32
    %add3A_24 = arith.constant 512 : i32
    %add3A_25 = arith.addi %mul3A_23, %add3A_24 : i32
    "tpu.region"() ({
      %run_scoped3A = tpu.sem_alloc : memref<!tpu.dma_semaphore, #tpu.memory_space<semaphore_mem>>
      %dma_start3A = arith.constant 0 : i32
      %dma_start3A_68 = arith.constant 0 : i32
      %dma_start3A_69 = tpu.memref_slice %arg15[%dma_start3A, %dma_start3A_68] : memref<128x128xf32, #tpu.memory_space<vmem>> -> memref<128x128xf32, #tpu.memory_space<vmem>>
      %dma_start3A_70 = arith.constant 0 : i32
      %dma_start3A_71 = tpu.memref_slice %arg17[%add3A_25, %dma_start3A_70] : memref<10240x128xf32, #tpu.memory_space<vmem_shared>> -> memref<128x128xf32, #tpu.memory_space<vmem_shared>>
      %dma_start3A_72 = arith.constant 0 : i32
      %dma_start3A_73 = tpu.memref_slice %arg17[%add3A_25, %dma_start3A_72] : memref<10240x128xf32, #tpu.memory_space<vmem_shared>> -> memref<128x128xf32, #tpu.memory_space<vmem_shared>>
      %dma_start3A_74 = arith.constant 0 : i32
      %dma_start3A_75 = arith.constant 0 : i32
      %dma_start3A_76 = tpu.memref_slice %arg15[%dma_start3A_74, %dma_start3A_75] : memref<128x128xf32, #tpu.memory_space<vmem>> -> memref<128x128xf32, #tpu.memory_space<vmem>>
      tpu.enqueue_dma source(%dma_start3A_76 : memref<128x128xf32, #tpu.memory_space<vmem>>) target(%dma_start3A_73 : memref<128x128xf32, #tpu.memory_space<vmem_shared>>) target_semaphore(%run_scoped3A : memref<!tpu.dma_semaphore, #tpu.memory_space<semaphore_mem>>)
      %dma_wait3A = arith.constant 0 : i32
      %dma_wait3A_77 = arith.constant 0 : i32
      %dma_wait3A_78 = tpu.memref_slice %arg15[%dma_wait3A, %dma_wait3A_77] : memref<128x128xf32, #tpu.memory_space<vmem>> -> memref<128x128xf32, #tpu.memory_space<vmem>>
      %dma_wait3A_79 = arith.constant 0 : i32
      %dma_wait3A_80 = tpu.memref_slice %arg17[%add3A_25, %dma_wait3A_79] : memref<10240x128xf32, #tpu.memory_space<vmem_shared>> -> memref<128x128xf32, #tpu.memory_space<vmem_shared>>
      %dma_wait3A_81 = arith.constant 0 : i32
      %dma_wait3A_82 = tpu.memref_slice %arg17[%add3A_25, %dma_wait3A_81] : memref<10240x128xf32, #tpu.memory_space<vmem_shared>> -> memref<128x128xf32, #tpu.memory_space<vmem_shared>>
      %dma_wait3A_83 = arith.constant 0 : i32
      %dma_wait3A_84 = arith.constant 0 : i32
      %dma_wait3A_85 = tpu.memref_slice %arg15[%dma_wait3A_83, %dma_wait3A_84] : memref<128x128xf32, #tpu.memory_space<vmem>> -> memref<128x128xf32, #tpu.memory_space<vmem>>
      tpu.wait_dma2 semaphore(%run_scoped3A : memref<!tpu.dma_semaphore, #tpu.memory_space<semaphore_mem>>) src(%dma_wait3A_85 : memref<128x128xf32, #tpu.memory_space<vmem>>) dst(%dma_wait3A_82 : memref<128x128xf32, #tpu.memory_space<vmem_shared>>)
      tpu.yield
    }) : () -> ()
    %barrier3A = arith.constant 0 : index
    tpu.barrier barrier_id(%barrier3A)
    %sub3A = arith.constant 2559 : i32
    %sub3A_26 = arith.subi %sub3A, %add3A : i32
    %jit3A = arith.constant 32 : i32
    %div3A = arith.divsi %sub3A_26, %jit3A : i32
    %sign3A = arith.constant 0 : i32
    %sign3A_27 = arith.cmpi sgt, %sub3A_26, %sign3A : i32
    %sign3A_28 = arith.extui %sign3A_27 : i1 to i32
    %sign3A_29 = arith.constant 0 : i32
    %sign3A_30 = arith.cmpi slt, %sub3A_26, %sign3A_29 : i32
    %sign3A_31 = arith.extui %sign3A_30 : i1 to i32
    %sign3A_32 = arith.subi %sign3A_28, %sign3A_31 : i32
    %sign3A_33 = arith.constant 0 : i32
    %sign3A_34 = arith.cmpi sgt, %jit3A, %sign3A_33 : i32
    %sign3A_35 = arith.extui %sign3A_34 : i1 to i32
    %sign3A_36 = arith.constant 0 : i32
    %sign3A_37 = arith.cmpi slt, %jit3A, %sign3A_36 : i32
    %sign3A_38 = arith.extui %sign3A_37 : i1 to i32
    %sign3A_39 = arith.subi %sign3A_35, %sign3A_38 : i32
    %ne3A = arith.cmpi ne, %sign3A_32, %sign3A_39 : i32
    %rem3A = arith.remsi %sub3A_26, %jit3A : i32
    %ne3A_40 = arith.constant 0 : i32
    %ne3A_41 = arith.cmpi ne, %rem3A, %ne3A_40 : i32
    %and3A = arith.andi %ne3A, %ne3A_41 : i1
    %sub3A_42 = arith.constant 1 : i32
    %sub3A_43 = arith.subi %div3A, %sub3A_42 : i32
    %select_n3A = arith.select %and3A, %sub3A_43, %div3A : i32
    %add3A_44 = arith.constant 1 : i32
    %add3A_45 = arith.addi %select_n3A, %add3A_44 : i32
    %while3A = arith.constant 0 : i32
    %while3A_46 = arith.constant 0 : i32
    %while3A_47 = arith.subi %add3A_45, %while3A_46 : i32
    %while3A_48 = arith.addi %while3A_46, %while3A_47 : i32
    %while3A_49 = arith.constant 1 : i32
    %while3A_50 = arith.divsi %while3A_47, %while3A_49 : i32
    %while3A_51 = arith.muli %while3A_50, %while3A_49 : i32
    %while3A_52 = arith.addi %while3A_46, %while3A_51 : i32
    %while3A_53 = arith.constant 1 : i32
    scf.for %while3A_68 = %while3A_46 to %while3A_52 step %while3A_53  : i32 {
      %mul3A_69 = arith.constant 32 : i32
      %mul3A_70 = arith.muli %while3A_68, %mul3A_69 : i32
      %add3A_71 = arith.addi %add3A, %mul3A_70 : i32
      %mul3A_72 = arith.constant 128 : i32
      %mul3A_73 = arith.muli %add3A_71, %mul3A_72 : i32
      "tpu.region"() ({
        %run_scoped3A = tpu.sem_alloc : memref<!tpu.dma_semaphore, #tpu.memory_space<semaphore_mem>>
        %dma_start3A_188 = tpu.memref_slice %arg3[%mul3A_73] : memref<327680xi32, #tpu.memory_space<hbm>> -> memref<128xi32, #tpu.memory_space<hbm>>
        %dma_start3A_189 = tpu.memref_slice %arg3[%mul3A_73] : memref<327680xi32, #tpu.memory_space<hbm>> -> memref<128xi32, #tpu.memory_space<hbm>>
        tpu.enqueue_dma source(%dma_start3A_189 : memref<128xi32, #tpu.memory_space<hbm>>) target(%arg7 : memref<128xi32, #tpu.memory_space<vmem>>) target_semaphore(%run_scoped3A : memref<!tpu.dma_semaphore, #tpu.memory_space<semaphore_mem>>)
        %dma_wait3A_190 = tpu.memref_slice %arg3[%mul3A_73] : memref<327680xi32, #tpu.memory_space<hbm>> -> memref<128xi32, #tpu.memory_space<hbm>>
        %dma_wait3A_191 = tpu.memref_slice %arg3[%mul3A_73] : memref<327680xi32, #tpu.memory_space<hbm>> -> memref<128xi32, #tpu.memory_space<hbm>>
        tpu.wait_dma2 semaphore(%run_scoped3A : memref<!tpu.dma_semaphore, #tpu.memory_space<semaphore_mem>>) src(%dma_wait3A_191 : memref<128xi32, #tpu.memory_space<hbm>>) dst(%arg7 : memref<128xi32, #tpu.memory_space<vmem>>)
        tpu.yield
      }) : () -> ()
      "tpu.region"() ({
        %run_scoped3A = tpu.sem_alloc : memref<!tpu.dma_semaphore, #tpu.memory_space<semaphore_mem>>
        %dma_start3A_188 = tpu.memref_slice %arg5[%mul3A_73] : memref<327680xi32, #tpu.memory_space<hbm>> -> memref<128xi32, #tpu.memory_space<hbm>>
        %dma_start3A_189 = tpu.memref_slice %arg5[%mul3A_73] : memref<327680xi32, #tpu.memory_space<hbm>> -> memref<128xi32, #tpu.memory_space<hbm>>
        tpu.enqueue_dma source(%dma_start3A_189 : memref<128xi32, #tpu.memory_space<hbm>>) target(%arg8 : memref<128xi32, #tpu.memory_space<vmem>>) target_semaphore(%run_scoped3A : memref<!tpu.dma_semaphore, #tpu.memory_space<semaphore_mem>>)
        %dma_wait3A_190 = tpu.memref_slice %arg5[%mul3A_73] : memref<327680xi32, #tpu.memory_space<hbm>> -> memref<128xi32, #tpu.memory_space<hbm>>
        %dma_wait3A_191 = tpu.memref_slice %arg5[%mul3A_73] : memref<327680xi32, #tpu.memory_space<hbm>> -> memref<128xi32, #tpu.memory_space<hbm>>
        tpu.wait_dma2 semaphore(%run_scoped3A : memref<!tpu.dma_semaphore, #tpu.memory_space<semaphore_mem>>) src(%dma_wait3A_191 : memref<128xi32, #tpu.memory_space<hbm>>) dst(%arg8 : memref<128xi32, #tpu.memory_space<vmem>>)
        tpu.yield
      }) : () -> ()
      "tpu.region"() ({
        %run_scoped3A = tpu.sem_alloc : memref<!tpu.dma_semaphore, #tpu.memory_space<semaphore_mem>>
        %dma_start3A_188 = tpu.memref_slice %arg4[%mul3A_73] : memref<327680xi32, #tpu.memory_space<hbm>> -> memref<128xi32, #tpu.memory_space<hbm>>
        %dma_start3A_189 = tpu.memref_slice %arg4[%mul3A_73] : memref<327680xi32, #tpu.memory_space<hbm>> -> memref<128xi32, #tpu.memory_space<hbm>>
        tpu.enqueue_dma source(%dma_start3A_189 : memref<128xi32, #tpu.memory_space<hbm>>) target(%arg9 : memref<128xi32, #tpu.memory_space<vmem>>) target_semaphore(%run_scoped3A : memref<!tpu.dma_semaphore, #tpu.memory_space<semaphore_mem>>)
        %dma_wait3A_190 = tpu.memref_slice %arg4[%mul3A_73] : memref<327680xi32, #tpu.memory_space<hbm>> -> memref<128xi32, #tpu.memory_space<hbm>>
        %dma_wait3A_191 = tpu.memref_slice %arg4[%mul3A_73] : memref<327680xi32, #tpu.memory_space<hbm>> -> memref<128xi32, #tpu.memory_space<hbm>>
        tpu.wait_dma2 semaphore(%run_scoped3A : memref<!tpu.dma_semaphore, #tpu.memory_space<semaphore_mem>>) src(%dma_wait3A_191 : memref<128xi32, #tpu.memory_space<hbm>>) dst(%arg9 : memref<128xi32, #tpu.memory_space<vmem>>)
        tpu.yield
      }) : () -> ()
      %get3A = arith.constant 0 : index
      %get3A_74 = tpu.vector_load %arg8[%get3A] {strides = array<i32>} : memref<128xi32, #tpu.memory_space<vmem>>, vector<16xi32>,
      %get3A_75 = vector.shape_cast %get3A_74 : vector<16xi32> to vector<16xi32>
      %mul3A_76 = arith.constant 10000 : i32
      %mul3A_77 = vector.broadcast %mul3A_76 : i32 to vector<16xi32>
      %mul3A_78 = arith.muli %get3A_75, %mul3A_77 : vector<16xi32>
      %get3A_79 = arith.constant 0 : index
      %get3A_80 = tpu.vector_load %arg7[%get3A_79] {strides = array<i32>} : memref<128xi32, #tpu.memory_space<vmem>>, vector<16xi32>,
      %get3A_81 = vector.shape_cast %get3A_80 : vector<16xi32> to vector<16xi32>
      %add3A_82 = arith.addi %mul3A_78, %get3A_81 : vector<16xi32>
      %swap3A = arith.constant 0 : index
      %swap3A_83 = tpu.vector_load %arg10[%swap3A] {strides = array<i32>} : memref<128xi32, #tpu.memory_space<vmem>>, vector<16xi32>,
      %swap3A_84 = vector.shape_cast %swap3A_83 : vector<16xi32> to vector<16xi32>
      %swap3A_85 = vector.shape_cast %add3A_82 : vector<16xi32> to vector<16xi32>
      tpu.vector_store %arg10[%swap3A], %swap3A_85 {strides = array<i32>} : memref<128xi32, #tpu.memory_space<vmem>>, vector<16xi32>,
      %get3A_86 = arith.constant 16 : index
      %get3A_87 = tpu.vector_load %arg8[%get3A_86] {strides = array<i32>} : memref<128xi32, #tpu.memory_space<vmem>>, vector<16xi32>,
      %get3A_88 = vector.shape_cast %get3A_87 : vector<16xi32> to vector<16xi32>
      %mul3A_89 = arith.constant 10000 : i32
      %mul3A_90 = vector.broadcast %mul3A_89 : i32 to vector<16xi32>
      %mul3A_91 = arith.muli %get3A_88, %mul3A_90 : vector<16xi32>
      %get3A_92 = arith.constant 16 : index
      %get3A_93 = tpu.vector_load %arg7[%get3A_92] {strides = array<i32>} : memref<128xi32, #tpu.memory_space<vmem>>, vector<16xi32>,
      %get3A_94 = vector.shape_cast %get3A_93 : vector<16xi32> to vector<16xi32>
      %add3A_95 = arith.addi %mul3A_91, %get3A_94 : vector<16xi32>
      %swap3A_96 = arith.constant 16 : index
      %swap3A_97 = tpu.vector_load %arg10[%swap3A_96] {strides = array<i32>} : memref<128xi32, #tpu.memory_space<vmem>>, vector<16xi32>,
      %swap3A_98 = vector.shape_cast %swap3A_97 : vector<16xi32> to vector<16xi32>
      %swap3A_99 = vector.shape_cast %add3A_95 : vector<16xi32> to vector<16xi32>
      tpu.vector_store %arg10[%swap3A_96], %swap3A_99 {strides = array<i32>} : memref<128xi32, #tpu.memory_space<vmem>>, vector<16xi32>,
      %get3A_100 = arith.constant 32 : index
      %get3A_101 = tpu.vector_load %arg8[%get3A_100] {strides = array<i32>} : memref<128xi32, #tpu.memory_space<vmem>>, vector<16xi32>,
      %get3A_102 = vector.shape_cast %get3A_101 : vector<16xi32> to vector<16xi32>
      %mul3A_103 = arith.constant 10000 : i32
      %mul3A_104 = vector.broadcast %mul3A_103 : i32 to vector<16xi32>
      %mul3A_105 = arith.muli %get3A_102, %mul3A_104 : vector<16xi32>
      %get3A_106 = arith.constant 32 : index
      %get3A_107 = tpu.vector_load %arg7[%get3A_106] {strides = array<i32>} : memref<128xi32, #tpu.memory_space<vmem>>, vector<16xi32>,
      %get3A_108 = vector.shape_cast %get3A_107 : vector<16xi32> to vector<16xi32>
      %add3A_109 = arith.addi %mul3A_105, %get3A_108 : vector<16xi32>
      %swap3A_110 = arith.constant 32 : index
      %swap3A_111 = tpu.vector_load %arg10[%swap3A_110] {strides = array<i32>} : memref<128xi32, #tpu.memory_space<vmem>>, vector<16xi32>,
      %swap3A_112 = vector.shape_cast %swap3A_111 : vector<16xi32> to vector<16xi32>
      %swap3A_113 = vector.shape_cast %add3A_109 : vector<16xi32> to vector<16xi32>
      tpu.vector_store %arg10[%swap3A_110], %swap3A_113 {strides = array<i32>} : memref<128xi32, #tpu.memory_space<vmem>>, vector<16xi32>,
      %get3A_114 = arith.constant 48 : index
      %get3A_115 = tpu.vector_load %arg8[%get3A_114] {strides = array<i32>} : memref<128xi32, #tpu.memory_space<vmem>>, vector<16xi32>,
      %get3A_116 = vector.shape_cast %get3A_115 : vector<16xi32> to vector<16xi32>
      %mul3A_117 = arith.constant 10000 : i32
      %mul3A_118 = vector.broadcast %mul3A_117 : i32 to vector<16xi32>
      %mul3A_119 = arith.muli %get3A_116, %mul3A_118 : vector<16xi32>
      %get3A_120 = arith.constant 48 : index
      %get3A_121 = tpu.vector_load %arg7[%get3A_120] {strides = array<i32>} : memref<128xi32, #tpu.memory_space<vmem>>, vector<16xi32>,
      %get3A_122 = vector.shape_cast %get3A_121 : vector<16xi32> to vector<16xi32>
      %add3A_123 = arith.addi %mul3A_119, %get3A_122 : vector<16xi32>
      %swap3A_124 = arith.constant 48 : index
      %swap3A_125 = tpu.vector_load %arg10[%swap3A_124] {strides = array<i32>} : memref<128xi32, #tpu.memory_space<vmem>>, vector<16xi32>,
      %swap3A_126 = vector.shape_cast %swap3A_125 : vector<16xi32> to vector<16xi32>
      %swap3A_127 = vector.shape_cast %add3A_123 : vector<16xi32> to vector<16xi32>
      tpu.vector_store %arg10[%swap3A_124], %swap3A_127 {strides = array<i32>} : memref<128xi32, #tpu.memory_space<vmem>>, vector<16xi32>,
      %get3A_128 = arith.constant 64 : index
      %get3A_129 = tpu.vector_load %arg8[%get3A_128] {strides = array<i32>} : memref<128xi32, #tpu.memory_space<vmem>>, vector<16xi32>,
      %get3A_130 = vector.shape_cast %get3A_129 : vector<16xi32> to vector<16xi32>
      %mul3A_131 = arith.constant 10000 : i32
      %mul3A_132 = vector.broadcast %mul3A_131 : i32 to vector<16xi32>
      %mul3A_133 = arith.muli %get3A_130, %mul3A_132 : vector<16xi32>
      %get3A_134 = arith.constant 64 : index
      %get3A_135 = tpu.vector_load %arg7[%get3A_134] {strides = array<i32>} : memref<128xi32, #tpu.memory_space<vmem>>, vector<16xi32>,
      %get3A_136 = vector.shape_cast %get3A_135 : vector<16xi32> to vector<16xi32>
      %add3A_137 = arith.addi %mul3A_133, %get3A_136 : vector<16xi32>
      %swap3A_138 = arith.constant 64 : index
      %swap3A_139 = tpu.vector_load %arg10[%swap3A_138] {strides = array<i32>} : memref<128xi32, #tpu.memory_space<vmem>>, vector<16xi32>,
      %swap3A_140 = vector.shape_cast %swap3A_139 : vector<16xi32> to vector<16xi32>
      %swap3A_141 = vector.shape_cast %add3A_137 : vector<16xi32> to vector<16xi32>
      tpu.vector_store %arg10[%swap3A_138], %swap3A_141 {strides = array<i32>} : memref<128xi32, #tpu.memory_space<vmem>>, vector<16xi32>,
      %get3A_142 = arith.constant 80 : index
      %get3A_143 = tpu.vector_load %arg8[%get3A_142] {strides = array<i32>} : memref<128xi32, #tpu.memory_space<vmem>>, vector<16xi32>,
      %get3A_144 = vector.shape_cast %get3A_143 : vector<16xi32> to vector<16xi32>
      %mul3A_145 = arith.constant 10000 : i32
      %mul3A_146 = vector.broadcast %mul3A_145 : i32 to vector<16xi32>
      %mul3A_147 = arith.muli %get3A_144, %mul3A_146 : vector<16xi32>
      %get3A_148 = arith.constant 80 : index
      %get3A_149 = tpu.vector_load %arg7[%get3A_148] {strides = array<i32>} : memref<128xi32, #tpu.memory_space<vmem>>, vector<16xi32>,
      %get3A_150 = vector.shape_cast %get3A_149 : vector<16xi32> to vector<16xi32>
      %add3A_151 = arith.addi %mul3A_147, %get3A_150 : vector<16xi32>
      %swap3A_152 = arith.constant 80 : index
      %swap3A_153 = tpu.vector_load %arg10[%swap3A_152] {strides = array<i32>} : memref<128xi32, #tpu.memory_space<vmem>>, vector<16xi32>,
      %swap3A_154 = vector.shape_cast %swap3A_153 : vector<16xi32> to vector<16xi32>
      %swap3A_155 = vector.shape_cast %add3A_151 : vector<16xi32> to vector<16xi32>
      tpu.vector_store %arg10[%swap3A_152], %swap3A_155 {strides = array<i32>} : memref<128xi32, #tpu.memory_space<vmem>>, vector<16xi32>,
      %get3A_156 = arith.constant 96 : index
      %get3A_157 = tpu.vector_load %arg8[%get3A_156] {strides = array<i32>} : memref<128xi32, #tpu.memory_space<vmem>>, vector<16xi32>,
      %get3A_158 = vector.shape_cast %get3A_157 : vector<16xi32> to vector<16xi32>
      %mul3A_159 = arith.constant 10000 : i32
      %mul3A_160 = vector.broadcast %mul3A_159 : i32 to vector<16xi32>
      %mul3A_161 = arith.muli %get3A_158, %mul3A_160 : vector<16xi32>
      %get3A_162 = arith.constant 96 : index
      %get3A_163 = tpu.vector_load %arg7[%get3A_162] {strides = array<i32>} : memref<128xi32, #tpu.memory_space<vmem>>, vector<16xi32>,
      %get3A_164 = vector.shape_cast %get3A_163 : vector<16xi32> to vector<16xi32>
      %add3A_165 = arith.addi %mul3A_161, %get3A_164 : vector<16xi32>
      %swap3A_166 = arith.constant 96 : index
      %swap3A_167 = tpu.vector_load %arg10[%swap3A_166] {strides = array<i32>} : memref<128xi32, #tpu.memory_space<vmem>>, vector<16xi32>,
      %swap3A_168 = vector.shape_cast %swap3A_167 : vector<16xi32> to vector<16xi32>
      %swap3A_169 = vector.shape_cast %add3A_165 : vector<16xi32> to vector<16xi32>
      tpu.vector_store %arg10[%swap3A_166], %swap3A_169 {strides = array<i32>} : memref<128xi32, #tpu.memory_space<vmem>>, vector<16xi32>,
      %get3A_170 = arith.constant 112 : index
      %get3A_171 = tpu.vector_load %arg8[%get3A_170] {strides = array<i32>} : memref<128xi32, #tpu.memory_space<vmem>>, vector<16xi32>,
      %get3A_172 = vector.shape_cast %get3A_171 : vector<16xi32> to vector<16xi32>
      %mul3A_173 = arith.constant 10000 : i32
      %mul3A_174 = vector.broadcast %mul3A_173 : i32 to vector<16xi32>
      %mul3A_175 = arith.muli %get3A_172, %mul3A_174 : vector<16xi32>
      %get3A_176 = arith.constant 112 : index
      %get3A_177 = tpu.vector_load %arg7[%get3A_176] {strides = array<i32>} : memref<128xi32, #tpu.memory_space<vmem>>, vector<16xi32>,
      %get3A_178 = vector.shape_cast %get3A_177 : vector<16xi32> to vector<16xi32>
      %add3A_179 = arith.addi %mul3A_175, %get3A_178 : vector<16xi32>
      %swap3A_180 = arith.constant 112 : index
      %swap3A_181 = tpu.vector_load %arg10[%swap3A_180] {strides = array<i32>} : memref<128xi32, #tpu.memory_space<vmem>>, vector<16xi32>,
      %swap3A_182 = vector.shape_cast %swap3A_181 : vector<16xi32> to vector<16xi32>
      %swap3A_183 = vector.shape_cast %add3A_179 : vector<16xi32> to vector<16xi32>
      tpu.vector_store %arg10[%swap3A_180], %swap3A_183 {strides = array<i32>} : memref<128xi32, #tpu.memory_space<vmem>>, vector<16xi32>,
      %dma_start3A = arith.constant 0 : i32
      %dma_start3A_184 = arith.constant 0 : i32
      %dma_start3A_185 = tpu.memref_slice %arg2[%dma_start3A, %dma_start3A_184] : memref<170000x128xf32, #tpu.memory_space<hbm>> -> memref<170000x128xf32, #tpu.memory_space<hbm>>
      tpu.enqueue_indirect_dma source(%dma_start3A_185 : memref<170000x128xf32, #tpu.memory_space<hbm>>) target(%arg15 : memref<128x128xf32, #tpu.memory_space<vmem>>) offsets(%arg10 : memref<128xi32, #tpu.memory_space<vmem>>) semaphore(%arg18 : memref<!tpu.dma_semaphore, #tpu.memory_space<semaphore_mem>>)
      %dma_wait3A = arith.constant 0 : i32
      %dma_wait3A_186 = arith.constant 0 : i32
      %dma_wait3A_187 = tpu.memref_slice %arg2[%dma_wait3A, %dma_wait3A_186] : memref<170000x128xf32, #tpu.memory_space<hbm>> -> memref<170000x128xf32, #tpu.memory_space<hbm>>
      tpu.wait_indirect_dma semaphore(%arg18 : memref<!tpu.dma_semaphore, #tpu.memory_space<semaphore_mem>>) src(%dma_wait3A_187 : memref<170000x128xf32, #tpu.memory_space<hbm>>) dst(%arg15 : memref<128x128xf32, #tpu.memory_space<vmem>>)
      "tpu.region"() ({
        %run_scoped3A = tpu.sem_alloc : memref<!tpu.dma_semaphore, #tpu.memory_space<semaphore_mem>>
        %dma_start3A_188 = arith.constant 0 : i32
        %dma_start3A_189 = arith.constant 0 : i32
        %dma_start3A_190 = tpu.memref_slice %arg17[%dma_start3A_188, %dma_start3A_189] : memref<10240x128xf32, #tpu.memory_space<vmem_shared>> -> memref<10240x128xf32, #tpu.memory_space<vmem_shared>>
        tpu.enqueue_indirect_dma source(%arg15 : memref<128x128xf32, #tpu.memory_space<vmem>>) target(%dma_start3A_190 : memref<10240x128xf32, #tpu.memory_space<vmem_shared>>) offsets(%arg9 : memref<128xi32, #tpu.memory_space<vmem>>) semaphore(%run_scoped3A : memref<!tpu.dma_semaphore, #tpu.memory_space<semaphore_mem>>) {add = true}
        %dma_wait3A_191 = arith.constant 0 : i32
        %dma_wait3A_192 = arith.constant 0 : i32
        %dma_wait3A_193 = tpu.memref_slice %arg17[%dma_wait3A_191, %dma_wait3A_192] : memref<10240x128xf32, #tpu.memory_space<vmem_shared>> -> memref<10240x128xf32, #tpu.memory_space<vmem_shared>>
        tpu.wait_indirect_dma semaphore(%run_scoped3A : memref<!tpu.dma_semaphore, #tpu.memory_space<semaphore_mem>>) src(%arg15 : memref<128x128xf32, #tpu.memory_space<vmem>>) dst(%dma_wait3A_193 : memref<10240x128xf32, #tpu.memory_space<vmem_shared>>)
        tpu.yield
      }) : () -> ()
    }
    %while3A_54 = arith.constant 1 : i32
    scf.for %while3A_68 = %while3A_52 to %while3A_48 step %while3A_54  : i32 {
      %mul3A_69 = arith.constant 32 : i32
      %mul3A_70 = arith.muli %while3A_68, %mul3A_69 : i32
      %add3A_71 = arith.addi %add3A, %mul3A_70 : i32
      %mul3A_72 = arith.constant 128 : i32
      %mul3A_73 = arith.muli %add3A_71, %mul3A_72 : i32
      "tpu.region"() ({
        %run_scoped3A = tpu.sem_alloc : memref<!tpu.dma_semaphore, #tpu.memory_space<semaphore_mem>>
        %dma_start3A_188 = tpu.memref_slice %arg3[%mul3A_73] : memref<327680xi32, #tpu.memory_space<hbm>> -> memref<128xi32, #tpu.memory_space<hbm>>
        %dma_start3A_189 = tpu.memref_slice %arg3[%mul3A_73] : memref<327680xi32, #tpu.memory_space<hbm>> -> memref<128xi32, #tpu.memory_space<hbm>>
        tpu.enqueue_dma source(%dma_start3A_189 : memref<128xi32, #tpu.memory_space<hbm>>) target(%arg7 : memref<128xi32, #tpu.memory_space<vmem>>) target_semaphore(%run_scoped3A : memref<!tpu.dma_semaphore, #tpu.memory_space<semaphore_mem>>)
        %dma_wait3A_190 = tpu.memref_slice %arg3[%mul3A_73] : memref<327680xi32, #tpu.memory_space<hbm>> -> memref<128xi32, #tpu.memory_space<hbm>>
        %dma_wait3A_191 = tpu.memref_slice %arg3[%mul3A_73] : memref<327680xi32, #tpu.memory_space<hbm>> -> memref<128xi32, #tpu.memory_space<hbm>>
        tpu.wait_dma2 semaphore(%run_scoped3A : memref<!tpu.dma_semaphore, #tpu.memory_space<semaphore_mem>>) src(%dma_wait3A_191 : memref<128xi32, #tpu.memory_space<hbm>>) dst(%arg7 : memref<128xi32, #tpu.memory_space<vmem>>)
        tpu.yield
      }) : () -> ()
      "tpu.region"() ({
        %run_scoped3A = tpu.sem_alloc : memref<!tpu.dma_semaphore, #tpu.memory_space<semaphore_mem>>
        %dma_start3A_188 = tpu.memref_slice %arg5[%mul3A_73] : memref<327680xi32, #tpu.memory_space<hbm>> -> memref<128xi32, #tpu.memory_space<hbm>>
        %dma_start3A_189 = tpu.memref_slice %arg5[%mul3A_73] : memref<327680xi32, #tpu.memory_space<hbm>> -> memref<128xi32, #tpu.memory_space<hbm>>
        tpu.enqueue_dma source(%dma_start3A_189 : memref<128xi32, #tpu.memory_space<hbm>>) target(%arg8 : memref<128xi32, #tpu.memory_space<vmem>>) target_semaphore(%run_scoped3A : memref<!tpu.dma_semaphore, #tpu.memory_space<semaphore_mem>>)
        %dma_wait3A_190 = tpu.memref_slice %arg5[%mul3A_73] : memref<327680xi32, #tpu.memory_space<hbm>> -> memref<128xi32, #tpu.memory_space<hbm>>
        %dma_wait3A_191 = tpu.memref_slice %arg5[%mul3A_73] : memref<327680xi32, #tpu.memory_space<hbm>> -> memref<128xi32, #tpu.memory_space<hbm>>
        tpu.wait_dma2 semaphore(%run_scoped3A : memref<!tpu.dma_semaphore, #tpu.memory_space<semaphore_mem>>) src(%dma_wait3A_191 : memref<128xi32, #tpu.memory_space<hbm>>) dst(%arg8 : memref<128xi32, #tpu.memory_space<vmem>>)
        tpu.yield
      }) : () -> ()
      "tpu.region"() ({
        %run_scoped3A = tpu.sem_alloc : memref<!tpu.dma_semaphore, #tpu.memory_space<semaphore_mem>>
        %dma_start3A_188 = tpu.memref_slice %arg4[%mul3A_73] : memref<327680xi32, #tpu.memory_space<hbm>> -> memref<128xi32, #tpu.memory_space<hbm>>
        %dma_start3A_189 = tpu.memref_slice %arg4[%mul3A_73] : memref<327680xi32, #tpu.memory_space<hbm>> -> memref<128xi32, #tpu.memory_space<hbm>>
        tpu.enqueue_dma source(%dma_start3A_189 : memref<128xi32, #tpu.memory_space<hbm>>) target(%arg9 : memref<128xi32, #tpu.memory_space<vmem>>) target_semaphore(%run_scoped3A : memref<!tpu.dma_semaphore, #tpu.memory_space<semaphore_mem>>)
        %dma_wait3A_190 = tpu.memref_slice %arg4[%mul3A_73] : memref<327680xi32, #tpu.memory_space<hbm>> -> memref<128xi32, #tpu.memory_space<hbm>>
        %dma_wait3A_191 = tpu.memref_slice %arg4[%mul3A_73] : memref<327680xi32, #tpu.memory_space<hbm>> -> memref<128xi32, #tpu.memory_space<hbm>>
        tpu.wait_dma2 semaphore(%run_scoped3A : memref<!tpu.dma_semaphore, #tpu.memory_space<semaphore_mem>>) src(%dma_wait3A_191 : memref<128xi32, #tpu.memory_space<hbm>>) dst(%arg9 : memref<128xi32, #tpu.memory_space<vmem>>)
        tpu.yield
      }) : () -> ()
      %get3A = arith.constant 0 : index
      %get3A_74 = tpu.vector_load %arg8[%get3A] {strides = array<i32>} : memref<128xi32, #tpu.memory_space<vmem>>, vector<16xi32>,
      %get3A_75 = vector.shape_cast %get3A_74 : vector<16xi32> to vector<16xi32>
      %mul3A_76 = arith.constant 10000 : i32
      %mul3A_77 = vector.broadcast %mul3A_76 : i32 to vector<16xi32>
      %mul3A_78 = arith.muli %get3A_75, %mul3A_77 : vector<16xi32>
      %get3A_79 = arith.constant 0 : index
      %get3A_80 = tpu.vector_load %arg7[%get3A_79] {strides = array<i32>} : memref<128xi32, #tpu.memory_space<vmem>>, vector<16xi32>,
      %get3A_81 = vector.shape_cast %get3A_80 : vector<16xi32> to vector<16xi32>
      %add3A_82 = arith.addi %mul3A_78, %get3A_81 : vector<16xi32>
      %swap3A = arith.constant 0 : index
      %swap3A_83 = tpu.vector_load %arg10[%swap3A] {strides = array<i32>} : memref<128xi32, #tpu.memory_space<vmem>>, vector<16xi32>,
      %swap3A_84 = vector.shape_cast %swap3A_83 : vector<16xi32> to vector<16xi32>
      %swap3A_85 = vector.shape_cast %add3A_82 : vector<16xi32> to vector<16xi32>
      tpu.vector_store %arg10[%swap3A], %swap3A_85 {strides = array<i32>} : memref<128xi32, #tpu.memory_space<vmem>>, vector<16xi32>,
      %get3A_86 = arith.constant 16 : index
      %get3A_87 = tpu.vector_load %arg8[%get3A_86] {strides = array<i32>} : memref<128xi32, #tpu.memory_space<vmem>>, vector<16xi32>,
      %get3A_88 = vector.shape_cast %get3A_87 : vector<16xi32> to vector<16xi32>
      %mul3A_89 = arith.constant 10000 : i32
      %mul3A_90 = vector.broadcast %mul3A_89 : i32 to vector<16xi32>
      %mul3A_91 = arith.muli %get3A_88, %mul3A_90 : vector<16xi32>
      %get3A_92 = arith.constant 16 : index
      %get3A_93 = tpu.vector_load %arg7[%get3A_92] {strides = array<i32>} : memref<128xi32, #tpu.memory_space<vmem>>, vector<16xi32>,
      %get3A_94 = vector.shape_cast %get3A_93 : vector<16xi32> to vector<16xi32>
      %add3A_95 = arith.addi %mul3A_91, %get3A_94 : vector<16xi32>
      %swap3A_96 = arith.constant 16 : index
      %swap3A_97 = tpu.vector_load %arg10[%swap3A_96] {strides = array<i32>} : memref<128xi32, #tpu.memory_space<vmem>>, vector<16xi32>,
      %swap3A_98 = vector.shape_cast %swap3A_97 : vector<16xi32> to vector<16xi32>
      %swap3A_99 = vector.shape_cast %add3A_95 : vector<16xi32> to vector<16xi32>
      tpu.vector_store %arg10[%swap3A_96], %swap3A_99 {strides = array<i32>} : memref<128xi32, #tpu.memory_space<vmem>>, vector<16xi32>,
      %get3A_100 = arith.constant 32 : index
      %get3A_101 = tpu.vector_load %arg8[%get3A_100] {strides = array<i32>} : memref<128xi32, #tpu.memory_space<vmem>>, vector<16xi32>,
      %get3A_102 = vector.shape_cast %get3A_101 : vector<16xi32> to vector<16xi32>
      %mul3A_103 = arith.constant 10000 : i32
      %mul3A_104 = vector.broadcast %mul3A_103 : i32 to vector<16xi32>
      %mul3A_105 = arith.muli %get3A_102, %mul3A_104 : vector<16xi32>
      %get3A_106 = arith.constant 32 : index
      %get3A_107 = tpu.vector_load %arg7[%get3A_106] {strides = array<i32>} : memref<128xi32, #tpu.memory_space<vmem>>, vector<16xi32>,
      %get3A_108 = vector.shape_cast %get3A_107 : vector<16xi32> to vector<16xi32>
      %add3A_109 = arith.addi %mul3A_105, %get3A_108 : vector<16xi32>
      %swap3A_110 = arith.constant 32 : index
      %swap3A_111 = tpu.vector_load %arg10[%swap3A_110] {strides = array<i32>} : memref<128xi32, #tpu.memory_space<vmem>>, vector<16xi32>,
      %swap3A_112 = vector.shape_cast %swap3A_111 : vector<16xi32> to vector<16xi32>
      %swap3A_113 = vector.shape_cast %add3A_109 : vector<16xi32> to vector<16xi32>
      tpu.vector_store %arg10[%swap3A_110], %swap3A_113 {strides = array<i32>} : memref<128xi32, #tpu.memory_space<vmem>>, vector<16xi32>,
      %get3A_114 = arith.constant 48 : index
      %get3A_115 = tpu.vector_load %arg8[%get3A_114] {strides = array<i32>} : memref<128xi32, #tpu.memory_space<vmem>>, vector<16xi32>,
      %get3A_116 = vector.shape_cast %get3A_115 : vector<16xi32> to vector<16xi32>
      %mul3A_117 = arith.constant 10000 : i32
      %mul3A_118 = vector.broadcast %mul3A_117 : i32 to vector<16xi32>
      %mul3A_119 = arith.muli %get3A_116, %mul3A_118 : vector<16xi32>
      %get3A_120 = arith.constant 48 : index
      %get3A_121 = tpu.vector_load %arg7[%get3A_120] {strides = array<i32>} : memref<128xi32, #tpu.memory_space<vmem>>, vector<16xi32>,
      %get3A_122 = vector.shape_cast %get3A_121 : vector<16xi32> to vector<16xi32>
      %add3A_123 = arith.addi %mul3A_119, %get3A_122 : vector<16xi32>
      %swap3A_124 = arith.constant 48 : index
      %swap3A_125 = tpu.vector_load %arg10[%swap3A_124] {strides = array<i32>} : memref<128xi32, #tpu.memory_space<vmem>>, vector<16xi32>,
      %swap3A_126 = vector.shape_cast %swap3A_125 : vector<16xi32> to vector<16xi32>
      %swap3A_127 = vector.shape_cast %add3A_123 : vector<16xi32> to vector<16xi32>
      tpu.vector_store %arg10[%swap3A_124], %swap3A_127 {strides = array<i32>} : memref<128xi32, #tpu.memory_space<vmem>>, vector<16xi32>,
      %get3A_128 = arith.constant 64 : index
      %get3A_129 = tpu.vector_load %arg8[%get3A_128] {strides = array<i32>} : memref<128xi32, #tpu.memory_space<vmem>>, vector<16xi32>,
      %get3A_130 = vector.shape_cast %get3A_129 : vector<16xi32> to vector<16xi32>
      %mul3A_131 = arith.constant 10000 : i32
      %mul3A_132 = vector.broadcast %mul3A_131 : i32 to vector<16xi32>
      %mul3A_133 = arith.muli %get3A_130, %mul3A_132 : vector<16xi32>
      %get3A_134 = arith.constant 64 : index
      %get3A_135 = tpu.vector_load %arg7[%get3A_134] {strides = array<i32>} : memref<128xi32, #tpu.memory_space<vmem>>, vector<16xi32>,
      %get3A_136 = vector.shape_cast %get3A_135 : vector<16xi32> to vector<16xi32>
      %add3A_137 = arith.addi %mul3A_133, %get3A_136 : vector<16xi32>
      %swap3A_138 = arith.constant 64 : index
      %swap3A_139 = tpu.vector_load %arg10[%swap3A_138] {strides = array<i32>} : memref<128xi32, #tpu.memory_space<vmem>>, vector<16xi32>,
      %swap3A_140 = vector.shape_cast %swap3A_139 : vector<16xi32> to vector<16xi32>
      %swap3A_141 = vector.shape_cast %add3A_137 : vector<16xi32> to vector<16xi32>
      tpu.vector_store %arg10[%swap3A_138], %swap3A_141 {strides = array<i32>} : memref<128xi32, #tpu.memory_space<vmem>>, vector<16xi32>,
      %get3A_142 = arith.constant 80 : index
      %get3A_143 = tpu.vector_load %arg8[%get3A_142] {strides = array<i32>} : memref<128xi32, #tpu.memory_space<vmem>>, vector<16xi32>,
      %get3A_144 = vector.shape_cast %get3A_143 : vector<16xi32> to vector<16xi32>
      %mul3A_145 = arith.constant 10000 : i32
      %mul3A_146 = vector.broadcast %mul3A_145 : i32 to vector<16xi32>
      %mul3A_147 = arith.muli %get3A_144, %mul3A_146 : vector<16xi32>
      %get3A_148 = arith.constant 80 : index
      %get3A_149 = tpu.vector_load %arg7[%get3A_148] {strides = array<i32>} : memref<128xi32, #tpu.memory_space<vmem>>, vector<16xi32>,
      %get3A_150 = vector.shape_cast %get3A_149 : vector<16xi32> to vector<16xi32>
      %add3A_151 = arith.addi %mul3A_147, %get3A_150 : vector<16xi32>
      %swap3A_152 = arith.constant 80 : index
      %swap3A_153 = tpu.vector_load %arg10[%swap3A_152] {strides = array<i32>} : memref<128xi32, #tpu.memory_space<vmem>>, vector<16xi32>,
      %swap3A_154 = vector.shape_cast %swap3A_153 : vector<16xi32> to vector<16xi32>
      %swap3A_155 = vector.shape_cast %add3A_151 : vector<16xi32> to vector<16xi32>
      tpu.vector_store %arg10[%swap3A_152], %swap3A_155 {strides = array<i32>} : memref<128xi32, #tpu.memory_space<vmem>>, vector<16xi32>,
      %get3A_156 = arith.constant 96 : index
      %get3A_157 = tpu.vector_load %arg8[%get3A_156] {strides = array<i32>} : memref<128xi32, #tpu.memory_space<vmem>>, vector<16xi32>,
      %get3A_158 = vector.shape_cast %get3A_157 : vector<16xi32> to vector<16xi32>
      %mul3A_159 = arith.constant 10000 : i32
      %mul3A_160 = vector.broadcast %mul3A_159 : i32 to vector<16xi32>
      %mul3A_161 = arith.muli %get3A_158, %mul3A_160 : vector<16xi32>
      %get3A_162 = arith.constant 96 : index
      %get3A_163 = tpu.vector_load %arg7[%get3A_162] {strides = array<i32>} : memref<128xi32, #tpu.memory_space<vmem>>, vector<16xi32>,
      %get3A_164 = vector.shape_cast %get3A_163 : vector<16xi32> to vector<16xi32>
      %add3A_165 = arith.addi %mul3A_161, %get3A_164 : vector<16xi32>
      %swap3A_166 = arith.constant 96 : index
      %swap3A_167 = tpu.vector_load %arg10[%swap3A_166] {strides = array<i32>} : memref<128xi32, #tpu.memory_space<vmem>>, vector<16xi32>,
      %swap3A_168 = vector.shape_cast %swap3A_167 : vector<16xi32> to vector<16xi32>
      %swap3A_169 = vector.shape_cast %add3A_165 : vector<16xi32> to vector<16xi32>
      tpu.vector_store %arg10[%swap3A_166], %swap3A_169 {strides = array<i32>} : memref<128xi32, #tpu.memory_space<vmem>>, vector<16xi32>,
      %get3A_170 = arith.constant 112 : index
      %get3A_171 = tpu.vector_load %arg8[%get3A_170] {strides = array<i32>} : memref<128xi32, #tpu.memory_space<vmem>>, vector<16xi32>,
      %get3A_172 = vector.shape_cast %get3A_171 : vector<16xi32> to vector<16xi32>
      %mul3A_173 = arith.constant 10000 : i32
      %mul3A_174 = vector.broadcast %mul3A_173 : i32 to vector<16xi32>
      %mul3A_175 = arith.muli %get3A_172, %mul3A_174 : vector<16xi32>
      %get3A_176 = arith.constant 112 : index
      %get3A_177 = tpu.vector_load %arg7[%get3A_176] {strides = array<i32>} : memref<128xi32, #tpu.memory_space<vmem>>, vector<16xi32>,
      %get3A_178 = vector.shape_cast %get3A_177 : vector<16xi32> to vector<16xi32>
      %add3A_179 = arith.addi %mul3A_175, %get3A_178 : vector<16xi32>
      %swap3A_180 = arith.constant 112 : index
      %swap3A_181 = tpu.vector_load %arg10[%swap3A_180] {strides = array<i32>} : memref<128xi32, #tpu.memory_space<vmem>>, vector<16xi32>,
      %swap3A_182 = vector.shape_cast %swap3A_181 : vector<16xi32> to vector<16xi32>
      %swap3A_183 = vector.shape_cast %add3A_179 : vector<16xi32> to vector<16xi32>
      tpu.vector_store %arg10[%swap3A_180], %swap3A_183 {strides = array<i32>} : memref<128xi32, #tpu.memory_space<vmem>>, vector<16xi32>,
      %dma_start3A = arith.constant 0 : i32
      %dma_start3A_184 = arith.constant 0 : i32
      %dma_start3A_185 = tpu.memref_slice %arg2[%dma_start3A, %dma_start3A_184] : memref<170000x128xf32, #tpu.memory_space<hbm>> -> memref<170000x128xf32, #tpu.memory_space<hbm>>
      tpu.enqueue_indirect_dma source(%dma_start3A_185 : memref<170000x128xf32, #tpu.memory_space<hbm>>) target(%arg15 : memref<128x128xf32, #tpu.memory_space<vmem>>) offsets(%arg10 : memref<128xi32, #tpu.memory_space<vmem>>) semaphore(%arg18 : memref<!tpu.dma_semaphore, #tpu.memory_space<semaphore_mem>>)
      %dma_wait3A = arith.constant 0 : i32
      %dma_wait3A_186 = arith.constant 0 : i32
      %dma_wait3A_187 = tpu.memref_slice %arg2[%dma_wait3A, %dma_wait3A_186] : memref<170000x128xf32, #tpu.memory_space<hbm>> -> memref<170000x128xf32, #tpu.memory_space<hbm>>
      tpu.wait_indirect_dma semaphore(%arg18 : memref<!tpu.dma_semaphore, #tpu.memory_space<semaphore_mem>>) src(%dma_wait3A_187 : memref<170000x128xf32, #tpu.memory_space<hbm>>) dst(%arg15 : memref<128x128xf32, #tpu.memory_space<vmem>>)
      "tpu.region"() ({
        %run_scoped3A = tpu.sem_alloc : memref<!tpu.dma_semaphore, #tpu.memory_space<semaphore_mem>>
        %dma_start3A_188 = arith.constant 0 : i32
        %dma_start3A_189 = arith.constant 0 : i32
        %dma_start3A_190 = tpu.memref_slice %arg17[%dma_start3A_188, %dma_start3A_189] : memref<10240x128xf32, #tpu.memory_space<vmem_shared>> -> memref<10240x128xf32, #tpu.memory_space<vmem_shared>>
        tpu.enqueue_indirect_dma source(%arg15 : memref<128x128xf32, #tpu.memory_space<vmem>>) target(%dma_start3A_190 : memref<10240x128xf32, #tpu.memory_space<vmem_shared>>) offsets(%arg9 : memref<128xi32, #tpu.memory_space<vmem>>) semaphore(%run_scoped3A : memref<!tpu.dma_semaphore, #tpu.memory_space<semaphore_mem>>) {add = true}
        %dma_wait3A_191 = arith.constant 0 : i32
        %dma_wait3A_192 = arith.constant 0 : i32
        %dma_wait3A_193 = tpu.memref_slice %arg17[%dma_wait3A_191, %dma_wait3A_192] : memref<10240x128xf32, #tpu.memory_space<vmem_shared>> -> memref<10240x128xf32, #tpu.memory_space<vmem_shared>>
        tpu.wait_indirect_dma semaphore(%run_scoped3A : memref<!tpu.dma_semaphore, #tpu.memory_space<semaphore_mem>>) src(%arg15 : memref<128x128xf32, #tpu.memory_space<vmem>>) dst(%dma_wait3A_193 : memref<10240x128xf32, #tpu.memory_space<vmem_shared>>)
        tpu.yield
      }) : () -> ()
    }
    %barrier3A_55 = arith.constant 0 : index
    tpu.barrier barrier_id(%barrier3A_55)
    %mul3A_56 = arith.constant 640 : i32
    %mul3A_57 = arith.muli %arg1, %mul3A_56 : i32
    %add3A_58 = arith.constant 0 : i32
    %add3A_59 = arith.addi %mul3A_57, %add3A_58 : i32
    "tpu.region"() ({
      %run_scoped3A = tpu.sem_alloc : memref<!tpu.dma_semaphore, #tpu.memory_space<semaphore_mem>>
      %dma_start3A = arith.constant 0 : i32
      %dma_start3A_68 = tpu.memref_slice %arg17[%add3A_59, %dma_start3A] : memref<10240x128xf32, #tpu.memory_space<vmem_shared>> -> memref<128x128xf32, #tpu.memory_space<vmem_shared>>
      %dma_start3A_69 = arith.constant 0 : i32
      %dma_start3A_70 = tpu.memref_slice %arg17[%add3A_59, %dma_start3A_69] : memref<10240x128xf32, #tpu.memory_space<vmem_shared>> -> memref<128x128xf32, #tpu.memory_space<vmem_shared>>
      tpu.enqueue_dma source(%dma_start3A_70 : memref<128x128xf32, #tpu.memory_space<vmem_shared>>) target(%arg15 : memref<128x128xf32, #tpu.memory_space<vmem>>) target_semaphore(%run_scoped3A : memref<!tpu.dma_semaphore, #tpu.memory_space<semaphore_mem>>)
      %dma_wait3A = arith.constant 0 : i32
      %dma_wait3A_71 = tpu.memref_slice %arg17[%add3A_59, %dma_wait3A] : memref<10240x128xf32, #tpu.memory_space<vmem_shared>> -> memref<128x128xf32, #tpu.memory_space<vmem_shared>>
      %dma_wait3A_72 = arith.constant 0 : i32
      %dma_wait3A_73 = tpu.memref_slice %arg17[%add3A_59, %dma_wait3A_72] : memref<10240x128xf32, #tpu.memory_space<vmem_shared>> -> memref<128x128xf32, #tpu.memory_space<vmem_shared>>
      tpu.wait_dma2 semaphore(%run_scoped3A : memref<!tpu.dma_semaphore, #tpu.memory_space<semaphore_mem>>) src(%dma_wait3A_73 : memref<128x128xf32, #tpu.memory_space<vmem_shared>>) dst(%arg15 : memref<128x128xf32, #tpu.memory_space<vmem>>)
      tpu.yield
    }) : () -> ()
    "tpu.region"() ({
      %run_scoped3A = tpu.sem_alloc : memref<!tpu.dma_semaphore, #tpu.memory_space<semaphore_mem>>
      %dma_start3A = arith.constant 0 : i32
      %dma_start3A_68 = tpu.memref_slice %arg6[%arg0, %add3A_59, %dma_start3A] : memref<2x10240x128xf32, #tpu.memory_space<hbm>> -> memref<1x128x128xf32, #tpu.memory_space<hbm>>
      %dma_start3A_69 = tpu.memref_squeeze %dma_start3A_68 : memref<1x128x128xf32, #tpu.memory_space<hbm>> -> memref<128x128xf32, #tpu.memory_space<hbm>>
      %dma_start3A_70 = arith.constant 0 : i32
      %dma_start3A_71 = tpu.memref_slice %arg6[%arg0, %add3A_59, %dma_start3A_70] : memref<2x10240x128xf32, #tpu.memory_space<hbm>> -> memref<1x128x128xf32, #tpu.memory_space<hbm>>
      %dma_start3A_72 = tpu.memref_squeeze %dma_start3A_71 : memref<1x128x128xf32, #tpu.memory_space<hbm>> -> memref<128x128xf32, #tpu.memory_space<hbm>>
      tpu.enqueue_dma source(%arg15 : memref<128x128xf32, #tpu.memory_space<vmem>>) target(%dma_start3A_72 : memref<128x128xf32, #tpu.memory_space<hbm>>) target_semaphore(%run_scoped3A : memref<!tpu.dma_semaphore, #tpu.memory_space<semaphore_mem>>)
      %dma_wait3A = arith.constant 0 : i32
      %dma_wait3A_73 = tpu.memref_slice %arg6[%arg0, %add3A_59, %dma_wait3A] : memref<2x10240x128xf32, #tpu.memory_space<hbm>> -> memref<1x128x128xf32, #tpu.memory_space<hbm>>
      %dma_wait3A_74 = tpu.memref_squeeze %dma_wait3A_73 : memref<1x128x128xf32, #tpu.memory_space<hbm>> -> memref<128x128xf32, #tpu.memory_space<hbm>>
      %dma_wait3A_75 = arith.constant 0 : i32
      %dma_wait3A_76 = tpu.memref_slice %arg6[%arg0, %add3A_59, %dma_wait3A_75] : memref<2x10240x128xf32, #tpu.memory_space<hbm>> -> memref<1x128x128xf32, #tpu.memory_space<hbm>>
      %dma_wait3A_77 = tpu.memref_squeeze %dma_wait3A_76 : memref<1x128x128xf32, #tpu.memory_space<hbm>> -> memref<128x128xf32, #tpu.memory_space<hbm>>
      tpu.wait_dma2 semaphore(%run_scoped3A : memref<!tpu.dma_semaphore, #tpu.memory_space<semaphore_mem>>) src(%arg15 : memref<128x128xf32, #tpu.memory_space<vmem>>) dst(%dma_wait3A_77 : memref<128x128xf32, #tpu.memory_space<hbm>>)
      tpu.yield
    }) : () -> ()
    %add3A_60 = arith.constant 128 : i32
    %add3A_61 = arith.addi %mul3A_57, %add3A_60 : i32
    "tpu.region"() ({
      %run_scoped3A = tpu.sem_alloc : memref<!tpu.dma_semaphore, #tpu.memory_space<semaphore_mem>>
      %dma_start3A = arith.constant 0 : i32
      %dma_start3A_68 = tpu.memref_slice %arg17[%add3A_61, %dma_start3A] : memref<10240x128xf32, #tpu.memory_space<vmem_shared>> -> memref<128x128xf32, #tpu.memory_space<vmem_shared>>
      %dma_start3A_69 = arith.constant 0 : i32
      %dma_start3A_70 = tpu.memref_slice %arg17[%add3A_61, %dma_start3A_69] : memref<10240x128xf32, #tpu.memory_space<vmem_shared>> -> memref<128x128xf32, #tpu.memory_space<vmem_shared>>
      tpu.enqueue_dma source(%dma_start3A_70 : memref<128x128xf32, #tpu.memory_space<vmem_shared>>) target(%arg15 : memref<128x128xf32, #tpu.memory_space<vmem>>) target_semaphore(%run_scoped3A : memref<!tpu.dma_semaphore, #tpu.memory_space<semaphore_mem>>)
      %dma_wait3A = arith.constant 0 : i32
      %dma_wait3A_71 = tpu.memref_slice %arg17[%add3A_61, %dma_wait3A] : memref<10240x128xf32, #tpu.memory_space<vmem_shared>> -> memref<128x128xf32, #tpu.memory_space<vmem_shared>>
      %dma_wait3A_72 = arith.constant 0 : i32
      %dma_wait3A_73 = tpu.memref_slice %arg17[%add3A_61, %dma_wait3A_72] : memref<10240x128xf32, #tpu.memory_space<vmem_shared>> -> memref<128x128xf32, #tpu.memory_space<vmem_shared>>
      tpu.wait_dma2 semaphore(%run_scoped3A : memref<!tpu.dma_semaphore, #tpu.memory_space<semaphore_mem>>) src(%dma_wait3A_73 : memref<128x128xf32, #tpu.memory_space<vmem_shared>>) dst(%arg15 : memref<128x128xf32, #tpu.memory_space<vmem>>)
      tpu.yield
    }) : () -> ()
    "tpu.region"() ({
      %run_scoped3A = tpu.sem_alloc : memref<!tpu.dma_semaphore, #tpu.memory_space<semaphore_mem>>
      %dma_start3A = arith.constant 0 : i32
      %dma_start3A_68 = tpu.memref_slice %arg6[%arg0, %add3A_61, %dma_start3A] : memref<2x10240x128xf32, #tpu.memory_space<hbm>> -> memref<1x128x128xf32, #tpu.memory_space<hbm>>
      %dma_start3A_69 = tpu.memref_squeeze %dma_start3A_68 : memref<1x128x128xf32, #tpu.memory_space<hbm>> -> memref<128x128xf32, #tpu.memory_space<hbm>>
      %dma_start3A_70 = arith.constant 0 : i32
      %dma_start3A_71 = tpu.memref_slice %arg6[%arg0, %add3A_61, %dma_start3A_70] : memref<2x10240x128xf32, #tpu.memory_space<hbm>> -> memref<1x128x128xf32, #tpu.memory_space<hbm>>
      %dma_start3A_72 = tpu.memref_squeeze %dma_start3A_71 : memref<1x128x128xf32, #tpu.memory_space<hbm>> -> memref<128x128xf32, #tpu.memory_space<hbm>>
      tpu.enqueue_dma source(%arg15 : memref<128x128xf32, #tpu.memory_space<vmem>>) target(%dma_start3A_72 : memref<128x128xf32, #tpu.memory_space<hbm>>) target_semaphore(%run_scoped3A : memref<!tpu.dma_semaphore, #tpu.memory_space<semaphore_mem>>)
      %dma_wait3A = arith.constant 0 : i32
      %dma_wait3A_73 = tpu.memref_slice %arg6[%arg0, %add3A_61, %dma_wait3A] : memref<2x10240x128xf32, #tpu.memory_space<hbm>> -> memref<1x128x128xf32, #tpu.memory_space<hbm>>
      %dma_wait3A_74 = tpu.memref_squeeze %dma_wait3A_73 : memref<1x128x128xf32, #tpu.memory_space<hbm>> -> memref<128x128xf32, #tpu.memory_space<hbm>>
      %dma_wait3A_75 = arith.constant 0 : i32
      %dma_wait3A_76 = tpu.memref_slice %arg6[%arg0, %add3A_61, %dma_wait3A_75] : memref<2x10240x128xf32, #tpu.memory_space<hbm>> -> memref<1x128x128xf32, #tpu.memory_space<hbm>>
      %dma_wait3A_77 = tpu.memref_squeeze %dma_wait3A_76 : memref<1x128x128xf32, #tpu.memory_space<hbm>> -> memref<128x128xf32, #tpu.memory_space<hbm>>
      tpu.wait_dma2 semaphore(%run_scoped3A : memref<!tpu.dma_semaphore, #tpu.memory_space<semaphore_mem>>) src(%arg15 : memref<128x128xf32, #tpu.memory_space<vmem>>) dst(%dma_wait3A_77 : memref<128x128xf32, #tpu.memory_space<hbm>>)
      tpu.yield
    }) : () -> ()
    %add3A_62 = arith.constant 256 : i32
    %add3A_63 = arith.addi %mul3A_57, %add3A_62 : i32
    "tpu.region"() ({
      %run_scoped3A = tpu.sem_alloc : memref<!tpu.dma_semaphore, #tpu.memory_space<semaphore_mem>>
      %dma_start3A = arith.constant 0 : i32
      %dma_start3A_68 = tpu.memref_slice %arg17[%add3A_63, %dma_start3A] : memref<10240x128xf32, #tpu.memory_space<vmem_shared>> -> memref<128x128xf32, #tpu.memory_space<vmem_shared>>
      %dma_start3A_69 = arith.constant 0 : i32
      %dma_start3A_70 = tpu.memref_slice %arg17[%add3A_63, %dma_start3A_69] : memref<10240x128xf32, #tpu.memory_space<vmem_shared>> -> memref<128x128xf32, #tpu.memory_space<vmem_shared>>
      tpu.enqueue_dma source(%dma_start3A_70 : memref<128x128xf32, #tpu.memory_space<vmem_shared>>) target(%arg15 : memref<128x128xf32, #tpu.memory_space<vmem>>) target_semaphore(%run_scoped3A : memref<!tpu.dma_semaphore, #tpu.memory_space<semaphore_mem>>)
      %dma_wait3A = arith.constant 0 : i32
      %dma_wait3A_71 = tpu.memref_slice %arg17[%add3A_63, %dma_wait3A] : memref<10240x128xf32, #tpu.memory_space<vmem_shared>> -> memref<128x128xf32, #tpu.memory_space<vmem_shared>>
      %dma_wait3A_72 = arith.constant 0 : i32
      %dma_wait3A_73 = tpu.memref_slice %arg17[%add3A_63, %dma_wait3A_72] : memref<10240x128xf32, #tpu.memory_space<vmem_shared>> -> memref<128x128xf32, #tpu.memory_space<vmem_shared>>
      tpu.wait_dma2 semaphore(%run_scoped3A : memref<!tpu.dma_semaphore, #tpu.memory_space<semaphore_mem>>) src(%dma_wait3A_73 : memref<128x128xf32, #tpu.memory_space<vmem_shared>>) dst(%arg15 : memref<128x128xf32, #tpu.memory_space<vmem>>)
      tpu.yield
    }) : () -> ()
    "tpu.region"() ({
      %run_scoped3A = tpu.sem_alloc : memref<!tpu.dma_semaphore, #tpu.memory_space<semaphore_mem>>
      %dma_start3A = arith.constant 0 : i32
      %dma_start3A_68 = tpu.memref_slice %arg6[%arg0, %add3A_63, %dma_start3A] : memref<2x10240x128xf32, #tpu.memory_space<hbm>> -> memref<1x128x128xf32, #tpu.memory_space<hbm>>
      %dma_start3A_69 = tpu.memref_squeeze %dma_start3A_68 : memref<1x128x128xf32, #tpu.memory_space<hbm>> -> memref<128x128xf32, #tpu.memory_space<hbm>>
      %dma_start3A_70 = arith.constant 0 : i32
      %dma_start3A_71 = tpu.memref_slice %arg6[%arg0, %add3A_63, %dma_start3A_70] : memref<2x10240x128xf32, #tpu.memory_space<hbm>> -> memref<1x128x128xf32, #tpu.memory_space<hbm>>
      %dma_start3A_72 = tpu.memref_squeeze %dma_start3A_71 : memref<1x128x128xf32, #tpu.memory_space<hbm>> -> memref<128x128xf32, #tpu.memory_space<hbm>>
      tpu.enqueue_dma source(%arg15 : memref<128x128xf32, #tpu.memory_space<vmem>>) target(%dma_start3A_72 : memref<128x128xf32, #tpu.memory_space<hbm>>) target_semaphore(%run_scoped3A : memref<!tpu.dma_semaphore, #tpu.memory_space<semaphore_mem>>)
      %dma_wait3A = arith.constant 0 : i32
      %dma_wait3A_73 = tpu.memref_slice %arg6[%arg0, %add3A_63, %dma_wait3A] : memref<2x10240x128xf32, #tpu.memory_space<hbm>> -> memref<1x128x128xf32, #tpu.memory_space<hbm>>
      %dma_wait3A_74 = tpu.memref_squeeze %dma_wait3A_73 : memref<1x128x128xf32, #tpu.memory_space<hbm>> -> memref<128x128xf32, #tpu.memory_space<hbm>>
      %dma_wait3A_75 = arith.constant 0 : i32
      %dma_wait3A_76 = tpu.memref_slice %arg6[%arg0, %add3A_63, %dma_wait3A_75] : memref<2x10240x128xf32, #tpu.memory_space<hbm>> -> memref<1x128x128xf32, #tpu.memory_space<hbm>>
      %dma_wait3A_77 = tpu.memref_squeeze %dma_wait3A_76 : memref<1x128x128xf32, #tpu.memory_space<hbm>> -> memref<128x128xf32, #tpu.memory_space<hbm>>
      tpu.wait_dma2 semaphore(%run_scoped3A : memref<!tpu.dma_semaphore, #tpu.memory_space<semaphore_mem>>) src(%arg15 : memref<128x128xf32, #tpu.memory_space<vmem>>) dst(%dma_wait3A_77 : memref<128x128xf32, #tpu.memory_space<hbm>>)
      tpu.yield
    }) : () -> ()
    %add3A_64 = arith.constant 384 : i32
    %add3A_65 = arith.addi %mul3A_57, %add3A_64 : i32
    "tpu.region"() ({
      %run_scoped3A = tpu.sem_alloc : memref<!tpu.dma_semaphore, #tpu.memory_space<semaphore_mem>>
      %dma_start3A = arith.constant 0 : i32
      %dma_start3A_68 = tpu.memref_slice %arg17[%add3A_65, %dma_start3A] : memref<10240x128xf32, #tpu.memory_space<vmem_shared>> -> memref<128x128xf32, #tpu.memory_space<vmem_shared>>
      %dma_start3A_69 = arith.constant 0 : i32
      %dma_start3A_70 = tpu.memref_slice %arg17[%add3A_65, %dma_start3A_69] : memref<10240x128xf32, #tpu.memory_space<vmem_shared>> -> memref<128x128xf32, #tpu.memory_space<vmem_shared>>
      tpu.enqueue_dma source(%dma_start3A_70 : memref<128x128xf32, #tpu.memory_space<vmem_shared>>) target(%arg15 : memref<128x128xf32, #tpu.memory_space<vmem>>) target_semaphore(%run_scoped3A : memref<!tpu.dma_semaphore, #tpu.memory_space<semaphore_mem>>)
      %dma_wait3A = arith.constant 0 : i32
      %dma_wait3A_71 = tpu.memref_slice %arg17[%add3A_65, %dma_wait3A] : memref<10240x128xf32, #tpu.memory_space<vmem_shared>> -> memref<128x128xf32, #tpu.memory_space<vmem_shared>>
      %dma_wait3A_72 = arith.constant 0 : i32
      %dma_wait3A_73 = tpu.memref_slice %arg17[%add3A_65, %dma_wait3A_72] : memref<10240x128xf32, #tpu.memory_space<vmem_shared>> -> memref<128x128xf32, #tpu.memory_space<vmem_shared>>
      tpu.wait_dma2 semaphore(%run_scoped3A : memref<!tpu.dma_semaphore, #tpu.memory_space<semaphore_mem>>) src(%dma_wait3A_73 : memref<128x128xf32, #tpu.memory_space<vmem_shared>>) dst(%arg15 : memref<128x128xf32, #tpu.memory_space<vmem>>)
      tpu.yield
    }) : () -> ()
    "tpu.region"() ({
      %run_scoped3A = tpu.sem_alloc : memref<!tpu.dma_semaphore, #tpu.memory_space<semaphore_mem>>
      %dma_start3A = arith.constant 0 : i32
      %dma_start3A_68 = tpu.memref_slice %arg6[%arg0, %add3A_65, %dma_start3A] : memref<2x10240x128xf32, #tpu.memory_space<hbm>> -> memref<1x128x128xf32, #tpu.memory_space<hbm>>
      %dma_start3A_69 = tpu.memref_squeeze %dma_start3A_68 : memref<1x128x128xf32, #tpu.memory_space<hbm>> -> memref<128x128xf32, #tpu.memory_space<hbm>>
      %dma_start3A_70 = arith.constant 0 : i32
      %dma_start3A_71 = tpu.memref_slice %arg6[%arg0, %add3A_65, %dma_start3A_70] : memref<2x10240x128xf32, #tpu.memory_space<hbm>> -> memref<1x128x128xf32, #tpu.memory_space<hbm>>
      %dma_start3A_72 = tpu.memref_squeeze %dma_start3A_71 : memref<1x128x128xf32, #tpu.memory_space<hbm>> -> memref<128x128xf32, #tpu.memory_space<hbm>>
      tpu.enqueue_dma source(%arg15 : memref<128x128xf32, #tpu.memory_space<vmem>>) target(%dma_start3A_72 : memref<128x128xf32, #tpu.memory_space<hbm>>) target_semaphore(%run_scoped3A : memref<!tpu.dma_semaphore, #tpu.memory_space<semaphore_mem>>)
      %dma_wait3A = arith.constant 0 : i32
      %dma_wait3A_73 = tpu.memref_slice %arg6[%arg0, %add3A_65, %dma_wait3A] : memref<2x10240x128xf32, #tpu.memory_space<hbm>> -> memref<1x128x128xf32, #tpu.memory_space<hbm>>
      %dma_wait3A_74 = tpu.memref_squeeze %dma_wait3A_73 : memref<1x128x128xf32, #tpu.memory_space<hbm>> -> memref<128x128xf32, #tpu.memory_space<hbm>>
      %dma_wait3A_75 = arith.constant 0 : i32
      %dma_wait3A_76 = tpu.memref_slice %arg6[%arg0, %add3A_65, %dma_wait3A_75] : memref<2x10240x128xf32, #tpu.memory_space<hbm>> -> memref<1x128x128xf32, #tpu.memory_space<hbm>>
      %dma_wait3A_77 = tpu.memref_squeeze %dma_wait3A_76 : memref<1x128x128xf32, #tpu.memory_space<hbm>> -> memref<128x128xf32, #tpu.memory_space<hbm>>
      tpu.wait_dma2 semaphore(%run_scoped3A : memref<!tpu.dma_semaphore, #tpu.memory_space<semaphore_mem>>) src(%arg15 : memref<128x128xf32, #tpu.memory_space<vmem>>) dst(%dma_wait3A_77 : memref<128x128xf32, #tpu.memory_space<hbm>>)
      tpu.yield
    }) : () -> ()
    %add3A_66 = arith.constant 512 : i32
    %add3A_67 = arith.addi %mul3A_57, %add3A_66 : i32
    "tpu.region"() ({
      %run_scoped3A = tpu.sem_alloc : memref<!tpu.dma_semaphore, #tpu.memory_space<semaphore_mem>>
      %dma_start3A = arith.constant 0 : i32
      %dma_start3A_68 = tpu.memref_slice %arg17[%add3A_67, %dma_start3A] : memref<10240x128xf32, #tpu.memory_space<vmem_shared>> -> memref<128x128xf32, #tpu.memory_space<vmem_shared>>
      %dma_start3A_69 = arith.constant 0 : i32
      %dma_start3A_70 = tpu.memref_slice %arg17[%add3A_67, %dma_start3A_69] : memref<10240x128xf32, #tpu.memory_space<vmem_shared>> -> memref<128x128xf32, #tpu.memory_space<vmem_shared>>
      tpu.enqueue_dma source(%dma_start3A_70 : memref<128x128xf32, #tpu.memory_space<vmem_shared>>) target(%arg15 : memref<128x128xf32, #tpu.memory_space<vmem>>) target_semaphore(%run_scoped3A : memref<!tpu.dma_semaphore, #tpu.memory_space<semaphore_mem>>)
      %dma_wait3A = arith.constant 0 : i32
      %dma_wait3A_71 = tpu.memref_slice %arg17[%add3A_67, %dma_wait3A] : memref<10240x128xf32, #tpu.memory_space<vmem_shared>> -> memref<128x128xf32, #tpu.memory_space<vmem_shared>>
      %dma_wait3A_72 = arith.constant 0 : i32
      %dma_wait3A_73 = tpu.memref_slice %arg17[%add3A_67, %dma_wait3A_72] : memref<10240x128xf32, #tpu.memory_space<vmem_shared>> -> memref<128x128xf32, #tpu.memory_space<vmem_shared>>
      tpu.wait_dma2 semaphore(%run_scoped3A : memref<!tpu.dma_semaphore, #tpu.memory_space<semaphore_mem>>) src(%dma_wait3A_73 : memref<128x128xf32, #tpu.memory_space<vmem_shared>>) dst(%arg15 : memref<128x128xf32, #tpu.memory_space<vmem>>)
      tpu.yield
    }) : () -> ()
    "tpu.region"() ({
      %run_scoped3A = tpu.sem_alloc : memref<!tpu.dma_semaphore, #tpu.memory_space<semaphore_mem>>
      %dma_start3A = arith.constant 0 : i32
      %dma_start3A_68 = tpu.memref_slice %arg6[%arg0, %add3A_67, %dma_start3A] : memref<2x10240x128xf32, #tpu.memory_space<hbm>> -> memref<1x128x128xf32, #tpu.memory_space<hbm>>
      %dma_start3A_69 = tpu.memref_squeeze %dma_start3A_68 : memref<1x128x128xf32, #tpu.memory_space<hbm>> -> memref<128x128xf32, #tpu.memory_space<hbm>>
      %dma_start3A_70 = arith.constant 0 : i32
      %dma_start3A_71 = tpu.memref_slice %arg6[%arg0, %add3A_67, %dma_start3A_70] : memref<2x10240x128xf32, #tpu.memory_space<hbm>> -> memref<1x128x128xf32, #tpu.memory_space<hbm>>
      %dma_start3A_72 = tpu.memref_squeeze %dma_start3A_71 : memref<1x128x128xf32, #tpu.memory_space<hbm>> -> memref<128x128xf32, #tpu.memory_space<hbm>>
      tpu.enqueue_dma source(%arg15 : memref<128x128xf32, #tpu.memory_space<vmem>>) target(%dma_start3A_72 : memref<128x128xf32, #tpu.memory_space<hbm>>) target_semaphore(%run_scoped3A : memref<!tpu.dma_semaphore, #tpu.memory_space<semaphore_mem>>)
      %dma_wait3A = arith.constant 0 : i32
      %dma_wait3A_73 = tpu.memref_slice %arg6[%arg0, %add3A_67, %dma_wait3A] : memref<2x10240x128xf32, #tpu.memory_space<hbm>> -> memref<1x128x128xf32, #tpu.memory_space<hbm>>
      %dma_wait3A_74 = tpu.memref_squeeze %dma_wait3A_73 : memref<1x128x128xf32, #tpu.memory_space<hbm>> -> memref<128x128xf32, #tpu.memory_space<hbm>>
      %dma_wait3A_75 = arith.constant 0 : i32
      %dma_wait3A_76 = tpu.memref_slice %arg6[%arg0, %add3A_67, %dma_wait3A_75] : memref<2x10240x128xf32, #tpu.memory_space<hbm>> -> memref<1x128x128xf32, #tpu.memory_space<hbm>>
      %dma_wait3A_77 = tpu.memref_squeeze %dma_wait3A_76 : memref<1x128x128xf32, #tpu.memory_space<hbm>> -> memref<128x128xf32, #tpu.memory_space<hbm>>
      tpu.wait_dma2 semaphore(%run_scoped3A : memref<!tpu.dma_semaphore, #tpu.memory_space<semaphore_mem>>) src(%arg15 : memref<128x128xf32, #tpu.memory_space<vmem>>) dst(%dma_wait3A_77 : memref<128x128xf32, #tpu.memory_space<hbm>>)
      tpu.yield
    }) : () -> ()
    return
  }
}

#map = affine_map<(d0, d1) -> (0, 0)>
#map1 = affine_map<(d0, d1) -> (0, 0, 0)>
module attributes {stable_mosaic.version = 14 : i64} {
  func.func @_deg_body(%arg0: i32, %arg1: i32, %arg2: memref<2560x128xi32, #tpu.memory_space<hbm>>, %arg3: memref<2x10240x128xf32, #tpu.memory_space<hbm>>, %arg4: memref<80x128xi32, #tpu.memory_space<vmem>>, %arg5: memref<128x128xf32, #tpu.memory_space<vmem>>, %arg6: memref<128x128xf32, #tpu.memory_space<vmem>>, %arg7: memref<10240x128xf32, #tpu.memory_space<vmem_shared>>, %arg8: memref<!tpu.dma_semaphore, #tpu.memory_space<semaphore_mem>>) attributes {dimension_semantics = [#tpu.dimension_semantics<core_parallel>, #tpu.dimension_semantics<subcore_parallel>], iteration_bounds = array<i64: 2, 16>, scalar_prefetch = 0 : i64, scratch_operands = 5 : i64, tpu.core_type = #tpu.core_type<sc_vector_subcore>, window_params = [{transform_indices = #map}, {transform_indices = #map1}]} {
    %mul3A = arith.constant 2 : i32
    %mul3A_0 = arith.muli %arg1, %mul3A : i32
    %add3A = arith.addi %mul3A_0, %arg0 : i32
    %scan3A = arith.constant 0 : i32
    %scan3A_1 = arith.constant 0 : i32
    %scan3A_2 = arith.constant 128 : i32
    %scan3A_3 = arith.addi %scan3A_1, %scan3A_2 : i32
    %scan3A_4 = arith.constant 1 : i32
    scf.for %scan3A_53 = %scan3A_1 to %scan3A_3 step %scan3A_4  : i32 {
      %broadcast_in_dim3A = arith.constant 0.000000e+00 : f32
      %broadcast_in_dim3A_54 = vector.broadcast %broadcast_in_dim3A : f32 to vector<16xf32>
      %swap3A = arith.index_cast %scan3A_53 : i32 to index
      %swap3A_55 = arith.constant 0 : index
      %swap3A_56 = tpu.vector_load %arg5[%swap3A, %swap3A_55] {strides = array<i32>} : memref<128x128xf32, #tpu.memory_space<vmem>>, vector<1x16xf32>,
      %swap3A_57 = vector.shape_cast %swap3A_56 : vector<1x16xf32> to vector<16xf32>
      %swap3A_58 = vector.shape_cast %broadcast_in_dim3A_54 : vector<16xf32> to vector<1x16xf32>
      tpu.vector_store %arg5[%swap3A, %swap3A_55], %swap3A_58 {strides = array<i32>} : memref<128x128xf32, #tpu.memory_space<vmem>>, vector<1x16xf32>,
      %broadcast_in_dim3A_59 = arith.constant 0.000000e+00 : f32
      %broadcast_in_dim3A_60 = vector.broadcast %broadcast_in_dim3A_59 : f32 to vector<16xf32>
      %swap3A_61 = arith.index_cast %scan3A_53 : i32 to index
      %swap3A_62 = arith.constant 16 : index
      %swap3A_63 = tpu.vector_load %arg5[%swap3A_61, %swap3A_62] {strides = array<i32>} : memref<128x128xf32, #tpu.memory_space<vmem>>, vector<1x16xf32>,
      %swap3A_64 = vector.shape_cast %swap3A_63 : vector<1x16xf32> to vector<16xf32>
      %swap3A_65 = vector.shape_cast %broadcast_in_dim3A_60 : vector<16xf32> to vector<1x16xf32>
      tpu.vector_store %arg5[%swap3A_61, %swap3A_62], %swap3A_65 {strides = array<i32>} : memref<128x128xf32, #tpu.memory_space<vmem>>, vector<1x16xf32>,
      %broadcast_in_dim3A_66 = arith.constant 0.000000e+00 : f32
      %broadcast_in_dim3A_67 = vector.broadcast %broadcast_in_dim3A_66 : f32 to vector<16xf32>
      %swap3A_68 = arith.index_cast %scan3A_53 : i32 to index
      %swap3A_69 = arith.constant 32 : index
      %swap3A_70 = tpu.vector_load %arg5[%swap3A_68, %swap3A_69] {strides = array<i32>} : memref<128x128xf32, #tpu.memory_space<vmem>>, vector<1x16xf32>,
      %swap3A_71 = vector.shape_cast %swap3A_70 : vector<1x16xf32> to vector<16xf32>
      %swap3A_72 = vector.shape_cast %broadcast_in_dim3A_67 : vector<16xf32> to vector<1x16xf32>
      tpu.vector_store %arg5[%swap3A_68, %swap3A_69], %swap3A_72 {strides = array<i32>} : memref<128x128xf32, #tpu.memory_space<vmem>>, vector<1x16xf32>,
      %broadcast_in_dim3A_73 = arith.constant 0.000000e+00 : f32
      %broadcast_in_dim3A_74 = vector.broadcast %broadcast_in_dim3A_73 : f32 to vector<16xf32>
      %swap3A_75 = arith.index_cast %scan3A_53 : i32 to index
      %swap3A_76 = arith.constant 48 : index
      %swap3A_77 = tpu.vector_load %arg5[%swap3A_75, %swap3A_76] {strides = array<i32>} : memref<128x128xf32, #tpu.memory_space<vmem>>, vector<1x16xf32>,
      %swap3A_78 = vector.shape_cast %swap3A_77 : vector<1x16xf32> to vector<16xf32>
      %swap3A_79 = vector.shape_cast %broadcast_in_dim3A_74 : vector<16xf32> to vector<1x16xf32>
      tpu.vector_store %arg5[%swap3A_75, %swap3A_76], %swap3A_79 {strides = array<i32>} : memref<128x128xf32, #tpu.memory_space<vmem>>, vector<1x16xf32>,
      %broadcast_in_dim3A_80 = arith.constant 0.000000e+00 : f32
      %broadcast_in_dim3A_81 = vector.broadcast %broadcast_in_dim3A_80 : f32 to vector<16xf32>
      %swap3A_82 = arith.index_cast %scan3A_53 : i32 to index
      %swap3A_83 = arith.constant 64 : index
      %swap3A_84 = tpu.vector_load %arg5[%swap3A_82, %swap3A_83] {strides = array<i32>} : memref<128x128xf32, #tpu.memory_space<vmem>>, vector<1x16xf32>,
      %swap3A_85 = vector.shape_cast %swap3A_84 : vector<1x16xf32> to vector<16xf32>
      %swap3A_86 = vector.shape_cast %broadcast_in_dim3A_81 : vector<16xf32> to vector<1x16xf32>
      tpu.vector_store %arg5[%swap3A_82, %swap3A_83], %swap3A_86 {strides = array<i32>} : memref<128x128xf32, #tpu.memory_space<vmem>>, vector<1x16xf32>,
      %broadcast_in_dim3A_87 = arith.constant 0.000000e+00 : f32
      %broadcast_in_dim3A_88 = vector.broadcast %broadcast_in_dim3A_87 : f32 to vector<16xf32>
      %swap3A_89 = arith.index_cast %scan3A_53 : i32 to index
      %swap3A_90 = arith.constant 80 : index
      %swap3A_91 = tpu.vector_load %arg5[%swap3A_89, %swap3A_90] {strides = array<i32>} : memref<128x128xf32, #tpu.memory_space<vmem>>, vector<1x16xf32>,
      %swap3A_92 = vector.shape_cast %swap3A_91 : vector<1x16xf32> to vector<16xf32>
      %swap3A_93 = vector.shape_cast %broadcast_in_dim3A_88 : vector<16xf32> to vector<1x16xf32>
      tpu.vector_store %arg5[%swap3A_89, %swap3A_90], %swap3A_93 {strides = array<i32>} : memref<128x128xf32, #tpu.memory_space<vmem>>, vector<1x16xf32>,
      %broadcast_in_dim3A_94 = arith.constant 0.000000e+00 : f32
      %broadcast_in_dim3A_95 = vector.broadcast %broadcast_in_dim3A_94 : f32 to vector<16xf32>
      %swap3A_96 = arith.index_cast %scan3A_53 : i32 to index
      %swap3A_97 = arith.constant 96 : index
      %swap3A_98 = tpu.vector_load %arg5[%swap3A_96, %swap3A_97] {strides = array<i32>} : memref<128x128xf32, #tpu.memory_space<vmem>>, vector<1x16xf32>,
      %swap3A_99 = vector.shape_cast %swap3A_98 : vector<1x16xf32> to vector<16xf32>
      %swap3A_100 = vector.shape_cast %broadcast_in_dim3A_95 : vector<16xf32> to vector<1x16xf32>
      tpu.vector_store %arg5[%swap3A_96, %swap3A_97], %swap3A_100 {strides = array<i32>} : memref<128x128xf32, #tpu.memory_space<vmem>>, vector<1x16xf32>,
      %broadcast_in_dim3A_101 = arith.constant 0.000000e+00 : f32
      %broadcast_in_dim3A_102 = vector.broadcast %broadcast_in_dim3A_101 : f32 to vector<16xf32>
      %swap3A_103 = arith.index_cast %scan3A_53 : i32 to index
      %swap3A_104 = arith.constant 112 : index
      %swap3A_105 = tpu.vector_load %arg5[%swap3A_103, %swap3A_104] {strides = array<i32>} : memref<128x128xf32, #tpu.memory_space<vmem>>, vector<1x16xf32>,
      %swap3A_106 = vector.shape_cast %swap3A_105 : vector<1x16xf32> to vector<16xf32>
      %swap3A_107 = vector.shape_cast %broadcast_in_dim3A_102 : vector<16xf32> to vector<1x16xf32>
      tpu.vector_store %arg5[%swap3A_103, %swap3A_104], %swap3A_107 {strides = array<i32>} : memref<128x128xf32, #tpu.memory_space<vmem>>, vector<1x16xf32>,
    }
    %scan3A_5 = arith.constant 128 : i32
    %mul3A_6 = arith.constant 640 : i32
    %mul3A_7 = arith.muli %arg1, %mul3A_6 : i32
    %add3A_8 = arith.constant 0 : i32
    %add3A_9 = arith.addi %mul3A_7, %add3A_8 : i32
    "tpu.region"() ({
      %run_scoped3A = tpu.sem_alloc : memref<!tpu.dma_semaphore, #tpu.memory_space<semaphore_mem>>
      %dma_start3A = arith.constant 0 : i32
      %dma_start3A_53 = arith.constant 0 : i32
      %dma_start3A_54 = tpu.memref_slice %arg5[%dma_start3A, %dma_start3A_53] : memref<128x128xf32, #tpu.memory_space<vmem>> -> memref<128x128xf32, #tpu.memory_space<vmem>>
      %dma_start3A_55 = arith.constant 0 : i32
      %dma_start3A_56 = tpu.memref_slice %arg7[%add3A_9, %dma_start3A_55] : memref<10240x128xf32, #tpu.memory_space<vmem_shared>> -> memref<128x128xf32, #tpu.memory_space<vmem_shared>>
      %dma_start3A_57 = arith.constant 0 : i32
      %dma_start3A_58 = tpu.memref_slice %arg7[%add3A_9, %dma_start3A_57] : memref<10240x128xf32, #tpu.memory_space<vmem_shared>> -> memref<128x128xf32, #tpu.memory_space<vmem_shared>>
      %dma_start3A_59 = arith.constant 0 : i32
      %dma_start3A_60 = arith.constant 0 : i32
      %dma_start3A_61 = tpu.memref_slice %arg5[%dma_start3A_59, %dma_start3A_60] : memref<128x128xf32, #tpu.memory_space<vmem>> -> memref<128x128xf32, #tpu.memory_space<vmem>>
      tpu.enqueue_dma source(%dma_start3A_61 : memref<128x128xf32, #tpu.memory_space<vmem>>) target(%dma_start3A_58 : memref<128x128xf32, #tpu.memory_space<vmem_shared>>) target_semaphore(%run_scoped3A : memref<!tpu.dma_semaphore, #tpu.memory_space<semaphore_mem>>)
      %dma_wait3A = arith.constant 0 : i32
      %dma_wait3A_62 = arith.constant 0 : i32
      %dma_wait3A_63 = tpu.memref_slice %arg5[%dma_wait3A, %dma_wait3A_62] : memref<128x128xf32, #tpu.memory_space<vmem>> -> memref<128x128xf32, #tpu.memory_space<vmem>>
      %dma_wait3A_64 = arith.constant 0 : i32
      %dma_wait3A_65 = tpu.memref_slice %arg7[%add3A_9, %dma_wait3A_64] : memref<10240x128xf32, #tpu.memory_space<vmem_shared>> -> memref<128x128xf32, #tpu.memory_space<vmem_shared>>
      %dma_wait3A_66 = arith.constant 0 : i32
      %dma_wait3A_67 = tpu.memref_slice %arg7[%add3A_9, %dma_wait3A_66] : memref<10240x128xf32, #tpu.memory_space<vmem_shared>> -> memref<128x128xf32, #tpu.memory_space<vmem_shared>>
      %dma_wait3A_68 = arith.constant 0 : i32
      %dma_wait3A_69 = arith.constant 0 : i32
      %dma_wait3A_70 = tpu.memref_slice %arg5[%dma_wait3A_68, %dma_wait3A_69] : memref<128x128xf32, #tpu.memory_space<vmem>> -> memref<128x128xf32, #tpu.memory_space<vmem>>
      tpu.wait_dma2 semaphore(%run_scoped3A : memref<!tpu.dma_semaphore, #tpu.memory_space<semaphore_mem>>) src(%dma_wait3A_70 : memref<128x128xf32, #tpu.memory_space<vmem>>) dst(%dma_wait3A_67 : memref<128x128xf32, #tpu.memory_space<vmem_shared>>)
      tpu.yield
    }) : () -> ()
    %mul3A_10 = arith.constant 640 : i32
    %mul3A_11 = arith.muli %arg1, %mul3A_10 : i32
    %add3A_12 = arith.constant 128 : i32
    %add3A_13 = arith.addi %mul3A_11, %add3A_12 : i32
    "tpu.region"() ({
      %run_scoped3A = tpu.sem_alloc : memref<!tpu.dma_semaphore, #tpu.memory_space<semaphore_mem>>
      %dma_start3A = arith.constant 0 : i32
      %dma_start3A_53 = arith.constant 0 : i32
      %dma_start3A_54 = tpu.memref_slice %arg5[%dma_start3A, %dma_start3A_53] : memref<128x128xf32, #tpu.memory_space<vmem>> -> memref<128x128xf32, #tpu.memory_space<vmem>>
      %dma_start3A_55 = arith.constant 0 : i32
      %dma_start3A_56 = tpu.memref_slice %arg7[%add3A_13, %dma_start3A_55] : memref<10240x128xf32, #tpu.memory_space<vmem_shared>> -> memref<128x128xf32, #tpu.memory_space<vmem_shared>>
      %dma_start3A_57 = arith.constant 0 : i32
      %dma_start3A_58 = tpu.memref_slice %arg7[%add3A_13, %dma_start3A_57] : memref<10240x128xf32, #tpu.memory_space<vmem_shared>> -> memref<128x128xf32, #tpu.memory_space<vmem_shared>>
      %dma_start3A_59 = arith.constant 0 : i32
      %dma_start3A_60 = arith.constant 0 : i32
      %dma_start3A_61 = tpu.memref_slice %arg5[%dma_start3A_59, %dma_start3A_60] : memref<128x128xf32, #tpu.memory_space<vmem>> -> memref<128x128xf32, #tpu.memory_space<vmem>>
      tpu.enqueue_dma source(%dma_start3A_61 : memref<128x128xf32, #tpu.memory_space<vmem>>) target(%dma_start3A_58 : memref<128x128xf32, #tpu.memory_space<vmem_shared>>) target_semaphore(%run_scoped3A : memref<!tpu.dma_semaphore, #tpu.memory_space<semaphore_mem>>)
      %dma_wait3A = arith.constant 0 : i32
      %dma_wait3A_62 = arith.constant 0 : i32
      %dma_wait3A_63 = tpu.memref_slice %arg5[%dma_wait3A, %dma_wait3A_62] : memref<128x128xf32, #tpu.memory_space<vmem>> -> memref<128x128xf32, #tpu.memory_space<vmem>>
      %dma_wait3A_64 = arith.constant 0 : i32
      %dma_wait3A_65 = tpu.memref_slice %arg7[%add3A_13, %dma_wait3A_64] : memref<10240x128xf32, #tpu.memory_space<vmem_shared>> -> memref<128x128xf32, #tpu.memory_space<vmem_shared>>
      %dma_wait3A_66 = arith.constant 0 : i32
      %dma_wait3A_67 = tpu.memref_slice %arg7[%add3A_13, %dma_wait3A_66] : memref<10240x128xf32, #tpu.memory_space<vmem_shared>> -> memref<128x128xf32, #tpu.memory_space<vmem_shared>>
      %dma_wait3A_68 = arith.constant 0 : i32
      %dma_wait3A_69 = arith.constant 0 : i32
      %dma_wait3A_70 = tpu.memref_slice %arg5[%dma_wait3A_68, %dma_wait3A_69] : memref<128x128xf32, #tpu.memory_space<vmem>> -> memref<128x128xf32, #tpu.memory_space<vmem>>
      tpu.wait_dma2 semaphore(%run_scoped3A : memref<!tpu.dma_semaphore, #tpu.memory_space<semaphore_mem>>) src(%dma_wait3A_70 : memref<128x128xf32, #tpu.memory_space<vmem>>) dst(%dma_wait3A_67 : memref<128x128xf32, #tpu.memory_space<vmem_shared>>)
      tpu.yield
    }) : () -> ()
    %mul3A_14 = arith.constant 640 : i32
    %mul3A_15 = arith.muli %arg1, %mul3A_14 : i32
    %add3A_16 = arith.constant 256 : i32
    %add3A_17 = arith.addi %mul3A_15, %add3A_16 : i32
    "tpu.region"() ({
      %run_scoped3A = tpu.sem_alloc : memref<!tpu.dma_semaphore, #tpu.memory_space<semaphore_mem>>
      %dma_start3A = arith.constant 0 : i32
      %dma_start3A_53 = arith.constant 0 : i32
      %dma_start3A_54 = tpu.memref_slice %arg5[%dma_start3A, %dma_start3A_53] : memref<128x128xf32, #tpu.memory_space<vmem>> -> memref<128x128xf32, #tpu.memory_space<vmem>>
      %dma_start3A_55 = arith.constant 0 : i32
      %dma_start3A_56 = tpu.memref_slice %arg7[%add3A_17, %dma_start3A_55] : memref<10240x128xf32, #tpu.memory_space<vmem_shared>> -> memref<128x128xf32, #tpu.memory_space<vmem_shared>>
      %dma_start3A_57 = arith.constant 0 : i32
      %dma_start3A_58 = tpu.memref_slice %arg7[%add3A_17, %dma_start3A_57] : memref<10240x128xf32, #tpu.memory_space<vmem_shared>> -> memref<128x128xf32, #tpu.memory_space<vmem_shared>>
      %dma_start3A_59 = arith.constant 0 : i32
      %dma_start3A_60 = arith.constant 0 : i32
      %dma_start3A_61 = tpu.memref_slice %arg5[%dma_start3A_59, %dma_start3A_60] : memref<128x128xf32, #tpu.memory_space<vmem>> -> memref<128x128xf32, #tpu.memory_space<vmem>>
      tpu.enqueue_dma source(%dma_start3A_61 : memref<128x128xf32, #tpu.memory_space<vmem>>) target(%dma_start3A_58 : memref<128x128xf32, #tpu.memory_space<vmem_shared>>) target_semaphore(%run_scoped3A : memref<!tpu.dma_semaphore, #tpu.memory_space<semaphore_mem>>)
      %dma_wait3A = arith.constant 0 : i32
      %dma_wait3A_62 = arith.constant 0 : i32
      %dma_wait3A_63 = tpu.memref_slice %arg5[%dma_wait3A, %dma_wait3A_62] : memref<128x128xf32, #tpu.memory_space<vmem>> -> memref<128x128xf32, #tpu.memory_space<vmem>>
      %dma_wait3A_64 = arith.constant 0 : i32
      %dma_wait3A_65 = tpu.memref_slice %arg7[%add3A_17, %dma_wait3A_64] : memref<10240x128xf32, #tpu.memory_space<vmem_shared>> -> memref<128x128xf32, #tpu.memory_space<vmem_shared>>
      %dma_wait3A_66 = arith.constant 0 : i32
      %dma_wait3A_67 = tpu.memref_slice %arg7[%add3A_17, %dma_wait3A_66] : memref<10240x128xf32, #tpu.memory_space<vmem_shared>> -> memref<128x128xf32, #tpu.memory_space<vmem_shared>>
      %dma_wait3A_68 = arith.constant 0 : i32
      %dma_wait3A_69 = arith.constant 0 : i32
      %dma_wait3A_70 = tpu.memref_slice %arg5[%dma_wait3A_68, %dma_wait3A_69] : memref<128x128xf32, #tpu.memory_space<vmem>> -> memref<128x128xf32, #tpu.memory_space<vmem>>
      tpu.wait_dma2 semaphore(%run_scoped3A : memref<!tpu.dma_semaphore, #tpu.memory_space<semaphore_mem>>) src(%dma_wait3A_70 : memref<128x128xf32, #tpu.memory_space<vmem>>) dst(%dma_wait3A_67 : memref<128x128xf32, #tpu.memory_space<vmem_shared>>)
      tpu.yield
    }) : () -> ()
    %mul3A_18 = arith.constant 640 : i32
    %mul3A_19 = arith.muli %arg1, %mul3A_18 : i32
    %add3A_20 = arith.constant 384 : i32
    %add3A_21 = arith.addi %mul3A_19, %add3A_20 : i32
    "tpu.region"() ({
      %run_scoped3A = tpu.sem_alloc : memref<!tpu.dma_semaphore, #tpu.memory_space<semaphore_mem>>
      %dma_start3A = arith.constant 0 : i32
      %dma_start3A_53 = arith.constant 0 : i32
      %dma_start3A_54 = tpu.memref_slice %arg5[%dma_start3A, %dma_start3A_53] : memref<128x128xf32, #tpu.memory_space<vmem>> -> memref<128x128xf32, #tpu.memory_space<vmem>>
      %dma_start3A_55 = arith.constant 0 : i32
      %dma_start3A_56 = tpu.memref_slice %arg7[%add3A_21, %dma_start3A_55] : memref<10240x128xf32, #tpu.memory_space<vmem_shared>> -> memref<128x128xf32, #tpu.memory_space<vmem_shared>>
      %dma_start3A_57 = arith.constant 0 : i32
      %dma_start3A_58 = tpu.memref_slice %arg7[%add3A_21, %dma_start3A_57] : memref<10240x128xf32, #tpu.memory_space<vmem_shared>> -> memref<128x128xf32, #tpu.memory_space<vmem_shared>>
      %dma_start3A_59 = arith.constant 0 : i32
      %dma_start3A_60 = arith.constant 0 : i32
      %dma_start3A_61 = tpu.memref_slice %arg5[%dma_start3A_59, %dma_start3A_60] : memref<128x128xf32, #tpu.memory_space<vmem>> -> memref<128x128xf32, #tpu.memory_space<vmem>>
      tpu.enqueue_dma source(%dma_start3A_61 : memref<128x128xf32, #tpu.memory_space<vmem>>) target(%dma_start3A_58 : memref<128x128xf32, #tpu.memory_space<vmem_shared>>) target_semaphore(%run_scoped3A : memref<!tpu.dma_semaphore, #tpu.memory_space<semaphore_mem>>)
      %dma_wait3A = arith.constant 0 : i32
      %dma_wait3A_62 = arith.constant 0 : i32
      %dma_wait3A_63 = tpu.memref_slice %arg5[%dma_wait3A, %dma_wait3A_62] : memref<128x128xf32, #tpu.memory_space<vmem>> -> memref<128x128xf32, #tpu.memory_space<vmem>>
      %dma_wait3A_64 = arith.constant 0 : i32
      %dma_wait3A_65 = tpu.memref_slice %arg7[%add3A_21, %dma_wait3A_64] : memref<10240x128xf32, #tpu.memory_space<vmem_shared>> -> memref<128x128xf32, #tpu.memory_space<vmem_shared>>
      %dma_wait3A_66 = arith.constant 0 : i32
      %dma_wait3A_67 = tpu.memref_slice %arg7[%add3A_21, %dma_wait3A_66] : memref<10240x128xf32, #tpu.memory_space<vmem_shared>> -> memref<128x128xf32, #tpu.memory_space<vmem_shared>>
      %dma_wait3A_68 = arith.constant 0 : i32
      %dma_wait3A_69 = arith.constant 0 : i32
      %dma_wait3A_70 = tpu.memref_slice %arg5[%dma_wait3A_68, %dma_wait3A_69] : memref<128x128xf32, #tpu.memory_space<vmem>> -> memref<128x128xf32, #tpu.memory_space<vmem>>
      tpu.wait_dma2 semaphore(%run_scoped3A : memref<!tpu.dma_semaphore, #tpu.memory_space<semaphore_mem>>) src(%dma_wait3A_70 : memref<128x128xf32, #tpu.memory_space<vmem>>) dst(%dma_wait3A_67 : memref<128x128xf32, #tpu.memory_space<vmem_shared>>)
      tpu.yield
    }) : () -> ()
    %mul3A_22 = arith.constant 640 : i32
    %mul3A_23 = arith.muli %arg1, %mul3A_22 : i32
    %add3A_24 = arith.constant 512 : i32
    %add3A_25 = arith.addi %mul3A_23, %add3A_24 : i32
    "tpu.region"() ({
      %run_scoped3A = tpu.sem_alloc : memref<!tpu.dma_semaphore, #tpu.memory_space<semaphore_mem>>
      %dma_start3A = arith.constant 0 : i32
      %dma_start3A_53 = arith.constant 0 : i32
      %dma_start3A_54 = tpu.memref_slice %arg5[%dma_start3A, %dma_start3A_53] : memref<128x128xf32, #tpu.memory_space<vmem>> -> memref<128x128xf32, #tpu.memory_space<vmem>>
      %dma_start3A_55 = arith.constant 0 : i32
      %dma_start3A_56 = tpu.memref_slice %arg7[%add3A_25, %dma_start3A_55] : memref<10240x128xf32, #tpu.memory_space<vmem_shared>> -> memref<128x128xf32, #tpu.memory_space<vmem_shared>>
      %dma_start3A_57 = arith.constant 0 : i32
      %dma_start3A_58 = tpu.memref_slice %arg7[%add3A_25, %dma_start3A_57] : memref<10240x128xf32, #tpu.memory_space<vmem_shared>> -> memref<128x128xf32, #tpu.memory_space<vmem_shared>>
      %dma_start3A_59 = arith.constant 0 : i32
      %dma_start3A_60 = arith.constant 0 : i32
      %dma_start3A_61 = tpu.memref_slice %arg5[%dma_start3A_59, %dma_start3A_60] : memref<128x128xf32, #tpu.memory_space<vmem>> -> memref<128x128xf32, #tpu.memory_space<vmem>>
      tpu.enqueue_dma source(%dma_start3A_61 : memref<128x128xf32, #tpu.memory_space<vmem>>) target(%dma_start3A_58 : memref<128x128xf32, #tpu.memory_space<vmem_shared>>) target_semaphore(%run_scoped3A : memref<!tpu.dma_semaphore, #tpu.memory_space<semaphore_mem>>)
      %dma_wait3A = arith.constant 0 : i32
      %dma_wait3A_62 = arith.constant 0 : i32
      %dma_wait3A_63 = tpu.memref_slice %arg5[%dma_wait3A, %dma_wait3A_62] : memref<128x128xf32, #tpu.memory_space<vmem>> -> memref<128x128xf32, #tpu.memory_space<vmem>>
      %dma_wait3A_64 = arith.constant 0 : i32
      %dma_wait3A_65 = tpu.memref_slice %arg7[%add3A_25, %dma_wait3A_64] : memref<10240x128xf32, #tpu.memory_space<vmem_shared>> -> memref<128x128xf32, #tpu.memory_space<vmem_shared>>
      %dma_wait3A_66 = arith.constant 0 : i32
      %dma_wait3A_67 = tpu.memref_slice %arg7[%add3A_25, %dma_wait3A_66] : memref<10240x128xf32, #tpu.memory_space<vmem_shared>> -> memref<128x128xf32, #tpu.memory_space<vmem_shared>>
      %dma_wait3A_68 = arith.constant 0 : i32
      %dma_wait3A_69 = arith.constant 0 : i32
      %dma_wait3A_70 = tpu.memref_slice %arg5[%dma_wait3A_68, %dma_wait3A_69] : memref<128x128xf32, #tpu.memory_space<vmem>> -> memref<128x128xf32, #tpu.memory_space<vmem>>
      tpu.wait_dma2 semaphore(%run_scoped3A : memref<!tpu.dma_semaphore, #tpu.memory_space<semaphore_mem>>) src(%dma_wait3A_70 : memref<128x128xf32, #tpu.memory_space<vmem>>) dst(%dma_wait3A_67 : memref<128x128xf32, #tpu.memory_space<vmem_shared>>)
      tpu.yield
    }) : () -> ()
    %scan3A_26 = arith.constant 0 : i32
    %scan3A_27 = arith.constant 0 : i32
    %scan3A_28 = arith.constant 128 : i32
    %scan3A_29 = arith.addi %scan3A_27, %scan3A_28 : i32
    %scan3A_30 = arith.constant 1 : i32
    scf.for %scan3A_53 = %scan3A_27 to %scan3A_29 step %scan3A_30  : i32 {
      %broadcast_in_dim3A = arith.constant 1.000000e+00 : f32
      %broadcast_in_dim3A_54 = vector.broadcast %broadcast_in_dim3A : f32 to vector<16xf32>
      %swap3A = arith.index_cast %scan3A_53 : i32 to index
      %swap3A_55 = arith.constant 0 : index
      %swap3A_56 = tpu.vector_load %arg5[%swap3A, %swap3A_55] {strides = array<i32>} : memref<128x128xf32, #tpu.memory_space<vmem>>, vector<1x16xf32>,
      %swap3A_57 = vector.shape_cast %swap3A_56 : vector<1x16xf32> to vector<16xf32>
      %swap3A_58 = vector.shape_cast %broadcast_in_dim3A_54 : vector<16xf32> to vector<1x16xf32>
      tpu.vector_store %arg5[%swap3A, %swap3A_55], %swap3A_58 {strides = array<i32>} : memref<128x128xf32, #tpu.memory_space<vmem>>, vector<1x16xf32>,
      %broadcast_in_dim3A_59 = arith.constant 1.000000e+00 : f32
      %broadcast_in_dim3A_60 = vector.broadcast %broadcast_in_dim3A_59 : f32 to vector<16xf32>
      %swap3A_61 = arith.index_cast %scan3A_53 : i32 to index
      %swap3A_62 = arith.constant 16 : index
      %swap3A_63 = tpu.vector_load %arg5[%swap3A_61, %swap3A_62] {strides = array<i32>} : memref<128x128xf32, #tpu.memory_space<vmem>>, vector<1x16xf32>,
      %swap3A_64 = vector.shape_cast %swap3A_63 : vector<1x16xf32> to vector<16xf32>
      %swap3A_65 = vector.shape_cast %broadcast_in_dim3A_60 : vector<16xf32> to vector<1x16xf32>
      tpu.vector_store %arg5[%swap3A_61, %swap3A_62], %swap3A_65 {strides = array<i32>} : memref<128x128xf32, #tpu.memory_space<vmem>>, vector<1x16xf32>,
      %broadcast_in_dim3A_66 = arith.constant 1.000000e+00 : f32
      %broadcast_in_dim3A_67 = vector.broadcast %broadcast_in_dim3A_66 : f32 to vector<16xf32>
      %swap3A_68 = arith.index_cast %scan3A_53 : i32 to index
      %swap3A_69 = arith.constant 32 : index
      %swap3A_70 = tpu.vector_load %arg5[%swap3A_68, %swap3A_69] {strides = array<i32>} : memref<128x128xf32, #tpu.memory_space<vmem>>, vector<1x16xf32>,
      %swap3A_71 = vector.shape_cast %swap3A_70 : vector<1x16xf32> to vector<16xf32>
      %swap3A_72 = vector.shape_cast %broadcast_in_dim3A_67 : vector<16xf32> to vector<1x16xf32>
      tpu.vector_store %arg5[%swap3A_68, %swap3A_69], %swap3A_72 {strides = array<i32>} : memref<128x128xf32, #tpu.memory_space<vmem>>, vector<1x16xf32>,
      %broadcast_in_dim3A_73 = arith.constant 1.000000e+00 : f32
      %broadcast_in_dim3A_74 = vector.broadcast %broadcast_in_dim3A_73 : f32 to vector<16xf32>
      %swap3A_75 = arith.index_cast %scan3A_53 : i32 to index
      %swap3A_76 = arith.constant 48 : index
      %swap3A_77 = tpu.vector_load %arg5[%swap3A_75, %swap3A_76] {strides = array<i32>} : memref<128x128xf32, #tpu.memory_space<vmem>>, vector<1x16xf32>,
      %swap3A_78 = vector.shape_cast %swap3A_77 : vector<1x16xf32> to vector<16xf32>
      %swap3A_79 = vector.shape_cast %broadcast_in_dim3A_74 : vector<16xf32> to vector<1x16xf32>
      tpu.vector_store %arg5[%swap3A_75, %swap3A_76], %swap3A_79 {strides = array<i32>} : memref<128x128xf32, #tpu.memory_space<vmem>>, vector<1x16xf32>,
      %broadcast_in_dim3A_80 = arith.constant 1.000000e+00 : f32
      %broadcast_in_dim3A_81 = vector.broadcast %broadcast_in_dim3A_80 : f32 to vector<16xf32>
      %swap3A_82 = arith.index_cast %scan3A_53 : i32 to index
      %swap3A_83 = arith.constant 64 : index
      %swap3A_84 = tpu.vector_load %arg5[%swap3A_82, %swap3A_83] {strides = array<i32>} : memref<128x128xf32, #tpu.memory_space<vmem>>, vector<1x16xf32>,
      %swap3A_85 = vector.shape_cast %swap3A_84 : vector<1x16xf32> to vector<16xf32>
      %swap3A_86 = vector.shape_cast %broadcast_in_dim3A_81 : vector<16xf32> to vector<1x16xf32>
      tpu.vector_store %arg5[%swap3A_82, %swap3A_83], %swap3A_86 {strides = array<i32>} : memref<128x128xf32, #tpu.memory_space<vmem>>, vector<1x16xf32>,
      %broadcast_in_dim3A_87 = arith.constant 1.000000e+00 : f32
      %broadcast_in_dim3A_88 = vector.broadcast %broadcast_in_dim3A_87 : f32 to vector<16xf32>
      %swap3A_89 = arith.index_cast %scan3A_53 : i32 to index
      %swap3A_90 = arith.constant 80 : index
      %swap3A_91 = tpu.vector_load %arg5[%swap3A_89, %swap3A_90] {strides = array<i32>} : memref<128x128xf32, #tpu.memory_space<vmem>>, vector<1x16xf32>,
      %swap3A_92 = vector.shape_cast %swap3A_91 : vector<1x16xf32> to vector<16xf32>
      %swap3A_93 = vector.shape_cast %broadcast_in_dim3A_88 : vector<16xf32> to vector<1x16xf32>
      tpu.vector_store %arg5[%swap3A_89, %swap3A_90], %swap3A_93 {strides = array<i32>} : memref<128x128xf32, #tpu.memory_space<vmem>>, vector<1x16xf32>,
      %broadcast_in_dim3A_94 = arith.constant 1.000000e+00 : f32
      %broadcast_in_dim3A_95 = vector.broadcast %broadcast_in_dim3A_94 : f32 to vector<16xf32>
      %swap3A_96 = arith.index_cast %scan3A_53 : i32 to index
      %swap3A_97 = arith.constant 96 : index
      %swap3A_98 = tpu.vector_load %arg5[%swap3A_96, %swap3A_97] {strides = array<i32>} : memref<128x128xf32, #tpu.memory_space<vmem>>, vector<1x16xf32>,
      %swap3A_99 = vector.shape_cast %swap3A_98 : vector<1x16xf32> to vector<16xf32>
      %swap3A_100 = vector.shape_cast %broadcast_in_dim3A_95 : vector<16xf32> to vector<1x16xf32>
      tpu.vector_store %arg5[%swap3A_96, %swap3A_97], %swap3A_100 {strides = array<i32>} : memref<128x128xf32, #tpu.memory_space<vmem>>, vector<1x16xf32>,
      %broadcast_in_dim3A_101 = arith.constant 1.000000e+00 : f32
      %broadcast_in_dim3A_102 = vector.broadcast %broadcast_in_dim3A_101 : f32 to vector<16xf32>
      %swap3A_103 = arith.index_cast %scan3A_53 : i32 to index
      %swap3A_104 = arith.constant 112 : index
      %swap3A_105 = tpu.vector_load %arg5[%swap3A_103, %swap3A_104] {strides = array<i32>} : memref<128x128xf32, #tpu.memory_space<vmem>>, vector<1x16xf32>,
      %swap3A_106 = vector.shape_cast %swap3A_105 : vector<1x16xf32> to vector<16xf32>
      %swap3A_107 = vector.shape_cast %broadcast_in_dim3A_102 : vector<16xf32> to vector<1x16xf32>
      tpu.vector_store %arg5[%swap3A_103, %swap3A_104], %swap3A_107 {strides = array<i32>} : memref<128x128xf32, #tpu.memory_space<vmem>>, vector<1x16xf32>,
    }
    %scan3A_31 = arith.constant 128 : i32
    %mul3A_32 = arith.constant 80 : i32
    %mul3A_33 = arith.muli %add3A, %mul3A_32 : i32
    "tpu.region"() ({
      %run_scoped3A = tpu.sem_alloc : memref<!tpu.dma_semaphore, #tpu.memory_space<semaphore_mem>>
      %dma_start3A = arith.constant 0 : i32
      %dma_start3A_53 = tpu.memref_slice %arg2[%mul3A_33, %dma_start3A] : memref<2560x128xi32, #tpu.memory_space<hbm>> -> memref<80x128xi32, #tpu.memory_space<hbm>>
      %dma_start3A_54 = arith.constant 0 : i32
      %dma_start3A_55 = tpu.memref_slice %arg2[%mul3A_33, %dma_start3A_54] : memref<2560x128xi32, #tpu.memory_space<hbm>> -> memref<80x128xi32, #tpu.memory_space<hbm>>
      tpu.enqueue_dma source(%dma_start3A_55 : memref<80x128xi32, #tpu.memory_space<hbm>>) target(%arg4 : memref<80x128xi32, #tpu.memory_space<vmem>>) target_semaphore(%run_scoped3A : memref<!tpu.dma_semaphore, #tpu.memory_space<semaphore_mem>>)
      %dma_wait3A = arith.constant 0 : i32
      %dma_wait3A_56 = tpu.memref_slice %arg2[%mul3A_33, %dma_wait3A] : memref<2560x128xi32, #tpu.memory_space<hbm>> -> memref<80x128xi32, #tpu.memory_space<hbm>>
      %dma_wait3A_57 = arith.constant 0 : i32
      %dma_wait3A_58 = tpu.memref_slice %arg2[%mul3A_33, %dma_wait3A_57] : memref<2560x128xi32, #tpu.memory_space<hbm>> -> memref<80x128xi32, #tpu.memory_space<hbm>>
      tpu.wait_dma2 semaphore(%run_scoped3A : memref<!tpu.dma_semaphore, #tpu.memory_space<semaphore_mem>>) src(%dma_wait3A_58 : memref<80x128xi32, #tpu.memory_space<hbm>>) dst(%arg4 : memref<80x128xi32, #tpu.memory_space<vmem>>)
      tpu.yield
    }) : () -> ()
    %barrier3A = arith.constant 0 : index
    tpu.barrier barrier_id(%barrier3A)
    %scan3A_34 = arith.constant 0 : i32
    %scan3A_35 = arith.constant 0 : i32
    %scan3A_36 = arith.constant 10 : i32
    %scan3A_37 = arith.addi %scan3A_35, %scan3A_36 : i32
    %scan3A_38 = arith.constant 1 : i32
    scf.for %scan3A_53 = %scan3A_35 to %scan3A_37 step %scan3A_38  : i32 {
      %mul3A_54 = arith.constant 8 : i32
      %mul3A_55 = arith.muli %mul3A_54, %scan3A_53 : i32
      %add3A_56 = arith.constant 0 : i32
      %add3A_57 = arith.addi %mul3A_55, %add3A_56 : i32
      %dma_start3A = arith.constant 0 : i32
      %dma_start3A_58 = tpu.memref_slice %arg4[%add3A_57, %dma_start3A] : memref<80x128xi32, #tpu.memory_space<vmem>> -> memref<1x128xi32, #tpu.memory_space<vmem>>
      %dma_start3A_59 = tpu.memref_squeeze %dma_start3A_58 : memref<1x128xi32, #tpu.memory_space<vmem>> -> memref<128xi32, #tpu.memory_space<vmem>>
      %dma_start3A_60 = arith.constant 0 : i32
      %dma_start3A_61 = arith.constant 0 : i32
      %dma_start3A_62 = tpu.memref_slice %arg7[%dma_start3A_60, %dma_start3A_61] : memref<10240x128xf32, #tpu.memory_space<vmem_shared>> -> memref<10240x128xf32, #tpu.memory_space<vmem_shared>>
      tpu.enqueue_indirect_dma source(%arg5 : memref<128x128xf32, #tpu.memory_space<vmem>>) target(%dma_start3A_62 : memref<10240x128xf32, #tpu.memory_space<vmem_shared>>) offsets(%dma_start3A_59 : memref<128xi32, #tpu.memory_space<vmem>>) semaphore(%arg8 : memref<!tpu.dma_semaphore, #tpu.memory_space<semaphore_mem>>) {add = true}
      %mul3A_63 = arith.constant 8 : i32
      %mul3A_64 = arith.muli %mul3A_63, %scan3A_53 : i32
      %add3A_65 = arith.constant 1 : i32
      %add3A_66 = arith.addi %mul3A_64, %add3A_65 : i32
      %dma_start3A_67 = arith.constant 0 : i32
      %dma_start3A_68 = tpu.memref_slice %arg4[%add3A_66, %dma_start3A_67] : memref<80x128xi32, #tpu.memory_space<vmem>> -> memref<1x128xi32, #tpu.memory_space<vmem>>
      %dma_start3A_69 = tpu.memref_squeeze %dma_start3A_68 : memref<1x128xi32, #tpu.memory_space<vmem>> -> memref<128xi32, #tpu.memory_space<vmem>>
      %dma_start3A_70 = arith.constant 0 : i32
      %dma_start3A_71 = arith.constant 0 : i32
      %dma_start3A_72 = tpu.memref_slice %arg7[%dma_start3A_70, %dma_start3A_71] : memref<10240x128xf32, #tpu.memory_space<vmem_shared>> -> memref<10240x128xf32, #tpu.memory_space<vmem_shared>>
      tpu.enqueue_indirect_dma source(%arg5 : memref<128x128xf32, #tpu.memory_space<vmem>>) target(%dma_start3A_72 : memref<10240x128xf32, #tpu.memory_space<vmem_shared>>) offsets(%dma_start3A_69 : memref<128xi32, #tpu.memory_space<vmem>>) semaphore(%arg8 : memref<!tpu.dma_semaphore, #tpu.memory_space<semaphore_mem>>) {add = true}
      %mul3A_73 = arith.constant 8 : i32
      %mul3A_74 = arith.muli %mul3A_73, %scan3A_53 : i32
      %add3A_75 = arith.constant 2 : i32
      %add3A_76 = arith.addi %mul3A_74, %add3A_75 : i32
      %dma_start3A_77 = arith.constant 0 : i32
      %dma_start3A_78 = tpu.memref_slice %arg4[%add3A_76, %dma_start3A_77] : memref<80x128xi32, #tpu.memory_space<vmem>> -> memref<1x128xi32, #tpu.memory_space<vmem>>
      %dma_start3A_79 = tpu.memref_squeeze %dma_start3A_78 : memref<1x128xi32, #tpu.memory_space<vmem>> -> memref<128xi32, #tpu.memory_space<vmem>>
      %dma_start3A_80 = arith.constant 0 : i32
      %dma_start3A_81 = arith.constant 0 : i32
      %dma_start3A_82 = tpu.memref_slice %arg7[%dma_start3A_80, %dma_start3A_81] : memref<10240x128xf32, #tpu.memory_space<vmem_shared>> -> memref<10240x128xf32, #tpu.memory_space<vmem_shared>>
      tpu.enqueue_indirect_dma source(%arg5 : memref<128x128xf32, #tpu.memory_space<vmem>>) target(%dma_start3A_82 : memref<10240x128xf32, #tpu.memory_space<vmem_shared>>) offsets(%dma_start3A_79 : memref<128xi32, #tpu.memory_space<vmem>>) semaphore(%arg8 : memref<!tpu.dma_semaphore, #tpu.memory_space<semaphore_mem>>) {add = true}
      %mul3A_83 = arith.constant 8 : i32
      %mul3A_84 = arith.muli %mul3A_83, %scan3A_53 : i32
      %add3A_85 = arith.constant 3 : i32
      %add3A_86 = arith.addi %mul3A_84, %add3A_85 : i32
      %dma_start3A_87 = arith.constant 0 : i32
      %dma_start3A_88 = tpu.memref_slice %arg4[%add3A_86, %dma_start3A_87] : memref<80x128xi32, #tpu.memory_space<vmem>> -> memref<1x128xi32, #tpu.memory_space<vmem>>
      %dma_start3A_89 = tpu.memref_squeeze %dma_start3A_88 : memref<1x128xi32, #tpu.memory_space<vmem>> -> memref<128xi32, #tpu.memory_space<vmem>>
      %dma_start3A_90 = arith.constant 0 : i32
      %dma_start3A_91 = arith.constant 0 : i32
      %dma_start3A_92 = tpu.memref_slice %arg7[%dma_start3A_90, %dma_start3A_91] : memref<10240x128xf32, #tpu.memory_space<vmem_shared>> -> memref<10240x128xf32, #tpu.memory_space<vmem_shared>>
      tpu.enqueue_indirect_dma source(%arg5 : memref<128x128xf32, #tpu.memory_space<vmem>>) target(%dma_start3A_92 : memref<10240x128xf32, #tpu.memory_space<vmem_shared>>) offsets(%dma_start3A_89 : memref<128xi32, #tpu.memory_space<vmem>>) semaphore(%arg8 : memref<!tpu.dma_semaphore, #tpu.memory_space<semaphore_mem>>) {add = true}
      %mul3A_93 = arith.constant 8 : i32
      %mul3A_94 = arith.muli %mul3A_93, %scan3A_53 : i32
      %add3A_95 = arith.constant 4 : i32
      %add3A_96 = arith.addi %mul3A_94, %add3A_95 : i32
      %dma_start3A_97 = arith.constant 0 : i32
      %dma_start3A_98 = tpu.memref_slice %arg4[%add3A_96, %dma_start3A_97] : memref<80x128xi32, #tpu.memory_space<vmem>> -> memref<1x128xi32, #tpu.memory_space<vmem>>
      %dma_start3A_99 = tpu.memref_squeeze %dma_start3A_98 : memref<1x128xi32, #tpu.memory_space<vmem>> -> memref<128xi32, #tpu.memory_space<vmem>>
      %dma_start3A_100 = arith.constant 0 : i32
      %dma_start3A_101 = arith.constant 0 : i32
      %dma_start3A_102 = tpu.memref_slice %arg7[%dma_start3A_100, %dma_start3A_101] : memref<10240x128xf32, #tpu.memory_space<vmem_shared>> -> memref<10240x128xf32, #tpu.memory_space<vmem_shared>>
      tpu.enqueue_indirect_dma source(%arg5 : memref<128x128xf32, #tpu.memory_space<vmem>>) target(%dma_start3A_102 : memref<10240x128xf32, #tpu.memory_space<vmem_shared>>) offsets(%dma_start3A_99 : memref<128xi32, #tpu.memory_space<vmem>>) semaphore(%arg8 : memref<!tpu.dma_semaphore, #tpu.memory_space<semaphore_mem>>) {add = true}
      %mul3A_103 = arith.constant 8 : i32
      %mul3A_104 = arith.muli %mul3A_103, %scan3A_53 : i32
      %add3A_105 = arith.constant 5 : i32
      %add3A_106 = arith.addi %mul3A_104, %add3A_105 : i32
      %dma_start3A_107 = arith.constant 0 : i32
      %dma_start3A_108 = tpu.memref_slice %arg4[%add3A_106, %dma_start3A_107] : memref<80x128xi32, #tpu.memory_space<vmem>> -> memref<1x128xi32, #tpu.memory_space<vmem>>
      %dma_start3A_109 = tpu.memref_squeeze %dma_start3A_108 : memref<1x128xi32, #tpu.memory_space<vmem>> -> memref<128xi32, #tpu.memory_space<vmem>>
      %dma_start3A_110 = arith.constant 0 : i32
      %dma_start3A_111 = arith.constant 0 : i32
      %dma_start3A_112 = tpu.memref_slice %arg7[%dma_start3A_110, %dma_start3A_111] : memref<10240x128xf32, #tpu.memory_space<vmem_shared>> -> memref<10240x128xf32, #tpu.memory_space<vmem_shared>>
      tpu.enqueue_indirect_dma source(%arg5 : memref<128x128xf32, #tpu.memory_space<vmem>>) target(%dma_start3A_112 : memref<10240x128xf32, #tpu.memory_space<vmem_shared>>) offsets(%dma_start3A_109 : memref<128xi32, #tpu.memory_space<vmem>>) semaphore(%arg8 : memref<!tpu.dma_semaphore, #tpu.memory_space<semaphore_mem>>) {add = true}
      %mul3A_113 = arith.constant 8 : i32
      %mul3A_114 = arith.muli %mul3A_113, %scan3A_53 : i32
      %add3A_115 = arith.constant 6 : i32
      %add3A_116 = arith.addi %mul3A_114, %add3A_115 : i32
      %dma_start3A_117 = arith.constant 0 : i32
      %dma_start3A_118 = tpu.memref_slice %arg4[%add3A_116, %dma_start3A_117] : memref<80x128xi32, #tpu.memory_space<vmem>> -> memref<1x128xi32, #tpu.memory_space<vmem>>
      %dma_start3A_119 = tpu.memref_squeeze %dma_start3A_118 : memref<1x128xi32, #tpu.memory_space<vmem>> -> memref<128xi32, #tpu.memory_space<vmem>>
      %dma_start3A_120 = arith.constant 0 : i32
      %dma_start3A_121 = arith.constant 0 : i32
      %dma_start3A_122 = tpu.memref_slice %arg7[%dma_start3A_120, %dma_start3A_121] : memref<10240x128xf32, #tpu.memory_space<vmem_shared>> -> memref<10240x128xf32, #tpu.memory_space<vmem_shared>>
      tpu.enqueue_indirect_dma source(%arg5 : memref<128x128xf32, #tpu.memory_space<vmem>>) target(%dma_start3A_122 : memref<10240x128xf32, #tpu.memory_space<vmem_shared>>) offsets(%dma_start3A_119 : memref<128xi32, #tpu.memory_space<vmem>>) semaphore(%arg8 : memref<!tpu.dma_semaphore, #tpu.memory_space<semaphore_mem>>) {add = true}
      %mul3A_123 = arith.constant 8 : i32
      %mul3A_124 = arith.muli %mul3A_123, %scan3A_53 : i32
      %add3A_125 = arith.constant 7 : i32
      %add3A_126 = arith.addi %mul3A_124, %add3A_125 : i32
      %dma_start3A_127 = arith.constant 0 : i32
      %dma_start3A_128 = tpu.memref_slice %arg4[%add3A_126, %dma_start3A_127] : memref<80x128xi32, #tpu.memory_space<vmem>> -> memref<1x128xi32, #tpu.memory_space<vmem>>
      %dma_start3A_129 = tpu.memref_squeeze %dma_start3A_128 : memref<1x128xi32, #tpu.memory_space<vmem>> -> memref<128xi32, #tpu.memory_space<vmem>>
      %dma_start3A_130 = arith.constant 0 : i32
      %dma_start3A_131 = arith.constant 0 : i32
      %dma_start3A_132 = tpu.memref_slice %arg7[%dma_start3A_130, %dma_start3A_131] : memref<10240x128xf32, #tpu.memory_space<vmem_shared>> -> memref<10240x128xf32, #tpu.memory_space<vmem_shared>>
      tpu.enqueue_indirect_dma source(%arg5 : memref<128x128xf32, #tpu.memory_space<vmem>>) target(%dma_start3A_132 : memref<10240x128xf32, #tpu.memory_space<vmem_shared>>) offsets(%dma_start3A_129 : memref<128xi32, #tpu.memory_space<vmem>>) semaphore(%arg8 : memref<!tpu.dma_semaphore, #tpu.memory_space<semaphore_mem>>) {add = true}
      %mul3A_133 = arith.constant 8 : i32
      %mul3A_134 = arith.muli %mul3A_133, %scan3A_53 : i32
      %add3A_135 = arith.constant 0 : i32
      %add3A_136 = arith.addi %mul3A_134, %add3A_135 : i32
      %dma_wait3A = arith.constant 0 : i32
      %dma_wait3A_137 = tpu.memref_slice %arg4[%add3A_136, %dma_wait3A] : memref<80x128xi32, #tpu.memory_space<vmem>> -> memref<1x128xi32, #tpu.memory_space<vmem>>
      %dma_wait3A_138 = tpu.memref_squeeze %dma_wait3A_137 : memref<1x128xi32, #tpu.memory_space<vmem>> -> memref<128xi32, #tpu.memory_space<vmem>>
      %dma_wait3A_139 = arith.constant 0 : i32
      %dma_wait3A_140 = arith.constant 0 : i32
      %dma_wait3A_141 = tpu.memref_slice %arg7[%dma_wait3A_139, %dma_wait3A_140] : memref<10240x128xf32, #tpu.memory_space<vmem_shared>> -> memref<10240x128xf32, #tpu.memory_space<vmem_shared>>
      tpu.wait_indirect_dma semaphore(%arg8 : memref<!tpu.dma_semaphore, #tpu.memory_space<semaphore_mem>>) src(%arg5 : memref<128x128xf32, #tpu.memory_space<vmem>>) dst(%dma_wait3A_141 : memref<10240x128xf32, #tpu.memory_space<vmem_shared>>)
      %mul3A_142 = arith.constant 8 : i32
      %mul3A_143 = arith.muli %mul3A_142, %scan3A_53 : i32
      %add3A_144 = arith.constant 1 : i32
      %add3A_145 = arith.addi %mul3A_143, %add3A_144 : i32
      %dma_wait3A_146 = arith.constant 0 : i32
      %dma_wait3A_147 = tpu.memref_slice %arg4[%add3A_145, %dma_wait3A_146] : memref<80x128xi32, #tpu.memory_space<vmem>> -> memref<1x128xi32, #tpu.memory_space<vmem>>
      %dma_wait3A_148 = tpu.memref_squeeze %dma_wait3A_147 : memref<1x128xi32, #tpu.memory_space<vmem>> -> memref<128xi32, #tpu.memory_space<vmem>>
      %dma_wait3A_149 = arith.constant 0 : i32
      %dma_wait3A_150 = arith.constant 0 : i32
      %dma_wait3A_151 = tpu.memref_slice %arg7[%dma_wait3A_149, %dma_wait3A_150] : memref<10240x128xf32, #tpu.memory_space<vmem_shared>> -> memref<10240x128xf32, #tpu.memory_space<vmem_shared>>
      tpu.wait_indirect_dma semaphore(%arg8 : memref<!tpu.dma_semaphore, #tpu.memory_space<semaphore_mem>>) src(%arg5 : memref<128x128xf32, #tpu.memory_space<vmem>>) dst(%dma_wait3A_151 : memref<10240x128xf32, #tpu.memory_space<vmem_shared>>)
      %mul3A_152 = arith.constant 8 : i32
      %mul3A_153 = arith.muli %mul3A_152, %scan3A_53 : i32
      %add3A_154 = arith.constant 2 : i32
      %add3A_155 = arith.addi %mul3A_153, %add3A_154 : i32
      %dma_wait3A_156 = arith.constant 0 : i32
      %dma_wait3A_157 = tpu.memref_slice %arg4[%add3A_155, %dma_wait3A_156] : memref<80x128xi32, #tpu.memory_space<vmem>> -> memref<1x128xi32, #tpu.memory_space<vmem>>
      %dma_wait3A_158 = tpu.memref_squeeze %dma_wait3A_157 : memref<1x128xi32, #tpu.memory_space<vmem>> -> memref<128xi32, #tpu.memory_space<vmem>>
      %dma_wait3A_159 = arith.constant 0 : i32
      %dma_wait3A_160 = arith.constant 0 : i32
      %dma_wait3A_161 = tpu.memref_slice %arg7[%dma_wait3A_159, %dma_wait3A_160] : memref<10240x128xf32, #tpu.memory_space<vmem_shared>> -> memref<10240x128xf32, #tpu.memory_space<vmem_shared>>
      tpu.wait_indirect_dma semaphore(%arg8 : memref<!tpu.dma_semaphore, #tpu.memory_space<semaphore_mem>>) src(%arg5 : memref<128x128xf32, #tpu.memory_space<vmem>>) dst(%dma_wait3A_161 : memref<10240x128xf32, #tpu.memory_space<vmem_shared>>)
      %mul3A_162 = arith.constant 8 : i32
      %mul3A_163 = arith.muli %mul3A_162, %scan3A_53 : i32
      %add3A_164 = arith.constant 3 : i32
      %add3A_165 = arith.addi %mul3A_163, %add3A_164 : i32
      %dma_wait3A_166 = arith.constant 0 : i32
      %dma_wait3A_167 = tpu.memref_slice %arg4[%add3A_165, %dma_wait3A_166] : memref<80x128xi32, #tpu.memory_space<vmem>> -> memref<1x128xi32, #tpu.memory_space<vmem>>
      %dma_wait3A_168 = tpu.memref_squeeze %dma_wait3A_167 : memref<1x128xi32, #tpu.memory_space<vmem>> -> memref<128xi32, #tpu.memory_space<vmem>>
      %dma_wait3A_169 = arith.constant 0 : i32
      %dma_wait3A_170 = arith.constant 0 : i32
      %dma_wait3A_171 = tpu.memref_slice %arg7[%dma_wait3A_169, %dma_wait3A_170] : memref<10240x128xf32, #tpu.memory_space<vmem_shared>> -> memref<10240x128xf32, #tpu.memory_space<vmem_shared>>
      tpu.wait_indirect_dma semaphore(%arg8 : memref<!tpu.dma_semaphore, #tpu.memory_space<semaphore_mem>>) src(%arg5 : memref<128x128xf32, #tpu.memory_space<vmem>>) dst(%dma_wait3A_171 : memref<10240x128xf32, #tpu.memory_space<vmem_shared>>)
      %mul3A_172 = arith.constant 8 : i32
      %mul3A_173 = arith.muli %mul3A_172, %scan3A_53 : i32
      %add3A_174 = arith.constant 4 : i32
      %add3A_175 = arith.addi %mul3A_173, %add3A_174 : i32
      %dma_wait3A_176 = arith.constant 0 : i32
      %dma_wait3A_177 = tpu.memref_slice %arg4[%add3A_175, %dma_wait3A_176] : memref<80x128xi32, #tpu.memory_space<vmem>> -> memref<1x128xi32, #tpu.memory_space<vmem>>
      %dma_wait3A_178 = tpu.memref_squeeze %dma_wait3A_177 : memref<1x128xi32, #tpu.memory_space<vmem>> -> memref<128xi32, #tpu.memory_space<vmem>>
      %dma_wait3A_179 = arith.constant 0 : i32
      %dma_wait3A_180 = arith.constant 0 : i32
      %dma_wait3A_181 = tpu.memref_slice %arg7[%dma_wait3A_179, %dma_wait3A_180] : memref<10240x128xf32, #tpu.memory_space<vmem_shared>> -> memref<10240x128xf32, #tpu.memory_space<vmem_shared>>
      tpu.wait_indirect_dma semaphore(%arg8 : memref<!tpu.dma_semaphore, #tpu.memory_space<semaphore_mem>>) src(%arg5 : memref<128x128xf32, #tpu.memory_space<vmem>>) dst(%dma_wait3A_181 : memref<10240x128xf32, #tpu.memory_space<vmem_shared>>)
      %mul3A_182 = arith.constant 8 : i32
      %mul3A_183 = arith.muli %mul3A_182, %scan3A_53 : i32
      %add3A_184 = arith.constant 5 : i32
      %add3A_185 = arith.addi %mul3A_183, %add3A_184 : i32
      %dma_wait3A_186 = arith.constant 0 : i32
      %dma_wait3A_187 = tpu.memref_slice %arg4[%add3A_185, %dma_wait3A_186] : memref<80x128xi32, #tpu.memory_space<vmem>> -> memref<1x128xi32, #tpu.memory_space<vmem>>
      %dma_wait3A_188 = tpu.memref_squeeze %dma_wait3A_187 : memref<1x128xi32, #tpu.memory_space<vmem>> -> memref<128xi32, #tpu.memory_space<vmem>>
      %dma_wait3A_189 = arith.constant 0 : i32
      %dma_wait3A_190 = arith.constant 0 : i32
      %dma_wait3A_191 = tpu.memref_slice %arg7[%dma_wait3A_189, %dma_wait3A_190] : memref<10240x128xf32, #tpu.memory_space<vmem_shared>> -> memref<10240x128xf32, #tpu.memory_space<vmem_shared>>
      tpu.wait_indirect_dma semaphore(%arg8 : memref<!tpu.dma_semaphore, #tpu.memory_space<semaphore_mem>>) src(%arg5 : memref<128x128xf32, #tpu.memory_space<vmem>>) dst(%dma_wait3A_191 : memref<10240x128xf32, #tpu.memory_space<vmem_shared>>)
      %mul3A_192 = arith.constant 8 : i32
      %mul3A_193 = arith.muli %mul3A_192, %scan3A_53 : i32
      %add3A_194 = arith.constant 6 : i32
      %add3A_195 = arith.addi %mul3A_193, %add3A_194 : i32
      %dma_wait3A_196 = arith.constant 0 : i32
      %dma_wait3A_197 = tpu.memref_slice %arg4[%add3A_195, %dma_wait3A_196] : memref<80x128xi32, #tpu.memory_space<vmem>> -> memref<1x128xi32, #tpu.memory_space<vmem>>
      %dma_wait3A_198 = tpu.memref_squeeze %dma_wait3A_197 : memref<1x128xi32, #tpu.memory_space<vmem>> -> memref<128xi32, #tpu.memory_space<vmem>>
      %dma_wait3A_199 = arith.constant 0 : i32
      %dma_wait3A_200 = arith.constant 0 : i32
      %dma_wait3A_201 = tpu.memref_slice %arg7[%dma_wait3A_199, %dma_wait3A_200] : memref<10240x128xf32, #tpu.memory_space<vmem_shared>> -> memref<10240x128xf32, #tpu.memory_space<vmem_shared>>
      tpu.wait_indirect_dma semaphore(%arg8 : memref<!tpu.dma_semaphore, #tpu.memory_space<semaphore_mem>>) src(%arg5 : memref<128x128xf32, #tpu.memory_space<vmem>>) dst(%dma_wait3A_201 : memref<10240x128xf32, #tpu.memory_space<vmem_shared>>)
      %mul3A_202 = arith.constant 8 : i32
      %mul3A_203 = arith.muli %mul3A_202, %scan3A_53 : i32
      %add3A_204 = arith.constant 7 : i32
      %add3A_205 = arith.addi %mul3A_203, %add3A_204 : i32
      %dma_wait3A_206 = arith.constant 0 : i32
      %dma_wait3A_207 = tpu.memref_slice %arg4[%add3A_205, %dma_wait3A_206] : memref<80x128xi32, #tpu.memory_space<vmem>> -> memref<1x128xi32, #tpu.memory_space<vmem>>
      %dma_wait3A_208 = tpu.memref_squeeze %dma_wait3A_207 : memref<1x128xi32, #tpu.memory_space<vmem>> -> memref<128xi32, #tpu.memory_space<vmem>>
      %dma_wait3A_209 = arith.constant 0 : i32
      %dma_wait3A_210 = arith.constant 0 : i32
      %dma_wait3A_211 = tpu.memref_slice %arg7[%dma_wait3A_209, %dma_wait3A_210] : memref<10240x128xf32, #tpu.memory_space<vmem_shared>> -> memref<10240x128xf32, #tpu.memory_space<vmem_shared>>
      tpu.wait_indirect_dma semaphore(%arg8 : memref<!tpu.dma_semaphore, #tpu.memory_space<semaphore_mem>>) src(%arg5 : memref<128x128xf32, #tpu.memory_space<vmem>>) dst(%dma_wait3A_211 : memref<10240x128xf32, #tpu.memory_space<vmem_shared>>)
    }
    %scan3A_39 = arith.constant 10 : i32
    %barrier3A_40 = arith.constant 0 : index
    tpu.barrier barrier_id(%barrier3A_40)
    %mul3A_41 = arith.constant 640 : i32
    %mul3A_42 = arith.muli %arg1, %mul3A_41 : i32
    %add3A_43 = arith.constant 0 : i32
    %add3A_44 = arith.addi %mul3A_42, %add3A_43 : i32
    "tpu.region"() ({
      %run_scoped3A = tpu.sem_alloc : memref<!tpu.dma_semaphore, #tpu.memory_space<semaphore_mem>>
      %dma_start3A = arith.constant 0 : i32
      %dma_start3A_53 = tpu.memref_slice %arg7[%add3A_44, %dma_start3A] : memref<10240x128xf32, #tpu.memory_space<vmem_shared>> -> memref<128x128xf32, #tpu.memory_space<vmem_shared>>
      %dma_start3A_54 = arith.constant 0 : i32
      %dma_start3A_55 = tpu.memref_slice %arg7[%add3A_44, %dma_start3A_54] : memref<10240x128xf32, #tpu.memory_space<vmem_shared>> -> memref<128x128xf32, #tpu.memory_space<vmem_shared>>
      tpu.enqueue_dma source(%dma_start3A_55 : memref<128x128xf32, #tpu.memory_space<vmem_shared>>) target(%arg6 : memref<128x128xf32, #tpu.memory_space<vmem>>) target_semaphore(%run_scoped3A : memref<!tpu.dma_semaphore, #tpu.memory_space<semaphore_mem>>)
      %dma_wait3A = arith.constant 0 : i32
      %dma_wait3A_56 = tpu.memref_slice %arg7[%add3A_44, %dma_wait3A] : memref<10240x128xf32, #tpu.memory_space<vmem_shared>> -> memref<128x128xf32, #tpu.memory_space<vmem_shared>>
      %dma_wait3A_57 = arith.constant 0 : i32
      %dma_wait3A_58 = tpu.memref_slice %arg7[%add3A_44, %dma_wait3A_57] : memref<10240x128xf32, #tpu.memory_space<vmem_shared>> -> memref<128x128xf32, #tpu.memory_space<vmem_shared>>
      tpu.wait_dma2 semaphore(%run_scoped3A : memref<!tpu.dma_semaphore, #tpu.memory_space<semaphore_mem>>) src(%dma_wait3A_58 : memref<128x128xf32, #tpu.memory_space<vmem_shared>>) dst(%arg6 : memref<128x128xf32, #tpu.memory_space<vmem>>)
      tpu.yield
    }) : () -> ()
    "tpu.region"() ({
      %run_scoped3A = tpu.sem_alloc : memref<!tpu.dma_semaphore, #tpu.memory_space<semaphore_mem>>
      %dma_start3A = arith.constant 0 : i32
      %dma_start3A_53 = tpu.memref_slice %arg3[%arg0, %add3A_44, %dma_start3A] : memref<2x10240x128xf32, #tpu.memory_space<hbm>> -> memref<1x128x128xf32, #tpu.memory_space<hbm>>
      %dma_start3A_54 = tpu.memref_squeeze %dma_start3A_53 : memref<1x128x128xf32, #tpu.memory_space<hbm>> -> memref<128x128xf32, #tpu.memory_space<hbm>>
      %dma_start3A_55 = arith.constant 0 : i32
      %dma_start3A_56 = tpu.memref_slice %arg3[%arg0, %add3A_44, %dma_start3A_55] : memref<2x10240x128xf32, #tpu.memory_space<hbm>> -> memref<1x128x128xf32, #tpu.memory_space<hbm>>
      %dma_start3A_57 = tpu.memref_squeeze %dma_start3A_56 : memref<1x128x128xf32, #tpu.memory_space<hbm>> -> memref<128x128xf32, #tpu.memory_space<hbm>>
      tpu.enqueue_dma source(%arg6 : memref<128x128xf32, #tpu.memory_space<vmem>>) target(%dma_start3A_57 : memref<128x128xf32, #tpu.memory_space<hbm>>) target_semaphore(%run_scoped3A : memref<!tpu.dma_semaphore, #tpu.memory_space<semaphore_mem>>)
      %dma_wait3A = arith.constant 0 : i32
      %dma_wait3A_58 = tpu.memref_slice %arg3[%arg0, %add3A_44, %dma_wait3A] : memref<2x10240x128xf32, #tpu.memory_space<hbm>> -> memref<1x128x128xf32, #tpu.memory_space<hbm>>
      %dma_wait3A_59 = tpu.memref_squeeze %dma_wait3A_58 : memref<1x128x128xf32, #tpu.memory_space<hbm>> -> memref<128x128xf32, #tpu.memory_space<hbm>>
      %dma_wait3A_60 = arith.constant 0 : i32
      %dma_wait3A_61 = tpu.memref_slice %arg3[%arg0, %add3A_44, %dma_wait3A_60] : memref<2x10240x128xf32, #tpu.memory_space<hbm>> -> memref<1x128x128xf32, #tpu.memory_space<hbm>>
      %dma_wait3A_62 = tpu.memref_squeeze %dma_wait3A_61 : memref<1x128x128xf32, #tpu.memory_space<hbm>> -> memref<128x128xf32, #tpu.memory_space<hbm>>
      tpu.wait_dma2 semaphore(%run_scoped3A : memref<!tpu.dma_semaphore, #tpu.memory_space<semaphore_mem>>) src(%arg6 : memref<128x128xf32, #tpu.memory_space<vmem>>) dst(%dma_wait3A_62 : memref<128x128xf32, #tpu.memory_space<hbm>>)
      tpu.yield
    }) : () -> ()
    %add3A_45 = arith.constant 128 : i32
    %add3A_46 = arith.addi %mul3A_42, %add3A_45 : i32
    "tpu.region"() ({
      %run_scoped3A = tpu.sem_alloc : memref<!tpu.dma_semaphore, #tpu.memory_space<semaphore_mem>>
      %dma_start3A = arith.constant 0 : i32
      %dma_start3A_53 = tpu.memref_slice %arg7[%add3A_46, %dma_start3A] : memref<10240x128xf32, #tpu.memory_space<vmem_shared>> -> memref<128x128xf32, #tpu.memory_space<vmem_shared>>
      %dma_start3A_54 = arith.constant 0 : i32
      %dma_start3A_55 = tpu.memref_slice %arg7[%add3A_46, %dma_start3A_54] : memref<10240x128xf32, #tpu.memory_space<vmem_shared>> -> memref<128x128xf32, #tpu.memory_space<vmem_shared>>
      tpu.enqueue_dma source(%dma_start3A_55 : memref<128x128xf32, #tpu.memory_space<vmem_shared>>) target(%arg6 : memref<128x128xf32, #tpu.memory_space<vmem>>) target_semaphore(%run_scoped3A : memref<!tpu.dma_semaphore, #tpu.memory_space<semaphore_mem>>)
      %dma_wait3A = arith.constant 0 : i32
      %dma_wait3A_56 = tpu.memref_slice %arg7[%add3A_46, %dma_wait3A] : memref<10240x128xf32, #tpu.memory_space<vmem_shared>> -> memref<128x128xf32, #tpu.memory_space<vmem_shared>>
      %dma_wait3A_57 = arith.constant 0 : i32
      %dma_wait3A_58 = tpu.memref_slice %arg7[%add3A_46, %dma_wait3A_57] : memref<10240x128xf32, #tpu.memory_space<vmem_shared>> -> memref<128x128xf32, #tpu.memory_space<vmem_shared>>
      tpu.wait_dma2 semaphore(%run_scoped3A : memref<!tpu.dma_semaphore, #tpu.memory_space<semaphore_mem>>) src(%dma_wait3A_58 : memref<128x128xf32, #tpu.memory_space<vmem_shared>>) dst(%arg6 : memref<128x128xf32, #tpu.memory_space<vmem>>)
      tpu.yield
    }) : () -> ()
    "tpu.region"() ({
      %run_scoped3A = tpu.sem_alloc : memref<!tpu.dma_semaphore, #tpu.memory_space<semaphore_mem>>
      %dma_start3A = arith.constant 0 : i32
      %dma_start3A_53 = tpu.memref_slice %arg3[%arg0, %add3A_46, %dma_start3A] : memref<2x10240x128xf32, #tpu.memory_space<hbm>> -> memref<1x128x128xf32, #tpu.memory_space<hbm>>
      %dma_start3A_54 = tpu.memref_squeeze %dma_start3A_53 : memref<1x128x128xf32, #tpu.memory_space<hbm>> -> memref<128x128xf32, #tpu.memory_space<hbm>>
      %dma_start3A_55 = arith.constant 0 : i32
      %dma_start3A_56 = tpu.memref_slice %arg3[%arg0, %add3A_46, %dma_start3A_55] : memref<2x10240x128xf32, #tpu.memory_space<hbm>> -> memref<1x128x128xf32, #tpu.memory_space<hbm>>
      %dma_start3A_57 = tpu.memref_squeeze %dma_start3A_56 : memref<1x128x128xf32, #tpu.memory_space<hbm>> -> memref<128x128xf32, #tpu.memory_space<hbm>>
      tpu.enqueue_dma source(%arg6 : memref<128x128xf32, #tpu.memory_space<vmem>>) target(%dma_start3A_57 : memref<128x128xf32, #tpu.memory_space<hbm>>) target_semaphore(%run_scoped3A : memref<!tpu.dma_semaphore, #tpu.memory_space<semaphore_mem>>)
      %dma_wait3A = arith.constant 0 : i32
      %dma_wait3A_58 = tpu.memref_slice %arg3[%arg0, %add3A_46, %dma_wait3A] : memref<2x10240x128xf32, #tpu.memory_space<hbm>> -> memref<1x128x128xf32, #tpu.memory_space<hbm>>
      %dma_wait3A_59 = tpu.memref_squeeze %dma_wait3A_58 : memref<1x128x128xf32, #tpu.memory_space<hbm>> -> memref<128x128xf32, #tpu.memory_space<hbm>>
      %dma_wait3A_60 = arith.constant 0 : i32
      %dma_wait3A_61 = tpu.memref_slice %arg3[%arg0, %add3A_46, %dma_wait3A_60] : memref<2x10240x128xf32, #tpu.memory_space<hbm>> -> memref<1x128x128xf32, #tpu.memory_space<hbm>>
      %dma_wait3A_62 = tpu.memref_squeeze %dma_wait3A_61 : memref<1x128x128xf32, #tpu.memory_space<hbm>> -> memref<128x128xf32, #tpu.memory_space<hbm>>
      tpu.wait_dma2 semaphore(%run_scoped3A : memref<!tpu.dma_semaphore, #tpu.memory_space<semaphore_mem>>) src(%arg6 : memref<128x128xf32, #tpu.memory_space<vmem>>) dst(%dma_wait3A_62 : memref<128x128xf32, #tpu.memory_space<hbm>>)
      tpu.yield
    }) : () -> ()
    %add3A_47 = arith.constant 256 : i32
    %add3A_48 = arith.addi %mul3A_42, %add3A_47 : i32
    "tpu.region"() ({
      %run_scoped3A = tpu.sem_alloc : memref<!tpu.dma_semaphore, #tpu.memory_space<semaphore_mem>>
      %dma_start3A = arith.constant 0 : i32
      %dma_start3A_53 = tpu.memref_slice %arg7[%add3A_48, %dma_start3A] : memref<10240x128xf32, #tpu.memory_space<vmem_shared>> -> memref<128x128xf32, #tpu.memory_space<vmem_shared>>
      %dma_start3A_54 = arith.constant 0 : i32
      %dma_start3A_55 = tpu.memref_slice %arg7[%add3A_48, %dma_start3A_54] : memref<10240x128xf32, #tpu.memory_space<vmem_shared>> -> memref<128x128xf32, #tpu.memory_space<vmem_shared>>
      tpu.enqueue_dma source(%dma_start3A_55 : memref<128x128xf32, #tpu.memory_space<vmem_shared>>) target(%arg6 : memref<128x128xf32, #tpu.memory_space<vmem>>) target_semaphore(%run_scoped3A : memref<!tpu.dma_semaphore, #tpu.memory_space<semaphore_mem>>)
      %dma_wait3A = arith.constant 0 : i32
      %dma_wait3A_56 = tpu.memref_slice %arg7[%add3A_48, %dma_wait3A] : memref<10240x128xf32, #tpu.memory_space<vmem_shared>> -> memref<128x128xf32, #tpu.memory_space<vmem_shared>>
      %dma_wait3A_57 = arith.constant 0 : i32
      %dma_wait3A_58 = tpu.memref_slice %arg7[%add3A_48, %dma_wait3A_57] : memref<10240x128xf32, #tpu.memory_space<vmem_shared>> -> memref<128x128xf32, #tpu.memory_space<vmem_shared>>
      tpu.wait_dma2 semaphore(%run_scoped3A : memref<!tpu.dma_semaphore, #tpu.memory_space<semaphore_mem>>) src(%dma_wait3A_58 : memref<128x128xf32, #tpu.memory_space<vmem_shared>>) dst(%arg6 : memref<128x128xf32, #tpu.memory_space<vmem>>)
      tpu.yield
    }) : () -> ()
    "tpu.region"() ({
      %run_scoped3A = tpu.sem_alloc : memref<!tpu.dma_semaphore, #tpu.memory_space<semaphore_mem>>
      %dma_start3A = arith.constant 0 : i32
      %dma_start3A_53 = tpu.memref_slice %arg3[%arg0, %add3A_48, %dma_start3A] : memref<2x10240x128xf32, #tpu.memory_space<hbm>> -> memref<1x128x128xf32, #tpu.memory_space<hbm>>
      %dma_start3A_54 = tpu.memref_squeeze %dma_start3A_53 : memref<1x128x128xf32, #tpu.memory_space<hbm>> -> memref<128x128xf32, #tpu.memory_space<hbm>>
      %dma_start3A_55 = arith.constant 0 : i32
      %dma_start3A_56 = tpu.memref_slice %arg3[%arg0, %add3A_48, %dma_start3A_55] : memref<2x10240x128xf32, #tpu.memory_space<hbm>> -> memref<1x128x128xf32, #tpu.memory_space<hbm>>
      %dma_start3A_57 = tpu.memref_squeeze %dma_start3A_56 : memref<1x128x128xf32, #tpu.memory_space<hbm>> -> memref<128x128xf32, #tpu.memory_space<hbm>>
      tpu.enqueue_dma source(%arg6 : memref<128x128xf32, #tpu.memory_space<vmem>>) target(%dma_start3A_57 : memref<128x128xf32, #tpu.memory_space<hbm>>) target_semaphore(%run_scoped3A : memref<!tpu.dma_semaphore, #tpu.memory_space<semaphore_mem>>)
      %dma_wait3A = arith.constant 0 : i32
      %dma_wait3A_58 = tpu.memref_slice %arg3[%arg0, %add3A_48, %dma_wait3A] : memref<2x10240x128xf32, #tpu.memory_space<hbm>> -> memref<1x128x128xf32, #tpu.memory_space<hbm>>
      %dma_wait3A_59 = tpu.memref_squeeze %dma_wait3A_58 : memref<1x128x128xf32, #tpu.memory_space<hbm>> -> memref<128x128xf32, #tpu.memory_space<hbm>>
      %dma_wait3A_60 = arith.constant 0 : i32
      %dma_wait3A_61 = tpu.memref_slice %arg3[%arg0, %add3A_48, %dma_wait3A_60] : memref<2x10240x128xf32, #tpu.memory_space<hbm>> -> memref<1x128x128xf32, #tpu.memory_space<hbm>>
      %dma_wait3A_62 = tpu.memref_squeeze %dma_wait3A_61 : memref<1x128x128xf32, #tpu.memory_space<hbm>> -> memref<128x128xf32, #tpu.memory_space<hbm>>
      tpu.wait_dma2 semaphore(%run_scoped3A : memref<!tpu.dma_semaphore, #tpu.memory_space<semaphore_mem>>) src(%arg6 : memref<128x128xf32, #tpu.memory_space<vmem>>) dst(%dma_wait3A_62 : memref<128x128xf32, #tpu.memory_space<hbm>>)
      tpu.yield
    }) : () -> ()
    %add3A_49 = arith.constant 384 : i32
    %add3A_50 = arith.addi %mul3A_42, %add3A_49 : i32
    "tpu.region"() ({
      %run_scoped3A = tpu.sem_alloc : memref<!tpu.dma_semaphore, #tpu.memory_space<semaphore_mem>>
      %dma_start3A = arith.constant 0 : i32
      %dma_start3A_53 = tpu.memref_slice %arg7[%add3A_50, %dma_start3A] : memref<10240x128xf32, #tpu.memory_space<vmem_shared>> -> memref<128x128xf32, #tpu.memory_space<vmem_shared>>
      %dma_start3A_54 = arith.constant 0 : i32
      %dma_start3A_55 = tpu.memref_slice %arg7[%add3A_50, %dma_start3A_54] : memref<10240x128xf32, #tpu.memory_space<vmem_shared>> -> memref<128x128xf32, #tpu.memory_space<vmem_shared>>
      tpu.enqueue_dma source(%dma_start3A_55 : memref<128x128xf32, #tpu.memory_space<vmem_shared>>) target(%arg6 : memref<128x128xf32, #tpu.memory_space<vmem>>) target_semaphore(%run_scoped3A : memref<!tpu.dma_semaphore, #tpu.memory_space<semaphore_mem>>)
      %dma_wait3A = arith.constant 0 : i32
      %dma_wait3A_56 = tpu.memref_slice %arg7[%add3A_50, %dma_wait3A] : memref<10240x128xf32, #tpu.memory_space<vmem_shared>> -> memref<128x128xf32, #tpu.memory_space<vmem_shared>>
      %dma_wait3A_57 = arith.constant 0 : i32
      %dma_wait3A_58 = tpu.memref_slice %arg7[%add3A_50, %dma_wait3A_57] : memref<10240x128xf32, #tpu.memory_space<vmem_shared>> -> memref<128x128xf32, #tpu.memory_space<vmem_shared>>
      tpu.wait_dma2 semaphore(%run_scoped3A : memref<!tpu.dma_semaphore, #tpu.memory_space<semaphore_mem>>) src(%dma_wait3A_58 : memref<128x128xf32, #tpu.memory_space<vmem_shared>>) dst(%arg6 : memref<128x128xf32, #tpu.memory_space<vmem>>)
      tpu.yield
    }) : () -> ()
    "tpu.region"() ({
      %run_scoped3A = tpu.sem_alloc : memref<!tpu.dma_semaphore, #tpu.memory_space<semaphore_mem>>
      %dma_start3A = arith.constant 0 : i32
      %dma_start3A_53 = tpu.memref_slice %arg3[%arg0, %add3A_50, %dma_start3A] : memref<2x10240x128xf32, #tpu.memory_space<hbm>> -> memref<1x128x128xf32, #tpu.memory_space<hbm>>
      %dma_start3A_54 = tpu.memref_squeeze %dma_start3A_53 : memref<1x128x128xf32, #tpu.memory_space<hbm>> -> memref<128x128xf32, #tpu.memory_space<hbm>>
      %dma_start3A_55 = arith.constant 0 : i32
      %dma_start3A_56 = tpu.memref_slice %arg3[%arg0, %add3A_50, %dma_start3A_55] : memref<2x10240x128xf32, #tpu.memory_space<hbm>> -> memref<1x128x128xf32, #tpu.memory_space<hbm>>
      %dma_start3A_57 = tpu.memref_squeeze %dma_start3A_56 : memref<1x128x128xf32, #tpu.memory_space<hbm>> -> memref<128x128xf32, #tpu.memory_space<hbm>>
      tpu.enqueue_dma source(%arg6 : memref<128x128xf32, #tpu.memory_space<vmem>>) target(%dma_start3A_57 : memref<128x128xf32, #tpu.memory_space<hbm>>) target_semaphore(%run_scoped3A : memref<!tpu.dma_semaphore, #tpu.memory_space<semaphore_mem>>)
      %dma_wait3A = arith.constant 0 : i32
      %dma_wait3A_58 = tpu.memref_slice %arg3[%arg0, %add3A_50, %dma_wait3A] : memref<2x10240x128xf32, #tpu.memory_space<hbm>> -> memref<1x128x128xf32, #tpu.memory_space<hbm>>
      %dma_wait3A_59 = tpu.memref_squeeze %dma_wait3A_58 : memref<1x128x128xf32, #tpu.memory_space<hbm>> -> memref<128x128xf32, #tpu.memory_space<hbm>>
      %dma_wait3A_60 = arith.constant 0 : i32
      %dma_wait3A_61 = tpu.memref_slice %arg3[%arg0, %add3A_50, %dma_wait3A_60] : memref<2x10240x128xf32, #tpu.memory_space<hbm>> -> memref<1x128x128xf32, #tpu.memory_space<hbm>>
      %dma_wait3A_62 = tpu.memref_squeeze %dma_wait3A_61 : memref<1x128x128xf32, #tpu.memory_space<hbm>> -> memref<128x128xf32, #tpu.memory_space<hbm>>
      tpu.wait_dma2 semaphore(%run_scoped3A : memref<!tpu.dma_semaphore, #tpu.memory_space<semaphore_mem>>) src(%arg6 : memref<128x128xf32, #tpu.memory_space<vmem>>) dst(%dma_wait3A_62 : memref<128x128xf32, #tpu.memory_space<hbm>>)
      tpu.yield
    }) : () -> ()
    %add3A_51 = arith.constant 512 : i32
    %add3A_52 = arith.addi %mul3A_42, %add3A_51 : i32
    "tpu.region"() ({
      %run_scoped3A = tpu.sem_alloc : memref<!tpu.dma_semaphore, #tpu.memory_space<semaphore_mem>>
      %dma_start3A = arith.constant 0 : i32
      %dma_start3A_53 = tpu.memref_slice %arg7[%add3A_52, %dma_start3A] : memref<10240x128xf32, #tpu.memory_space<vmem_shared>> -> memref<128x128xf32, #tpu.memory_space<vmem_shared>>
      %dma_start3A_54 = arith.constant 0 : i32
      %dma_start3A_55 = tpu.memref_slice %arg7[%add3A_52, %dma_start3A_54] : memref<10240x128xf32, #tpu.memory_space<vmem_shared>> -> memref<128x128xf32, #tpu.memory_space<vmem_shared>>
      tpu.enqueue_dma source(%dma_start3A_55 : memref<128x128xf32, #tpu.memory_space<vmem_shared>>) target(%arg6 : memref<128x128xf32, #tpu.memory_space<vmem>>) target_semaphore(%run_scoped3A : memref<!tpu.dma_semaphore, #tpu.memory_space<semaphore_mem>>)
      %dma_wait3A = arith.constant 0 : i32
      %dma_wait3A_56 = tpu.memref_slice %arg7[%add3A_52, %dma_wait3A] : memref<10240x128xf32, #tpu.memory_space<vmem_shared>> -> memref<128x128xf32, #tpu.memory_space<vmem_shared>>
      %dma_wait3A_57 = arith.constant 0 : i32
      %dma_wait3A_58 = tpu.memref_slice %arg7[%add3A_52, %dma_wait3A_57] : memref<10240x128xf32, #tpu.memory_space<vmem_shared>> -> memref<128x128xf32, #tpu.memory_space<vmem_shared>>
      tpu.wait_dma2 semaphore(%run_scoped3A : memref<!tpu.dma_semaphore, #tpu.memory_space<semaphore_mem>>) src(%dma_wait3A_58 : memref<128x128xf32, #tpu.memory_space<vmem_shared>>) dst(%arg6 : memref<128x128xf32, #tpu.memory_space<vmem>>)
      tpu.yield
    }) : () -> ()
    "tpu.region"() ({
      %run_scoped3A = tpu.sem_alloc : memref<!tpu.dma_semaphore, #tpu.memory_space<semaphore_mem>>
      %dma_start3A = arith.constant 0 : i32
      %dma_start3A_53 = tpu.memref_slice %arg3[%arg0, %add3A_52, %dma_start3A] : memref<2x10240x128xf32, #tpu.memory_space<hbm>> -> memref<1x128x128xf32, #tpu.memory_space<hbm>>
      %dma_start3A_54 = tpu.memref_squeeze %dma_start3A_53 : memref<1x128x128xf32, #tpu.memory_space<hbm>> -> memref<128x128xf32, #tpu.memory_space<hbm>>
      %dma_start3A_55 = arith.constant 0 : i32
      %dma_start3A_56 = tpu.memref_slice %arg3[%arg0, %add3A_52, %dma_start3A_55] : memref<2x10240x128xf32, #tpu.memory_space<hbm>> -> memref<1x128x128xf32, #tpu.memory_space<hbm>>
      %dma_start3A_57 = tpu.memref_squeeze %dma_start3A_56 : memref<1x128x128xf32, #tpu.memory_space<hbm>> -> memref<128x128xf32, #tpu.memory_space<hbm>>
      tpu.enqueue_dma source(%arg6 : memref<128x128xf32, #tpu.memory_space<vmem>>) target(%dma_start3A_57 : memref<128x128xf32, #tpu.memory_space<hbm>>) target_semaphore(%run_scoped3A : memref<!tpu.dma_semaphore, #tpu.memory_space<semaphore_mem>>)
      %dma_wait3A = arith.constant 0 : i32
      %dma_wait3A_58 = tpu.memref_slice %arg3[%arg0, %add3A_52, %dma_wait3A] : memref<2x10240x128xf32, #tpu.memory_space<hbm>> -> memref<1x128x128xf32, #tpu.memory_space<hbm>>
      %dma_wait3A_59 = tpu.memref_squeeze %dma_wait3A_58 : memref<1x128x128xf32, #tpu.memory_space<hbm>> -> memref<128x128xf32, #tpu.memory_space<hbm>>
      %dma_wait3A_60 = arith.constant 0 : i32
      %dma_wait3A_61 = tpu.memref_slice %arg3[%arg0, %add3A_52, %dma_wait3A_60] : memref<2x10240x128xf32, #tpu.memory_space<hbm>> -> memref<1x128x128xf32, #tpu.memory_space<hbm>>
      %dma_wait3A_62 = tpu.memref_squeeze %dma_wait3A_61 : memref<1x128x128xf32, #tpu.memory_space<hbm>> -> memref<128x128xf32, #tpu.memory_space<hbm>>
      tpu.wait_dma2 semaphore(%run_scoped3A : memref<!tpu.dma_semaphore, #tpu.memory_space<semaphore_mem>>) src(%arg6 : memref<128x128xf32, #tpu.memory_space<vmem>>) dst(%dma_wait3A_62 : memref<128x128xf32, #tpu.memory_space<hbm>>)
      tpu.yield
    }) : () -> ()
    return
  }
}

#map = affine_map<(d0, d1) -> (0, 0)>
#map1 = affine_map<(d0, d1) -> (0)>
#map2 = affine_map<(d0, d1) -> (0, 0, 0)>
module attributes {stable_mosaic.version = 14 : i64} {
  func.func @_sc_body(%arg0: i32, %arg1: i32, %arg2: memref<170000x128xf32, #tpu.memory_space<hbm>>, %arg3: memref<327680xi32, #tpu.memory_space<hbm>>, %arg4: memref<327680xi32, #tpu.memory_space<hbm>>, %arg5: memref<327680xi32, #tpu.memory_space<hbm>>, %arg6: memref<2x10240x128xf32, #tpu.memory_space<hbm>>, %arg7: memref<128xi32, #tpu.memory_space<vmem>>, %arg8: memref<128xi32, #tpu.memory_space<vmem>>, %arg9: memref<128xi32, #tpu.memory_space<vmem>>, %arg10: memref<128xi32, #tpu.memory_space<vmem>>, %arg11: memref<128xi32, #tpu.memory_space<vmem>>, %arg12: memref<128xi32, #tpu.memory_space<vmem>>, %arg13: memref<128xi32, #tpu.memory_space<vmem>>, %arg14: memref<128xi32, #tpu.memory_space<vmem>>, %arg15: memref<128x128xf32, #tpu.memory_space<vmem>>, %arg16: memref<128x128xf32, #tpu.memory_space<vmem>>, %arg17: memref<10240x128xf32, #tpu.memory_space<vmem_shared>>, %arg18: memref<!tpu.dma_semaphore, #tpu.memory_space<semaphore_mem>>, %arg19: memref<!tpu.dma_semaphore, #tpu.memory_space<semaphore_mem>>, %arg20: memref<!tpu.dma_semaphore, #tpu.memory_space<semaphore_mem>>, %arg21: memref<!tpu.dma_semaphore, #tpu.memory_space<semaphore_mem>>) attributes {dimension_semantics = [#tpu.dimension_semantics<core_parallel>, #tpu.dimension_semantics<subcore_parallel>], iteration_bounds = array<i64: 2, 16>, scalar_prefetch = 0 : i64, scratch_operands = 15 : i64, tpu.core_type = #tpu.core_type<sc_vector_subcore>, window_params = [{transform_indices = #map}, {transform_indices = #map1}, {transform_indices = #map1}, {transform_indices = #map1}, {transform_indices = #map2}]} {
    %mul3A = arith.constant 2 : i32
    %mul3A_0 = arith.muli %arg1, %mul3A : i32
    %add3A = arith.addi %mul3A_0, %arg0 : i32
    %scan3A = arith.constant 0 : i32
    %scan3A_1 = arith.constant 0 : i32
    %scan3A_2 = arith.constant 128 : i32
    %scan3A_3 = arith.addi %scan3A_1, %scan3A_2 : i32
    %scan3A_4 = arith.constant 1 : i32
    scf.for %scan3A_68 = %scan3A_1 to %scan3A_3 step %scan3A_4  : i32 {
      %broadcast_in_dim3A = arith.constant 0.000000e+00 : f32
      %broadcast_in_dim3A_69 = vector.broadcast %broadcast_in_dim3A : f32 to vector<16xf32>
      %swap3A = arith.index_cast %scan3A_68 : i32 to index
      %swap3A_70 = arith.constant 0 : index
      %swap3A_71 = tpu.vector_load %arg15[%swap3A, %swap3A_70] {strides = array<i32>} : memref<128x128xf32, #tpu.memory_space<vmem>>, vector<1x16xf32>,
      %swap3A_72 = vector.shape_cast %swap3A_71 : vector<1x16xf32> to vector<16xf32>
      %swap3A_73 = vector.shape_cast %broadcast_in_dim3A_69 : vector<16xf32> to vector<1x16xf32>
      tpu.vector_store %arg15[%swap3A, %swap3A_70], %swap3A_73 {strides = array<i32>} : memref<128x128xf32, #tpu.memory_space<vmem>>, vector<1x16xf32>,
      %broadcast_in_dim3A_74 = arith.constant 0.000000e+00 : f32
      %broadcast_in_dim3A_75 = vector.broadcast %broadcast_in_dim3A_74 : f32 to vector<16xf32>
      %swap3A_76 = arith.index_cast %scan3A_68 : i32 to index
      %swap3A_77 = arith.constant 16 : index
      %swap3A_78 = tpu.vector_load %arg15[%swap3A_76, %swap3A_77] {strides = array<i32>} : memref<128x128xf32, #tpu.memory_space<vmem>>, vector<1x16xf32>,
      %swap3A_79 = vector.shape_cast %swap3A_78 : vector<1x16xf32> to vector<16xf32>
      %swap3A_80 = vector.shape_cast %broadcast_in_dim3A_75 : vector<16xf32> to vector<1x16xf32>
      tpu.vector_store %arg15[%swap3A_76, %swap3A_77], %swap3A_80 {strides = array<i32>} : memref<128x128xf32, #tpu.memory_space<vmem>>, vector<1x16xf32>,
      %broadcast_in_dim3A_81 = arith.constant 0.000000e+00 : f32
      %broadcast_in_dim3A_82 = vector.broadcast %broadcast_in_dim3A_81 : f32 to vector<16xf32>
      %swap3A_83 = arith.index_cast %scan3A_68 : i32 to index
      %swap3A_84 = arith.constant 32 : index
      %swap3A_85 = tpu.vector_load %arg15[%swap3A_83, %swap3A_84] {strides = array<i32>} : memref<128x128xf32, #tpu.memory_space<vmem>>, vector<1x16xf32>,
      %swap3A_86 = vector.shape_cast %swap3A_85 : vector<1x16xf32> to vector<16xf32>
      %swap3A_87 = vector.shape_cast %broadcast_in_dim3A_82 : vector<16xf32> to vector<1x16xf32>
      tpu.vector_store %arg15[%swap3A_83, %swap3A_84], %swap3A_87 {strides = array<i32>} : memref<128x128xf32, #tpu.memory_space<vmem>>, vector<1x16xf32>,
      %broadcast_in_dim3A_88 = arith.constant 0.000000e+00 : f32
      %broadcast_in_dim3A_89 = vector.broadcast %broadcast_in_dim3A_88 : f32 to vector<16xf32>
      %swap3A_90 = arith.index_cast %scan3A_68 : i32 to index
      %swap3A_91 = arith.constant 48 : index
      %swap3A_92 = tpu.vector_load %arg15[%swap3A_90, %swap3A_91] {strides = array<i32>} : memref<128x128xf32, #tpu.memory_space<vmem>>, vector<1x16xf32>,
      %swap3A_93 = vector.shape_cast %swap3A_92 : vector<1x16xf32> to vector<16xf32>
      %swap3A_94 = vector.shape_cast %broadcast_in_dim3A_89 : vector<16xf32> to vector<1x16xf32>
      tpu.vector_store %arg15[%swap3A_90, %swap3A_91], %swap3A_94 {strides = array<i32>} : memref<128x128xf32, #tpu.memory_space<vmem>>, vector<1x16xf32>,
      %broadcast_in_dim3A_95 = arith.constant 0.000000e+00 : f32
      %broadcast_in_dim3A_96 = vector.broadcast %broadcast_in_dim3A_95 : f32 to vector<16xf32>
      %swap3A_97 = arith.index_cast %scan3A_68 : i32 to index
      %swap3A_98 = arith.constant 64 : index
      %swap3A_99 = tpu.vector_load %arg15[%swap3A_97, %swap3A_98] {strides = array<i32>} : memref<128x128xf32, #tpu.memory_space<vmem>>, vector<1x16xf32>,
      %swap3A_100 = vector.shape_cast %swap3A_99 : vector<1x16xf32> to vector<16xf32>
      %swap3A_101 = vector.shape_cast %broadcast_in_dim3A_96 : vector<16xf32> to vector<1x16xf32>
      tpu.vector_store %arg15[%swap3A_97, %swap3A_98], %swap3A_101 {strides = array<i32>} : memref<128x128xf32, #tpu.memory_space<vmem>>, vector<1x16xf32>,
      %broadcast_in_dim3A_102 = arith.constant 0.000000e+00 : f32
      %broadcast_in_dim3A_103 = vector.broadcast %broadcast_in_dim3A_102 : f32 to vector<16xf32>
      %swap3A_104 = arith.index_cast %scan3A_68 : i32 to index
      %swap3A_105 = arith.constant 80 : index
      %swap3A_106 = tpu.vector_load %arg15[%swap3A_104, %swap3A_105] {strides = array<i32>} : memref<128x128xf32, #tpu.memory_space<vmem>>, vector<1x16xf32>,
      %swap3A_107 = vector.shape_cast %swap3A_106 : vector<1x16xf32> to vector<16xf32>
      %swap3A_108 = vector.shape_cast %broadcast_in_dim3A_103 : vector<16xf32> to vector<1x16xf32>
      tpu.vector_store %arg15[%swap3A_104, %swap3A_105], %swap3A_108 {strides = array<i32>} : memref<128x128xf32, #tpu.memory_space<vmem>>, vector<1x16xf32>,
      %broadcast_in_dim3A_109 = arith.constant 0.000000e+00 : f32
      %broadcast_in_dim3A_110 = vector.broadcast %broadcast_in_dim3A_109 : f32 to vector<16xf32>
      %swap3A_111 = arith.index_cast %scan3A_68 : i32 to index
      %swap3A_112 = arith.constant 96 : index
      %swap3A_113 = tpu.vector_load %arg15[%swap3A_111, %swap3A_112] {strides = array<i32>} : memref<128x128xf32, #tpu.memory_space<vmem>>, vector<1x16xf32>,
      %swap3A_114 = vector.shape_cast %swap3A_113 : vector<1x16xf32> to vector<16xf32>
      %swap3A_115 = vector.shape_cast %broadcast_in_dim3A_110 : vector<16xf32> to vector<1x16xf32>
      tpu.vector_store %arg15[%swap3A_111, %swap3A_112], %swap3A_115 {strides = array<i32>} : memref<128x128xf32, #tpu.memory_space<vmem>>, vector<1x16xf32>,
      %broadcast_in_dim3A_116 = arith.constant 0.000000e+00 : f32
      %broadcast_in_dim3A_117 = vector.broadcast %broadcast_in_dim3A_116 : f32 to vector<16xf32>
      %swap3A_118 = arith.index_cast %scan3A_68 : i32 to index
      %swap3A_119 = arith.constant 112 : index
      %swap3A_120 = tpu.vector_load %arg15[%swap3A_118, %swap3A_119] {strides = array<i32>} : memref<128x128xf32, #tpu.memory_space<vmem>>, vector<1x16xf32>,
      %swap3A_121 = vector.shape_cast %swap3A_120 : vector<1x16xf32> to vector<16xf32>
      %swap3A_122 = vector.shape_cast %broadcast_in_dim3A_117 : vector<16xf32> to vector<1x16xf32>
      tpu.vector_store %arg15[%swap3A_118, %swap3A_119], %swap3A_122 {strides = array<i32>} : memref<128x128xf32, #tpu.memory_space<vmem>>, vector<1x16xf32>,
    }
    %scan3A_5 = arith.constant 128 : i32
    %mul3A_6 = arith.constant 640 : i32
    %mul3A_7 = arith.muli %arg1, %mul3A_6 : i32
    %add3A_8 = arith.constant 0 : i32
    %add3A_9 = arith.addi %mul3A_7, %add3A_8 : i32
    "tpu.region"() ({
      %run_scoped3A = tpu.sem_alloc : memref<!tpu.dma_semaphore, #tpu.memory_space<semaphore_mem>>
      %dma_start3A = arith.constant 0 : i32
      %dma_start3A_68 = arith.constant 0 : i32
      %dma_start3A_69 = tpu.memref_slice %arg15[%dma_start3A, %dma_start3A_68] : memref<128x128xf32, #tpu.memory_space<vmem>> -> memref<128x128xf32, #tpu.memory_space<vmem>>
      %dma_start3A_70 = arith.constant 0 : i32
      %dma_start3A_71 = tpu.memref_slice %arg17[%add3A_9, %dma_start3A_70] : memref<10240x128xf32, #tpu.memory_space<vmem_shared>> -> memref<128x128xf32, #tpu.memory_space<vmem_shared>>
      %dma_start3A_72 = arith.constant 0 : i32
      %dma_start3A_73 = tpu.memref_slice %arg17[%add3A_9, %dma_start3A_72] : memref<10240x128xf32, #tpu.memory_space<vmem_shared>> -> memref<128x128xf32, #tpu.memory_space<vmem_shared>>
      %dma_start3A_74 = arith.constant 0 : i32
      %dma_start3A_75 = arith.constant 0 : i32
      %dma_start3A_76 = tpu.memref_slice %arg15[%dma_start3A_74, %dma_start3A_75] : memref<128x128xf32, #tpu.memory_space<vmem>> -> memref<128x128xf32, #tpu.memory_space<vmem>>
      tpu.enqueue_dma source(%dma_start3A_76 : memref<128x128xf32, #tpu.memory_space<vmem>>) target(%dma_start3A_73 : memref<128x128xf32, #tpu.memory_space<vmem_shared>>) target_semaphore(%run_scoped3A : memref<!tpu.dma_semaphore, #tpu.memory_space<semaphore_mem>>)
      %dma_wait3A = arith.constant 0 : i32
      %dma_wait3A_77 = arith.constant 0 : i32
      %dma_wait3A_78 = tpu.memref_slice %arg15[%dma_wait3A, %dma_wait3A_77] : memref<128x128xf32, #tpu.memory_space<vmem>> -> memref<128x128xf32, #tpu.memory_space<vmem>>
      %dma_wait3A_79 = arith.constant 0 : i32
      %dma_wait3A_80 = tpu.memref_slice %arg17[%add3A_9, %dma_wait3A_79] : memref<10240x128xf32, #tpu.memory_space<vmem_shared>> -> memref<128x128xf32, #tpu.memory_space<vmem_shared>>
      %dma_wait3A_81 = arith.constant 0 : i32
      %dma_wait3A_82 = tpu.memref_slice %arg17[%add3A_9, %dma_wait3A_81] : memref<10240x128xf32, #tpu.memory_space<vmem_shared>> -> memref<128x128xf32, #tpu.memory_space<vmem_shared>>
      %dma_wait3A_83 = arith.constant 0 : i32
      %dma_wait3A_84 = arith.constant 0 : i32
      %dma_wait3A_85 = tpu.memref_slice %arg15[%dma_wait3A_83, %dma_wait3A_84] : memref<128x128xf32, #tpu.memory_space<vmem>> -> memref<128x128xf32, #tpu.memory_space<vmem>>
      tpu.wait_dma2 semaphore(%run_scoped3A : memref<!tpu.dma_semaphore, #tpu.memory_space<semaphore_mem>>) src(%dma_wait3A_85 : memref<128x128xf32, #tpu.memory_space<vmem>>) dst(%dma_wait3A_82 : memref<128x128xf32, #tpu.memory_space<vmem_shared>>)
      tpu.yield
    }) : () -> ()
    %mul3A_10 = arith.constant 640 : i32
    %mul3A_11 = arith.muli %arg1, %mul3A_10 : i32
    %add3A_12 = arith.constant 128 : i32
    %add3A_13 = arith.addi %mul3A_11, %add3A_12 : i32
    "tpu.region"() ({
      %run_scoped3A = tpu.sem_alloc : memref<!tpu.dma_semaphore, #tpu.memory_space<semaphore_mem>>
      %dma_start3A = arith.constant 0 : i32
      %dma_start3A_68 = arith.constant 0 : i32
      %dma_start3A_69 = tpu.memref_slice %arg15[%dma_start3A, %dma_start3A_68] : memref<128x128xf32, #tpu.memory_space<vmem>> -> memref<128x128xf32, #tpu.memory_space<vmem>>
      %dma_start3A_70 = arith.constant 0 : i32
      %dma_start3A_71 = tpu.memref_slice %arg17[%add3A_13, %dma_start3A_70] : memref<10240x128xf32, #tpu.memory_space<vmem_shared>> -> memref<128x128xf32, #tpu.memory_space<vmem_shared>>
      %dma_start3A_72 = arith.constant 0 : i32
      %dma_start3A_73 = tpu.memref_slice %arg17[%add3A_13, %dma_start3A_72] : memref<10240x128xf32, #tpu.memory_space<vmem_shared>> -> memref<128x128xf32, #tpu.memory_space<vmem_shared>>
      %dma_start3A_74 = arith.constant 0 : i32
      %dma_start3A_75 = arith.constant 0 : i32
      %dma_start3A_76 = tpu.memref_slice %arg15[%dma_start3A_74, %dma_start3A_75] : memref<128x128xf32, #tpu.memory_space<vmem>> -> memref<128x128xf32, #tpu.memory_space<vmem>>
      tpu.enqueue_dma source(%dma_start3A_76 : memref<128x128xf32, #tpu.memory_space<vmem>>) target(%dma_start3A_73 : memref<128x128xf32, #tpu.memory_space<vmem_shared>>) target_semaphore(%run_scoped3A : memref<!tpu.dma_semaphore, #tpu.memory_space<semaphore_mem>>)
      %dma_wait3A = arith.constant 0 : i32
      %dma_wait3A_77 = arith.constant 0 : i32
      %dma_wait3A_78 = tpu.memref_slice %arg15[%dma_wait3A, %dma_wait3A_77] : memref<128x128xf32, #tpu.memory_space<vmem>> -> memref<128x128xf32, #tpu.memory_space<vmem>>
      %dma_wait3A_79 = arith.constant 0 : i32
      %dma_wait3A_80 = tpu.memref_slice %arg17[%add3A_13, %dma_wait3A_79] : memref<10240x128xf32, #tpu.memory_space<vmem_shared>> -> memref<128x128xf32, #tpu.memory_space<vmem_shared>>
      %dma_wait3A_81 = arith.constant 0 : i32
      %dma_wait3A_82 = tpu.memref_slice %arg17[%add3A_13, %dma_wait3A_81] : memref<10240x128xf32, #tpu.memory_space<vmem_shared>> -> memref<128x128xf32, #tpu.memory_space<vmem_shared>>
      %dma_wait3A_83 = arith.constant 0 : i32
      %dma_wait3A_84 = arith.constant 0 : i32
      %dma_wait3A_85 = tpu.memref_slice %arg15[%dma_wait3A_83, %dma_wait3A_84] : memref<128x128xf32, #tpu.memory_space<vmem>> -> memref<128x128xf32, #tpu.memory_space<vmem>>
      tpu.wait_dma2 semaphore(%run_scoped3A : memref<!tpu.dma_semaphore, #tpu.memory_space<semaphore_mem>>) src(%dma_wait3A_85 : memref<128x128xf32, #tpu.memory_space<vmem>>) dst(%dma_wait3A_82 : memref<128x128xf32, #tpu.memory_space<vmem_shared>>)
      tpu.yield
    }) : () -> ()
    %mul3A_14 = arith.constant 640 : i32
    %mul3A_15 = arith.muli %arg1, %mul3A_14 : i32
    %add3A_16 = arith.constant 256 : i32
    %add3A_17 = arith.addi %mul3A_15, %add3A_16 : i32
    "tpu.region"() ({
      %run_scoped3A = tpu.sem_alloc : memref<!tpu.dma_semaphore, #tpu.memory_space<semaphore_mem>>
      %dma_start3A = arith.constant 0 : i32
      %dma_start3A_68 = arith.constant 0 : i32
      %dma_start3A_69 = tpu.memref_slice %arg15[%dma_start3A, %dma_start3A_68] : memref<128x128xf32, #tpu.memory_space<vmem>> -> memref<128x128xf32, #tpu.memory_space<vmem>>
      %dma_start3A_70 = arith.constant 0 : i32
      %dma_start3A_71 = tpu.memref_slice %arg17[%add3A_17, %dma_start3A_70] : memref<10240x128xf32, #tpu.memory_space<vmem_shared>> -> memref<128x128xf32, #tpu.memory_space<vmem_shared>>
      %dma_start3A_72 = arith.constant 0 : i32
      %dma_start3A_73 = tpu.memref_slice %arg17[%add3A_17, %dma_start3A_72] : memref<10240x128xf32, #tpu.memory_space<vmem_shared>> -> memref<128x128xf32, #tpu.memory_space<vmem_shared>>
      %dma_start3A_74 = arith.constant 0 : i32
      %dma_start3A_75 = arith.constant 0 : i32
      %dma_start3A_76 = tpu.memref_slice %arg15[%dma_start3A_74, %dma_start3A_75] : memref<128x128xf32, #tpu.memory_space<vmem>> -> memref<128x128xf32, #tpu.memory_space<vmem>>
      tpu.enqueue_dma source(%dma_start3A_76 : memref<128x128xf32, #tpu.memory_space<vmem>>) target(%dma_start3A_73 : memref<128x128xf32, #tpu.memory_space<vmem_shared>>) target_semaphore(%run_scoped3A : memref<!tpu.dma_semaphore, #tpu.memory_space<semaphore_mem>>)
      %dma_wait3A = arith.constant 0 : i32
      %dma_wait3A_77 = arith.constant 0 : i32
      %dma_wait3A_78 = tpu.memref_slice %arg15[%dma_wait3A, %dma_wait3A_77] : memref<128x128xf32, #tpu.memory_space<vmem>> -> memref<128x128xf32, #tpu.memory_space<vmem>>
      %dma_wait3A_79 = arith.constant 0 : i32
      %dma_wait3A_80 = tpu.memref_slice %arg17[%add3A_17, %dma_wait3A_79] : memref<10240x128xf32, #tpu.memory_space<vmem_shared>> -> memref<128x128xf32, #tpu.memory_space<vmem_shared>>
      %dma_wait3A_81 = arith.constant 0 : i32
      %dma_wait3A_82 = tpu.memref_slice %arg17[%add3A_17, %dma_wait3A_81] : memref<10240x128xf32, #tpu.memory_space<vmem_shared>> -> memref<128x128xf32, #tpu.memory_space<vmem_shared>>
      %dma_wait3A_83 = arith.constant 0 : i32
      %dma_wait3A_84 = arith.constant 0 : i32
      %dma_wait3A_85 = tpu.memref_slice %arg15[%dma_wait3A_83, %dma_wait3A_84] : memref<128x128xf32, #tpu.memory_space<vmem>> -> memref<128x128xf32, #tpu.memory_space<vmem>>
      tpu.wait_dma2 semaphore(%run_scoped3A : memref<!tpu.dma_semaphore, #tpu.memory_space<semaphore_mem>>) src(%dma_wait3A_85 : memref<128x128xf32, #tpu.memory_space<vmem>>) dst(%dma_wait3A_82 : memref<128x128xf32, #tpu.memory_space<vmem_shared>>)
      tpu.yield
    }) : () -> ()
    %mul3A_18 = arith.constant 640 : i32
    %mul3A_19 = arith.muli %arg1, %mul3A_18 : i32
    %add3A_20 = arith.constant 384 : i32
    %add3A_21 = arith.addi %mul3A_19, %add3A_20 : i32
    "tpu.region"() ({
      %run_scoped3A = tpu.sem_alloc : memref<!tpu.dma_semaphore, #tpu.memory_space<semaphore_mem>>
      %dma_start3A = arith.constant 0 : i32
      %dma_start3A_68 = arith.constant 0 : i32
      %dma_start3A_69 = tpu.memref_slice %arg15[%dma_start3A, %dma_start3A_68] : memref<128x128xf32, #tpu.memory_space<vmem>> -> memref<128x128xf32, #tpu.memory_space<vmem>>
      %dma_start3A_70 = arith.constant 0 : i32
      %dma_start3A_71 = tpu.memref_slice %arg17[%add3A_21, %dma_start3A_70] : memref<10240x128xf32, #tpu.memory_space<vmem_shared>> -> memref<128x128xf32, #tpu.memory_space<vmem_shared>>
      %dma_start3A_72 = arith.constant 0 : i32
      %dma_start3A_73 = tpu.memref_slice %arg17[%add3A_21, %dma_start3A_72] : memref<10240x128xf32, #tpu.memory_space<vmem_shared>> -> memref<128x128xf32, #tpu.memory_space<vmem_shared>>
      %dma_start3A_74 = arith.constant 0 : i32
      %dma_start3A_75 = arith.constant 0 : i32
      %dma_start3A_76 = tpu.memref_slice %arg15[%dma_start3A_74, %dma_start3A_75] : memref<128x128xf32, #tpu.memory_space<vmem>> -> memref<128x128xf32, #tpu.memory_space<vmem>>
      tpu.enqueue_dma source(%dma_start3A_76 : memref<128x128xf32, #tpu.memory_space<vmem>>) target(%dma_start3A_73 : memref<128x128xf32, #tpu.memory_space<vmem_shared>>) target_semaphore(%run_scoped3A : memref<!tpu.dma_semaphore, #tpu.memory_space<semaphore_mem>>)
      %dma_wait3A = arith.constant 0 : i32
      %dma_wait3A_77 = arith.constant 0 : i32
      %dma_wait3A_78 = tpu.memref_slice %arg15[%dma_wait3A, %dma_wait3A_77] : memref<128x128xf32, #tpu.memory_space<vmem>> -> memref<128x128xf32, #tpu.memory_space<vmem>>
      %dma_wait3A_79 = arith.constant 0 : i32
      %dma_wait3A_80 = tpu.memref_slice %arg17[%add3A_21, %dma_wait3A_79] : memref<10240x128xf32, #tpu.memory_space<vmem_shared>> -> memref<128x128xf32, #tpu.memory_space<vmem_shared>>
      %dma_wait3A_81 = arith.constant 0 : i32
      %dma_wait3A_82 = tpu.memref_slice %arg17[%add3A_21, %dma_wait3A_81] : memref<10240x128xf32, #tpu.memory_space<vmem_shared>> -> memref<128x128xf32, #tpu.memory_space<vmem_shared>>
      %dma_wait3A_83 = arith.constant 0 : i32
      %dma_wait3A_84 = arith.constant 0 : i32
      %dma_wait3A_85 = tpu.memref_slice %arg15[%dma_wait3A_83, %dma_wait3A_84] : memref<128x128xf32, #tpu.memory_space<vmem>> -> memref<128x128xf32, #tpu.memory_space<vmem>>
      tpu.wait_dma2 semaphore(%run_scoped3A : memref<!tpu.dma_semaphore, #tpu.memory_space<semaphore_mem>>) src(%dma_wait3A_85 : memref<128x128xf32, #tpu.memory_space<vmem>>) dst(%dma_wait3A_82 : memref<128x128xf32, #tpu.memory_space<vmem_shared>>)
      tpu.yield
    }) : () -> ()
    %mul3A_22 = arith.constant 640 : i32
    %mul3A_23 = arith.muli %arg1, %mul3A_22 : i32
    %add3A_24 = arith.constant 512 : i32
    %add3A_25 = arith.addi %mul3A_23, %add3A_24 : i32
    "tpu.region"() ({
      %run_scoped3A = tpu.sem_alloc : memref<!tpu.dma_semaphore, #tpu.memory_space<semaphore_mem>>
      %dma_start3A = arith.constant 0 : i32
      %dma_start3A_68 = arith.constant 0 : i32
      %dma_start3A_69 = tpu.memref_slice %arg15[%dma_start3A, %dma_start3A_68] : memref<128x128xf32, #tpu.memory_space<vmem>> -> memref<128x128xf32, #tpu.memory_space<vmem>>
      %dma_start3A_70 = arith.constant 0 : i32
      %dma_start3A_71 = tpu.memref_slice %arg17[%add3A_25, %dma_start3A_70] : memref<10240x128xf32, #tpu.memory_space<vmem_shared>> -> memref<128x128xf32, #tpu.memory_space<vmem_shared>>
      %dma_start3A_72 = arith.constant 0 : i32
      %dma_start3A_73 = tpu.memref_slice %arg17[%add3A_25, %dma_start3A_72] : memref<10240x128xf32, #tpu.memory_space<vmem_shared>> -> memref<128x128xf32, #tpu.memory_space<vmem_shared>>
      %dma_start3A_74 = arith.constant 0 : i32
      %dma_start3A_75 = arith.constant 0 : i32
      %dma_start3A_76 = tpu.memref_slice %arg15[%dma_start3A_74, %dma_start3A_75] : memref<128x128xf32, #tpu.memory_space<vmem>> -> memref<128x128xf32, #tpu.memory_space<vmem>>
      tpu.enqueue_dma source(%dma_start3A_76 : memref<128x128xf32, #tpu.memory_space<vmem>>) target(%dma_start3A_73 : memref<128x128xf32, #tpu.memory_space<vmem_shared>>) target_semaphore(%run_scoped3A : memref<!tpu.dma_semaphore, #tpu.memory_space<semaphore_mem>>)
      %dma_wait3A = arith.constant 0 : i32
      %dma_wait3A_77 = arith.constant 0 : i32
      %dma_wait3A_78 = tpu.memref_slice %arg15[%dma_wait3A, %dma_wait3A_77] : memref<128x128xf32, #tpu.memory_space<vmem>> -> memref<128x128xf32, #tpu.memory_space<vmem>>
      %dma_wait3A_79 = arith.constant 0 : i32
      %dma_wait3A_80 = tpu.memref_slice %arg17[%add3A_25, %dma_wait3A_79] : memref<10240x128xf32, #tpu.memory_space<vmem_shared>> -> memref<128x128xf32, #tpu.memory_space<vmem_shared>>
      %dma_wait3A_81 = arith.constant 0 : i32
      %dma_wait3A_82 = tpu.memref_slice %arg17[%add3A_25, %dma_wait3A_81] : memref<10240x128xf32, #tpu.memory_space<vmem_shared>> -> memref<128x128xf32, #tpu.memory_space<vmem_shared>>
      %dma_wait3A_83 = arith.constant 0 : i32
      %dma_wait3A_84 = arith.constant 0 : i32
      %dma_wait3A_85 = tpu.memref_slice %arg15[%dma_wait3A_83, %dma_wait3A_84] : memref<128x128xf32, #tpu.memory_space<vmem>> -> memref<128x128xf32, #tpu.memory_space<vmem>>
      tpu.wait_dma2 semaphore(%run_scoped3A : memref<!tpu.dma_semaphore, #tpu.memory_space<semaphore_mem>>) src(%dma_wait3A_85 : memref<128x128xf32, #tpu.memory_space<vmem>>) dst(%dma_wait3A_82 : memref<128x128xf32, #tpu.memory_space<vmem_shared>>)
      tpu.yield
    }) : () -> ()
    %barrier3A = arith.constant 0 : index
    tpu.barrier barrier_id(%barrier3A)
    %sub3A = arith.constant 2559 : i32
    %sub3A_26 = arith.subi %sub3A, %add3A : i32
    %jit3A = arith.constant 32 : i32
    %div3A = arith.divsi %sub3A_26, %jit3A : i32
    %sign3A = arith.constant 0 : i32
    %sign3A_27 = arith.cmpi sgt, %sub3A_26, %sign3A : i32
    %sign3A_28 = arith.extui %sign3A_27 : i1 to i32
    %sign3A_29 = arith.constant 0 : i32
    %sign3A_30 = arith.cmpi slt, %sub3A_26, %sign3A_29 : i32
    %sign3A_31 = arith.extui %sign3A_30 : i1 to i32
    %sign3A_32 = arith.subi %sign3A_28, %sign3A_31 : i32
    %sign3A_33 = arith.constant 0 : i32
    %sign3A_34 = arith.cmpi sgt, %jit3A, %sign3A_33 : i32
    %sign3A_35 = arith.extui %sign3A_34 : i1 to i32
    %sign3A_36 = arith.constant 0 : i32
    %sign3A_37 = arith.cmpi slt, %jit3A, %sign3A_36 : i32
    %sign3A_38 = arith.extui %sign3A_37 : i1 to i32
    %sign3A_39 = arith.subi %sign3A_35, %sign3A_38 : i32
    %ne3A = arith.cmpi ne, %sign3A_32, %sign3A_39 : i32
    %rem3A = arith.remsi %sub3A_26, %jit3A : i32
    %ne3A_40 = arith.constant 0 : i32
    %ne3A_41 = arith.cmpi ne, %rem3A, %ne3A_40 : i32
    %and3A = arith.andi %ne3A, %ne3A_41 : i1
    %sub3A_42 = arith.constant 1 : i32
    %sub3A_43 = arith.subi %div3A, %sub3A_42 : i32
    %select_n3A = arith.select %and3A, %sub3A_43, %div3A : i32
    %add3A_44 = arith.constant 1 : i32
    %add3A_45 = arith.addi %select_n3A, %add3A_44 : i32
    %while3A = arith.constant 0 : i32
    %while3A_46 = arith.constant 0 : i32
    %while3A_47 = arith.subi %add3A_45, %while3A_46 : i32
    %while3A_48 = arith.addi %while3A_46, %while3A_47 : i32
    %while3A_49 = arith.constant 1 : i32
    %while3A_50 = arith.divsi %while3A_47, %while3A_49 : i32
    %while3A_51 = arith.muli %while3A_50, %while3A_49 : i32
    %while3A_52 = arith.addi %while3A_46, %while3A_51 : i32
    %while3A_53 = arith.constant 1 : i32
    scf.for %while3A_68 = %while3A_46 to %while3A_52 step %while3A_53  : i32 {
      %mul3A_69 = arith.constant 32 : i32
      %mul3A_70 = arith.muli %while3A_68, %mul3A_69 : i32
      %add3A_71 = arith.addi %add3A, %mul3A_70 : i32
      %mul3A_72 = arith.constant 128 : i32
      %mul3A_73 = arith.muli %add3A_71, %mul3A_72 : i32
      "tpu.region"() ({
        %run_scoped3A = tpu.sem_alloc : memref<!tpu.dma_semaphore, #tpu.memory_space<semaphore_mem>>
        %dma_start3A_188 = tpu.memref_slice %arg3[%mul3A_73] : memref<327680xi32, #tpu.memory_space<hbm>> -> memref<128xi32, #tpu.memory_space<hbm>>
        %dma_start3A_189 = tpu.memref_slice %arg3[%mul3A_73] : memref<327680xi32, #tpu.memory_space<hbm>> -> memref<128xi32, #tpu.memory_space<hbm>>
        tpu.enqueue_dma source(%dma_start3A_189 : memref<128xi32, #tpu.memory_space<hbm>>) target(%arg7 : memref<128xi32, #tpu.memory_space<vmem>>) target_semaphore(%run_scoped3A : memref<!tpu.dma_semaphore, #tpu.memory_space<semaphore_mem>>)
        %dma_wait3A_190 = tpu.memref_slice %arg3[%mul3A_73] : memref<327680xi32, #tpu.memory_space<hbm>> -> memref<128xi32, #tpu.memory_space<hbm>>
        %dma_wait3A_191 = tpu.memref_slice %arg3[%mul3A_73] : memref<327680xi32, #tpu.memory_space<hbm>> -> memref<128xi32, #tpu.memory_space<hbm>>
        tpu.wait_dma2 semaphore(%run_scoped3A : memref<!tpu.dma_semaphore, #tpu.memory_space<semaphore_mem>>) src(%dma_wait3A_191 : memref<128xi32, #tpu.memory_space<hbm>>) dst(%arg7 : memref<128xi32, #tpu.memory_space<vmem>>)
        tpu.yield
      }) : () -> ()
      "tpu.region"() ({
        %run_scoped3A = tpu.sem_alloc : memref<!tpu.dma_semaphore, #tpu.memory_space<semaphore_mem>>
        %dma_start3A_188 = tpu.memref_slice %arg5[%mul3A_73] : memref<327680xi32, #tpu.memory_space<hbm>> -> memref<128xi32, #tpu.memory_space<hbm>>
        %dma_start3A_189 = tpu.memref_slice %arg5[%mul3A_73] : memref<327680xi32, #tpu.memory_space<hbm>> -> memref<128xi32, #tpu.memory_space<hbm>>
        tpu.enqueue_dma source(%dma_start3A_189 : memref<128xi32, #tpu.memory_space<hbm>>) target(%arg8 : memref<128xi32, #tpu.memory_space<vmem>>) target_semaphore(%run_scoped3A : memref<!tpu.dma_semaphore, #tpu.memory_space<semaphore_mem>>)
        %dma_wait3A_190 = tpu.memref_slice %arg5[%mul3A_73] : memref<327680xi32, #tpu.memory_space<hbm>> -> memref<128xi32, #tpu.memory_space<hbm>>
        %dma_wait3A_191 = tpu.memref_slice %arg5[%mul3A_73] : memref<327680xi32, #tpu.memory_space<hbm>> -> memref<128xi32, #tpu.memory_space<hbm>>
        tpu.wait_dma2 semaphore(%run_scoped3A : memref<!tpu.dma_semaphore, #tpu.memory_space<semaphore_mem>>) src(%dma_wait3A_191 : memref<128xi32, #tpu.memory_space<hbm>>) dst(%arg8 : memref<128xi32, #tpu.memory_space<vmem>>)
        tpu.yield
      }) : () -> ()
      "tpu.region"() ({
        %run_scoped3A = tpu.sem_alloc : memref<!tpu.dma_semaphore, #tpu.memory_space<semaphore_mem>>
        %dma_start3A_188 = tpu.memref_slice %arg4[%mul3A_73] : memref<327680xi32, #tpu.memory_space<hbm>> -> memref<128xi32, #tpu.memory_space<hbm>>
        %dma_start3A_189 = tpu.memref_slice %arg4[%mul3A_73] : memref<327680xi32, #tpu.memory_space<hbm>> -> memref<128xi32, #tpu.memory_space<hbm>>
        tpu.enqueue_dma source(%dma_start3A_189 : memref<128xi32, #tpu.memory_space<hbm>>) target(%arg9 : memref<128xi32, #tpu.memory_space<vmem>>) target_semaphore(%run_scoped3A : memref<!tpu.dma_semaphore, #tpu.memory_space<semaphore_mem>>)
        %dma_wait3A_190 = tpu.memref_slice %arg4[%mul3A_73] : memref<327680xi32, #tpu.memory_space<hbm>> -> memref<128xi32, #tpu.memory_space<hbm>>
        %dma_wait3A_191 = tpu.memref_slice %arg4[%mul3A_73] : memref<327680xi32, #tpu.memory_space<hbm>> -> memref<128xi32, #tpu.memory_space<hbm>>
        tpu.wait_dma2 semaphore(%run_scoped3A : memref<!tpu.dma_semaphore, #tpu.memory_space<semaphore_mem>>) src(%dma_wait3A_191 : memref<128xi32, #tpu.memory_space<hbm>>) dst(%arg9 : memref<128xi32, #tpu.memory_space<vmem>>)
        tpu.yield
      }) : () -> ()
      %get3A = arith.constant 0 : index
      %get3A_74 = tpu.vector_load %arg8[%get3A] {strides = array<i32>} : memref<128xi32, #tpu.memory_space<vmem>>, vector<16xi32>,
      %get3A_75 = vector.shape_cast %get3A_74 : vector<16xi32> to vector<16xi32>
      %mul3A_76 = arith.constant 10000 : i32
      %mul3A_77 = vector.broadcast %mul3A_76 : i32 to vector<16xi32>
      %mul3A_78 = arith.muli %get3A_75, %mul3A_77 : vector<16xi32>
      %get3A_79 = arith.constant 0 : index
      %get3A_80 = tpu.vector_load %arg7[%get3A_79] {strides = array<i32>} : memref<128xi32, #tpu.memory_space<vmem>>, vector<16xi32>,
      %get3A_81 = vector.shape_cast %get3A_80 : vector<16xi32> to vector<16xi32>
      %add3A_82 = arith.addi %mul3A_78, %get3A_81 : vector<16xi32>
      %swap3A = arith.constant 0 : index
      %swap3A_83 = tpu.vector_load %arg10[%swap3A] {strides = array<i32>} : memref<128xi32, #tpu.memory_space<vmem>>, vector<16xi32>,
      %swap3A_84 = vector.shape_cast %swap3A_83 : vector<16xi32> to vector<16xi32>
      %swap3A_85 = vector.shape_cast %add3A_82 : vector<16xi32> to vector<16xi32>
      tpu.vector_store %arg10[%swap3A], %swap3A_85 {strides = array<i32>} : memref<128xi32, #tpu.memory_space<vmem>>, vector<16xi32>,
      %get3A_86 = arith.constant 16 : index
      %get3A_87 = tpu.vector_load %arg8[%get3A_86] {strides = array<i32>} : memref<128xi32, #tpu.memory_space<vmem>>, vector<16xi32>,
      %get3A_88 = vector.shape_cast %get3A_87 : vector<16xi32> to vector<16xi32>
      %mul3A_89 = arith.constant 10000 : i32
      %mul3A_90 = vector.broadcast %mul3A_89 : i32 to vector<16xi32>
      %mul3A_91 = arith.muli %get3A_88, %mul3A_90 : vector<16xi32>
      %get3A_92 = arith.constant 16 : index
      %get3A_93 = tpu.vector_load %arg7[%get3A_92] {strides = array<i32>} : memref<128xi32, #tpu.memory_space<vmem>>, vector<16xi32>,
      %get3A_94 = vector.shape_cast %get3A_93 : vector<16xi32> to vector<16xi32>
      %add3A_95 = arith.addi %mul3A_91, %get3A_94 : vector<16xi32>
      %swap3A_96 = arith.constant 16 : index
      %swap3A_97 = tpu.vector_load %arg10[%swap3A_96] {strides = array<i32>} : memref<128xi32, #tpu.memory_space<vmem>>, vector<16xi32>,
      %swap3A_98 = vector.shape_cast %swap3A_97 : vector<16xi32> to vector<16xi32>
      %swap3A_99 = vector.shape_cast %add3A_95 : vector<16xi32> to vector<16xi32>
      tpu.vector_store %arg10[%swap3A_96], %swap3A_99 {strides = array<i32>} : memref<128xi32, #tpu.memory_space<vmem>>, vector<16xi32>,
      %get3A_100 = arith.constant 32 : index
      %get3A_101 = tpu.vector_load %arg8[%get3A_100] {strides = array<i32>} : memref<128xi32, #tpu.memory_space<vmem>>, vector<16xi32>,
      %get3A_102 = vector.shape_cast %get3A_101 : vector<16xi32> to vector<16xi32>
      %mul3A_103 = arith.constant 10000 : i32
      %mul3A_104 = vector.broadcast %mul3A_103 : i32 to vector<16xi32>
      %mul3A_105 = arith.muli %get3A_102, %mul3A_104 : vector<16xi32>
      %get3A_106 = arith.constant 32 : index
      %get3A_107 = tpu.vector_load %arg7[%get3A_106] {strides = array<i32>} : memref<128xi32, #tpu.memory_space<vmem>>, vector<16xi32>,
      %get3A_108 = vector.shape_cast %get3A_107 : vector<16xi32> to vector<16xi32>
      %add3A_109 = arith.addi %mul3A_105, %get3A_108 : vector<16xi32>
      %swap3A_110 = arith.constant 32 : index
      %swap3A_111 = tpu.vector_load %arg10[%swap3A_110] {strides = array<i32>} : memref<128xi32, #tpu.memory_space<vmem>>, vector<16xi32>,
      %swap3A_112 = vector.shape_cast %swap3A_111 : vector<16xi32> to vector<16xi32>
      %swap3A_113 = vector.shape_cast %add3A_109 : vector<16xi32> to vector<16xi32>
      tpu.vector_store %arg10[%swap3A_110], %swap3A_113 {strides = array<i32>} : memref<128xi32, #tpu.memory_space<vmem>>, vector<16xi32>,
      %get3A_114 = arith.constant 48 : index
      %get3A_115 = tpu.vector_load %arg8[%get3A_114] {strides = array<i32>} : memref<128xi32, #tpu.memory_space<vmem>>, vector<16xi32>,
      %get3A_116 = vector.shape_cast %get3A_115 : vector<16xi32> to vector<16xi32>
      %mul3A_117 = arith.constant 10000 : i32
      %mul3A_118 = vector.broadcast %mul3A_117 : i32 to vector<16xi32>
      %mul3A_119 = arith.muli %get3A_116, %mul3A_118 : vector<16xi32>
      %get3A_120 = arith.constant 48 : index
      %get3A_121 = tpu.vector_load %arg7[%get3A_120] {strides = array<i32>} : memref<128xi32, #tpu.memory_space<vmem>>, vector<16xi32>,
      %get3A_122 = vector.shape_cast %get3A_121 : vector<16xi32> to vector<16xi32>
      %add3A_123 = arith.addi %mul3A_119, %get3A_122 : vector<16xi32>
      %swap3A_124 = arith.constant 48 : index
      %swap3A_125 = tpu.vector_load %arg10[%swap3A_124] {strides = array<i32>} : memref<128xi32, #tpu.memory_space<vmem>>, vector<16xi32>,
      %swap3A_126 = vector.shape_cast %swap3A_125 : vector<16xi32> to vector<16xi32>
      %swap3A_127 = vector.shape_cast %add3A_123 : vector<16xi32> to vector<16xi32>
      tpu.vector_store %arg10[%swap3A_124], %swap3A_127 {strides = array<i32>} : memref<128xi32, #tpu.memory_space<vmem>>, vector<16xi32>,
      %get3A_128 = arith.constant 64 : index
      %get3A_129 = tpu.vector_load %arg8[%get3A_128] {strides = array<i32>} : memref<128xi32, #tpu.memory_space<vmem>>, vector<16xi32>,
      %get3A_130 = vector.shape_cast %get3A_129 : vector<16xi32> to vector<16xi32>
      %mul3A_131 = arith.constant 10000 : i32
      %mul3A_132 = vector.broadcast %mul3A_131 : i32 to vector<16xi32>
      %mul3A_133 = arith.muli %get3A_130, %mul3A_132 : vector<16xi32>
      %get3A_134 = arith.constant 64 : index
      %get3A_135 = tpu.vector_load %arg7[%get3A_134] {strides = array<i32>} : memref<128xi32, #tpu.memory_space<vmem>>, vector<16xi32>,
      %get3A_136 = vector.shape_cast %get3A_135 : vector<16xi32> to vector<16xi32>
      %add3A_137 = arith.addi %mul3A_133, %get3A_136 : vector<16xi32>
      %swap3A_138 = arith.constant 64 : index
      %swap3A_139 = tpu.vector_load %arg10[%swap3A_138] {strides = array<i32>} : memref<128xi32, #tpu.memory_space<vmem>>, vector<16xi32>,
      %swap3A_140 = vector.shape_cast %swap3A_139 : vector<16xi32> to vector<16xi32>
      %swap3A_141 = vector.shape_cast %add3A_137 : vector<16xi32> to vector<16xi32>
      tpu.vector_store %arg10[%swap3A_138], %swap3A_141 {strides = array<i32>} : memref<128xi32, #tpu.memory_space<vmem>>, vector<16xi32>,
      %get3A_142 = arith.constant 80 : index
      %get3A_143 = tpu.vector_load %arg8[%get3A_142] {strides = array<i32>} : memref<128xi32, #tpu.memory_space<vmem>>, vector<16xi32>,
      %get3A_144 = vector.shape_cast %get3A_143 : vector<16xi32> to vector<16xi32>
      %mul3A_145 = arith.constant 10000 : i32
      %mul3A_146 = vector.broadcast %mul3A_145 : i32 to vector<16xi32>
      %mul3A_147 = arith.muli %get3A_144, %mul3A_146 : vector<16xi32>
      %get3A_148 = arith.constant 80 : index
      %get3A_149 = tpu.vector_load %arg7[%get3A_148] {strides = array<i32>} : memref<128xi32, #tpu.memory_space<vmem>>, vector<16xi32>,
      %get3A_150 = vector.shape_cast %get3A_149 : vector<16xi32> to vector<16xi32>
      %add3A_151 = arith.addi %mul3A_147, %get3A_150 : vector<16xi32>
      %swap3A_152 = arith.constant 80 : index
      %swap3A_153 = tpu.vector_load %arg10[%swap3A_152] {strides = array<i32>} : memref<128xi32, #tpu.memory_space<vmem>>, vector<16xi32>,
      %swap3A_154 = vector.shape_cast %swap3A_153 : vector<16xi32> to vector<16xi32>
      %swap3A_155 = vector.shape_cast %add3A_151 : vector<16xi32> to vector<16xi32>
      tpu.vector_store %arg10[%swap3A_152], %swap3A_155 {strides = array<i32>} : memref<128xi32, #tpu.memory_space<vmem>>, vector<16xi32>,
      %get3A_156 = arith.constant 96 : index
      %get3A_157 = tpu.vector_load %arg8[%get3A_156] {strides = array<i32>} : memref<128xi32, #tpu.memory_space<vmem>>, vector<16xi32>,
      %get3A_158 = vector.shape_cast %get3A_157 : vector<16xi32> to vector<16xi32>
      %mul3A_159 = arith.constant 10000 : i32
      %mul3A_160 = vector.broadcast %mul3A_159 : i32 to vector<16xi32>
      %mul3A_161 = arith.muli %get3A_158, %mul3A_160 : vector<16xi32>
      %get3A_162 = arith.constant 96 : index
      %get3A_163 = tpu.vector_load %arg7[%get3A_162] {strides = array<i32>} : memref<128xi32, #tpu.memory_space<vmem>>, vector<16xi32>,
      %get3A_164 = vector.shape_cast %get3A_163 : vector<16xi32> to vector<16xi32>
      %add3A_165 = arith.addi %mul3A_161, %get3A_164 : vector<16xi32>
      %swap3A_166 = arith.constant 96 : index
      %swap3A_167 = tpu.vector_load %arg10[%swap3A_166] {strides = array<i32>} : memref<128xi32, #tpu.memory_space<vmem>>, vector<16xi32>,
      %swap3A_168 = vector.shape_cast %swap3A_167 : vector<16xi32> to vector<16xi32>
      %swap3A_169 = vector.shape_cast %add3A_165 : vector<16xi32> to vector<16xi32>
      tpu.vector_store %arg10[%swap3A_166], %swap3A_169 {strides = array<i32>} : memref<128xi32, #tpu.memory_space<vmem>>, vector<16xi32>,
      %get3A_170 = arith.constant 112 : index
      %get3A_171 = tpu.vector_load %arg8[%get3A_170] {strides = array<i32>} : memref<128xi32, #tpu.memory_space<vmem>>, vector<16xi32>,
      %get3A_172 = vector.shape_cast %get3A_171 : vector<16xi32> to vector<16xi32>
      %mul3A_173 = arith.constant 10000 : i32
      %mul3A_174 = vector.broadcast %mul3A_173 : i32 to vector<16xi32>
      %mul3A_175 = arith.muli %get3A_172, %mul3A_174 : vector<16xi32>
      %get3A_176 = arith.constant 112 : index
      %get3A_177 = tpu.vector_load %arg7[%get3A_176] {strides = array<i32>} : memref<128xi32, #tpu.memory_space<vmem>>, vector<16xi32>,
      %get3A_178 = vector.shape_cast %get3A_177 : vector<16xi32> to vector<16xi32>
      %add3A_179 = arith.addi %mul3A_175, %get3A_178 : vector<16xi32>
      %swap3A_180 = arith.constant 112 : index
      %swap3A_181 = tpu.vector_load %arg10[%swap3A_180] {strides = array<i32>} : memref<128xi32, #tpu.memory_space<vmem>>, vector<16xi32>,
      %swap3A_182 = vector.shape_cast %swap3A_181 : vector<16xi32> to vector<16xi32>
      %swap3A_183 = vector.shape_cast %add3A_179 : vector<16xi32> to vector<16xi32>
      tpu.vector_store %arg10[%swap3A_180], %swap3A_183 {strides = array<i32>} : memref<128xi32, #tpu.memory_space<vmem>>, vector<16xi32>,
      %dma_start3A = arith.constant 0 : i32
      %dma_start3A_184 = arith.constant 0 : i32
      %dma_start3A_185 = tpu.memref_slice %arg2[%dma_start3A, %dma_start3A_184] : memref<170000x128xf32, #tpu.memory_space<hbm>> -> memref<170000x128xf32, #tpu.memory_space<hbm>>
      tpu.enqueue_indirect_dma source(%dma_start3A_185 : memref<170000x128xf32, #tpu.memory_space<hbm>>) target(%arg15 : memref<128x128xf32, #tpu.memory_space<vmem>>) offsets(%arg10 : memref<128xi32, #tpu.memory_space<vmem>>) semaphore(%arg18 : memref<!tpu.dma_semaphore, #tpu.memory_space<semaphore_mem>>)
      %dma_wait3A = arith.constant 0 : i32
      %dma_wait3A_186 = arith.constant 0 : i32
      %dma_wait3A_187 = tpu.memref_slice %arg2[%dma_wait3A, %dma_wait3A_186] : memref<170000x128xf32, #tpu.memory_space<hbm>> -> memref<170000x128xf32, #tpu.memory_space<hbm>>
      tpu.wait_indirect_dma semaphore(%arg18 : memref<!tpu.dma_semaphore, #tpu.memory_space<semaphore_mem>>) src(%dma_wait3A_187 : memref<170000x128xf32, #tpu.memory_space<hbm>>) dst(%arg15 : memref<128x128xf32, #tpu.memory_space<vmem>>)
      "tpu.region"() ({
        %run_scoped3A = tpu.sem_alloc : memref<!tpu.dma_semaphore, #tpu.memory_space<semaphore_mem>>
        %dma_start3A_188 = arith.constant 0 : i32
        %dma_start3A_189 = arith.constant 0 : i32
        %dma_start3A_190 = tpu.memref_slice %arg17[%dma_start3A_188, %dma_start3A_189] : memref<10240x128xf32, #tpu.memory_space<vmem_shared>> -> memref<10240x128xf32, #tpu.memory_space<vmem_shared>>
        tpu.enqueue_indirect_dma source(%arg15 : memref<128x128xf32, #tpu.memory_space<vmem>>) target(%dma_start3A_190 : memref<10240x128xf32, #tpu.memory_space<vmem_shared>>) offsets(%arg9 : memref<128xi32, #tpu.memory_space<vmem>>) semaphore(%run_scoped3A : memref<!tpu.dma_semaphore, #tpu.memory_space<semaphore_mem>>) {add = true}
        %dma_wait3A_191 = arith.constant 0 : i32
        %dma_wait3A_192 = arith.constant 0 : i32
        %dma_wait3A_193 = tpu.memref_slice %arg17[%dma_wait3A_191, %dma_wait3A_192] : memref<10240x128xf32, #tpu.memory_space<vmem_shared>> -> memref<10240x128xf32, #tpu.memory_space<vmem_shared>>
        tpu.wait_indirect_dma semaphore(%run_scoped3A : memref<!tpu.dma_semaphore, #tpu.memory_space<semaphore_mem>>) src(%arg15 : memref<128x128xf32, #tpu.memory_space<vmem>>) dst(%dma_wait3A_193 : memref<10240x128xf32, #tpu.memory_space<vmem_shared>>)
        tpu.yield
      }) : () -> ()
    }
    %while3A_54 = arith.constant 1 : i32
    scf.for %while3A_68 = %while3A_52 to %while3A_48 step %while3A_54  : i32 {
      %mul3A_69 = arith.constant 32 : i32
      %mul3A_70 = arith.muli %while3A_68, %mul3A_69 : i32
      %add3A_71 = arith.addi %add3A, %mul3A_70 : i32
      %mul3A_72 = arith.constant 128 : i32
      %mul3A_73 = arith.muli %add3A_71, %mul3A_72 : i32
      "tpu.region"() ({
        %run_scoped3A = tpu.sem_alloc : memref<!tpu.dma_semaphore, #tpu.memory_space<semaphore_mem>>
        %dma_start3A_188 = tpu.memref_slice %arg3[%mul3A_73] : memref<327680xi32, #tpu.memory_space<hbm>> -> memref<128xi32, #tpu.memory_space<hbm>>
        %dma_start3A_189 = tpu.memref_slice %arg3[%mul3A_73] : memref<327680xi32, #tpu.memory_space<hbm>> -> memref<128xi32, #tpu.memory_space<hbm>>
        tpu.enqueue_dma source(%dma_start3A_189 : memref<128xi32, #tpu.memory_space<hbm>>) target(%arg7 : memref<128xi32, #tpu.memory_space<vmem>>) target_semaphore(%run_scoped3A : memref<!tpu.dma_semaphore, #tpu.memory_space<semaphore_mem>>)
        %dma_wait3A_190 = tpu.memref_slice %arg3[%mul3A_73] : memref<327680xi32, #tpu.memory_space<hbm>> -> memref<128xi32, #tpu.memory_space<hbm>>
        %dma_wait3A_191 = tpu.memref_slice %arg3[%mul3A_73] : memref<327680xi32, #tpu.memory_space<hbm>> -> memref<128xi32, #tpu.memory_space<hbm>>
        tpu.wait_dma2 semaphore(%run_scoped3A : memref<!tpu.dma_semaphore, #tpu.memory_space<semaphore_mem>>) src(%dma_wait3A_191 : memref<128xi32, #tpu.memory_space<hbm>>) dst(%arg7 : memref<128xi32, #tpu.memory_space<vmem>>)
        tpu.yield
      }) : () -> ()
      "tpu.region"() ({
        %run_scoped3A = tpu.sem_alloc : memref<!tpu.dma_semaphore, #tpu.memory_space<semaphore_mem>>
        %dma_start3A_188 = tpu.memref_slice %arg5[%mul3A_73] : memref<327680xi32, #tpu.memory_space<hbm>> -> memref<128xi32, #tpu.memory_space<hbm>>
        %dma_start3A_189 = tpu.memref_slice %arg5[%mul3A_73] : memref<327680xi32, #tpu.memory_space<hbm>> -> memref<128xi32, #tpu.memory_space<hbm>>
        tpu.enqueue_dma source(%dma_start3A_189 : memref<128xi32, #tpu.memory_space<hbm>>) target(%arg8 : memref<128xi32, #tpu.memory_space<vmem>>) target_semaphore(%run_scoped3A : memref<!tpu.dma_semaphore, #tpu.memory_space<semaphore_mem>>)
        %dma_wait3A_190 = tpu.memref_slice %arg5[%mul3A_73] : memref<327680xi32, #tpu.memory_space<hbm>> -> memref<128xi32, #tpu.memory_space<hbm>>
        %dma_wait3A_191 = tpu.memref_slice %arg5[%mul3A_73] : memref<327680xi32, #tpu.memory_space<hbm>> -> memref<128xi32, #tpu.memory_space<hbm>>
        tpu.wait_dma2 semaphore(%run_scoped3A : memref<!tpu.dma_semaphore, #tpu.memory_space<semaphore_mem>>) src(%dma_wait3A_191 : memref<128xi32, #tpu.memory_space<hbm>>) dst(%arg8 : memref<128xi32, #tpu.memory_space<vmem>>)
        tpu.yield
      }) : () -> ()
      "tpu.region"() ({
        %run_scoped3A = tpu.sem_alloc : memref<!tpu.dma_semaphore, #tpu.memory_space<semaphore_mem>>
        %dma_start3A_188 = tpu.memref_slice %arg4[%mul3A_73] : memref<327680xi32, #tpu.memory_space<hbm>> -> memref<128xi32, #tpu.memory_space<hbm>>
        %dma_start3A_189 = tpu.memref_slice %arg4[%mul3A_73] : memref<327680xi32, #tpu.memory_space<hbm>> -> memref<128xi32, #tpu.memory_space<hbm>>
        tpu.enqueue_dma source(%dma_start3A_189 : memref<128xi32, #tpu.memory_space<hbm>>) target(%arg9 : memref<128xi32, #tpu.memory_space<vmem>>) target_semaphore(%run_scoped3A : memref<!tpu.dma_semaphore, #tpu.memory_space<semaphore_mem>>)
        %dma_wait3A_190 = tpu.memref_slice %arg4[%mul3A_73] : memref<327680xi32, #tpu.memory_space<hbm>> -> memref<128xi32, #tpu.memory_space<hbm>>
        %dma_wait3A_191 = tpu.memref_slice %arg4[%mul3A_73] : memref<327680xi32, #tpu.memory_space<hbm>> -> memref<128xi32, #tpu.memory_space<hbm>>
        tpu.wait_dma2 semaphore(%run_scoped3A : memref<!tpu.dma_semaphore, #tpu.memory_space<semaphore_mem>>) src(%dma_wait3A_191 : memref<128xi32, #tpu.memory_space<hbm>>) dst(%arg9 : memref<128xi32, #tpu.memory_space<vmem>>)
        tpu.yield
      }) : () -> ()
      %get3A = arith.constant 0 : index
      %get3A_74 = tpu.vector_load %arg8[%get3A] {strides = array<i32>} : memref<128xi32, #tpu.memory_space<vmem>>, vector<16xi32>,
      %get3A_75 = vector.shape_cast %get3A_74 : vector<16xi32> to vector<16xi32>
      %mul3A_76 = arith.constant 10000 : i32
      %mul3A_77 = vector.broadcast %mul3A_76 : i32 to vector<16xi32>
      %mul3A_78 = arith.muli %get3A_75, %mul3A_77 : vector<16xi32>
      %get3A_79 = arith.constant 0 : index
      %get3A_80 = tpu.vector_load %arg7[%get3A_79] {strides = array<i32>} : memref<128xi32, #tpu.memory_space<vmem>>, vector<16xi32>,
      %get3A_81 = vector.shape_cast %get3A_80 : vector<16xi32> to vector<16xi32>
      %add3A_82 = arith.addi %mul3A_78, %get3A_81 : vector<16xi32>
      %swap3A = arith.constant 0 : index
      %swap3A_83 = tpu.vector_load %arg10[%swap3A] {strides = array<i32>} : memref<128xi32, #tpu.memory_space<vmem>>, vector<16xi32>,
      %swap3A_84 = vector.shape_cast %swap3A_83 : vector<16xi32> to vector<16xi32>
      %swap3A_85 = vector.shape_cast %add3A_82 : vector<16xi32> to vector<16xi32>
      tpu.vector_store %arg10[%swap3A], %swap3A_85 {strides = array<i32>} : memref<128xi32, #tpu.memory_space<vmem>>, vector<16xi32>,
      %get3A_86 = arith.constant 16 : index
      %get3A_87 = tpu.vector_load %arg8[%get3A_86] {strides = array<i32>} : memref<128xi32, #tpu.memory_space<vmem>>, vector<16xi32>,
      %get3A_88 = vector.shape_cast %get3A_87 : vector<16xi32> to vector<16xi32>
      %mul3A_89 = arith.constant 10000 : i32
      %mul3A_90 = vector.broadcast %mul3A_89 : i32 to vector<16xi32>
      %mul3A_91 = arith.muli %get3A_88, %mul3A_90 : vector<16xi32>
      %get3A_92 = arith.constant 16 : index
      %get3A_93 = tpu.vector_load %arg7[%get3A_92] {strides = array<i32>} : memref<128xi32, #tpu.memory_space<vmem>>, vector<16xi32>,
      %get3A_94 = vector.shape_cast %get3A_93 : vector<16xi32> to vector<16xi32>
      %add3A_95 = arith.addi %mul3A_91, %get3A_94 : vector<16xi32>
      %swap3A_96 = arith.constant 16 : index
      %swap3A_97 = tpu.vector_load %arg10[%swap3A_96] {strides = array<i32>} : memref<128xi32, #tpu.memory_space<vmem>>, vector<16xi32>,
      %swap3A_98 = vector.shape_cast %swap3A_97 : vector<16xi32> to vector<16xi32>
      %swap3A_99 = vector.shape_cast %add3A_95 : vector<16xi32> to vector<16xi32>
      tpu.vector_store %arg10[%swap3A_96], %swap3A_99 {strides = array<i32>} : memref<128xi32, #tpu.memory_space<vmem>>, vector<16xi32>,
      %get3A_100 = arith.constant 32 : index
      %get3A_101 = tpu.vector_load %arg8[%get3A_100] {strides = array<i32>} : memref<128xi32, #tpu.memory_space<vmem>>, vector<16xi32>,
      %get3A_102 = vector.shape_cast %get3A_101 : vector<16xi32> to vector<16xi32>
      %mul3A_103 = arith.constant 10000 : i32
      %mul3A_104 = vector.broadcast %mul3A_103 : i32 to vector<16xi32>
      %mul3A_105 = arith.muli %get3A_102, %mul3A_104 : vector<16xi32>
      %get3A_106 = arith.constant 32 : index
      %get3A_107 = tpu.vector_load %arg7[%get3A_106] {strides = array<i32>} : memref<128xi32, #tpu.memory_space<vmem>>, vector<16xi32>,
      %get3A_108 = vector.shape_cast %get3A_107 : vector<16xi32> to vector<16xi32>
      %add3A_109 = arith.addi %mul3A_105, %get3A_108 : vector<16xi32>
      %swap3A_110 = arith.constant 32 : index
      %swap3A_111 = tpu.vector_load %arg10[%swap3A_110] {strides = array<i32>} : memref<128xi32, #tpu.memory_space<vmem>>, vector<16xi32>,
      %swap3A_112 = vector.shape_cast %swap3A_111 : vector<16xi32> to vector<16xi32>
      %swap3A_113 = vector.shape_cast %add3A_109 : vector<16xi32> to vector<16xi32>
      tpu.vector_store %arg10[%swap3A_110], %swap3A_113 {strides = array<i32>} : memref<128xi32, #tpu.memory_space<vmem>>, vector<16xi32>,
      %get3A_114 = arith.constant 48 : index
      %get3A_115 = tpu.vector_load %arg8[%get3A_114] {strides = array<i32>} : memref<128xi32, #tpu.memory_space<vmem>>, vector<16xi32>,
      %get3A_116 = vector.shape_cast %get3A_115 : vector<16xi32> to vector<16xi32>
      %mul3A_117 = arith.constant 10000 : i32
      %mul3A_118 = vector.broadcast %mul3A_117 : i32 to vector<16xi32>
      %mul3A_119 = arith.muli %get3A_116, %mul3A_118 : vector<16xi32>
      %get3A_120 = arith.constant 48 : index
      %get3A_121 = tpu.vector_load %arg7[%get3A_120] {strides = array<i32>} : memref<128xi32, #tpu.memory_space<vmem>>, vector<16xi32>,
      %get3A_122 = vector.shape_cast %get3A_121 : vector<16xi32> to vector<16xi32>
      %add3A_123 = arith.addi %mul3A_119, %get3A_122 : vector<16xi32>
      %swap3A_124 = arith.constant 48 : index
      %swap3A_125 = tpu.vector_load %arg10[%swap3A_124] {strides = array<i32>} : memref<128xi32, #tpu.memory_space<vmem>>, vector<16xi32>,
      %swap3A_126 = vector.shape_cast %swap3A_125 : vector<16xi32> to vector<16xi32>
      %swap3A_127 = vector.shape_cast %add3A_123 : vector<16xi32> to vector<16xi32>
      tpu.vector_store %arg10[%swap3A_124], %swap3A_127 {strides = array<i32>} : memref<128xi32, #tpu.memory_space<vmem>>, vector<16xi32>,
      %get3A_128 = arith.constant 64 : index
      %get3A_129 = tpu.vector_load %arg8[%get3A_128] {strides = array<i32>} : memref<128xi32, #tpu.memory_space<vmem>>, vector<16xi32>,
      %get3A_130 = vector.shape_cast %get3A_129 : vector<16xi32> to vector<16xi32>
      %mul3A_131 = arith.constant 10000 : i32
      %mul3A_132 = vector.broadcast %mul3A_131 : i32 to vector<16xi32>
      %mul3A_133 = arith.muli %get3A_130, %mul3A_132 : vector<16xi32>
      %get3A_134 = arith.constant 64 : index
      %get3A_135 = tpu.vector_load %arg7[%get3A_134] {strides = array<i32>} : memref<128xi32, #tpu.memory_space<vmem>>, vector<16xi32>,
      %get3A_136 = vector.shape_cast %get3A_135 : vector<16xi32> to vector<16xi32>
      %add3A_137 = arith.addi %mul3A_133, %get3A_136 : vector<16xi32>
      %swap3A_138 = arith.constant 64 : index
      %swap3A_139 = tpu.vector_load %arg10[%swap3A_138] {strides = array<i32>} : memref<128xi32, #tpu.memory_space<vmem>>, vector<16xi32>,
      %swap3A_140 = vector.shape_cast %swap3A_139 : vector<16xi32> to vector<16xi32>
      %swap3A_141 = vector.shape_cast %add3A_137 : vector<16xi32> to vector<16xi32>
      tpu.vector_store %arg10[%swap3A_138], %swap3A_141 {strides = array<i32>} : memref<128xi32, #tpu.memory_space<vmem>>, vector<16xi32>,
      %get3A_142 = arith.constant 80 : index
      %get3A_143 = tpu.vector_load %arg8[%get3A_142] {strides = array<i32>} : memref<128xi32, #tpu.memory_space<vmem>>, vector<16xi32>,
      %get3A_144 = vector.shape_cast %get3A_143 : vector<16xi32> to vector<16xi32>
      %mul3A_145 = arith.constant 10000 : i32
      %mul3A_146 = vector.broadcast %mul3A_145 : i32 to vector<16xi32>
      %mul3A_147 = arith.muli %get3A_144, %mul3A_146 : vector<16xi32>
      %get3A_148 = arith.constant 80 : index
      %get3A_149 = tpu.vector_load %arg7[%get3A_148] {strides = array<i32>} : memref<128xi32, #tpu.memory_space<vmem>>, vector<16xi32>,
      %get3A_150 = vector.shape_cast %get3A_149 : vector<16xi32> to vector<16xi32>
      %add3A_151 = arith.addi %mul3A_147, %get3A_150 : vector<16xi32>
      %swap3A_152 = arith.constant 80 : index
      %swap3A_153 = tpu.vector_load %arg10[%swap3A_152] {strides = array<i32>} : memref<128xi32, #tpu.memory_space<vmem>>, vector<16xi32>,
      %swap3A_154 = vector.shape_cast %swap3A_153 : vector<16xi32> to vector<16xi32>
      %swap3A_155 = vector.shape_cast %add3A_151 : vector<16xi32> to vector<16xi32>
      tpu.vector_store %arg10[%swap3A_152], %swap3A_155 {strides = array<i32>} : memref<128xi32, #tpu.memory_space<vmem>>, vector<16xi32>,
      %get3A_156 = arith.constant 96 : index
      %get3A_157 = tpu.vector_load %arg8[%get3A_156] {strides = array<i32>} : memref<128xi32, #tpu.memory_space<vmem>>, vector<16xi32>,
      %get3A_158 = vector.shape_cast %get3A_157 : vector<16xi32> to vector<16xi32>
      %mul3A_159 = arith.constant 10000 : i32
      %mul3A_160 = vector.broadcast %mul3A_159 : i32 to vector<16xi32>
      %mul3A_161 = arith.muli %get3A_158, %mul3A_160 : vector<16xi32>
      %get3A_162 = arith.constant 96 : index
      %get3A_163 = tpu.vector_load %arg7[%get3A_162] {strides = array<i32>} : memref<128xi32, #tpu.memory_space<vmem>>, vector<16xi32>,
      %get3A_164 = vector.shape_cast %get3A_163 : vector<16xi32> to vector<16xi32>
      %add3A_165 = arith.addi %mul3A_161, %get3A_164 : vector<16xi32>
      %swap3A_166 = arith.constant 96 : index
      %swap3A_167 = tpu.vector_load %arg10[%swap3A_166] {strides = array<i32>} : memref<128xi32, #tpu.memory_space<vmem>>, vector<16xi32>,
      %swap3A_168 = vector.shape_cast %swap3A_167 : vector<16xi32> to vector<16xi32>
      %swap3A_169 = vector.shape_cast %add3A_165 : vector<16xi32> to vector<16xi32>
      tpu.vector_store %arg10[%swap3A_166], %swap3A_169 {strides = array<i32>} : memref<128xi32, #tpu.memory_space<vmem>>, vector<16xi32>,
      %get3A_170 = arith.constant 112 : index
      %get3A_171 = tpu.vector_load %arg8[%get3A_170] {strides = array<i32>} : memref<128xi32, #tpu.memory_space<vmem>>, vector<16xi32>,
      %get3A_172 = vector.shape_cast %get3A_171 : vector<16xi32> to vector<16xi32>
      %mul3A_173 = arith.constant 10000 : i32
      %mul3A_174 = vector.broadcast %mul3A_173 : i32 to vector<16xi32>
      %mul3A_175 = arith.muli %get3A_172, %mul3A_174 : vector<16xi32>
      %get3A_176 = arith.constant 112 : index
      %get3A_177 = tpu.vector_load %arg7[%get3A_176] {strides = array<i32>} : memref<128xi32, #tpu.memory_space<vmem>>, vector<16xi32>,
      %get3A_178 = vector.shape_cast %get3A_177 : vector<16xi32> to vector<16xi32>
      %add3A_179 = arith.addi %mul3A_175, %get3A_178 : vector<16xi32>
      %swap3A_180 = arith.constant 112 : index
      %swap3A_181 = tpu.vector_load %arg10[%swap3A_180] {strides = array<i32>} : memref<128xi32, #tpu.memory_space<vmem>>, vector<16xi32>,
      %swap3A_182 = vector.shape_cast %swap3A_181 : vector<16xi32> to vector<16xi32>
      %swap3A_183 = vector.shape_cast %add3A_179 : vector<16xi32> to vector<16xi32>
      tpu.vector_store %arg10[%swap3A_180], %swap3A_183 {strides = array<i32>} : memref<128xi32, #tpu.memory_space<vmem>>, vector<16xi32>,
      %dma_start3A = arith.constant 0 : i32
      %dma_start3A_184 = arith.constant 0 : i32
      %dma_start3A_185 = tpu.memref_slice %arg2[%dma_start3A, %dma_start3A_184] : memref<170000x128xf32, #tpu.memory_space<hbm>> -> memref<170000x128xf32, #tpu.memory_space<hbm>>
      tpu.enqueue_indirect_dma source(%dma_start3A_185 : memref<170000x128xf32, #tpu.memory_space<hbm>>) target(%arg15 : memref<128x128xf32, #tpu.memory_space<vmem>>) offsets(%arg10 : memref<128xi32, #tpu.memory_space<vmem>>) semaphore(%arg18 : memref<!tpu.dma_semaphore, #tpu.memory_space<semaphore_mem>>)
      %dma_wait3A = arith.constant 0 : i32
      %dma_wait3A_186 = arith.constant 0 : i32
      %dma_wait3A_187 = tpu.memref_slice %arg2[%dma_wait3A, %dma_wait3A_186] : memref<170000x128xf32, #tpu.memory_space<hbm>> -> memref<170000x128xf32, #tpu.memory_space<hbm>>
      tpu.wait_indirect_dma semaphore(%arg18 : memref<!tpu.dma_semaphore, #tpu.memory_space<semaphore_mem>>) src(%dma_wait3A_187 : memref<170000x128xf32, #tpu.memory_space<hbm>>) dst(%arg15 : memref<128x128xf32, #tpu.memory_space<vmem>>)
      "tpu.region"() ({
        %run_scoped3A = tpu.sem_alloc : memref<!tpu.dma_semaphore, #tpu.memory_space<semaphore_mem>>
        %dma_start3A_188 = arith.constant 0 : i32
        %dma_start3A_189 = arith.constant 0 : i32
        %dma_start3A_190 = tpu.memref_slice %arg17[%dma_start3A_188, %dma_start3A_189] : memref<10240x128xf32, #tpu.memory_space<vmem_shared>> -> memref<10240x128xf32, #tpu.memory_space<vmem_shared>>
        tpu.enqueue_indirect_dma source(%arg15 : memref<128x128xf32, #tpu.memory_space<vmem>>) target(%dma_start3A_190 : memref<10240x128xf32, #tpu.memory_space<vmem_shared>>) offsets(%arg9 : memref<128xi32, #tpu.memory_space<vmem>>) semaphore(%run_scoped3A : memref<!tpu.dma_semaphore, #tpu.memory_space<semaphore_mem>>) {add = true}
        %dma_wait3A_191 = arith.constant 0 : i32
        %dma_wait3A_192 = arith.constant 0 : i32
        %dma_wait3A_193 = tpu.memref_slice %arg17[%dma_wait3A_191, %dma_wait3A_192] : memref<10240x128xf32, #tpu.memory_space<vmem_shared>> -> memref<10240x128xf32, #tpu.memory_space<vmem_shared>>
        tpu.wait_indirect_dma semaphore(%run_scoped3A : memref<!tpu.dma_semaphore, #tpu.memory_space<semaphore_mem>>) src(%arg15 : memref<128x128xf32, #tpu.memory_space<vmem>>) dst(%dma_wait3A_193 : memref<10240x128xf32, #tpu.memory_space<vmem_shared>>)
        tpu.yield
      }) : () -> ()
    }
    %barrier3A_55 = arith.constant 0 : index
    tpu.barrier barrier_id(%barrier3A_55)
    %mul3A_56 = arith.constant 640 : i32
    %mul3A_57 = arith.muli %arg1, %mul3A_56 : i32
    %add3A_58 = arith.constant 0 : i32
    %add3A_59 = arith.addi %mul3A_57, %add3A_58 : i32
    "tpu.region"() ({
      %run_scoped3A = tpu.sem_alloc : memref<!tpu.dma_semaphore, #tpu.memory_space<semaphore_mem>>
      %dma_start3A = arith.constant 0 : i32
      %dma_start3A_68 = tpu.memref_slice %arg17[%add3A_59, %dma_start3A] : memref<10240x128xf32, #tpu.memory_space<vmem_shared>> -> memref<128x128xf32, #tpu.memory_space<vmem_shared>>
      %dma_start3A_69 = arith.constant 0 : i32
      %dma_start3A_70 = tpu.memref_slice %arg17[%add3A_59, %dma_start3A_69] : memref<10240x128xf32, #tpu.memory_space<vmem_shared>> -> memref<128x128xf32, #tpu.memory_space<vmem_shared>>
      tpu.enqueue_dma source(%dma_start3A_70 : memref<128x128xf32, #tpu.memory_space<vmem_shared>>) target(%arg15 : memref<128x128xf32, #tpu.memory_space<vmem>>) target_semaphore(%run_scoped3A : memref<!tpu.dma_semaphore, #tpu.memory_space<semaphore_mem>>)
      %dma_wait3A = arith.constant 0 : i32
      %dma_wait3A_71 = tpu.memref_slice %arg17[%add3A_59, %dma_wait3A] : memref<10240x128xf32, #tpu.memory_space<vmem_shared>> -> memref<128x128xf32, #tpu.memory_space<vmem_shared>>
      %dma_wait3A_72 = arith.constant 0 : i32
      %dma_wait3A_73 = tpu.memref_slice %arg17[%add3A_59, %dma_wait3A_72] : memref<10240x128xf32, #tpu.memory_space<vmem_shared>> -> memref<128x128xf32, #tpu.memory_space<vmem_shared>>
      tpu.wait_dma2 semaphore(%run_scoped3A : memref<!tpu.dma_semaphore, #tpu.memory_space<semaphore_mem>>) src(%dma_wait3A_73 : memref<128x128xf32, #tpu.memory_space<vmem_shared>>) dst(%arg15 : memref<128x128xf32, #tpu.memory_space<vmem>>)
      tpu.yield
    }) : () -> ()
    "tpu.region"() ({
      %run_scoped3A = tpu.sem_alloc : memref<!tpu.dma_semaphore, #tpu.memory_space<semaphore_mem>>
      %dma_start3A = arith.constant 0 : i32
      %dma_start3A_68 = tpu.memref_slice %arg6[%arg0, %add3A_59, %dma_start3A] : memref<2x10240x128xf32, #tpu.memory_space<hbm>> -> memref<1x128x128xf32, #tpu.memory_space<hbm>>
      %dma_start3A_69 = tpu.memref_squeeze %dma_start3A_68 : memref<1x128x128xf32, #tpu.memory_space<hbm>> -> memref<128x128xf32, #tpu.memory_space<hbm>>
      %dma_start3A_70 = arith.constant 0 : i32
      %dma_start3A_71 = tpu.memref_slice %arg6[%arg0, %add3A_59, %dma_start3A_70] : memref<2x10240x128xf32, #tpu.memory_space<hbm>> -> memref<1x128x128xf32, #tpu.memory_space<hbm>>
      %dma_start3A_72 = tpu.memref_squeeze %dma_start3A_71 : memref<1x128x128xf32, #tpu.memory_space<hbm>> -> memref<128x128xf32, #tpu.memory_space<hbm>>
      tpu.enqueue_dma source(%arg15 : memref<128x128xf32, #tpu.memory_space<vmem>>) target(%dma_start3A_72 : memref<128x128xf32, #tpu.memory_space<hbm>>) target_semaphore(%run_scoped3A : memref<!tpu.dma_semaphore, #tpu.memory_space<semaphore_mem>>)
      %dma_wait3A = arith.constant 0 : i32
      %dma_wait3A_73 = tpu.memref_slice %arg6[%arg0, %add3A_59, %dma_wait3A] : memref<2x10240x128xf32, #tpu.memory_space<hbm>> -> memref<1x128x128xf32, #tpu.memory_space<hbm>>
      %dma_wait3A_74 = tpu.memref_squeeze %dma_wait3A_73 : memref<1x128x128xf32, #tpu.memory_space<hbm>> -> memref<128x128xf32, #tpu.memory_space<hbm>>
      %dma_wait3A_75 = arith.constant 0 : i32
      %dma_wait3A_76 = tpu.memref_slice %arg6[%arg0, %add3A_59, %dma_wait3A_75] : memref<2x10240x128xf32, #tpu.memory_space<hbm>> -> memref<1x128x128xf32, #tpu.memory_space<hbm>>
      %dma_wait3A_77 = tpu.memref_squeeze %dma_wait3A_76 : memref<1x128x128xf32, #tpu.memory_space<hbm>> -> memref<128x128xf32, #tpu.memory_space<hbm>>
      tpu.wait_dma2 semaphore(%run_scoped3A : memref<!tpu.dma_semaphore, #tpu.memory_space<semaphore_mem>>) src(%arg15 : memref<128x128xf32, #tpu.memory_space<vmem>>) dst(%dma_wait3A_77 : memref<128x128xf32, #tpu.memory_space<hbm>>)
      tpu.yield
    }) : () -> ()
    %add3A_60 = arith.constant 128 : i32
    %add3A_61 = arith.addi %mul3A_57, %add3A_60 : i32
    "tpu.region"() ({
      %run_scoped3A = tpu.sem_alloc : memref<!tpu.dma_semaphore, #tpu.memory_space<semaphore_mem>>
      %dma_start3A = arith.constant 0 : i32
      %dma_start3A_68 = tpu.memref_slice %arg17[%add3A_61, %dma_start3A] : memref<10240x128xf32, #tpu.memory_space<vmem_shared>> -> memref<128x128xf32, #tpu.memory_space<vmem_shared>>
      %dma_start3A_69 = arith.constant 0 : i32
      %dma_start3A_70 = tpu.memref_slice %arg17[%add3A_61, %dma_start3A_69] : memref<10240x128xf32, #tpu.memory_space<vmem_shared>> -> memref<128x128xf32, #tpu.memory_space<vmem_shared>>
      tpu.enqueue_dma source(%dma_start3A_70 : memref<128x128xf32, #tpu.memory_space<vmem_shared>>) target(%arg15 : memref<128x128xf32, #tpu.memory_space<vmem>>) target_semaphore(%run_scoped3A : memref<!tpu.dma_semaphore, #tpu.memory_space<semaphore_mem>>)
      %dma_wait3A = arith.constant 0 : i32
      %dma_wait3A_71 = tpu.memref_slice %arg17[%add3A_61, %dma_wait3A] : memref<10240x128xf32, #tpu.memory_space<vmem_shared>> -> memref<128x128xf32, #tpu.memory_space<vmem_shared>>
      %dma_wait3A_72 = arith.constant 0 : i32
      %dma_wait3A_73 = tpu.memref_slice %arg17[%add3A_61, %dma_wait3A_72] : memref<10240x128xf32, #tpu.memory_space<vmem_shared>> -> memref<128x128xf32, #tpu.memory_space<vmem_shared>>
      tpu.wait_dma2 semaphore(%run_scoped3A : memref<!tpu.dma_semaphore, #tpu.memory_space<semaphore_mem>>) src(%dma_wait3A_73 : memref<128x128xf32, #tpu.memory_space<vmem_shared>>) dst(%arg15 : memref<128x128xf32, #tpu.memory_space<vmem>>)
      tpu.yield
    }) : () -> ()
    "tpu.region"() ({
      %run_scoped3A = tpu.sem_alloc : memref<!tpu.dma_semaphore, #tpu.memory_space<semaphore_mem>>
      %dma_start3A = arith.constant 0 : i32
      %dma_start3A_68 = tpu.memref_slice %arg6[%arg0, %add3A_61, %dma_start3A] : memref<2x10240x128xf32, #tpu.memory_space<hbm>> -> memref<1x128x128xf32, #tpu.memory_space<hbm>>
      %dma_start3A_69 = tpu.memref_squeeze %dma_start3A_68 : memref<1x128x128xf32, #tpu.memory_space<hbm>> -> memref<128x128xf32, #tpu.memory_space<hbm>>
      %dma_start3A_70 = arith.constant 0 : i32
      %dma_start3A_71 = tpu.memref_slice %arg6[%arg0, %add3A_61, %dma_start3A_70] : memref<2x10240x128xf32, #tpu.memory_space<hbm>> -> memref<1x128x128xf32, #tpu.memory_space<hbm>>
      %dma_start3A_72 = tpu.memref_squeeze %dma_start3A_71 : memref<1x128x128xf32, #tpu.memory_space<hbm>> -> memref<128x128xf32, #tpu.memory_space<hbm>>
      tpu.enqueue_dma source(%arg15 : memref<128x128xf32, #tpu.memory_space<vmem>>) target(%dma_start3A_72 : memref<128x128xf32, #tpu.memory_space<hbm>>) target_semaphore(%run_scoped3A : memref<!tpu.dma_semaphore, #tpu.memory_space<semaphore_mem>>)
      %dma_wait3A = arith.constant 0 : i32
      %dma_wait3A_73 = tpu.memref_slice %arg6[%arg0, %add3A_61, %dma_wait3A] : memref<2x10240x128xf32, #tpu.memory_space<hbm>> -> memref<1x128x128xf32, #tpu.memory_space<hbm>>
      %dma_wait3A_74 = tpu.memref_squeeze %dma_wait3A_73 : memref<1x128x128xf32, #tpu.memory_space<hbm>> -> memref<128x128xf32, #tpu.memory_space<hbm>>
      %dma_wait3A_75 = arith.constant 0 : i32
      %dma_wait3A_76 = tpu.memref_slice %arg6[%arg0, %add3A_61, %dma_wait3A_75] : memref<2x10240x128xf32, #tpu.memory_space<hbm>> -> memref<1x128x128xf32, #tpu.memory_space<hbm>>
      %dma_wait3A_77 = tpu.memref_squeeze %dma_wait3A_76 : memref<1x128x128xf32, #tpu.memory_space<hbm>> -> memref<128x128xf32, #tpu.memory_space<hbm>>
      tpu.wait_dma2 semaphore(%run_scoped3A : memref<!tpu.dma_semaphore, #tpu.memory_space<semaphore_mem>>) src(%arg15 : memref<128x128xf32, #tpu.memory_space<vmem>>) dst(%dma_wait3A_77 : memref<128x128xf32, #tpu.memory_space<hbm>>)
      tpu.yield
    }) : () -> ()
    %add3A_62 = arith.constant 256 : i32
    %add3A_63 = arith.addi %mul3A_57, %add3A_62 : i32
    "tpu.region"() ({
      %run_scoped3A = tpu.sem_alloc : memref<!tpu.dma_semaphore, #tpu.memory_space<semaphore_mem>>
      %dma_start3A = arith.constant 0 : i32
      %dma_start3A_68 = tpu.memref_slice %arg17[%add3A_63, %dma_start3A] : memref<10240x128xf32, #tpu.memory_space<vmem_shared>> -> memref<128x128xf32, #tpu.memory_space<vmem_shared>>
      %dma_start3A_69 = arith.constant 0 : i32
      %dma_start3A_70 = tpu.memref_slice %arg17[%add3A_63, %dma_start3A_69] : memref<10240x128xf32, #tpu.memory_space<vmem_shared>> -> memref<128x128xf32, #tpu.memory_space<vmem_shared>>
      tpu.enqueue_dma source(%dma_start3A_70 : memref<128x128xf32, #tpu.memory_space<vmem_shared>>) target(%arg15 : memref<128x128xf32, #tpu.memory_space<vmem>>) target_semaphore(%run_scoped3A : memref<!tpu.dma_semaphore, #tpu.memory_space<semaphore_mem>>)
      %dma_wait3A = arith.constant 0 : i32
      %dma_wait3A_71 = tpu.memref_slice %arg17[%add3A_63, %dma_wait3A] : memref<10240x128xf32, #tpu.memory_space<vmem_shared>> -> memref<128x128xf32, #tpu.memory_space<vmem_shared>>
      %dma_wait3A_72 = arith.constant 0 : i32
      %dma_wait3A_73 = tpu.memref_slice %arg17[%add3A_63, %dma_wait3A_72] : memref<10240x128xf32, #tpu.memory_space<vmem_shared>> -> memref<128x128xf32, #tpu.memory_space<vmem_shared>>
      tpu.wait_dma2 semaphore(%run_scoped3A : memref<!tpu.dma_semaphore, #tpu.memory_space<semaphore_mem>>) src(%dma_wait3A_73 : memref<128x128xf32, #tpu.memory_space<vmem_shared>>) dst(%arg15 : memref<128x128xf32, #tpu.memory_space<vmem>>)
      tpu.yield
    }) : () -> ()
    "tpu.region"() ({
      %run_scoped3A = tpu.sem_alloc : memref<!tpu.dma_semaphore, #tpu.memory_space<semaphore_mem>>
      %dma_start3A = arith.constant 0 : i32
      %dma_start3A_68 = tpu.memref_slice %arg6[%arg0, %add3A_63, %dma_start3A] : memref<2x10240x128xf32, #tpu.memory_space<hbm>> -> memref<1x128x128xf32, #tpu.memory_space<hbm>>
      %dma_start3A_69 = tpu.memref_squeeze %dma_start3A_68 : memref<1x128x128xf32, #tpu.memory_space<hbm>> -> memref<128x128xf32, #tpu.memory_space<hbm>>
      %dma_start3A_70 = arith.constant 0 : i32
      %dma_start3A_71 = tpu.memref_slice %arg6[%arg0, %add3A_63, %dma_start3A_70] : memref<2x10240x128xf32, #tpu.memory_space<hbm>> -> memref<1x128x128xf32, #tpu.memory_space<hbm>>
      %dma_start3A_72 = tpu.memref_squeeze %dma_start3A_71 : memref<1x128x128xf32, #tpu.memory_space<hbm>> -> memref<128x128xf32, #tpu.memory_space<hbm>>
      tpu.enqueue_dma source(%arg15 : memref<128x128xf32, #tpu.memory_space<vmem>>) target(%dma_start3A_72 : memref<128x128xf32, #tpu.memory_space<hbm>>) target_semaphore(%run_scoped3A : memref<!tpu.dma_semaphore, #tpu.memory_space<semaphore_mem>>)
      %dma_wait3A = arith.constant 0 : i32
      %dma_wait3A_73 = tpu.memref_slice %arg6[%arg0, %add3A_63, %dma_wait3A] : memref<2x10240x128xf32, #tpu.memory_space<hbm>> -> memref<1x128x128xf32, #tpu.memory_space<hbm>>
      %dma_wait3A_74 = tpu.memref_squeeze %dma_wait3A_73 : memref<1x128x128xf32, #tpu.memory_space<hbm>> -> memref<128x128xf32, #tpu.memory_space<hbm>>
      %dma_wait3A_75 = arith.constant 0 : i32
      %dma_wait3A_76 = tpu.memref_slice %arg6[%arg0, %add3A_63, %dma_wait3A_75] : memref<2x10240x128xf32, #tpu.memory_space<hbm>> -> memref<1x128x128xf32, #tpu.memory_space<hbm>>
      %dma_wait3A_77 = tpu.memref_squeeze %dma_wait3A_76 : memref<1x128x128xf32, #tpu.memory_space<hbm>> -> memref<128x128xf32, #tpu.memory_space<hbm>>
      tpu.wait_dma2 semaphore(%run_scoped3A : memref<!tpu.dma_semaphore, #tpu.memory_space<semaphore_mem>>) src(%arg15 : memref<128x128xf32, #tpu.memory_space<vmem>>) dst(%dma_wait3A_77 : memref<128x128xf32, #tpu.memory_space<hbm>>)
      tpu.yield
    }) : () -> ()
    %add3A_64 = arith.constant 384 : i32
    %add3A_65 = arith.addi %mul3A_57, %add3A_64 : i32
    "tpu.region"() ({
      %run_scoped3A = tpu.sem_alloc : memref<!tpu.dma_semaphore, #tpu.memory_space<semaphore_mem>>
      %dma_start3A = arith.constant 0 : i32
      %dma_start3A_68 = tpu.memref_slice %arg17[%add3A_65, %dma_start3A] : memref<10240x128xf32, #tpu.memory_space<vmem_shared>> -> memref<128x128xf32, #tpu.memory_space<vmem_shared>>
      %dma_start3A_69 = arith.constant 0 : i32
      %dma_start3A_70 = tpu.memref_slice %arg17[%add3A_65, %dma_start3A_69] : memref<10240x128xf32, #tpu.memory_space<vmem_shared>> -> memref<128x128xf32, #tpu.memory_space<vmem_shared>>
      tpu.enqueue_dma source(%dma_start3A_70 : memref<128x128xf32, #tpu.memory_space<vmem_shared>>) target(%arg15 : memref<128x128xf32, #tpu.memory_space<vmem>>) target_semaphore(%run_scoped3A : memref<!tpu.dma_semaphore, #tpu.memory_space<semaphore_mem>>)
      %dma_wait3A = arith.constant 0 : i32
      %dma_wait3A_71 = tpu.memref_slice %arg17[%add3A_65, %dma_wait3A] : memref<10240x128xf32, #tpu.memory_space<vmem_shared>> -> memref<128x128xf32, #tpu.memory_space<vmem_shared>>
      %dma_wait3A_72 = arith.constant 0 : i32
      %dma_wait3A_73 = tpu.memref_slice %arg17[%add3A_65, %dma_wait3A_72] : memref<10240x128xf32, #tpu.memory_space<vmem_shared>> -> memref<128x128xf32, #tpu.memory_space<vmem_shared>>
      tpu.wait_dma2 semaphore(%run_scoped3A : memref<!tpu.dma_semaphore, #tpu.memory_space<semaphore_mem>>) src(%dma_wait3A_73 : memref<128x128xf32, #tpu.memory_space<vmem_shared>>) dst(%arg15 : memref<128x128xf32, #tpu.memory_space<vmem>>)
      tpu.yield
    }) : () -> ()
    "tpu.region"() ({
      %run_scoped3A = tpu.sem_alloc : memref<!tpu.dma_semaphore, #tpu.memory_space<semaphore_mem>>
      %dma_start3A = arith.constant 0 : i32
      %dma_start3A_68 = tpu.memref_slice %arg6[%arg0, %add3A_65, %dma_start3A] : memref<2x10240x128xf32, #tpu.memory_space<hbm>> -> memref<1x128x128xf32, #tpu.memory_space<hbm>>
      %dma_start3A_69 = tpu.memref_squeeze %dma_start3A_68 : memref<1x128x128xf32, #tpu.memory_space<hbm>> -> memref<128x128xf32, #tpu.memory_space<hbm>>
      %dma_start3A_70 = arith.constant 0 : i32
      %dma_start3A_71 = tpu.memref_slice %arg6[%arg0, %add3A_65, %dma_start3A_70] : memref<2x10240x128xf32, #tpu.memory_space<hbm>> -> memref<1x128x128xf32, #tpu.memory_space<hbm>>
      %dma_start3A_72 = tpu.memref_squeeze %dma_start3A_71 : memref<1x128x128xf32, #tpu.memory_space<hbm>> -> memref<128x128xf32, #tpu.memory_space<hbm>>
      tpu.enqueue_dma source(%arg15 : memref<128x128xf32, #tpu.memory_space<vmem>>) target(%dma_start3A_72 : memref<128x128xf32, #tpu.memory_space<hbm>>) target_semaphore(%run_scoped3A : memref<!tpu.dma_semaphore, #tpu.memory_space<semaphore_mem>>)
      %dma_wait3A = arith.constant 0 : i32
      %dma_wait3A_73 = tpu.memref_slice %arg6[%arg0, %add3A_65, %dma_wait3A] : memref<2x10240x128xf32, #tpu.memory_space<hbm>> -> memref<1x128x128xf32, #tpu.memory_space<hbm>>
      %dma_wait3A_74 = tpu.memref_squeeze %dma_wait3A_73 : memref<1x128x128xf32, #tpu.memory_space<hbm>> -> memref<128x128xf32, #tpu.memory_space<hbm>>
      %dma_wait3A_75 = arith.constant 0 : i32
      %dma_wait3A_76 = tpu.memref_slice %arg6[%arg0, %add3A_65, %dma_wait3A_75] : memref<2x10240x128xf32, #tpu.memory_space<hbm>> -> memref<1x128x128xf32, #tpu.memory_space<hbm>>
      %dma_wait3A_77 = tpu.memref_squeeze %dma_wait3A_76 : memref<1x128x128xf32, #tpu.memory_space<hbm>> -> memref<128x128xf32, #tpu.memory_space<hbm>>
      tpu.wait_dma2 semaphore(%run_scoped3A : memref<!tpu.dma_semaphore, #tpu.memory_space<semaphore_mem>>) src(%arg15 : memref<128x128xf32, #tpu.memory_space<vmem>>) dst(%dma_wait3A_77 : memref<128x128xf32, #tpu.memory_space<hbm>>)
      tpu.yield
    }) : () -> ()
    %add3A_66 = arith.constant 512 : i32
    %add3A_67 = arith.addi %mul3A_57, %add3A_66 : i32
    "tpu.region"() ({
      %run_scoped3A = tpu.sem_alloc : memref<!tpu.dma_semaphore, #tpu.memory_space<semaphore_mem>>
      %dma_start3A = arith.constant 0 : i32
      %dma_start3A_68 = tpu.memref_slice %arg17[%add3A_67, %dma_start3A] : memref<10240x128xf32, #tpu.memory_space<vmem_shared>> -> memref<128x128xf32, #tpu.memory_space<vmem_shared>>
      %dma_start3A_69 = arith.constant 0 : i32
      %dma_start3A_70 = tpu.memref_slice %arg17[%add3A_67, %dma_start3A_69] : memref<10240x128xf32, #tpu.memory_space<vmem_shared>> -> memref<128x128xf32, #tpu.memory_space<vmem_shared>>
      tpu.enqueue_dma source(%dma_start3A_70 : memref<128x128xf32, #tpu.memory_space<vmem_shared>>) target(%arg15 : memref<128x128xf32, #tpu.memory_space<vmem>>) target_semaphore(%run_scoped3A : memref<!tpu.dma_semaphore, #tpu.memory_space<semaphore_mem>>)
      %dma_wait3A = arith.constant 0 : i32
      %dma_wait3A_71 = tpu.memref_slice %arg17[%add3A_67, %dma_wait3A] : memref<10240x128xf32, #tpu.memory_space<vmem_shared>> -> memref<128x128xf32, #tpu.memory_space<vmem_shared>>
      %dma_wait3A_72 = arith.constant 0 : i32
      %dma_wait3A_73 = tpu.memref_slice %arg17[%add3A_67, %dma_wait3A_72] : memref<10240x128xf32, #tpu.memory_space<vmem_shared>> -> memref<128x128xf32, #tpu.memory_space<vmem_shared>>
      tpu.wait_dma2 semaphore(%run_scoped3A : memref<!tpu.dma_semaphore, #tpu.memory_space<semaphore_mem>>) src(%dma_wait3A_73 : memref<128x128xf32, #tpu.memory_space<vmem_shared>>) dst(%arg15 : memref<128x128xf32, #tpu.memory_space<vmem>>)
      tpu.yield
    }) : () -> ()
    "tpu.region"() ({
      %run_scoped3A = tpu.sem_alloc : memref<!tpu.dma_semaphore, #tpu.memory_space<semaphore_mem>>
      %dma_start3A = arith.constant 0 : i32
      %dma_start3A_68 = tpu.memref_slice %arg6[%arg0, %add3A_67, %dma_start3A] : memref<2x10240x128xf32, #tpu.memory_space<hbm>> -> memref<1x128x128xf32, #tpu.memory_space<hbm>>
      %dma_start3A_69 = tpu.memref_squeeze %dma_start3A_68 : memref<1x128x128xf32, #tpu.memory_space<hbm>> -> memref<128x128xf32, #tpu.memory_space<hbm>>
      %dma_start3A_70 = arith.constant 0 : i32
      %dma_start3A_71 = tpu.memref_slice %arg6[%arg0, %add3A_67, %dma_start3A_70] : memref<2x10240x128xf32, #tpu.memory_space<hbm>> -> memref<1x128x128xf32, #tpu.memory_space<hbm>>
      %dma_start3A_72 = tpu.memref_squeeze %dma_start3A_71 : memref<1x128x128xf32, #tpu.memory_space<hbm>> -> memref<128x128xf32, #tpu.memory_space<hbm>>
      tpu.enqueue_dma source(%arg15 : memref<128x128xf32, #tpu.memory_space<vmem>>) target(%dma_start3A_72 : memref<128x128xf32, #tpu.memory_space<hbm>>) target_semaphore(%run_scoped3A : memref<!tpu.dma_semaphore, #tpu.memory_space<semaphore_mem>>)
      %dma_wait3A = arith.constant 0 : i32
      %dma_wait3A_73 = tpu.memref_slice %arg6[%arg0, %add3A_67, %dma_wait3A] : memref<2x10240x128xf32, #tpu.memory_space<hbm>> -> memref<1x128x128xf32, #tpu.memory_space<hbm>>
      %dma_wait3A_74 = tpu.memref_squeeze %dma_wait3A_73 : memref<1x128x128xf32, #tpu.memory_space<hbm>> -> memref<128x128xf32, #tpu.memory_space<hbm>>
      %dma_wait3A_75 = arith.constant 0 : i32
      %dma_wait3A_76 = tpu.memref_slice %arg6[%arg0, %add3A_67, %dma_wait3A_75] : memref<2x10240x128xf32, #tpu.memory_space<hbm>> -> memref<1x128x128xf32, #tpu.memory_space<hbm>>
      %dma_wait3A_77 = tpu.memref_squeeze %dma_wait3A_76 : memref<1x128x128xf32, #tpu.memory_space<hbm>> -> memref<128x128xf32, #tpu.memory_space<hbm>>
      tpu.wait_dma2 semaphore(%run_scoped3A : memref<!tpu.dma_semaphore, #tpu.memory_space<semaphore_mem>>) src(%arg15 : memref<128x128xf32, #tpu.memory_space<vmem>>) dst(%dma_wait3A_77 : memref<128x128xf32, #tpu.memory_space<hbm>>)
      tpu.yield
    }) : () -> ()
    return
  }
}

module attributes {stable_mosaic.version = 14 : i64} {
  func.func @_matmul_body(%arg0: i32, %arg1: i32, %arg2: memref<1000x128xf32, #tpu.memory_space<vmem>>, %arg3: memref<1x128x128xf32, #tpu.memory_space<vmem>>, %arg4: memref<1x1000x128xf32, #tpu.memory_space<vmem>>) attributes {dimension_semantics = [#tpu.dimension_semantics<arbitrary>, #tpu.dimension_semantics<arbitrary>], iteration_bounds = array<i64: 10, 17>, scalar_prefetch = 0 : i64, scratch_operands = 0 : i64, tpu.core_type = #tpu.core_type<tc>, window_params = [{transform_indices = @transform_0, window_bounds = array<i64: 1000, 128>}, {transform_indices = @transform_1, window_bounds = array<i64: 1, 128, 128>}, {transform_indices = @transform_2, window_bounds = array<i64: 1, 1000, 128>}]} {
    %get3A = arith.constant 0 : index
    %get3A_0 = arith.constant 0 : index
    %get3A_1 = vector.load %arg2[%get3A, %get3A_0] : memref<1000x128xf32, #tpu.memory_space<vmem>>, vector<1000x128xf32>
    %get3A_2 = arith.constant 0 : index
    %get3A_3 = arith.constant 0 : index
    %get3A_4 = arith.constant 0 : index
    %get3A_5 = vector.load %arg3[%get3A_2, %get3A_3, %get3A_4] : memref<1x128x128xf32, #tpu.memory_space<vmem>>, vector<1x128x128xf32>
    %get3A_6 = vector.shape_cast %get3A_5 : vector<1x128x128xf32> to vector<128x128xf32>
    %dot_general3A = arith.constant dense<0.000000e+00> : vector<1000x128xf32>
    %dot_general3A_7 = tpu.matmul %get3A_1, %get3A_6, %dot_general3A {dimension_numbers = #tpu.dot_dimension_numbers<[1], [0], [0], [1], [0, 0, 1, 1], [], []>, transpose_lhs_hint = false} : vector<1000x128xf32>, vector<128x128xf32>, vector<1000x128xf32> -> vector<1000x128xf32>
    %swap3A = arith.constant 0 : index
    %swap3A_8 = arith.constant 0 : index
    %swap3A_9 = arith.constant 0 : index
    %swap3A_10 = vector.load %arg4[%swap3A, %swap3A_8, %swap3A_9] : memref<1x1000x128xf32, #tpu.memory_space<vmem>>, vector<1x1000x128xf32>
    %swap3A_11 = vector.shape_cast %swap3A_10 : vector<1x1000x128xf32> to vector<1000x128xf32>
    %swap3A_12 = vector.shape_cast %dot_general3A_7 : vector<1000x128xf32> to vector<1x1000x128xf32>
    tpu.vector_store %arg4[%swap3A, %swap3A_8, %swap3A_9], %swap3A_12 {strides = array<i32>} : memref<1x1000x128xf32, #tpu.memory_space<vmem>>, vector<1x1000x128xf32>,
    return
  }
  func.func @transform_0(%arg0: i32, %arg1: i32) -> (i32, i32) {
    %c0_i32 = arith.constant 0 : i32
    %c0_i32_0 = arith.constant 0 : i32
    return %arg0, %c0_i32 : i32, i32
  }
  func.func @transform_1(%arg0: i32, %arg1: i32) -> (i32, i32, i32) {
    %c0_i32 = arith.constant 0 : i32
    %c0_i32_0 = arith.constant 0 : i32
    %c0_i32_1 = arith.constant 0 : i32
    return %arg1, %c0_i32, %c0_i32_0 : i32, i32, i32
  }
  func.func @transform_2(%arg0: i32, %arg1: i32) -> (i32, i32, i32) {
    %c0_i32 = arith.constant 0 : i32
    %c0_i32_0 = arith.constant 0 : i32
    return %arg1, %arg0, %c0_i32 : i32, i32, i32
  }
}

module attributes {stable_mosaic.version = 14 : i64} {
  func.func @_combine_body(%arg0: i32, %arg1: memref<2x1000x128xf32, #tpu.memory_space<vmem>>, %arg2: memref<2x1000x128xf32, #tpu.memory_space<vmem>>, %arg3: memref<1x1000x128xf32, #tpu.memory_space<vmem>>, %arg4: memref<1000x128xf32, #tpu.memory_space<vmem>>) attributes {dimension_semantics = [#tpu.dimension_semantics<arbitrary>], iteration_bounds = array<i64: 10>, scalar_prefetch = 0 : i64, scratch_operands = 0 : i64, tpu.core_type = #tpu.core_type<tc>, window_params = [{transform_indices = @transform_0, window_bounds = array<i64: 2, 1000, 128>}, {transform_indices = @transform_1, window_bounds = array<i64: 2, 1000, 128>}, {transform_indices = @transform_2, window_bounds = array<i64: 1, 1000, 128>}, {transform_indices = @transform_3, window_bounds = array<i64: 1000, 128>}]} {
    %get3A = arith.constant 0 : index
    %get3A_0 = arith.constant 0 : index
    %get3A_1 = arith.constant 0 : index
    %get3A_2 = vector.load %arg2[%get3A, %get3A_0, %get3A_1] : memref<2x1000x128xf32, #tpu.memory_space<vmem>>, vector<1x1000x1xf32>
    %get3A_3 = vector.shape_cast %get3A_2 : vector<1x1000x1xf32> to vector<1000x1xf32>
    %get3A_4 = arith.constant 1 : index
    %get3A_5 = arith.constant 0 : index
    %get3A_6 = arith.constant 0 : index
    %get3A_7 = vector.load %arg2[%get3A_4, %get3A_5, %get3A_6] : memref<2x1000x128xf32, #tpu.memory_space<vmem>>, vector<1x1000x1xf32>
    %get3A_8 = vector.shape_cast %get3A_7 : vector<1x1000x1xf32> to vector<1000x1xf32>
    %add3A = arith.addf %get3A_3, %get3A_8 : vector<1000x1xf32>
    %max3A = arith.constant 1.000000e+00 : f32
    %max3A_9 = vector.broadcast %max3A : f32 to vector<1000x1xf32>
    %max3A_10 = arith.maximumf %add3A, %max3A_9 : vector<1000x1xf32>
    %get3A_11 = arith.constant 0 : index
    %get3A_12 = arith.constant 0 : index
    %get3A_13 = arith.constant 0 : index
    %get3A_14 = vector.load %arg1[%get3A_11, %get3A_12, %get3A_13] : memref<2x1000x128xf32, #tpu.memory_space<vmem>>, vector<1x1000x128xf32>
    %get3A_15 = vector.shape_cast %get3A_14 : vector<1x1000x128xf32> to vector<1000x128xf32>
    %get3A_16 = arith.constant 1 : index
    %get3A_17 = arith.constant 0 : index
    %get3A_18 = arith.constant 0 : index
    %get3A_19 = vector.load %arg1[%get3A_16, %get3A_17, %get3A_18] : memref<2x1000x128xf32, #tpu.memory_space<vmem>>, vector<1x1000x128xf32>
    %get3A_20 = vector.shape_cast %get3A_19 : vector<1x1000x128xf32> to vector<1000x128xf32>
    %add3A_21 = arith.addf %get3A_15, %get3A_20 : vector<1000x128xf32>
    %div3A = vector.broadcast %max3A_10 : vector<1000x1xf32> to vector<1000x128xf32>
    %div3A_22 = arith.divf %add3A_21, %div3A : vector<1000x128xf32>
    %get3A_23 = arith.constant 0 : index
    %get3A_24 = arith.constant 0 : index
    %get3A_25 = arith.constant 0 : index
    %get3A_26 = vector.load %arg3[%get3A_23, %get3A_24, %get3A_25] : memref<1x1000x128xf32, #tpu.memory_space<vmem>>, vector<1x1000x128xf32>
    %get3A_27 = vector.shape_cast %get3A_26 : vector<1x1000x128xf32> to vector<1000x128xf32>
    %add3A_28 = arith.addf %div3A_22, %get3A_27 : vector<1000x128xf32>
    %max3A_29 = arith.constant 0.000000e+00 : f32
    %max3A_30 = vector.broadcast %max3A_29 : f32 to vector<1000x128xf32>
    %max3A_31 = arith.maximumf %add3A_28, %max3A_30 : vector<1000x128xf32>
    %swap3A = arith.constant 0 : index
    %swap3A_32 = arith.constant 0 : index
    %swap3A_33 = vector.load %arg4[%swap3A, %swap3A_32] : memref<1000x128xf32, #tpu.memory_space<vmem>>, vector<1000x128xf32>
    tpu.vector_store %arg4[%swap3A, %swap3A_32], %max3A_31 {strides = array<i32>} : memref<1000x128xf32, #tpu.memory_space<vmem>>, vector<1000x128xf32>,
    return
  }
  func.func @transform_0(%arg0: i32) -> (i32, i32, i32) {
    %c0_i32 = arith.constant 0 : i32
    %c0_i32_0 = arith.constant 0 : i32
    %c0_i32_1 = arith.constant 0 : i32
    return %c0_i32, %arg0, %c0_i32_0 : i32, i32, i32
  }
  func.func @transform_1(%arg0: i32) -> (i32, i32, i32) {
    %c0_i32 = arith.constant 0 : i32
    %c0_i32_0 = arith.constant 0 : i32
    %c0_i32_1 = arith.constant 0 : i32
    return %c0_i32, %arg0, %c0_i32_0 : i32, i32, i32
  }
  func.func @transform_2(%arg0: i32) -> (i32, i32, i32) {
    %c16_i32 = arith.constant 16 : i32
    %c0_i32 = arith.constant 0 : i32
    %c0_i32_0 = arith.constant 0 : i32
    return %c16_i32, %arg0, %c0_i32 : i32, i32, i32
  }
  func.func @transform_3(%arg0: i32) -> (i32, i32) {
    %c0_i32 = arith.constant 0 : i32
    %c0_i32_0 = arith.constant 0 : i32
    return %arg0, %c0_i32 : i32, i32
  }
}

module attributes {stable_mosaic.version = 14 : i64} {
  func.func @_combine_body(%arg0: i32, %arg1: memref<2x1000x128xf32, #tpu.memory_space<vmem>>, %arg2: memref<2x1000x128xf32, #tpu.memory_space<vmem>>, %arg3: memref<1x1000x128xf32, #tpu.memory_space<vmem>>, %arg4: memref<1000x128xf32, #tpu.memory_space<vmem>>) attributes {dimension_semantics = [#tpu.dimension_semantics<arbitrary>], iteration_bounds = array<i64: 10>, scalar_prefetch = 0 : i64, scratch_operands = 0 : i64, tpu.core_type = #tpu.core_type<tc>, window_params = [{transform_indices = @transform_0, window_bounds = array<i64: 2, 1000, 128>}, {transform_indices = @transform_1, window_bounds = array<i64: 2, 1000, 128>}, {transform_indices = @transform_2, window_bounds = array<i64: 1, 1000, 128>}, {transform_indices = @transform_3, window_bounds = array<i64: 1000, 128>}]} {
    %get3A = arith.constant 0 : index
    %get3A_0 = arith.constant 0 : index
    %get3A_1 = arith.constant 0 : index
    %get3A_2 = vector.load %arg2[%get3A, %get3A_0, %get3A_1] : memref<2x1000x128xf32, #tpu.memory_space<vmem>>, vector<1x1000x1xf32>
    %get3A_3 = vector.shape_cast %get3A_2 : vector<1x1000x1xf32> to vector<1000x1xf32>
    %get3A_4 = arith.constant 1 : index
    %get3A_5 = arith.constant 0 : index
    %get3A_6 = arith.constant 0 : index
    %get3A_7 = vector.load %arg2[%get3A_4, %get3A_5, %get3A_6] : memref<2x1000x128xf32, #tpu.memory_space<vmem>>, vector<1x1000x1xf32>
    %get3A_8 = vector.shape_cast %get3A_7 : vector<1x1000x1xf32> to vector<1000x1xf32>
    %add3A = arith.addf %get3A_3, %get3A_8 : vector<1000x1xf32>
    %max3A = arith.constant 1.000000e+00 : f32
    %max3A_9 = vector.broadcast %max3A : f32 to vector<1000x1xf32>
    %max3A_10 = arith.maximumf %add3A, %max3A_9 : vector<1000x1xf32>
    %get3A_11 = arith.constant 0 : index
    %get3A_12 = arith.constant 0 : index
    %get3A_13 = arith.constant 0 : index
    %get3A_14 = vector.load %arg1[%get3A_11, %get3A_12, %get3A_13] : memref<2x1000x128xf32, #tpu.memory_space<vmem>>, vector<1x1000x128xf32>
    %get3A_15 = vector.shape_cast %get3A_14 : vector<1x1000x128xf32> to vector<1000x128xf32>
    %get3A_16 = arith.constant 1 : index
    %get3A_17 = arith.constant 0 : index
    %get3A_18 = arith.constant 0 : index
    %get3A_19 = vector.load %arg1[%get3A_16, %get3A_17, %get3A_18] : memref<2x1000x128xf32, #tpu.memory_space<vmem>>, vector<1x1000x128xf32>
    %get3A_20 = vector.shape_cast %get3A_19 : vector<1x1000x128xf32> to vector<1000x128xf32>
    %add3A_21 = arith.addf %get3A_15, %get3A_20 : vector<1000x128xf32>
    %div3A = vector.broadcast %max3A_10 : vector<1000x1xf32> to vector<1000x128xf32>
    %div3A_22 = arith.divf %add3A_21, %div3A : vector<1000x128xf32>
    %get3A_23 = arith.constant 0 : index
    %get3A_24 = arith.constant 0 : index
    %get3A_25 = arith.constant 0 : index
    %get3A_26 = vector.load %arg3[%get3A_23, %get3A_24, %get3A_25] : memref<1x1000x128xf32, #tpu.memory_space<vmem>>, vector<1x1000x128xf32>
    %get3A_27 = vector.shape_cast %get3A_26 : vector<1x1000x128xf32> to vector<1000x128xf32>
    %add3A_28 = arith.addf %div3A_22, %get3A_27 : vector<1000x128xf32>
    %max3A_29 = arith.constant 0.000000e+00 : f32
    %max3A_30 = vector.broadcast %max3A_29 : f32 to vector<1000x128xf32>
    %max3A_31 = arith.maximumf %add3A_28, %max3A_30 : vector<1000x128xf32>
    %swap3A = arith.constant 0 : index
    %swap3A_32 = arith.constant 0 : index
    %swap3A_33 = vector.load %arg4[%swap3A, %swap3A_32] : memref<1000x128xf32, #tpu.memory_space<vmem>>, vector<1000x128xf32>
    tpu.vector_store %arg4[%swap3A, %swap3A_32], %max3A_31 {strides = array<i32>} : memref<1000x128xf32, #tpu.memory_space<vmem>>, vector<1000x128xf32>,
    return
  }
  func.func @transform_0(%arg0: i32) -> (i32, i32, i32) {
    %c0_i32 = arith.constant 0 : i32
    %c0_i32_0 = arith.constant 0 : i32
    %c0_i32_1 = arith.constant 0 : i32
    return %c0_i32, %arg0, %c0_i32_0 : i32, i32, i32
  }
  func.func @transform_1(%arg0: i32) -> (i32, i32, i32) {
    %c0_i32 = arith.constant 0 : i32
    %c0_i32_0 = arith.constant 0 : i32
    %c0_i32_1 = arith.constant 0 : i32
    return %c0_i32, %arg0, %c0_i32_0 : i32, i32, i32
  }
  func.func @transform_2(%arg0: i32) -> (i32, i32, i32) {
    %c16_i32 = arith.constant 16 : i32
    %c0_i32 = arith.constant 0 : i32
    %c0_i32_0 = arith.constant 0 : i32
    return %c16_i32, %arg0, %c0_i32 : i32, i32, i32
  }
  func.func @transform_3(%arg0: i32) -> (i32, i32) {
    %c0_i32 = arith.constant 0 : i32
    %c0_i32_0 = arith.constant 0 : i32
    return %arg0, %c0_i32 : i32, i32
  }
}

</mosaic_0001>

<sc_bundles>
// kernel: kernel.12.cloned.1.call-start
scs
__scs_entry_jumppad:
0x0: {  	(pc) =	sbr.rel $0x88, $3  }
0x1: {  	(tag) =	ssettag $0x0;
	lr =	simm.s32 $0x1  }
0x2: {  	[smem:$0x3F9C] =	sst lr;
	_ =	strace $0xD0000000  }
0x3: {  	_ = 	snop  }
0x4: {  	_ = 	snop  }
0x5: {  	_ = 	snop  }
0x6: {  	_ = 	snop  }
0x7: {  	_ = 	snop  }
__scs_overlays_trampoline_lowered:
0x8: {  	[smem:$0x3FAB] =	sst s0  }
0x9: {  	[smem:$0x3FAC] =	sst s1  }
0xa: {  	[smem:$0x3FAD] =	sst s2  }
0xb: {  	[smem:$0x3FAE] =	sst s3  }
0xc: {  	[smem:$0x3FAF] =	sst s4  }
0xd: {  	[smem:$0x3FB0] =	sst s5  }
0xe: {  	[smem:$0x3FB1] =	sst s6  }
0xf: {  	[smem:$0x3FB2] =	sst s7  }
0x10: {  	[smem:$0x3FB3] =	sst s8  }
0x11: {  	[smem:$0x3FB4] =	sst s9;
	s0 =	simm.s32 @!p0 $0x0  }
0x12: {  	s1 =	sld [smem:$0x3F9A];
	s0 =	simm.s32 @p0 $0x1  }
0x13: {  	[smem:$0x3FB5] =	sst s0;
	s0 =	simm.s32 @!p1 $0x0  }
0x14: {  	s2 =	sld [smem:$0x3F99];
	s0 =	simm.s32 @p1 $0x1  }
0x15: {  	[smem:$0x3FB6] =	sst s0;
	s0 =	simm.s32 @!p2 $0x0  }
0x16: {  	s3 =	sld [smem:$0x3FDB];
	s0 =	simm.s32 @p2 $0x1  }
0x17: {  	s4 =	simm.s32 $0x1BF5;
	[smem:$0x3FB8] =	sst s0  }
0x18: {  	s0 =	sld [smem:$0x3F9B];
	_ =	swait.ge [sflag:s4], $0x0  }
0x19: {  	s7 =	sld [smem:$0x3F9C]  }
0x1a: {  	s8 =	sadd.s32 $0xFFFFE003, lr  }
0x1b: {  	s9 =	sadd.s32 $0xFFFFFEF7, lr;
	s5 =	simm.s32 $0xFFFFFFFF;
	p2 =	slt.u32 s8, $0xFFFFF086  }
0x1c: {  	p1 =	slt.u32 s9, $0xF7A;
	s5 =	simm.s32 @!p2 $0x0  }
0x1d: {  	s5 =	simm.s32 @p1 $0x1;
	p0 =	seq.s32 s7, s2  }
0x1e: {  	s7 =	smul.u32 @!p0 $0xF7A, s2;
	p2 =	seq.s32 @!p0 s5, $0x0  }
0x1f: {  	s9 =	smul.u32 $0xF7A, s1;
	s8 =	simm.s32 @!p0 $0x1BF5;
	p2 =	por !p2, p0  }
0x20: {  	[sflag:s8] =	ssyncset.s32 @!p0 $0xFFFFF086;
	s6 =	sadd.s32 @!p0 s3, s7;
	s7 =	simm.s32 @!p0 $0x108  }
0x21: {  	s3 =	sadd.s32 s3, s9;
	s6 =	sadd.s32 @!p0 $0x88, s6;
	s7 =	simm.s32 @p2 $0x1082  }
0x22: {  	[simem:s7], [sflag:s8] =	dma.local @!p0 [hbm:s6], $0xF7A  }
0x23: {  	s9 =	sor.u32 $0xD0000000, s2;
	s6 =	simm.s32 $0x108;
	_ =	swait.ge @!p0 [sflag:s8], $0x0  }
0x24: {  	s3 =	sadd.s32 $0x88, s3;
	s6 =	simm.s32 @!p1 $0x1082;
	[sflag:s4] =	ssyncset.s32 $0xFFFFF086  }
0x25: {  	[simem:s6], [sflag:s4] =	dma.local [hbm:s3], $0xF7A  }
0x26: {  	[smem:$0x3F9C] =	sst s1;
	(tag) =	ssettag s2;
	_ =	strace s9  }
0x27: {  	s1 =	sld [smem:$0x3FAC]  }
0x28: {  	s2 =	sld [smem:$0x3FAD]  }
0x29: {  	s4 =	sld [smem:$0x3FAF]  }
0x2a: {  	p0 =	seq.s32 s5, $0x0;
	s5 =	sld [smem:$0x3FB0]  }
0x2b: {  	s6 =	sld [smem:$0x3FB1]  }
0x2c: {  	s7 =	sld [smem:$0x3FB2]  }
0x2d: {  	s3 =	simm.s32 $0x108;
	s8 =	sld [smem:$0x3FB3]  }
0x2e: {  	s3 =	simm.s32 @!p0 $0x1082;
	s9 =	sld [smem:$0x3FB4]  }
0x2f: {  	lr =	sadd.s32 s0, s3;
	s0 =	sld [smem:$0x3FAB]  }
0x30: {  	s3 =	sld [smem:$0x3FAE]  }
0x31: {  	[smem:$0x3FB7] =	sst s10  }
0x32: {  	s10 =	sld [smem:$0x3FB5];
	_ =	sdelay $0x3  }
0x33: {  	p0 =	seq.s32 s10, $0x1;
	s10 =	sld [smem:$0x3FB7];
	_ =	sdelay $0x3  }
0x34: {  	[smem:$0x3FB7] =	sst s10  }
0x35: {  	s10 =	sld [smem:$0x3FB6];
	_ =	sdelay $0x3  }
0x36: {  	p1 =	seq.s32 s10, $0x1;
	s10 =	sld [smem:$0x3FB7];
	_ =	sdelay $0x3  }
0x37: {  	[smem:$0x3FB7] =	sst s10  }
0x38: {  	s10 =	sld [smem:$0x3FB8]  }
0x39: {  	_ = 	snop;
	(pc) =	sbr.ind lr, $3  }
0x3a: {  	_ = 	snop  }
0x3b: {  	_ = 	snop  }
0x3c: {  	p2 =	seq.s32 s10, $0x1;
	s10 =	sld [smem:$0x3FB7]  }
0x3d: {  	_ =	shalt  }
0x3e: {  	_ =	shalt  }
0x3f: {  	_ =	shalt  }
0x40: {  	_ =	shalt  }
0x41: {  	_ =	shalt  }
0x42: {  	_ =	shalt  }
0x43: {  	_ =	shalt  }
0x44: {  	_ =	shalt  }
0x45: {  	_ =	shalt  }
0x46: {  	_ =	shalt  }
0x47: {  	_ =	shalt  }
0x48: {  	_ =	shalt  }
0x49: {  	_ =	shalt  }
0x4a: {  	_ =	shalt  }
0x4b: {  	_ =	shalt  }
0x4c: {  	_ =	shalt  }
0x4d: {  	_ =	shalt  }
0x4e: {  	_ =	shalt  }
0x4f: {  	_ =	shalt  }
0x50: {  	_ =	shalt  }
0x51: {  	_ =	shalt  }
0x52: {  	_ =	shalt  }
0x53: {  	_ =	shalt  }
0x54: {  	_ =	shalt  }
0x55: {  	_ =	shalt  }
0x56: {  	_ =	shalt  }
0x57: {  	_ =	shalt  }
0x58: {  	_ =	shalt  }
0x59: {  	_ =	shalt  }
0x5a: {  	_ =	shalt  }
0x5b: {  	_ =	shalt  }
0x5c: {  	_ =	shalt  }
0x5d: {  	_ =	shalt  }
0x5e: {  	_ =	shalt  }
0x5f: {  	_ =	shalt  }
0x60: {  	_ =	shalt  }
0x61: {  	_ =	shalt  }
0x62: {  	_ =	shalt  }
0x63: {  	_ =	shalt  }
0x64: {  	_ =	shalt  }
0x65: {  	_ =	shalt  }
0x66: {  	_ =	shalt  }
0x67: {  	_ =	shalt  }
0x68: {  	_ =	shalt  }
0x69: {  	_ =	shalt  }
0x6a: {  	_ =	shalt  }
0x6b: {  	_ =	shalt  }
0x6c: {  	_ =	shalt  }
0x6d: {  	_ =	shalt  }
0x6e: {  	_ =	shalt  }
0x6f: {  	_ =	shalt  }
0x70: {  	_ =	shalt  }
0x71: {  	_ =	shalt  }
0x72: {  	_ =	shalt  }
0x73: {  	_ =	shalt  }
0x74: {  	_ =	shalt  }
0x75: {  	_ =	shalt  }
0x76: {  	_ =	shalt  }
0x77: {  	_ =	shalt  }
0x78: {  	_ =	shalt  }
0x79: {  	_ =	shalt  }
0x7a: {  	_ =	shalt  }
0x7b: {  	_ =	shalt  }
0x7c: {  	_ =	shalt  }
0x7d: {  	_ =	shalt  }
0x7e: {  	_ =	shalt  }
0x7f: {  	_ =	shalt  }
0x80: {  	_ =	shalt  }
0x81: {  	_ =	shalt  }
0x82: {  	_ =	shalt  }
0x83: {  	_ =	shalt  }
0x84: {  	_ =	shalt  }
0x85: {  	_ =	shalt  }
0x86: {  	_ =	shalt  }
0x87: {  	_ =	shalt  }
.Lfunc_end0:
.L_simem_size_0:
called_computation.1_lowered:
.L_overlay_start_0:
0x88: {  	s2 =	sld [smem:$0x3FD9]  }
0x89: {  	s3 =	sld [smem:$0x3FFE];
	_ =	sdelay $0x1  }
0x8a: {  	s1 =	srdreg.scid  }
0x8b: {  	s0 =	sand.u32 $0x1, s1  }
0x8c: {  	s17 =	sshll.u32 s0, $0xA;
	s2 =	sadd.s32 s3, s2  }
0x8d: {  	s2 =	sadd.s32 s2, s17  }
0x8e: {  	[smem:$0x3FC3] =	sst s2  }
0x8f: {  	_ = 	snop  }
0x90: {  	s18 =	sld [smem:$0x3FD0];
	(tm) =	ssettm $0x1  }
0x91: {  	s19 =	sld [smem:$0x3FFB];
	_ =	sdelay $0x3  }
0x92: {  	_ =	strace s19  }
0x93: {  	s2 =	sld [smem:$0x3FFC];
	_ =	sdelay $0x3  }
0x94: {  	_ =	strace s2  }
0x95: {  	s2 =	sld [smem:$0x3FFD];
	_ =	sdelay $0x3  }
0x96: {  	_ =	strace s2  }
0x97: {  	_ =	strace $0x8FFFFFFF  }
0x98: {  	s20 =	sld [smem:$0x3FDB];
	_ =	sdelay $0x1  }
0x99: {  	s4 =	simm.s32 $_scs_section_size  }
0x9a: {  	s5 =	simm.s32 $_size__tile_overlayer_lowered;
	s6 =	simm.s32 $_tile_overlayer_lowered  }
0x9b: {  	s7 =	simm.s32 $0x1BFF;
	s21 =	sshll.u32 s6, $0x1;
	s4 =	sadd.s32 s4, s20  }
0x9c: {  	s22 =	simm.s32 $0x0;
	s5 =	sshll.u32 s5, $0x1;
	s6 =	sadd.s32 s21, s4  }
0x9d: {  	[timem:s22], [sflag:s7] =	dma.local [hbm:s6], s5  }
0x9e: {  	_ =	swait.ge [sflag:s7], s5  }
0x9f: {  	s5 =	ssub.s32 $0x0, s5;
	[sflag:s7] =	ssyncset.done $0x0  }
0xa0: {  	[sflag:s7] =	ssyncadd.s32 s5;
	_ =	sdelay $0x1  }
0xa1: {  	s23 =	simm.s32 $0x1B8B  }
0xa2: {  	_ =	swait.ge [sflag:s23], $0x1  }
0xa3: {  	[sflag:s23] =	ssyncset.done $0x0  }
0xa4: {  	[sflag:s23] =	ssyncadd.s32 $0xFFFFFFFF  }
0xa5: {  	s5 =	sld [smem:$0x0]  }
0xa6: {  	s6 =	sand.u32 $0xFFFFFFFE, s1  }
0xa7: {  	p0 =	sne.s32 s1, s6  }
0xa8: {  	s6 =	sshll.u32 @p0 s6, $0xE  }
0xa9: {  	s6 =	sadd.s32 @p0 $0x11B8D, s6;
	s7 =	sshll.u32 @p0 s5, $0x11  }
0xaa: {  	s6 =	sor.u32 @p0 s7, s6  }
0xab: {  	[sflag:s6] =	ssyncadd.remote.s32 @p0 $0x1;
	_ =	sdelay $0x1  }
0xac: {  	s6 =	simm.s32 @p0 $0x1B8D  }
0xad: {  	_ =	swait.eq @p0 [sflag:s6], $0x1  }
0xae: {  	[sflag:s6] =	ssyncadd.s32 @p0 $0xFFFFFFFF  }
0xaf: {  	s7 =	sshll.u32 @!p0 s1, $0xE  }
0xb0: {  	s7 =	sor.u32 @!p0 $0x4000, s7;
	s6 =	simm.s32 @!p0 $0x1B8D  }
0xb1: {  	s5 =	sshll.u32 @!p0 s5, $0x11;
	s7 =	sadd.s32 @!p0 $0x11B8D, s7;
	_ =	swait.eq @!p0 [sflag:s6], $0x1  }
0xb2: {  	s5 =	sor.u32 @!p0 s5, s7;
	[sflag:s6] =	ssyncadd.s32 @!p0 $0xFFFFFFFF  }
0xb3: {  	s25 =	simm.s32 $0x1B8E;
	s24 =	sld [smem:$0x3FFE];
	[sflag:s5] =	ssyncadd.remote.s32 @!p0 $0x1  }
0xb4: {  	s26 =	simm.s32 $execute0_lowered;
	[smem:$0x3FD2] =	sst s25  }
0xb5: {  	s6 =	sshll.u32 s26, $0x1;
	_ =	strace $0x80000049;
	[dreg:$0x1] =	wrdreg $0xFFFFFFFF  }
0xb6: {  	s28 =	simm.s32 $_size_execute0_lowered;
	s4 =	sadd.s32 s4, s6;
	[dreg:$0x0] =	wrdreg $0x0  }
0xb7: {  	s6 =	sshll.u32 s28, $0x1;
	[dreg:$0x2] =	wrdreg s4  }
0xb8: {  	[dreg:$0x3] =	wrdreg s6  }
0xb9: {  	[dreg:$0x4] =	wrdreg $0xC0  }
0xba: {  	_ =	task [dreg:s22], $0x5FFFF  }
0xbb: {  	[dreg:$0x1] =	wrdreg $0xFFFFFFFF  }
0xbc: {  	[dreg:$0x0] =	wrdreg $0x60  }
0xbd: {  	[dreg:$0x2] =	wrdreg s24  }
0xbe: {  	[dreg:$0x3] =	wrdreg s18  }
0xbf: {  	[dreg:$0x4] =	wrdreg $0x42000  }
0xc0: {  	[dreg:$0x5] =	wrdreg $0xA  }
0xc1: {  	_ =	task.clear_ibuf [dreg:s22], $0x6FFFF;
	_ =	strace $0x90000049  }
0xc2: {  	s29 =	simm.s32 $0xA;
	_ =	strace $0x8000004B  }
0xc3: {  	_ =	swait.ge [sflag:s29], $0x1  }
0xc4: {  	[sflag:s29] =	ssyncadd.s32 $0xFFFFFFFF  }
0xc5: {  	_ =	strace $0x9000004B  }
0xc6: {  	_ =	sfence  }
0xc7: {  	s30 =	sld [smem:$0x0];
	_ =	sdelay $0x2  }
0xc8: {  	s31 =	sshll.u32 s1, $0xD;
	s1 =	sshrl.u32 s1, $0x2  }
0xc9: {  	s4 =	sand.u32 $0x4000, s31;
	s1 =	sadd.s32 s1, s30  }
0xca: {  	s0 =	sor.u32 s4, s0;
	s1 =	sshll.u32 s1, $0x11  }
0xcb: {  	s0 =	sor.u32 s1, s0  }
0xcc: {  	s0 =	sadd.s32 $0x8F2B, s0  }
0xcd: {  	[sflag:s0] =	ssyncadd.remote.s32 $0x1  }
0xce: {  	_ =	sfence.sel $0xFFFF  }
0xcf: {  	[dreg:$0x0] =	wrdreg $0xFFFFFFFF;
	(pc) =	sbr.abs _section_cstart, $3  }
0xd0: {  	[dreg:$0x1] =	wrdreg $0xFFFFFFFF  }
0xd1: {  	_ =	task.clear_ibuf [dreg:s22], $0x2FFFF;
	_ =	strace $0x9FFFFFFF  }
0xd2: {  	(tm) =	ssettm $0x7FFFFFFF  }
0xd3: {  	_ =	shalt  }
tec
execute0_lowered:
.L_overlay_start_1:
0x0: {  	(tag) =	ssettag $0x1  }
0x1: {  	s5 =	rddreg [dreg:$0x0]  }
0x2: {  	s15 =	rddreg [dreg:$0x1]  }
0x3: {  	s1 =	rddreg [dreg:$0x2]  }
0x4: {  	s0 =	rddreg [dreg:$0x3];
	s3 =	simm.s32 $0x0;
	s2 =	stileid.u32  }
0x5: {  	s6 =	srdreg.scid;
	[smem:$0x7FF] =	sst s3  }
0x6: {  	s4 =	sadd.s32 $0x70A00, s5;
	s7 =	smul.u32 $0x50000, s2;
	s16 =	sshll.u32 s2, $0x5  }
0x7: {  	s10 =	sand.u32 $0x1, s6;
	s11 =	smul.u32 $0x14000, s2;
	s14 =	sadd.s32 $0x308C00, s5  }
0x8: {  	_ =	strace $0x8000004A;
	s17 =	sadd.s32 s16, s5;
	s23 =	ssub.s32 $0x2, s10  }
0x9: {  	s20 =	smul.u32 $0x140000, s10;
	s22 =	sshll.u32 s10, $0x4;
	s16 =	sadd.s32 s16, s15  }
0xa: {  	s24 =	sshrl.u32 s23, $0x1;
	s7 =	sshrl.u32 s7, $0x2;
	s12 =	sadd.s32 $0x4000, s11  }
0xb: {  	s13 =	sadd.s32 $0x8000, s11;
	s19 =	sadd.s32 $0xC000, s11;
	s21 =	sadd.s32 $0x10000, s11  }
0xc: {  	s16 =	sadd.s32 s22, s16;
	s31 =	sadd.s32 s22, s17;
	s22 =	simm.s32 $0x100  }
0xd: {  	s18 =	ssub.s32 s23, s24;
	s5 =	sadd.s32 s7, s1;
	s6 =	sadd.s32 s12, s1  }
0xe: {  	s7 =	sadd.s32 s13, s1;
	s8 =	sadd.s32 s19, s1;
	s9 =	sadd.s32 s21, s1  }
0xf: {  	s11 =	sadd.s32 s11, s20;
	s12 =	sadd.s32 s20, s12;
	s28 =	sadd.s32 s20, s13  }
0x10: {  	s29 =	sadd.s32 s20, s19;
	s30 =	sadd.s32 s20, s21;
	s17 =	sadd.s32 $0x66A00, s31  }
0x11: {  	s20 =	simm.s32 $0x2;
	s21 =	simm.s32 $0x80;
	s23 =	simm.s32 $0x180  }
0x12: {  	s24 =	simm.s32 $0x1;
	s25 =	sshrl.u32 s11, $0x3;
	s26 =	sshrl.u32 s12, $0x3  }
0x13: {  	s12 =	sshrl.u32 s28, $0x3;
	s13 =	sshrl.u32 s29, $0x3;
	s19 =	sshrl.u32 s30, $0x3  }
0x14: {  	s15 =	smax.u32 s18, $0x1;
	s18 =	sadd.s32 $0xCA00, s31;
	s10 =	sadd.s32 s14, s25  }
0x15: {  	s11 =	sadd.s32 s14, s26;
	s12 =	sadd.s32 s14, s12;
	s13 =	sadd.s32 s14, s13  }
0x16: {  	v0 =	vimm.f32 $0.0e+00;
	s14 =	sadd.s32 s14, s19;
	s19 =	simm.s32 $0x200;
	s25 =	simm.s32 $0x0  }
.LBB2_1:
0x17: {  	s26 =	simm.s32 $0x0;
	s28 =	simm.s32 $0x200  }
.LBB2_2:
0x18: {  	p0 =	sne.s32 s28, $0xFE00;
	[tilespmem:s26+$0x270] =	vst v0  }
0x19: {  	[tilespmem:s26+$0x200] =	vst v0  }
0x1a: {  	[tilespmem:s26+$0x210] =	vst v0  }
.Ltmp0:
0x1b: {  	[tilespmem:s26+$0x220] =	vst v0;
	(pc) =	sbr.rel @p0 .LBB2_2-.Ltmp0, $4  }
0x1c: {  	[tilespmem:s26+$0x230] =	vst v0  }
0x1d: {  	[tilespmem:s26+$0x240] =	vst v0  }
0x1e: {  	[tilespmem:s26+$0x250] =	vst v0  }
0x1f: {  	[tilespmem:s26+$0x260] =	vst v0;
	s26 =	sshra.s32 s28, $0x2;
	s28 =	sadd.s32 $0x200, s28  }
0x20: {  	[tilespmem:s26+$0x270] =	vst v0  }
0x21: {  	[tilespmem:s26+$0x200] =	vst v0  }
0x22: {  	[tilespmem:s26+$0x210] =	vst v0  }
0x23: {  	[tilespmem:s26+$0x220] =	vst v0  }
0x24: {  	[tilespmem:s26+$0x230] =	vst v0  }
0x25: {  	[tilespmem:s26+$0x240] =	vst v0  }
0x26: {  	[tilespmem:s26+$0x250] =	vst v0  }
0x27: {  	[tilespmem:s26+$0x260] =	vst v0  }
0x28: {  	[spmem:s5] =	stream.linear.scatter [tilespmem:s19], [sflag:$0x2], $0x4000, $0x38;
	[tilespmem:$0x18200] =	vst v63  }
0x29: {  	_ =	swait.ge [sflag:s20], $0x4000  }
0x2a: {  	[sflag:s20] =	ssyncset.done $0x0  }
0x2b: {  	[sflag:s20] =	ssyncadd.s32 $0xFFFFC000  }
0x2c: {  	[spmem:s6] =	stream.linear.scatter [tilespmem:s19], [sflag:$0x2], $0x4000, $0x38;
	[tilespmem:$0x18200] =	vst v63  }
0x2d: {  	_ =	swait.ge [sflag:s20], $0x4000  }
0x2e: {  	[sflag:s20] =	ssyncset.done $0x0  }
0x2f: {  	[sflag:s20] =	ssyncadd.s32 $0xFFFFC000  }
0x30: {  	[spmem:s7] =	stream.linear.scatter [tilespmem:s19], [sflag:$0x2], $0x4000, $0x38;
	[tilespmem:$0x18200] =	vst v63  }
0x31: {  	_ =	swait.ge [sflag:s20], $0x4000  }
0x32: {  	[sflag:s20] =	ssyncset.done $0x0  }
0x33: {  	[sflag:s20] =	ssyncadd.s32 $0xFFFFC000  }
0x34: {  	[spmem:s8] =	stream.linear.scatter [tilespmem:s19], [sflag:$0x2], $0x4000, $0x38;
	[tilespmem:$0x18200] =	vst v63  }
0x35: {  	_ =	swait.ge [sflag:s20], $0x4000  }
0x36: {  	[sflag:s20] =	ssyncset.done $0x0  }
0x37: {  	[sflag:s20] =	ssyncadd.s32 $0xFFFFC000  }
0x38: {  	[spmem:s9] =	stream.linear.scatter [tilespmem:s19], [sflag:$0x2], $0x4000, $0x38;
	[tilespmem:$0x18200] =	vst v63  }
0x39: {  	_ =	swait.ge [sflag:s20], $0x4000  }
0x3a: {  	[sflag:s20] =	ssyncset.done $0x0  }
0x3b: {  	[sflag:s20] =	ssyncadd.s32 $0xFFFFC000  }
0x3c: {  	s29 =	sadd.s32 $0x0, s16;
	[bflag:$0x0] =	sbarrier.arrive $0xFFFF  }
0x3d: {  	[tilespmem:s3], [sflag:$0x2] =	stream.linear.gather [hbm4b:s29+s3], $0x80, $0x38;
	[tilespmem:$0x18200] =	vst v63  }
0x3e: {  	_ =	swait.ge [sflag:s20], $0x80  }
0x3f: {  	[sflag:s20] =	ssyncset.done $0x0  }
0x40: {  	s30 =	sadd.s32 $0x0, s17;
	[sflag:s20] =	ssyncadd.s32 $0xFFFFFF80  }
0x41: {  	[tilespmem:s21], [sflag:$0x2] =	stream.linear.gather [hbm4b:s30+s3], $0x80, $0x38;
	[tilespmem:$0x18200] =	vst v63  }
0x42: {  	_ =	swait.ge [sflag:s20], $0x80  }
0x43: {  	[sflag:s20] =	ssyncset.done $0x0  }
0x44: {  	s31 =	sadd.s32 $0x0, s18;
	[sflag:s20] =	ssyncadd.s32 $0xFFFFFF80  }
0x45: {  	[tilespmem:s22], [sflag:$0x2] =	stream.linear.gather [hbm4b:s31+s3], $0x80, $0x38;
	[tilespmem:$0x18200] =	vst v63  }
0x46: {  	_ =	swait.ge [sflag:s20], $0x80  }
0x47: {  	[sflag:s20] =	ssyncset.done $0x0  }
0x48: {  	[sflag:s20] =	ssyncadd.s32 $0xFFFFFF80  }
0x49: {  	v2 =	vld [tilespmem:$0x30]  }
0x4a: {  	v1 =	vld [tilespmem:$0x40]  }
0x4b: {  	s26 =	simm.s32 $0x200;
	v3 =	vld [tilespmem:$0x60]  }
.LBB2_4:
0x4c: {  	p0 =	sne.s32 s26, $0x9E00;
	v4 =	vld [tilespmem:$0x70];
	s28 =	smov.u32 s26;
	s26 =	sadd.s32 $0x200, s26  }
0x4d: {  	v5 =	vld [tilespmem:$0x10]  }
0x4e: {  	v6 =	vld [tilespmem:$0x20]  }
0x4f: {  	v7 =	vld [tilespmem:$0xE0]  }
0x50: {  	v8 =	vld [tilespmem:$0xB0]  }
0x51: {  	v9 =	vld [tilespmem:$0xA0]  }
0x52: {  	v10 =	vld [tilespmem:$0xF0]  }
0x53: {  	v11 =	vld [tilespmem:$0x90]  }
0x54: {  	v12 =	vld [tilespmem:$0xC0];
	v7 =	vmul.u32 $0x2710, v7  }
0x55: {  	v13 =	vld [tilespmem:$0x80];
	v8 =	vmul.u32 $0x2710, v8  }
0x56: {  	v9 =	vmul.u32 $0x2710, v9;
	v14 =	vld [tilespmem:$0xD0];
	v3 =	vadd.s32 v3, v7  }
0x57: {  	v7 =	vld [tilespmem:$0x0];
	v2 =	vadd.s32 v2, v8;
	[tilespmem:$0x1E0] =	vst v3;
	v3 =	vmul.u32 $0x2710, v10  }
0x58: {  	v8 =	vmul.u32 $0x2710, v11;
	v6 =	vadd.s32 v6, v9;
	[tilespmem:$0x1B0] =	vst v2;
	v2 =	vld [tilespmem:$0x50]  }
0x59: {  	[tilespmem:$0x1A0] =	vst v6;
	v6 =	vmul.u32 $0x2710, v12;
	v3 =	vadd.s32 v4, v3  }
0x5a: {  	v4 =	vmul.u32 $0x2710, v13;
	v5 =	vadd.s32 v5, v8;
	[tilespmem:$0x1F0] =	vst v3  }
0x5b: {  	[tilespmem:$0x190] =	vst v5;
	v1 =	vadd.s32 v1, v6;
	v3 =	vmul.u32 $0x2710, v14  }
0x5c: {  	v4 =	vadd.s32 v7, v4;
	[tilespmem:$0x1C0] =	vst v1  }
0x5d: {  	[tilespmem:$0x180] =	vst v4;
	v1 =	vadd.s32 v2, v3  }
0x5e: {  	[tilespmem:$0x1D0] =	vst v1  }
0x5f: {  	[tilespmem:s19], [sflag:$0x1] =	stream.indirect.gather [hbm4b:s4+s21], $0x80, s23, s21, $0xb8;
	[tilespmem:$0x18200] =	vst v63  }
0x60: {  	_ =	swait.ge [sflag:s24], $0x4000  }
0x61: {  	[sflag:s24] =	ssyncset.done $0x0  }
0x62: {  	[sflag:s24] =	ssyncadd.s32 $0xFFFFC000  }
0x63: {  	[spmem:s1] =	stream.indirect.scatter.add.f32 [tilespmem:s19], [sflag:$0x2], $0x80, s22, s21, $0xb8;
	[tilespmem:$0x18200] =	vst v63  }
0x64: {  	_ =	swait.ge [sflag:s20], $0x4000  }
0x65: {  	[sflag:s20] =	ssyncset.done $0x0  }
0x66: {  	s29 =	sadd.s32 s28, s16;
	[sflag:s20] =	ssyncadd.s32 $0xFFFFC000  }
0x67: {  	[tilespmem:s3], [sflag:$0x2] =	stream.linear.gather [hbm4b:s29+s3], $0x80, $0x38;
	[tilespmem:$0x18200] =	vst v63  }
0x68: {  	_ =	swait.ge [sflag:s20], $0x80  }
0x69: {  	[sflag:s20] =	ssyncset.done $0x0  }
0x6a: {  	s29 =	sadd.s32 s28, s17;
	[sflag:s20] =	ssyncadd.s32 $0xFFFFFF80  }
0x6b: {  	[tilespmem:s21], [sflag:$0x2] =	stream.linear.gather [hbm4b:s29+s3], $0x80, $0x38;
	[tilespmem:$0x18200] =	vst v63  }
0x6c: {  	_ =	swait.ge [sflag:s20], $0x80  }
0x6d: {  	[sflag:s20] =	ssyncset.done $0x0  }
0x6e: {  	s28 =	sadd.s32 s28, s18;
	[sflag:s20] =	ssyncadd.s32 $0xFFFFFF80  }
0x6f: {  	[tilespmem:s22], [sflag:$0x2] =	stream.linear.gather [hbm4b:s28+s3], $0x80, $0x38;
	[tilespmem:$0x18200] =	vst v63  }
0x70: {  	_ =	swait.ge [sflag:s20], $0x80  }
.Ltmp1:
0x71: {  	[sflag:s20] =	ssyncset.done $0x0;
	(pc) =	sbr.rel @p0 .LBB2_4-.Ltmp1, $4  }
0x72: {  	[sflag:s20] =	ssyncadd.s32 $0xFFFFFF80  }
0x73: {  	v2 =	vld [tilespmem:$0x30]  }
0x74: {  	v1 =	vld [tilespmem:$0x40]  }
0x75: {  	v3 =	vld [tilespmem:$0x60]  }
0x76: {  	v4 =	vld [tilespmem:$0x70]  }
0x77: {  	v5 =	vld [tilespmem:$0x10]  }
0x78: {  	v6 =	vld [tilespmem:$0x20]  }
0x79: {  	v7 =	vld [tilespmem:$0xE0]  }
0x7a: {  	v8 =	vld [tilespmem:$0xB0]  }
0x7b: {  	v9 =	vld [tilespmem:$0xA0]  }
0x7c: {  	v11 =	vld [tilespmem:$0x90]  }
0x7d: {  	v10 =	vld [tilespmem:$0xF0]  }
0x7e: {  	v12 =	vld [tilespmem:$0xC0];
	v7 =	vmul.u32 $0x2710, v7  }
0x7f: {  	v13 =	vld [tilespmem:$0x80];
	v8 =	vmul.u32 $0x2710, v8  }
0x80: {  	v14 =	vld [tilespmem:$0xD0];
	v9 =	vmul.u32 $0x2710, v9;
	v3 =	vadd.s32 v3, v7  }
0x81: {  	v60 =	vld [tilespmem:$0x0];
	v61 =	vmul.u32 $0x2710, v11;
	v2 =	vadd.s32 v2, v8;
	[tilespmem:$0x1E0] =	vst v3  }
0x82: {  	v6 =	vadd.s32 v6, v9;
	v3 =	vmul.u32 $0x2710, v10;
	[tilespmem:$0x1B0] =	vst v2;
	v2 =	vld [tilespmem:$0x50]  }
0x83: {  	v62 =	vmul.u32 $0x2710, v12;
	v5 =	vadd.s32 v5, v61;
	[tilespmem:$0x1A0] =	vst v6  }
0x84: {  	v63 =	vmul.u32 $0x2710, v13;
	[tilespmem:$0x190] =	vst v5;
	v3 =	vadd.s32 v4, v3  }
0x85: {  	v1 =	vadd.s32 v1, v62;
	[tilespmem:$0x1F0] =	vst v3;
	v3 =	vmul.u32 $0x2710, v14  }
0x86: {  	[tilespmem:$0x1C0] =	vst v1;
	v4 =	vadd.s32 v60, v63  }
0x87: {  	[tilespmem:$0x180] =	vst v4;
	v1 =	vadd.s32 v2, v3  }
0x88: {  	[tilespmem:$0x1D0] =	vst v1  }
0x89: {  	[tilespmem:s19], [sflag:$0x1] =	stream.indirect.gather [hbm4b:s4+s21], $0x80, s23, s21, $0xb8;
	[tilespmem:$0x18200] =	vst v63  }
0x8a: {  	_ =	swait.ge [sflag:s24], $0x4000  }
0x8b: {  	[sflag:s24] =	ssyncset.done $0x0  }
0x8c: {  	[sflag:s24] =	ssyncadd.s32 $0xFFFFC000  }
0x8d: {  	[spmem:s1] =	stream.indirect.scatter.add.f32 [tilespmem:s19], [sflag:$0x2], $0x80, s22, s21, $0xb8;
	[tilespmem:$0x18200] =	vst v63  }
0x8e: {  	_ =	swait.ge [sflag:s20], $0x4000  }
0x8f: {  	[sflag:s20] =	ssyncset.done $0x0  }
0x90: {  	[sflag:s20] =	ssyncadd.s32 $0xFFFFC000  }
0x91: {  	[bflag:$0x0] =	sbarrier.arrive $0xFFFF  }
0x92: {  	[tilespmem:s19], [sflag:$0x2] =	stream.linear.gather [spmem:s5], $0x4000, $0x38;
	[tilespmem:$0x18200] =	vst v63  }
0x93: {  	_ =	swait.ge [sflag:s20], $0x4000  }
0x94: {  	[sflag:s20] =	ssyncset.done $0x0  }
0x95: {  	[sflag:s20] =	ssyncadd.s32 $0xFFFFC000  }
0x96: {  	[hbm4b:s10+s3] =	stream.linear.scatter [tilespmem:s19], [sflag:$0x2], $0x4000, $0x38;
	[tilespmem:$0x18200] =	vst v63  }
0x97: {  	_ =	swait.ge [sflag:s20], $0x4000  }
0x98: {  	[sflag:s20] =	ssyncset.done $0x0  }
0x99: {  	[sflag:s20] =	ssyncadd.s32 $0xFFFFC000  }
0x9a: {  	[tilespmem:s19], [sflag:$0x2] =	stream.linear.gather [spmem:s6], $0x4000, $0x38;
	[tilespmem:$0x18200] =	vst v63  }
0x9b: {  	_ =	swait.ge [sflag:s20], $0x4000  }
0x9c: {  	[sflag:s20] =	ssyncset.done $0x0  }
0x9d: {  	[sflag:s20] =	ssyncadd.s32 $0xFFFFC000  }
0x9e: {  	[hbm4b:s11+s3] =	stream.linear.scatter [tilespmem:s19], [sflag:$0x2], $0x4000, $0x38;
	[tilespmem:$0x18200] =	vst v63  }
0x9f: {  	_ =	swait.ge [sflag:s20], $0x4000  }
0xa0: {  	[sflag:s20] =	ssyncset.done $0x0  }
0xa1: {  	[sflag:s20] =	ssyncadd.s32 $0xFFFFC000  }
0xa2: {  	[tilespmem:s19], [sflag:$0x2] =	stream.linear.gather [spmem:s7], $0x4000, $0x38;
	[tilespmem:$0x18200] =	vst v63  }
0xa3: {  	_ =	swait.ge [sflag:s20], $0x4000  }
0xa4: {  	[sflag:s20] =	ssyncset.done $0x0  }
0xa5: {  	[sflag:s20] =	ssyncadd.s32 $0xFFFFC000  }
0xa6: {  	[hbm4b:s12+s3] =	stream.linear.scatter [tilespmem:s19], [sflag:$0x2], $0x4000, $0x38;
	[tilespmem:$0x18200] =	vst v63  }
0xa7: {  	_ =	swait.ge [sflag:s20], $0x4000  }
0xa8: {  	[sflag:s20] =	ssyncset.done $0x0  }
0xa9: {  	[sflag:s20] =	ssyncadd.s32 $0xFFFFC000  }
0xaa: {  	[tilespmem:s19], [sflag:$0x2] =	stream.linear.gather [spmem:s8], $0x4000, $0x38;
	[tilespmem:$0x18200] =	vst v63  }
0xab: {  	_ =	swait.ge [sflag:s20], $0x4000  }
0xac: {  	[sflag:s20] =	ssyncset.done $0x0  }
0xad: {  	[sflag:s20] =	ssyncadd.s32 $0xFFFFC000  }
0xae: {  	[hbm4b:s13+s3] =	stream.linear.scatter [tilespmem:s19], [sflag:$0x2], $0x4000, $0x38;
	[tilespmem:$0x18200] =	vst v63  }
0xaf: {  	_ =	swait.ge [sflag:s20], $0x4000  }
0xb0: {  	[sflag:s20] =	ssyncset.done $0x0  }
0xb1: {  	[sflag:s20] =	ssyncadd.s32 $0xFFFFC000  }
0xb2: {  	[tilespmem:s19], [sflag:$0x2] =	stream.linear.gather [spmem:s9], $0x4000, $0x38;
	[tilespmem:$0x18200] =	vst v63  }
0xb3: {  	s25 =	sadd.s32 $0x1, s25;
	_ =	swait.ge [sflag:s20], $0x4000  }
0xb4: {  	p0 =	sne.s32 s25, s15;
	[sflag:s20] =	ssyncset.done $0x0  }
.Ltmp2:
0xb5: {  	[sflag:s20] =	ssyncadd.s32 $0xFFFFC000;
	(pc) =	sbr.rel @p0 .LBB2_1-.Ltmp2, $4  }
0xb6: {  	[hbm4b:s14+s3] =	stream.linear.scatter [tilespmem:s19], [sflag:$0x2], $0x4000, $0x38;
	[tilespmem:$0x18200] =	vst v63  }
0xb7: {  	_ =	swait.ge [sflag:s20], $0x4000  }
0xb8: {  	[sflag:s20] =	ssyncset.done $0x0  }
0xb9: {  	[sflag:s20] =	ssyncadd.s32 $0xFFFFC000  }
0xba: {  	_ =	sfence.sel $0x180000  }
0xbb: {  	[bflag:$0x0] =	sbarrier.arrive $0xFFFF  }
0xbc: {  	p0 =	sne.s32 s2, $0x0;
	_ =	strace $0x9000004A  }
0xbd: {  	s0 =	sadd.s32 @!p0 $0x100000, s0;
	[bflag:$0x2] =	sbarrier.arrive $0xFFFF  }
0xbe: {  	[sflag:s0] =	ssyncadd.tile.s32 @!p0 $0x1;
	_ =	shalt  }
.Lfunc_end2:
_tile_overlayer_lowered:
.L_overlay_start_2:
0xbf: {  	(tag) =	ssettag $0x2  }
0xc0: {  	s0 =	rddreg [dreg:$0x0];
	s2 =	stileid.u32  }
0xc1: {  	s1 =	rddreg [dreg:$0x1];
	p0 =	sne.s32 s2, $0x0  }
0xc2: {  	s3 =	rddreg [dreg:$0x2];
	[bflag:$0x3] =	sbarrier.arrive $0xFFFF;
	s2 =	simm.s32 @!p0 $0x1C02  }
0xc3: {  	[timem:s3], [sflag:s2] =	dma.local @!p0 [hbm:s0], s1  }
0xc4: {  	s0 =	simm.s32 @!p0 $0x2  }
0xc5: {  	_ =	swait.ge @!p0 [sflag:s0], s1  }
0xc6: {  	s1 =	ssub.s32 @!p0 $0x0, s1;
	[sflag:s0] =	ssyncset.done @!p0 $0x0  }
0xc7: {  	[sflag:s0] =	ssyncadd.s32 @!p0 s1  }
0xc8: {  	[bflag:$0x3] =	sbarrier.arrive $0xFFFF  }
0xc9: {  	_ =	shalt  }

// kernel: kernel.15.cloned.1.call-start
scs
__scs_entry_jumppad:
0x0: {  	(pc) =	sbr.rel $0x88, $3  }
0x1: {  	(tag) =	ssettag $0x0;
	lr =	simm.s32 $0x1  }
0x2: {  	[smem:$0x3F9C] =	sst lr;
	_ =	strace $0xD0000000  }
0x3: {  	_ = 	snop  }
0x4: {  	_ = 	snop  }
0x5: {  	_ = 	snop  }
0x6: {  	_ = 	snop  }
0x7: {  	_ = 	snop  }
__scs_overlays_trampoline_lowered:
0x8: {  	[smem:$0x3FAB] =	sst s0  }
0x9: {  	[smem:$0x3FAC] =	sst s1  }
0xa: {  	[smem:$0x3FAD] =	sst s2  }
0xb: {  	[smem:$0x3FAE] =	sst s3  }
0xc: {  	[smem:$0x3FAF] =	sst s4  }
0xd: {  	[smem:$0x3FB0] =	sst s5  }
0xe: {  	[smem:$0x3FB1] =	sst s6  }
0xf: {  	[smem:$0x3FB2] =	sst s7  }
0x10: {  	[smem:$0x3FB3] =	sst s8  }
0x11: {  	[smem:$0x3FB4] =	sst s9;
	s0 =	simm.s32 @!p0 $0x0  }
0x12: {  	s1 =	sld [smem:$0x3F9A];
	s0 =	simm.s32 @p0 $0x1  }
0x13: {  	[smem:$0x3FB5] =	sst s0;
	s0 =	simm.s32 @!p1 $0x0  }
0x14: {  	s2 =	sld [smem:$0x3F99];
	s0 =	simm.s32 @p1 $0x1  }
0x15: {  	[smem:$0x3FB6] =	sst s0;
	s0 =	simm.s32 @!p2 $0x0  }
0x16: {  	s3 =	sld [smem:$0x3FDB];
	s0 =	simm.s32 @p2 $0x1  }
0x17: {  	s4 =	simm.s32 $0x1BF5;
	[smem:$0x3FB8] =	sst s0  }
0x18: {  	s0 =	sld [smem:$0x3F9B];
	_ =	swait.ge [sflag:s4], $0x0  }
0x19: {  	s7 =	sld [smem:$0x3F9C]  }
0x1a: {  	s8 =	sadd.s32 $0xFFFFE003, lr  }
0x1b: {  	s9 =	sadd.s32 $0xFFFFFEF7, lr;
	s5 =	simm.s32 $0xFFFFFFFF;
	p2 =	slt.u32 s8, $0xFFFFF086  }
0x1c: {  	p1 =	slt.u32 s9, $0xF7A;
	s5 =	simm.s32 @!p2 $0x0  }
0x1d: {  	s5 =	simm.s32 @p1 $0x1;
	p0 =	seq.s32 s7, s2  }
0x1e: {  	s7 =	smul.u32 @!p0 $0xF7A, s2;
	p2 =	seq.s32 @!p0 s5, $0x0  }
0x1f: {  	s9 =	smul.u32 $0xF7A, s1;
	s8 =	simm.s32 @!p0 $0x1BF5;
	p2 =	por !p2, p0  }
0x20: {  	[sflag:s8] =	ssyncset.s32 @!p0 $0xFFFFF086;
	s6 =	sadd.s32 @!p0 s3, s7;
	s7 =	simm.s32 @!p0 $0x108  }
0x21: {  	s3 =	sadd.s32 s3, s9;
	s6 =	sadd.s32 @!p0 $0x88, s6;
	s7 =	simm.s32 @p2 $0x1082  }
0x22: {  	[simem:s7], [sflag:s8] =	dma.local @!p0 [hbm:s6], $0xF7A  }
0x23: {  	s9 =	sor.u32 $0xD0000000, s2;
	s6 =	simm.s32 $0x108;
	_ =	swait.ge @!p0 [sflag:s8], $0x0  }
0x24: {  	s3 =	sadd.s32 $0x88, s3;
	s6 =	simm.s32 @!p1 $0x1082;
	[sflag:s4] =	ssyncset.s32 $0xFFFFF086  }
0x25: {  	[simem:s6], [sflag:s4] =	dma.local [hbm:s3], $0xF7A  }
0x26: {  	[smem:$0x3F9C] =	sst s1;
	(tag) =	ssettag s2;
	_ =	strace s9  }
0x27: {  	s1 =	sld [smem:$0x3FAC]  }
0x28: {  	s2 =	sld [smem:$0x3FAD]  }
0x29: {  	s4 =	sld [smem:$0x3FAF]  }
0x2a: {  	p0 =	seq.s32 s5, $0x0;
	s5 =	sld [smem:$0x3FB0]  }
0x2b: {  	s6 =	sld [smem:$0x3FB1]  }
0x2c: {  	s7 =	sld [smem:$0x3FB2]  }
0x2d: {  	s3 =	simm.s32 $0x108;
	s8 =	sld [smem:$0x3FB3]  }
0x2e: {  	s3 =	simm.s32 @!p0 $0x1082;
	s9 =	sld [smem:$0x3FB4]  }
0x2f: {  	lr =	sadd.s32 s0, s3;
	s0 =	sld [smem:$0x3FAB]  }
0x30: {  	s3 =	sld [smem:$0x3FAE]  }
0x31: {  	[smem:$0x3FB7] =	sst s10  }
0x32: {  	s10 =	sld [smem:$0x3FB5];
	_ =	sdelay $0x3  }
0x33: {  	p0 =	seq.s32 s10, $0x1;
	s10 =	sld [smem:$0x3FB7];
	_ =	sdelay $0x3  }
0x34: {  	[smem:$0x3FB7] =	sst s10  }
0x35: {  	s10 =	sld [smem:$0x3FB6];
	_ =	sdelay $0x3  }
0x36: {  	p1 =	seq.s32 s10, $0x1;
	s10 =	sld [smem:$0x3FB7];
	_ =	sdelay $0x3  }
0x37: {  	[smem:$0x3FB7] =	sst s10  }
0x38: {  	s10 =	sld [smem:$0x3FB8]  }
0x39: {  	_ = 	snop;
	(pc) =	sbr.ind lr, $3  }
0x3a: {  	_ = 	snop  }
0x3b: {  	_ = 	snop  }
0x3c: {  	p2 =	seq.s32 s10, $0x1;
	s10 =	sld [smem:$0x3FB7]  }
0x3d: {  	_ =	shalt  }
0x3e: {  	_ =	shalt  }
0x3f: {  	_ =	shalt  }
0x40: {  	_ =	shalt  }
0x41: {  	_ =	shalt  }
0x42: {  	_ =	shalt  }
0x43: {  	_ =	shalt  }
0x44: {  	_ =	shalt  }
0x45: {  	_ =	shalt  }
0x46: {  	_ =	shalt  }
0x47: {  	_ =	shalt  }
0x48: {  	_ =	shalt  }
0x49: {  	_ =	shalt  }
0x4a: {  	_ =	shalt  }
0x4b: {  	_ =	shalt  }
0x4c: {  	_ =	shalt  }
0x4d: {  	_ =	shalt  }
0x4e: {  	_ =	shalt  }
0x4f: {  	_ =	shalt  }
0x50: {  	_ =	shalt  }
0x51: {  	_ =	shalt  }
0x52: {  	_ =	shalt  }
0x53: {  	_ =	shalt  }
0x54: {  	_ =	shalt  }
0x55: {  	_ =	shalt  }
0x56: {  	_ =	shalt  }
0x57: {  	_ =	shalt  }
0x58: {  	_ =	shalt  }
0x59: {  	_ =	shalt  }
0x5a: {  	_ =	shalt  }
0x5b: {  	_ =	shalt  }
0x5c: {  	_ =	shalt  }
0x5d: {  	_ =	shalt  }
0x5e: {  	_ =	shalt  }
0x5f: {  	_ =	shalt  }
0x60: {  	_ =	shalt  }
0x61: {  	_ =	shalt  }
0x62: {  	_ =	shalt  }
0x63: {  	_ =	shalt  }
0x64: {  	_ =	shalt  }
0x65: {  	_ =	shalt  }
0x66: {  	_ =	shalt  }
0x67: {  	_ =	shalt  }
0x68: {  	_ =	shalt  }
0x69: {  	_ =	shalt  }
0x6a: {  	_ =	shalt  }
0x6b: {  	_ =	shalt  }
0x6c: {  	_ =	shalt  }
0x6d: {  	_ =	shalt  }
0x6e: {  	_ =	shalt  }
0x6f: {  	_ =	shalt  }
0x70: {  	_ =	shalt  }
0x71: {  	_ =	shalt  }
0x72: {  	_ =	shalt  }
0x73: {  	_ =	shalt  }
0x74: {  	_ =	shalt  }
0x75: {  	_ =	shalt  }
0x76: {  	_ =	shalt  }
0x77: {  	_ =	shalt  }
0x78: {  	_ =	shalt  }
0x79: {  	_ =	shalt  }
0x7a: {  	_ =	shalt  }
0x7b: {  	_ =	shalt  }
0x7c: {  	_ =	shalt  }
0x7d: {  	_ =	shalt  }
0x7e: {  	_ =	shalt  }
0x7f: {  	_ =	shalt  }
0x80: {  	_ =	shalt  }
0x81: {  	_ =	shalt  }
0x82: {  	_ =	shalt  }
0x83: {  	_ =	shalt  }
0x84: {  	_ =	shalt  }
0x85: {  	_ =	shalt  }
0x86: {  	_ =	shalt  }
0x87: {  	_ =	shalt  }
.Lfunc_end0:
.L_simem_size_0:
called_computation.2_lowered:
.L_overlay_start_0:
0x88: {  	s2 =	sld [smem:$0x3FD9]  }
0x89: {  	s3 =	sld [smem:$0x3FFE];
	_ =	sdelay $0x1  }
0x8a: {  	s1 =	srdreg.scid  }
0x8b: {  	s0 =	sand.u32 $0x1, s1  }
0x8c: {  	s17 =	sshll.u32 s0, $0xA;
	s2 =	sadd.s32 s3, s2  }
0x8d: {  	s2 =	sadd.s32 s2, s17  }
0x8e: {  	[smem:$0x3FC3] =	sst s2  }
0x8f: {  	_ = 	snop  }
0x90: {  	s2 =	sld [smem:$0x3FD0];
	(tm) =	ssettm $0x1  }
0x91: {  	s18 =	sld [smem:$0x3FFB];
	_ =	sdelay $0x3  }
0x92: {  	_ =	strace s18  }
0x93: {  	s3 =	sld [smem:$0x3FFC];
	_ =	sdelay $0x3  }
0x94: {  	_ =	strace s3  }
0x95: {  	s3 =	sld [smem:$0x3FFD];
	_ =	sdelay $0x3  }
0x96: {  	_ =	strace s3  }
0x97: {  	_ =	strace $0x8FFFFFFF  }
0x98: {  	s19 =	sld [smem:$0x3FDB];
	_ =	sdelay $0x1  }
0x99: {  	s4 =	simm.s32 $_scs_section_size  }
0x9a: {  	s5 =	simm.s32 $_size__tile_overlayer_lowered;
	s6 =	simm.s32 $_tile_overlayer_lowered  }
0x9b: {  	s22 =	simm.s32 $0x1BFF;
	s21 =	sshll.u32 s6, $0x1;
	s3 =	sadd.s32 s4, s19  }
0x9c: {  	s7 =	simm.s32 $0x0;
	s20 =	sshll.u32 s5, $0x1;
	s5 =	sadd.s32 s21, s3  }
0x9d: {  	[timem:s7], [sflag:s22] =	dma.local [hbm:s5], s20  }
0x9e: {  	_ =	swait.ge [sflag:s22], s20  }
0x9f: {  	s4 =	ssub.s32 $0x0, s20;
	[sflag:s22] =	ssyncset.done $0x0  }
0xa0: {  	[sflag:s22] =	ssyncadd.s32 s4;
	_ =	sdelay $0x1  }
0xa1: {  	s23 =	simm.s32 $0x1B8B  }
0xa2: {  	_ =	swait.ge [sflag:s23], $0x1  }
0xa3: {  	[sflag:s23] =	ssyncset.done $0x0  }
0xa4: {  	s25 =	simm.s32 $0x1B8E;
	s24 =	sld [smem:$0x3FFE];
	[sflag:s23] =	ssyncadd.s32 $0xFFFFFFFF  }
0xa5: {  	s26 =	simm.s32 $execute0_lowered;
	[smem:$0x3FD2] =	sst s25  }
0xa6: {  	s5 =	sshll.u32 s26, $0x1;
	_ =	strace $0x8000004C;
	[dreg:$0x1] =	wrdreg $0xFFFFFFFF  }
0xa7: {  	s28 =	simm.s32 $_size_execute0_lowered;
	s3 =	sadd.s32 s3, s5;
	[dreg:$0x0] =	wrdreg $0x0  }
0xa8: {  	s5 =	sshll.u32 s28, $0x1;
	[dreg:$0x2] =	wrdreg s3  }
0xa9: {  	[dreg:$0x3] =	wrdreg s5  }
0xaa: {  	[dreg:$0x4] =	wrdreg $0xC0  }
0xab: {  	_ =	task [dreg:s7], $0x5FFFF  }
0xac: {  	[dreg:$0x1] =	wrdreg $0xFFFFFFFF  }
0xad: {  	[dreg:$0x0] =	wrdreg $0x60  }
0xae: {  	[dreg:$0x2] =	wrdreg s24  }
0xaf: {  	[dreg:$0x3] =	wrdreg s2  }
0xb0: {  	[dreg:$0x4] =	wrdreg $0x42000  }
0xb1: {  	[dreg:$0x5] =	wrdreg $0x9  }
0xb2: {  	_ =	task.clear_ibuf [dreg:s7], $0x6FFFF;
	_ =	strace $0x9000004C  }
0xb3: {  	s29 =	simm.s32 $0x9;
	_ =	strace $0x8000004E  }
0xb4: {  	_ =	swait.ge [sflag:s29], $0x1  }
0xb5: {  	[sflag:s29] =	ssyncadd.s32 $0xFFFFFFFF  }
0xb6: {  	_ =	strace $0x9000004E  }
0xb7: {  	_ =	sfence  }
0xb8: {  	s30 =	sld [smem:$0x0];
	_ =	sdelay $0x2  }
0xb9: {  	s31 =	sshll.u32 s1, $0xD;
	s1 =	sshrl.u32 s1, $0x2  }
0xba: {  	s3 =	sand.u32 $0x4000, s31;
	s1 =	sadd.s32 s1, s30  }
0xbb: {  	s0 =	sor.u32 s3, s0;
	s1 =	sshll.u32 s1, $0x11  }
0xbc: {  	s0 =	sor.u32 s1, s0  }
0xbd: {  	s0 =	sadd.s32 $0x8F2B, s0  }
0xbe: {  	[sflag:s0] =	ssyncadd.remote.s32 $0x1  }
0xbf: {  	_ =	sfence.sel $0xFFFF  }
0xc0: {  	[dreg:$0x0] =	wrdreg $0xFFFFFFFF;
	(pc) =	sbr.abs _section_cstart, $3  }
0xc1: {  	[dreg:$0x1] =	wrdreg $0xFFFFFFFF  }
0xc2: {  	_ =	task.clear_ibuf [dreg:s7], $0x2FFFF;
	_ =	strace $0x9FFFFFFF  }
0xc3: {  	(tm) =	ssettm $0x7FFFFFFF  }
tec
execute0_lowered:
.L_overlay_start_1:
0x0: {  	(tag) =	ssettag $0x1  }
0x1: {  	s5 =	rddreg [dreg:$0x0]  }
0x2: {  	s15 =	rddreg [dreg:$0x1]  }
0x3: {  	s1 =	rddreg [dreg:$0x2]  }
0x4: {  	s0 =	rddreg [dreg:$0x3];
	s3 =	simm.s32 $0x0;
	s2 =	stileid.u32  }
0x5: {  	s6 =	srdreg.scid;
	[smem:$0x7FF] =	sst s3  }
0x6: {  	s4 =	sadd.s32 $0x70A00, s5;
	s7 =	smul.u32 $0x50000, s2;
	s16 =	sshll.u32 s2, $0x5  }
0x7: {  	s10 =	sand.u32 $0x1, s6;
	s11 =	smul.u32 $0x14000, s2;
	s14 =	sadd.s32 $0x308C00, s5  }
0x8: {  	_ =	strace $0x8000004D;
	s17 =	sadd.s32 s16, s5;
	s23 =	ssub.s32 $0x2, s10  }
0x9: {  	s20 =	smul.u32 $0x140000, s10;
	s22 =	sshll.u32 s10, $0x4;
	s16 =	sadd.s32 s16, s15  }
0xa: {  	s24 =	sshrl.u32 s23, $0x1;
	s7 =	sshrl.u32 s7, $0x2;
	s12 =	sadd.s32 $0x4000, s11  }
0xb: {  	s13 =	sadd.s32 $0x8000, s11;
	s19 =	sadd.s32 $0xC000, s11;
	s21 =	sadd.s32 $0x10000, s11  }
0xc: {  	s16 =	sadd.s32 s22, s16;
	s31 =	sadd.s32 s22, s17;
	s22 =	simm.s32 $0x100  }
0xd: {  	s18 =	ssub.s32 s23, s24;
	s5 =	sadd.s32 s7, s1;
	s6 =	sadd.s32 s12, s1  }
0xe: {  	s7 =	sadd.s32 s13, s1;
	s8 =	sadd.s32 s19, s1;
	s9 =	sadd.s32 s21, s1  }
0xf: {  	s11 =	sadd.s32 s11, s20;
	s12 =	sadd.s32 s20, s12;
	s28 =	sadd.s32 s20, s13  }
0x10: {  	s29 =	sadd.s32 s20, s19;
	s30 =	sadd.s32 s20, s21;
	s17 =	sadd.s32 $0x66A00, s31  }
0x11: {  	s20 =	simm.s32 $0x2;
	s21 =	simm.s32 $0x80;
	s23 =	simm.s32 $0x180  }
0x12: {  	s24 =	simm.s32 $0x1;
	s25 =	sshrl.u32 s11, $0x3;
	s26 =	sshrl.u32 s12, $0x3  }
0x13: {  	s12 =	sshrl.u32 s28, $0x3;
	s13 =	sshrl.u32 s29, $0x3;
	s19 =	sshrl.u32 s30, $0x3  }
0x14: {  	s15 =	smax.u32 s18, $0x1;
	s18 =	sadd.s32 $0xCA00, s31;
	s10 =	sadd.s32 s14, s25  }
0x15: {  	s11 =	sadd.s32 s14, s26;
	s12 =	sadd.s32 s14, s12;
	s13 =	sadd.s32 s14, s13  }
0x16: {  	v0 =	vimm.f32 $0.0e+00;
	s14 =	sadd.s32 s14, s19;
	s19 =	simm.s32 $0x200;
	s25 =	simm.s32 $0x0  }
.LBB2_1:
0x17: {  	s26 =	simm.s32 $0x0;
	s28 =	simm.s32 $0x200  }
.LBB2_2:
0x18: {  	p0 =	sne.s32 s28, $0xFE00;
	[tilespmem:s26+$0x270] =	vst v0  }
0x19: {  	[tilespmem:s26+$0x200] =	vst v0  }
0x1a: {  	[tilespmem:s26+$0x210] =	vst v0  }
.Ltmp0:
0x1b: {  	[tilespmem:s26+$0x220] =	vst v0;
	(pc) =	sbr.rel @p0 .LBB2_2-.Ltmp0, $4  }
0x1c: {  	[tilespmem:s26+$0x230] =	vst v0  }
0x1d: {  	[tilespmem:s26+$0x240] =	vst v0  }
0x1e: {  	[tilespmem:s26+$0x250] =	vst v0  }
0x1f: {  	[tilespmem:s26+$0x260] =	vst v0;
	s26 =	sshra.s32 s28, $0x2;
	s28 =	sadd.s32 $0x200, s28  }
0x20: {  	[tilespmem:s26+$0x270] =	vst v0  }
0x21: {  	[tilespmem:s26+$0x200] =	vst v0  }
0x22: {  	[tilespmem:s26+$0x210] =	vst v0  }
0x23: {  	[tilespmem:s26+$0x220] =	vst v0  }
0x24: {  	[tilespmem:s26+$0x230] =	vst v0  }
0x25: {  	[tilespmem:s26+$0x240] =	vst v0  }
0x26: {  	[tilespmem:s26+$0x250] =	vst v0  }
0x27: {  	[tilespmem:s26+$0x260] =	vst v0  }
0x28: {  	[spmem:s5] =	stream.linear.scatter [tilespmem:s19], [sflag:$0x2], $0x4000, $0x38;
	[tilespmem:$0x18200] =	vst v63  }
0x29: {  	_ =	swait.ge [sflag:s20], $0x4000  }
0x2a: {  	[sflag:s20] =	ssyncset.done $0x0  }
0x2b: {  	[sflag:s20] =	ssyncadd.s32 $0xFFFFC000  }
0x2c: {  	[spmem:s6] =	stream.linear.scatter [tilespmem:s19], [sflag:$0x2], $0x4000, $0x38;
	[tilespmem:$0x18200] =	vst v63  }
0x2d: {  	_ =	swait.ge [sflag:s20], $0x4000  }
0x2e: {  	[sflag:s20] =	ssyncset.done $0x0  }
0x2f: {  	[sflag:s20] =	ssyncadd.s32 $0xFFFFC000  }
0x30: {  	[spmem:s7] =	stream.linear.scatter [tilespmem:s19], [sflag:$0x2], $0x4000, $0x38;
	[tilespmem:$0x18200] =	vst v63  }
0x31: {  	_ =	swait.ge [sflag:s20], $0x4000  }
0x32: {  	[sflag:s20] =	ssyncset.done $0x0  }
0x33: {  	[sflag:s20] =	ssyncadd.s32 $0xFFFFC000  }
0x34: {  	[spmem:s8] =	stream.linear.scatter [tilespmem:s19], [sflag:$0x2], $0x4000, $0x38;
	[tilespmem:$0x18200] =	vst v63  }
0x35: {  	_ =	swait.ge [sflag:s20], $0x4000  }
0x36: {  	[sflag:s20] =	ssyncset.done $0x0  }
0x37: {  	[sflag:s20] =	ssyncadd.s32 $0xFFFFC000  }
0x38: {  	[spmem:s9] =	stream.linear.scatter [tilespmem:s19], [sflag:$0x2], $0x4000, $0x38;
	[tilespmem:$0x18200] =	vst v63  }
0x39: {  	_ =	swait.ge [sflag:s20], $0x4000  }
0x3a: {  	[sflag:s20] =	ssyncset.done $0x0  }
0x3b: {  	[sflag:s20] =	ssyncadd.s32 $0xFFFFC000  }
0x3c: {  	s29 =	sadd.s32 $0x0, s16;
	[bflag:$0x0] =	sbarrier.arrive $0xFFFF  }
0x3d: {  	[tilespmem:s3], [sflag:$0x2] =	stream.linear.gather [hbm4b:s29+s3], $0x80, $0x38;
	[tilespmem:$0x18200] =	vst v63  }
0x3e: {  	_ =	swait.ge [sflag:s20], $0x80  }
0x3f: {  	[sflag:s20] =	ssyncset.done $0x0  }
0x40: {  	s30 =	sadd.s32 $0x0, s17;
	[sflag:s20] =	ssyncadd.s32 $0xFFFFFF80  }
0x41: {  	[tilespmem:s21], [sflag:$0x2] =	stream.linear.gather [hbm4b:s30+s3], $0x80, $0x38;
	[tilespmem:$0x18200] =	vst v63  }
0x42: {  	_ =	swait.ge [sflag:s20], $0x80  }
0x43: {  	[sflag:s20] =	ssyncset.done $0x0  }
0x44: {  	s31 =	sadd.s32 $0x0, s18;
	[sflag:s20] =	ssyncadd.s32 $0xFFFFFF80  }
0x45: {  	[tilespmem:s22], [sflag:$0x2] =	stream.linear.gather [hbm4b:s31+s3], $0x80, $0x38;
	[tilespmem:$0x18200] =	vst v63  }
0x46: {  	_ =	swait.ge [sflag:s20], $0x80  }
0x47: {  	[sflag:s20] =	ssyncset.done $0x0  }
0x48: {  	[sflag:s20] =	ssyncadd.s32 $0xFFFFFF80  }
0x49: {  	v2 =	vld [tilespmem:$0x30]  }
0x4a: {  	v1 =	vld [tilespmem:$0x40]  }
0x4b: {  	s26 =	simm.s32 $0x200;
	v3 =	vld [tilespmem:$0x60]  }
.LBB2_4:
0x4c: {  	p0 =	sne.s32 s26, $0x9E00;
	v4 =	vld [tilespmem:$0x70];
	s28 =	smov.u32 s26;
	s26 =	sadd.s32 $0x200, s26  }
0x4d: {  	v5 =	vld [tilespmem:$0x10]  }
0x4e: {  	v6 =	vld [tilespmem:$0x20]  }
0x4f: {  	v7 =	vld [tilespmem:$0xE0]  }
0x50: {  	v8 =	vld [tilespmem:$0xB0]  }
0x51: {  	v9 =	vld [tilespmem:$0xA0]  }
0x52: {  	v10 =	vld [tilespmem:$0xF0]  }
0x53: {  	v11 =	vld [tilespmem:$0x90]  }
0x54: {  	v12 =	vld [tilespmem:$0xC0];
	v7 =	vmul.u32 $0x2710, v7  }
0x55: {  	v13 =	vld [tilespmem:$0x80];
	v8 =	vmul.u32 $0x2710, v8  }
0x56: {  	v9 =	vmul.u32 $0x2710, v9;
	v14 =	vld [tilespmem:$0xD0];
	v3 =	vadd.s32 v3, v7  }
0x57: {  	v7 =	vld [tilespmem:$0x0];
	v2 =	vadd.s32 v2, v8;
	[tilespmem:$0x1E0] =	vst v3;
	v3 =	vmul.u32 $0x2710, v10  }
0x58: {  	v8 =	vmul.u32 $0x2710, v11;
	v6 =	vadd.s32 v6, v9;
	[tilespmem:$0x1B0] =	vst v2;
	v2 =	vld [tilespmem:$0x50]  }
0x59: {  	[tilespmem:$0x1A0] =	vst v6;
	v6 =	vmul.u32 $0x2710, v12;
	v3 =	vadd.s32 v4, v3  }
0x5a: {  	v4 =	vmul.u32 $0x2710, v13;
	v5 =	vadd.s32 v5, v8;
	[tilespmem:$0x1F0] =	vst v3  }
0x5b: {  	[tilespmem:$0x190] =	vst v5;
	v1 =	vadd.s32 v1, v6;
	v3 =	vmul.u32 $0x2710, v14  }
0x5c: {  	v4 =	vadd.s32 v7, v4;
	[tilespmem:$0x1C0] =	vst v1  }
0x5d: {  	[tilespmem:$0x180] =	vst v4;
	v1 =	vadd.s32 v2, v3  }
0x5e: {  	[tilespmem:$0x1D0] =	vst v1  }
0x5f: {  	[tilespmem:s19], [sflag:$0x1] =	stream.indirect.gather [hbm4b:s4+s21], $0x80, s23, s21, $0xb8;
	[tilespmem:$0x18200] =	vst v63  }
0x60: {  	_ =	swait.ge [sflag:s24], $0x4000  }
0x61: {  	[sflag:s24] =	ssyncset.done $0x0  }
0x62: {  	[sflag:s24] =	ssyncadd.s32 $0xFFFFC000  }
0x63: {  	[spmem:s1] =	stream.indirect.scatter.add.f32 [tilespmem:s19], [sflag:$0x2], $0x80, s22, s21, $0xb8;
	[tilespmem:$0x18200] =	vst v63  }
0x64: {  	_ =	swait.ge [sflag:s20], $0x4000  }
0x65: {  	[sflag:s20] =	ssyncset.done $0x0  }
0x66: {  	s29 =	sadd.s32 s28, s16;
	[sflag:s20] =	ssyncadd.s32 $0xFFFFC000  }
0x67: {  	[tilespmem:s3], [sflag:$0x2] =	stream.linear.gather [hbm4b:s29+s3], $0x80, $0x38;
	[tilespmem:$0x18200] =	vst v63  }
0x68: {  	_ =	swait.ge [sflag:s20], $0x80  }
0x69: {  	[sflag:s20] =	ssyncset.done $0x0  }
0x6a: {  	s29 =	sadd.s32 s28, s17;
	[sflag:s20] =	ssyncadd.s32 $0xFFFFFF80  }
0x6b: {  	[tilespmem:s21], [sflag:$0x2] =	stream.linear.gather [hbm4b:s29+s3], $0x80, $0x38;
	[tilespmem:$0x18200] =	vst v63  }
0x6c: {  	_ =	swait.ge [sflag:s20], $0x80  }
0x6d: {  	[sflag:s20] =	ssyncset.done $0x0  }
0x6e: {  	s28 =	sadd.s32 s28, s18;
	[sflag:s20] =	ssyncadd.s32 $0xFFFFFF80  }
0x6f: {  	[tilespmem:s22], [sflag:$0x2] =	stream.linear.gather [hbm4b:s28+s3], $0x80, $0x38;
	[tilespmem:$0x18200] =	vst v63  }
0x70: {  	_ =	swait.ge [sflag:s20], $0x80  }
.Ltmp1:
0x71: {  	[sflag:s20] =	ssyncset.done $0x0;
	(pc) =	sbr.rel @p0 .LBB2_4-.Ltmp1, $4  }
0x72: {  	[sflag:s20] =	ssyncadd.s32 $0xFFFFFF80  }
0x73: {  	v2 =	vld [tilespmem:$0x30]  }
0x74: {  	v1 =	vld [tilespmem:$0x40]  }
0x75: {  	v3 =	vld [tilespmem:$0x60]  }
0x76: {  	v4 =	vld [tilespmem:$0x70]  }
0x77: {  	v5 =	vld [tilespmem:$0x10]  }
0x78: {  	v6 =	vld [tilespmem:$0x20]  }
0x79: {  	v7 =	vld [tilespmem:$0xE0]  }
0x7a: {  	v8 =	vld [tilespmem:$0xB0]  }
0x7b: {  	v9 =	vld [tilespmem:$0xA0]  }
0x7c: {  	v11 =	vld [tilespmem:$0x90]  }
0x7d: {  	v10 =	vld [tilespmem:$0xF0]  }
0x7e: {  	v12 =	vld [tilespmem:$0xC0];
	v7 =	vmul.u32 $0x2710, v7  }
0x7f: {  	v13 =	vld [tilespmem:$0x80];
	v8 =	vmul.u32 $0x2710, v8  }
0x80: {  	v14 =	vld [tilespmem:$0xD0];
	v9 =	vmul.u32 $0x2710, v9;
	v3 =	vadd.s32 v3, v7  }
0x81: {  	v60 =	vld [tilespmem:$0x0];
	v61 =	vmul.u32 $0x2710, v11;
	v2 =	vadd.s32 v2, v8;
	[tilespmem:$0x1E0] =	vst v3  }
0x82: {  	v6 =	vadd.s32 v6, v9;
	v3 =	vmul.u32 $0x2710, v10;
	[tilespmem:$0x1B0] =	vst v2;
	v2 =	vld [tilespmem:$0x50]  }
0x83: {  	v62 =	vmul.u32 $0x2710, v12;
	v5 =	vadd.s32 v5, v61;
	[tilespmem:$0x1A0] =	vst v6  }
0x84: {  	v63 =	vmul.u32 $0x2710, v13;
	[tilespmem:$0x190] =	vst v5;
	v3 =	vadd.s32 v4, v3  }
0x85: {  	v1 =	vadd.s32 v1, v62;
	[tilespmem:$0x1F0] =	vst v3;
	v3 =	vmul.u32 $0x2710, v14  }
0x86: {  	[tilespmem:$0x1C0] =	vst v1;
	v4 =	vadd.s32 v60, v63  }
0x87: {  	[tilespmem:$0x180] =	vst v4;
	v1 =	vadd.s32 v2, v3  }
0x88: {  	[tilespmem:$0x1D0] =	vst v1  }
0x89: {  	[tilespmem:s19], [sflag:$0x1] =	stream.indirect.gather [hbm4b:s4+s21], $0x80, s23, s21, $0xb8;
	[tilespmem:$0x18200] =	vst v63  }
0x8a: {  	_ =	swait.ge [sflag:s24], $0x4000  }
0x8b: {  	[sflag:s24] =	ssyncset.done $0x0  }
0x8c: {  	[sflag:s24] =	ssyncadd.s32 $0xFFFFC000  }
0x8d: {  	[spmem:s1] =	stream.indirect.scatter.add.f32 [tilespmem:s19], [sflag:$0x2], $0x80, s22, s21, $0xb8;
	[tilespmem:$0x18200] =	vst v63  }
0x8e: {  	_ =	swait.ge [sflag:s20], $0x4000  }
0x8f: {  	[sflag:s20] =	ssyncset.done $0x0  }
0x90: {  	[sflag:s20] =	ssyncadd.s32 $0xFFFFC000  }
0x91: {  	[bflag:$0x0] =	sbarrier.arrive $0xFFFF  }
0x92: {  	[tilespmem:s19], [sflag:$0x2] =	stream.linear.gather [spmem:s5], $0x4000, $0x38;
	[tilespmem:$0x18200] =	vst v63  }
0x93: {  	_ =	swait.ge [sflag:s20], $0x4000  }
0x94: {  	[sflag:s20] =	ssyncset.done $0x0  }
0x95: {  	[sflag:s20] =	ssyncadd.s32 $0xFFFFC000  }
0x96: {  	[hbm4b:s10+s3] =	stream.linear.scatter [tilespmem:s19], [sflag:$0x2], $0x4000, $0x38;
	[tilespmem:$0x18200] =	vst v63  }
0x97: {  	_ =	swait.ge [sflag:s20], $0x4000  }
0x98: {  	[sflag:s20] =	ssyncset.done $0x0  }
0x99: {  	[sflag:s20] =	ssyncadd.s32 $0xFFFFC000  }
0x9a: {  	[tilespmem:s19], [sflag:$0x2] =	stream.linear.gather [spmem:s6], $0x4000, $0x38;
	[tilespmem:$0x18200] =	vst v63  }
0x9b: {  	_ =	swait.ge [sflag:s20], $0x4000  }
0x9c: {  	[sflag:s20] =	ssyncset.done $0x0  }
0x9d: {  	[sflag:s20] =	ssyncadd.s32 $0xFFFFC000  }
0x9e: {  	[hbm4b:s11+s3] =	stream.linear.scatter [tilespmem:s19], [sflag:$0x2], $0x4000, $0x38;
	[tilespmem:$0x18200] =	vst v63  }
0x9f: {  	_ =	swait.ge [sflag:s20], $0x4000  }
0xa0: {  	[sflag:s20] =	ssyncset.done $0x0  }
0xa1: {  	[sflag:s20] =	ssyncadd.s32 $0xFFFFC000  }
0xa2: {  	[tilespmem:s19], [sflag:$0x2] =	stream.linear.gather [spmem:s7], $0x4000, $0x38;
	[tilespmem:$0x18200] =	vst v63  }
0xa3: {  	_ =	swait.ge [sflag:s20], $0x4000  }
0xa4: {  	[sflag:s20] =	ssyncset.done $0x0  }
0xa5: {  	[sflag:s20] =	ssyncadd.s32 $0xFFFFC000  }
0xa6: {  	[hbm4b:s12+s3] =	stream.linear.scatter [tilespmem:s19], [sflag:$0x2], $0x4000, $0x38;
	[tilespmem:$0x18200] =	vst v63  }
0xa7: {  	_ =	swait.ge [sflag:s20], $0x4000  }
0xa8: {  	[sflag:s20] =	ssyncset.done $0x0  }
0xa9: {  	[sflag:s20] =	ssyncadd.s32 $0xFFFFC000  }
0xaa: {  	[tilespmem:s19], [sflag:$0x2] =	stream.linear.gather [spmem:s8], $0x4000, $0x38;
	[tilespmem:$0x18200] =	vst v63  }
0xab: {  	_ =	swait.ge [sflag:s20], $0x4000  }
0xac: {  	[sflag:s20] =	ssyncset.done $0x0  }
0xad: {  	[sflag:s20] =	ssyncadd.s32 $0xFFFFC000  }
0xae: {  	[hbm4b:s13+s3] =	stream.linear.scatter [tilespmem:s19], [sflag:$0x2], $0x4000, $0x38;
	[tilespmem:$0x18200] =	vst v63  }
0xaf: {  	_ =	swait.ge [sflag:s20], $0x4000  }
0xb0: {  	[sflag:s20] =	ssyncset.done $0x0  }
0xb1: {  	[sflag:s20] =	ssyncadd.s32 $0xFFFFC000  }
0xb2: {  	[tilespmem:s19], [sflag:$0x2] =	stream.linear.gather [spmem:s9], $0x4000, $0x38;
	[tilespmem:$0x18200] =	vst v63  }
0xb3: {  	s25 =	sadd.s32 $0x1, s25;
	_ =	swait.ge [sflag:s20], $0x4000  }
0xb4: {  	p0 =	sne.s32 s25, s15;
	[sflag:s20] =	ssyncset.done $0x0  }
.Ltmp2:
0xb5: {  	[sflag:s20] =	ssyncadd.s32 $0xFFFFC000;
	(pc) =	sbr.rel @p0 .LBB2_1-.Ltmp2, $4  }
0xb6: {  	[hbm4b:s14+s3] =	stream.linear.scatter [tilespmem:s19], [sflag:$0x2], $0x4000, $0x38;
	[tilespmem:$0x18200] =	vst v63  }
0xb7: {  	_ =	swait.ge [sflag:s20], $0x4000  }
0xb8: {  	[sflag:s20] =	ssyncset.done $0x0  }
0xb9: {  	[sflag:s20] =	ssyncadd.s32 $0xFFFFC000  }
0xba: {  	_ =	sfence.sel $0x180000  }
0xbb: {  	[bflag:$0x0] =	sbarrier.arrive $0xFFFF  }
0xbc: {  	p0 =	sne.s32 s2, $0x0;
	_ =	strace $0x9000004D  }
0xbd: {  	s0 =	sadd.s32 @!p0 $0x100000, s0;
	[bflag:$0x2] =	sbarrier.arrive $0xFFFF  }
0xbe: {  	[sflag:s0] =	ssyncadd.tile.s32 @!p0 $0x1;
	_ =	shalt  }
.Lfunc_end2:
_tile_overlayer_lowered:
.L_overlay_start_2:
0xbf: {  	(tag) =	ssettag $0x2  }
0xc0: {  	s0 =	rddreg [dreg:$0x0];
	s2 =	stileid.u32  }
0xc1: {  	s1 =	rddreg [dreg:$0x1];
	p0 =	sne.s32 s2, $0x0  }
0xc2: {  	s3 =	rddreg [dreg:$0x2];
	[bflag:$0x3] =	sbarrier.arrive $0xFFFF;
	s2 =	simm.s32 @!p0 $0x1C02  }
0xc3: {  	[timem:s3], [sflag:s2] =	dma.local @!p0 [hbm:s0], s1  }
0xc4: {  	s0 =	simm.s32 @!p0 $0x2  }
0xc5: {  	_ =	swait.ge @!p0 [sflag:s0], s1  }
0xc6: {  	s1 =	ssub.s32 @!p0 $0x0, s1;
	[sflag:s0] =	ssyncset.done @!p0 $0x0  }
0xc7: {  	[sflag:s0] =	ssyncadd.s32 @!p0 s1  }
0xc8: {  	[bflag:$0x3] =	sbarrier.arrive $0xFFFF  }
0xc9: {  	_ =	shalt  }

// kernel: kernel.9.cloned.1.call-start
scs
__scs_entry_jumppad:
0x0: {  	(pc) =	sbr.rel $0x88, $3  }
0x1: {  	(tag) =	ssettag $0x0;
	lr =	simm.s32 $0x1  }
0x2: {  	[smem:$0x3F9C] =	sst lr;
	_ =	strace $0xD0000000  }
0x3: {  	_ = 	snop  }
0x4: {  	_ = 	snop  }
0x5: {  	_ = 	snop  }
0x6: {  	_ = 	snop  }
0x7: {  	_ = 	snop  }
__scs_overlays_trampoline_lowered:
0x8: {  	[smem:$0x3FAB] =	sst s0  }
0x9: {  	[smem:$0x3FAC] =	sst s1  }
0xa: {  	[smem:$0x3FAD] =	sst s2  }
0xb: {  	[smem:$0x3FAE] =	sst s3  }
0xc: {  	[smem:$0x3FAF] =	sst s4  }
0xd: {  	[smem:$0x3FB0] =	sst s5  }
0xe: {  	[smem:$0x3FB1] =	sst s6  }
0xf: {  	[smem:$0x3FB2] =	sst s7  }
0x10: {  	[smem:$0x3FB3] =	sst s8  }
0x11: {  	[smem:$0x3FB4] =	sst s9;
	s0 =	simm.s32 @!p0 $0x0  }
0x12: {  	s1 =	sld [smem:$0x3F9A];
	s0 =	simm.s32 @p0 $0x1  }
0x13: {  	[smem:$0x3FB5] =	sst s0;
	s0 =	simm.s32 @!p1 $0x0  }
0x14: {  	s2 =	sld [smem:$0x3F99];
	s0 =	simm.s32 @p1 $0x1  }
0x15: {  	[smem:$0x3FB6] =	sst s0;
	s0 =	simm.s32 @!p2 $0x0  }
0x16: {  	s3 =	sld [smem:$0x3FDB];
	s0 =	simm.s32 @p2 $0x1  }
0x17: {  	s4 =	simm.s32 $0x1BF5;
	[smem:$0x3FB8] =	sst s0  }
0x18: {  	s0 =	sld [smem:$0x3F9B];
	_ =	swait.ge [sflag:s4], $0x0  }
0x19: {  	s7 =	sld [smem:$0x3F9C]  }
0x1a: {  	s8 =	sadd.s32 $0xFFFFE003, lr  }
0x1b: {  	s9 =	sadd.s32 $0xFFFFFEF7, lr;
	s5 =	simm.s32 $0xFFFFFFFF;
	p2 =	slt.u32 s8, $0xFFFFF086  }
0x1c: {  	p1 =	slt.u32 s9, $0xF7A;
	s5 =	simm.s32 @!p2 $0x0  }
0x1d: {  	s5 =	simm.s32 @p1 $0x1;
	p0 =	seq.s32 s7, s2  }
0x1e: {  	s7 =	smul.u32 @!p0 $0xF7A, s2;
	p2 =	seq.s32 @!p0 s5, $0x0  }
0x1f: {  	s9 =	smul.u32 $0xF7A, s1;
	s8 =	simm.s32 @!p0 $0x1BF5;
	p2 =	por !p2, p0  }
0x20: {  	[sflag:s8] =	ssyncset.s32 @!p0 $0xFFFFF086;
	s6 =	sadd.s32 @!p0 s3, s7;
	s7 =	simm.s32 @!p0 $0x108  }
0x21: {  	s3 =	sadd.s32 s3, s9;
	s6 =	sadd.s32 @!p0 $0x88, s6;
	s7 =	simm.s32 @p2 $0x1082  }
0x22: {  	[simem:s7], [sflag:s8] =	dma.local @!p0 [hbm:s6], $0xF7A  }
0x23: {  	s9 =	sor.u32 $0xD0000000, s2;
	s6 =	simm.s32 $0x108;
	_ =	swait.ge @!p0 [sflag:s8], $0x0  }
0x24: {  	s3 =	sadd.s32 $0x88, s3;
	s6 =	simm.s32 @!p1 $0x1082;
	[sflag:s4] =	ssyncset.s32 $0xFFFFF086  }
0x25: {  	[simem:s6], [sflag:s4] =	dma.local [hbm:s3], $0xF7A  }
0x26: {  	[smem:$0x3F9C] =	sst s1;
	(tag) =	ssettag s2;
	_ =	strace s9  }
0x27: {  	s1 =	sld [smem:$0x3FAC]  }
0x28: {  	s2 =	sld [smem:$0x3FAD]  }
0x29: {  	s4 =	sld [smem:$0x3FAF]  }
0x2a: {  	p0 =	seq.s32 s5, $0x0;
	s5 =	sld [smem:$0x3FB0]  }
0x2b: {  	s6 =	sld [smem:$0x3FB1]  }
0x2c: {  	s7 =	sld [smem:$0x3FB2]  }
0x2d: {  	s3 =	simm.s32 $0x108;
	s8 =	sld [smem:$0x3FB3]  }
0x2e: {  	s3 =	simm.s32 @!p0 $0x1082;
	s9 =	sld [smem:$0x3FB4]  }
0x2f: {  	lr =	sadd.s32 s0, s3;
	s0 =	sld [smem:$0x3FAB]  }
0x30: {  	s3 =	sld [smem:$0x3FAE]  }
0x31: {  	[smem:$0x3FB7] =	sst s10  }
0x32: {  	s10 =	sld [smem:$0x3FB5];
	_ =	sdelay $0x3  }
0x33: {  	p0 =	seq.s32 s10, $0x1;
	s10 =	sld [smem:$0x3FB7];
	_ =	sdelay $0x3  }
0x34: {  	[smem:$0x3FB7] =	sst s10  }
0x35: {  	s10 =	sld [smem:$0x3FB6];
	_ =	sdelay $0x3  }
0x36: {  	p1 =	seq.s32 s10, $0x1;
	s10 =	sld [smem:$0x3FB7];
	_ =	sdelay $0x3  }
0x37: {  	[smem:$0x3FB7] =	sst s10  }
0x38: {  	s10 =	sld [smem:$0x3FB8]  }
0x39: {  	_ = 	snop;
	(pc) =	sbr.ind lr, $3  }
0x3a: {  	_ = 	snop  }
0x3b: {  	_ = 	snop  }
0x3c: {  	p2 =	seq.s32 s10, $0x1;
	s10 =	sld [smem:$0x3FB7]  }
0x3d: {  	_ =	shalt  }
0x3e: {  	_ =	shalt  }
0x3f: {  	_ =	shalt  }
0x40: {  	_ =	shalt  }
0x41: {  	_ =	shalt  }
0x42: {  	_ =	shalt  }
0x43: {  	_ =	shalt  }
0x44: {  	_ =	shalt  }
0x45: {  	_ =	shalt  }
0x46: {  	_ =	shalt  }
0x47: {  	_ =	shalt  }
0x48: {  	_ =	shalt  }
0x49: {  	_ =	shalt  }
0x4a: {  	_ =	shalt  }
0x4b: {  	_ =	shalt  }
0x4c: {  	_ =	shalt  }
0x4d: {  	_ =	shalt  }
0x4e: {  	_ =	shalt  }
0x4f: {  	_ =	shalt  }
0x50: {  	_ =	shalt  }
0x51: {  	_ =	shalt  }
0x52: {  	_ =	shalt  }
0x53: {  	_ =	shalt  }
0x54: {  	_ =	shalt  }
0x55: {  	_ =	shalt  }
0x56: {  	_ =	shalt  }
0x57: {  	_ =	shalt  }
0x58: {  	_ =	shalt  }
0x59: {  	_ =	shalt  }
0x5a: {  	_ =	shalt  }
0x5b: {  	_ =	shalt  }
0x5c: {  	_ =	shalt  }
0x5d: {  	_ =	shalt  }
0x5e: {  	_ =	shalt  }
0x5f: {  	_ =	shalt  }
0x60: {  	_ =	shalt  }
0x61: {  	_ =	shalt  }
0x62: {  	_ =	shalt  }
0x63: {  	_ =	shalt  }
0x64: {  	_ =	shalt  }
0x65: {  	_ =	shalt  }
0x66: {  	_ =	shalt  }
0x67: {  	_ =	shalt  }
0x68: {  	_ =	shalt  }
0x69: {  	_ =	shalt  }
0x6a: {  	_ =	shalt  }
0x6b: {  	_ =	shalt  }
0x6c: {  	_ =	shalt  }
0x6d: {  	_ =	shalt  }
0x6e: {  	_ =	shalt  }
0x6f: {  	_ =	shalt  }
0x70: {  	_ =	shalt  }
0x71: {  	_ =	shalt  }
0x72: {  	_ =	shalt  }
0x73: {  	_ =	shalt  }
0x74: {  	_ =	shalt  }
0x75: {  	_ =	shalt  }
0x76: {  	_ =	shalt  }
0x77: {  	_ =	shalt  }
0x78: {  	_ =	shalt  }
0x79: {  	_ =	shalt  }
0x7a: {  	_ =	shalt  }
0x7b: {  	_ =	shalt  }
0x7c: {  	_ =	shalt  }
0x7d: {  	_ =	shalt  }
0x7e: {  	_ =	shalt  }
0x7f: {  	_ =	shalt  }
0x80: {  	_ =	shalt  }
0x81: {  	_ =	shalt  }
0x82: {  	_ =	shalt  }
0x83: {  	_ =	shalt  }
0x84: {  	_ =	shalt  }
0x85: {  	_ =	shalt  }
0x86: {  	_ =	shalt  }
0x87: {  	_ =	shalt  }
.Lfunc_end0:
.L_simem_size_0:
called_computation_lowered:
.L_overlay_start_0:
0x88: {  	s2 =	sld [smem:$0x3FD9]  }
0x89: {  	s3 =	sld [smem:$0x3FFE];
	_ =	sdelay $0x1  }
0x8a: {  	s1 =	srdreg.scid  }
0x8b: {  	s0 =	sand.u32 $0x1, s1  }
0x8c: {  	s16 =	sshll.u32 s0, $0xA;
	s2 =	sadd.s32 s3, s2  }
0x8d: {  	s2 =	sadd.s32 s2, s16  }
0x8e: {  	[smem:$0x3FC3] =	sst s2  }
0x8f: {  	_ = 	snop  }
0x90: {  	(tm) =	ssettm $0x1  }
0x91: {  	s17 =	sld [smem:$0x3FFB];
	_ =	sdelay $0x3  }
0x92: {  	_ =	strace s17  }
0x93: {  	s2 =	sld [smem:$0x3FFC];
	_ =	sdelay $0x3  }
0x94: {  	_ =	strace s2  }
0x95: {  	s2 =	sld [smem:$0x3FFD];
	_ =	sdelay $0x3  }
0x96: {  	_ =	strace s2  }
0x97: {  	_ =	strace $0x8FFFFFFF  }
0x98: {  	s18 =	sld [smem:$0x3FDB];
	_ =	sdelay $0x1  }
0x99: {  	s19 =	simm.s32 $_scs_section_size  }
0x9a: {  	s4 =	simm.s32 $_size__tile_overlayer_lowered;
	s5 =	simm.s32 $_tile_overlayer_lowered  }
0x9b: {  	s22 =	simm.s32 $0x1BFF;
	s21 =	sshll.u32 s5, $0x1;
	s2 =	sadd.s32 s19, s18  }
0x9c: {  	s6 =	simm.s32 $0x0;
	s20 =	sshll.u32 s4, $0x1;
	s4 =	sadd.s32 s21, s2  }
0x9d: {  	[timem:s6], [sflag:s22] =	dma.local [hbm:s4], s20  }
0x9e: {  	_ =	swait.ge [sflag:s22], s20  }
0x9f: {  	s3 =	ssub.s32 $0x0, s20;
	[sflag:s22] =	ssyncset.done $0x0  }
0xa0: {  	[sflag:s22] =	ssyncadd.s32 s3;
	_ =	sdelay $0x1  }
0xa1: {  	s23 =	simm.s32 $0x1B8B  }
0xa2: {  	_ =	swait.ge [sflag:s23], $0x1  }
0xa3: {  	[sflag:s23] =	ssyncset.done $0x0  }
0xa4: {  	s25 =	simm.s32 $0x1B8E;
	s24 =	sld [smem:$0x3FFE];
	[sflag:s23] =	ssyncadd.s32 $0xFFFFFFFF  }
0xa5: {  	s26 =	simm.s32 $execute0_lowered;
	[smem:$0x3FD2] =	sst s25  }
0xa6: {  	s4 =	sshll.u32 s26, $0x1;
	_ =	strace $0x80000046;
	[dreg:$0x1] =	wrdreg $0xFFFFFFFF  }
0xa7: {  	s28 =	simm.s32 $_size_execute0_lowered;
	s2 =	sadd.s32 s2, s4;
	[dreg:$0x0] =	wrdreg $0x0  }
0xa8: {  	s4 =	sshll.u32 s28, $0x1;
	[dreg:$0x2] =	wrdreg s2  }
0xa9: {  	[dreg:$0x3] =	wrdreg s4  }
0xaa: {  	[dreg:$0x4] =	wrdreg $0xC0  }
0xab: {  	_ =	task [dreg:s6], $0x5FFFF  }
0xac: {  	[dreg:$0x1] =	wrdreg $0xFFFFFFFF  }
0xad: {  	[dreg:$0x0] =	wrdreg $0x60  }
0xae: {  	[dreg:$0x2] =	wrdreg s24  }
0xaf: {  	[dreg:$0x3] =	wrdreg $0xA8000  }
0xb0: {  	[dreg:$0x4] =	wrdreg $0x9  }
0xb1: {  	_ =	task.clear_ibuf [dreg:s6], $0x5FFFF;
	_ =	strace $0x90000046  }
0xb2: {  	s29 =	simm.s32 $0x9;
	_ =	strace $0x80000048  }
0xb3: {  	_ =	swait.ge [sflag:s29], $0x1  }
0xb4: {  	[sflag:s29] =	ssyncadd.s32 $0xFFFFFFFF  }
0xb5: {  	_ =	strace $0x90000048  }
0xb6: {  	_ =	sfence  }
0xb7: {  	s30 =	sld [smem:$0x0];
	_ =	sdelay $0x2  }
0xb8: {  	s31 =	sshll.u32 s1, $0xD;
	s1 =	sshrl.u32 s1, $0x2  }
0xb9: {  	s3 =	sand.u32 $0x4000, s31;
	s1 =	sadd.s32 s1, s30  }
0xba: {  	s0 =	sor.u32 s3, s0;
	s1 =	sshll.u32 s1, $0x11  }
0xbb: {  	s0 =	sor.u32 s1, s0  }
0xbc: {  	s0 =	sadd.s32 $0x8F2B, s0  }
0xbd: {  	[sflag:s0] =	ssyncadd.remote.s32 $0x1  }
0xbe: {  	_ =	sfence.sel $0xFFFF  }
0xbf: {  	[dreg:$0x0] =	wrdreg $0xFFFFFFFF;
	(pc) =	sbr.abs _section_cstart, $3  }
0xc0: {  	[dreg:$0x1] =	wrdreg $0xFFFFFFFF  }
0xc1: {  	_ =	task.clear_ibuf [dreg:s6], $0x2FFFF;
	_ =	strace $0x9FFFFFFF  }
0xc2: {  	(tm) =	ssettm $0x7FFFFFFF  }
0xc3: {  	_ =	shalt  }
tec
execute0_lowered:
.L_overlay_start_1:
0x0: {  	(tag) =	ssettag $0x1  }
0x1: {  	s1 =	srdreg.scid;
	s4 =	rddreg [dreg:$0x0]  }
0x2: {  	s0 =	stileid.u32;
	s2 =	rddreg [dreg:$0x1];
	s3 =	simm.s32 $0x0  }
0x3: {  	s19 =	simm.s32 $0x1;
	s20 =	simm.s32 $0x6800;
	s21 =	simm.s32 $0x0  }
0x4: {  	s6 =	sand.u32 $0x1, s1;
	s1 =	rddreg [dreg:$0x2];
	s7 =	smul.u32 $0x50000, s0  }
0x5: {  	s28 =	sshll.u32 s0, $0x1;
	[smem:$0x7FF] =	sst s3;
	s9 =	smul.u32 $0x14000, s0  }
0x6: {  	s14 =	sadd.s32 $0x16A00, s4;
	s5 =	sor.u32 s6, s28;
	s16 =	smul.u32 $0x140000, s6  }
0x7: {  	_ =	strace $0x80000047;
	s29 =	ssub.s32 $0x2, s6;
	s5 =	smul.u32 $0x500, s5  }
0x8: {  	s30 =	sshrl.u32 s29, $0x1;
	s7 =	sshrl.u32 s7, $0x2;
	s11 =	sadd.s32 $0x4000, s9  }
0x9: {  	s12 =	sadd.s32 $0x8000, s9;
	s13 =	sadd.s32 $0xC000, s9;
	s17 =	sadd.s32 $0x10000, s9  }
0xa: {  	s15 =	ssub.s32 s29, s30;
	s6 =	sadd.s32 s12, s2;
	s8 =	sadd.s32 s17, s2  }
0xb: {  	s18 =	sadd.s32 s9, s16;
	s12 =	sadd.s32 s16, s12;
	s10 =	sadd.s32 s5, s4  }
0xc: {  	s4 =	sadd.s32 s7, s2;
	s5 =	sadd.s32 s11, s2;
	s7 =	sadd.s32 s13, s2  }
0xd: {  	s11 =	sadd.s32 s16, s11;
	s31 =	sshrl.u32 s18, $0x3;
	s12 =	sshrl.u32 s12, $0x3  }
0xe: {  	s13 =	sadd.s32 s16, s13;
	s16 =	sadd.s32 s16, s17;
	s15 =	smax.u32 s15, $0x1  }
0xf: {  	s17 =	simm.s32 $0x2;
	s18 =	simm.s32 $0x80;
	s9 =	sadd.s32 $0x2A00, s10  }
0x10: {  	s11 =	sshrl.u32 s11, $0x3;
	s10 =	sadd.s32 s14, s31;
	s12 =	sadd.s32 s14, s12  }
0x11: {  	s13 =	sshrl.u32 s13, $0x3;
	s16 =	sshrl.u32 s16, $0x3;
	s11 =	sadd.s32 s14, s11  }
0x12: {  	v0 =	vimm.f32 $0.0e+00;
	v1 =	vimm.f32 $1.000000000e+00;
	s13 =	sadd.s32 s14, s13;
	s14 =	sadd.s32 s14, s16;
	s16 =	simm.s32 $0x2800  }
.LBB2_1:
0x13: {  	s22 =	simm.s32 $0x0;
	s23 =	simm.s32 $0x200  }
.LBB2_2:
0x14: {  	p0 =	sne.s32 s23, $0xFE00;
	[tilespmem:s22+$0x2870] =	vst v0  }
0x15: {  	[tilespmem:s22+$0x2800] =	vst v0  }
0x16: {  	[tilespmem:s22+$0x2810] =	vst v0  }
.Ltmp0:
0x17: {  	[tilespmem:s22+$0x2820] =	vst v0;
	(pc) =	sbr.rel @p0 .LBB2_2-.Ltmp0, $4  }
0x18: {  	[tilespmem:s22+$0x2830] =	vst v0  }
0x19: {  	[tilespmem:s22+$0x2840] =	vst v0  }
0x1a: {  	[tilespmem:s22+$0x2850] =	vst v0  }
0x1b: {  	[tilespmem:s22+$0x2860] =	vst v0;
	s22 =	sshra.s32 s23, $0x2;
	s23 =	sadd.s32 $0x200, s23  }
0x1c: {  	[tilespmem:s22+$0x2870] =	vst v0  }
0x1d: {  	[tilespmem:s22+$0x2800] =	vst v0  }
0x1e: {  	[tilespmem:s22+$0x2810] =	vst v0  }
0x1f: {  	[tilespmem:s22+$0x2820] =	vst v0  }
0x20: {  	[tilespmem:s22+$0x2830] =	vst v0  }
0x21: {  	[tilespmem:s22+$0x2840] =	vst v0  }
0x22: {  	[tilespmem:s22+$0x2850] =	vst v0  }
0x23: {  	[tilespmem:s22+$0x2860] =	vst v0  }
0x24: {  	[spmem:s4] =	stream.linear.scatter [tilespmem:s16], [sflag:$0x2], $0x4000, $0x38;
	[tilespmem:$0x1E800] =	vst v63  }
0x25: {  	_ =	swait.ge [sflag:s17], $0x4000  }
0x26: {  	[sflag:s17] =	ssyncset.done $0x0  }
0x27: {  	[sflag:s17] =	ssyncadd.s32 $0xFFFFC000  }
0x28: {  	[spmem:s5] =	stream.linear.scatter [tilespmem:s16], [sflag:$0x2], $0x4000, $0x38;
	[tilespmem:$0x1E800] =	vst v63  }
0x29: {  	_ =	swait.ge [sflag:s17], $0x4000  }
0x2a: {  	[sflag:s17] =	ssyncset.done $0x0  }
0x2b: {  	[sflag:s17] =	ssyncadd.s32 $0xFFFFC000  }
0x2c: {  	[spmem:s6] =	stream.linear.scatter [tilespmem:s16], [sflag:$0x2], $0x4000, $0x38;
	[tilespmem:$0x1E800] =	vst v63  }
0x2d: {  	_ =	swait.ge [sflag:s17], $0x4000  }
0x2e: {  	[sflag:s17] =	ssyncset.done $0x0  }
0x2f: {  	[sflag:s17] =	ssyncadd.s32 $0xFFFFC000  }
0x30: {  	[spmem:s7] =	stream.linear.scatter [tilespmem:s16], [sflag:$0x2], $0x4000, $0x38;
	[tilespmem:$0x1E800] =	vst v63  }
0x31: {  	_ =	swait.ge [sflag:s17], $0x4000  }
0x32: {  	[sflag:s17] =	ssyncset.done $0x0  }
0x33: {  	[sflag:s17] =	ssyncadd.s32 $0xFFFFC000  }
0x34: {  	[spmem:s8] =	stream.linear.scatter [tilespmem:s16], [sflag:$0x2], $0x4000, $0x38;
	[tilespmem:$0x1E800] =	vst v63  }
0x35: {  	_ =	swait.ge [sflag:s17], $0x4000  }
0x36: {  	[sflag:s17] =	ssyncset.done $0x0  }
0x37: {  	s22 =	simm.s32 $0x0;
	s23 =	simm.s32 $0x200;
	[sflag:s17] =	ssyncadd.s32 $0xFFFFC000  }
.LBB2_4:
0x38: {  	p0 =	sne.s32 s23, $0xFE00;
	[tilespmem:s22+$0x2870] =	vst v1  }
0x39: {  	[tilespmem:s22+$0x2800] =	vst v1  }
0x3a: {  	[tilespmem:s22+$0x2810] =	vst v1  }
.Ltmp1:
0x3b: {  	[tilespmem:s22+$0x2820] =	vst v1;
	(pc) =	sbr.rel @p0 .LBB2_4-.Ltmp1, $4  }
0x3c: {  	[tilespmem:s22+$0x2830] =	vst v1  }
0x3d: {  	[tilespmem:s22+$0x2840] =	vst v1  }
0x3e: {  	[tilespmem:s22+$0x2850] =	vst v1  }
0x3f: {  	[tilespmem:s22+$0x2860] =	vst v1;
	s22 =	sshra.s32 s23, $0x2;
	s23 =	sadd.s32 $0x200, s23  }
0x40: {  	[tilespmem:s22+$0x2870] =	vst v1  }
0x41: {  	[tilespmem:s22+$0x2800] =	vst v1  }
0x42: {  	[tilespmem:s22+$0x2810] =	vst v1  }
0x43: {  	[tilespmem:s22+$0x2820] =	vst v1  }
0x44: {  	[tilespmem:s22+$0x2830] =	vst v1  }
0x45: {  	[tilespmem:s22+$0x2840] =	vst v1  }
0x46: {  	[tilespmem:s22+$0x2850] =	vst v1  }
0x47: {  	[tilespmem:s22+$0x2860] =	vst v1;
	s31 =	simm.s32 $0x0  }
0x48: {  	[tilespmem:s31], [sflag:$0x2] =	stream.linear.gather [hbm4b:s9+s31], $0x2800, $0x38;
	[tilespmem:$0x1E800] =	vst v63  }
0x49: {  	_ =	swait.ge [sflag:s17], $0x2800  }
0x4a: {  	[sflag:s17] =	ssyncset.done $0x0  }
0x4b: {  	[sflag:s17] =	ssyncadd.s32 $0xFFFFD800  }
0x4c: {  	s23 =	simm.s32 $0x0;
	[bflag:$0x0] =	sbarrier.arrive $0xFFFF  }
0x4d: {  	[spmem:s2] =	stream.indirect.scatter.add.f32 [tilespmem:s16], [sflag:$0x1], $0x80, s23, s18, $0xb8;
	[tilespmem:$0x1E800] =	vst v63  }
0x4e: {  	s24 =	simm.s32 $0x80  }
0x4f: {  	[spmem:s2] =	stream.indirect.scatter.add.f32 [tilespmem:s16], [sflag:$0x1], $0x80, s24, s18, $0xb8;
	[tilespmem:$0x1E800] =	vst v63  }
0x50: {  	s25 =	simm.s32 $0x100  }
0x51: {  	[spmem:s2] =	stream.indirect.scatter.add.f32 [tilespmem:s16], [sflag:$0x1], $0x80, s25, s18, $0xb8;
	[tilespmem:$0x1E800] =	vst v63  }
0x52: {  	s26 =	simm.s32 $0x180  }
0x53: {  	[spmem:s2] =	stream.indirect.scatter.add.f32 [tilespmem:s16], [sflag:$0x1], $0x80, s26, s18, $0xb8;
	[tilespmem:$0x1E800] =	vst v63  }
0x54: {  	s28 =	simm.s32 $0x200  }
0x55: {  	[spmem:s2] =	stream.indirect.scatter.add.f32 [tilespmem:s16], [sflag:$0x1], $0x80, s28, s18, $0xb8;
	[tilespmem:$0x1E800] =	vst v63  }
0x56: {  	s29 =	simm.s32 $0x280  }
0x57: {  	[spmem:s2] =	stream.indirect.scatter.add.f32 [tilespmem:s16], [sflag:$0x1], $0x80, s29, s18, $0xb8;
	[tilespmem:$0x1E800] =	vst v63  }
0x58: {  	s30 =	simm.s32 $0x300  }
0x59: {  	[spmem:s2] =	stream.indirect.scatter.add.f32 [tilespmem:s16], [sflag:$0x1], $0x80, s30, s18, $0xb8;
	[tilespmem:$0x1E800] =	vst v63  }
0x5a: {  	s31 =	simm.s32 $0x380  }
0x5b: {  	[spmem:s2] =	stream.indirect.scatter.add.f32 [tilespmem:s16], [sflag:$0x1], $0x80, s31, s18, $0xb8;
	[tilespmem:$0x1E800] =	vst v63  }
0x5c: {  	_ =	swait.ge [sflag:s19], $0x4000  }
0x5d: {  	[sflag:s19] =	ssyncset.done $0x0  }
0x5e: {  	[sflag:s19] =	ssyncadd.s32 $0xFFFFC000  }
0x5f: {  	_ =	swait.ge [sflag:s19], $0x4000  }
0x60: {  	[sflag:s19] =	ssyncset.done $0x0  }
0x61: {  	[sflag:s19] =	ssyncadd.s32 $0xFFFFC000  }
0x62: {  	_ =	swait.ge [sflag:s19], $0x4000  }
0x63: {  	[sflag:s19] =	ssyncset.done $0x0  }
0x64: {  	[sflag:s19] =	ssyncadd.s32 $0xFFFFC000  }
0x65: {  	_ =	swait.ge [sflag:s19], $0x4000  }
0x66: {  	[sflag:s19] =	ssyncset.done $0x0  }
0x67: {  	[sflag:s19] =	ssyncadd.s32 $0xFFFFC000  }
0x68: {  	_ =	swait.ge [sflag:s19], $0x4000  }
0x69: {  	[sflag:s19] =	ssyncset.done $0x0  }
0x6a: {  	[sflag:s19] =	ssyncadd.s32 $0xFFFFC000  }
0x6b: {  	_ =	swait.ge [sflag:s19], $0x4000  }
0x6c: {  	[sflag:s19] =	ssyncset.done $0x0  }
0x6d: {  	[sflag:s19] =	ssyncadd.s32 $0xFFFFC000  }
0x6e: {  	_ =	swait.ge [sflag:s19], $0x4000  }
0x6f: {  	[sflag:s19] =	ssyncset.done $0x0  }
0x70: {  	[sflag:s19] =	ssyncadd.s32 $0xFFFFC000  }
0x71: {  	_ =	swait.ge [sflag:s19], $0x4000  }
0x72: {  	s22 =	simm.s32 $0x1000;
	s24 =	simm.s32 $0x2000;
	[sflag:s19] =	ssyncset.done $0x0  }
.LBB2_6:
0x73: {  	s25 =	sshra.s32 s22, $0x2  }
0x74: {  	[sflag:s19] =	ssyncadd.s32 $0xFFFFC000;
	s22 =	smov.u32 s24;
	s23 =	sadd.s32 $0x1000, s24  }
0x75: {  	[spmem:s2] =	stream.indirect.scatter.add.f32 [tilespmem:s16], [sflag:$0x1], $0x80, s25, s18, $0xb8;
	[tilespmem:$0x1E800] =	vst v63  }
0x76: {  	p0 =	sne.s32 s24, $0x9000;
	s24 =	sadd.s32 $0x80, s25  }
0x77: {  	[spmem:s2] =	stream.indirect.scatter.add.f32 [tilespmem:s16], [sflag:$0x1], $0x80, s24, s18, $0xb8;
	[tilespmem:$0x1E800] =	vst v63  }
0x78: {  	s24 =	sadd.s32 $0x100, s25  }
0x79: {  	[spmem:s2] =	stream.indirect.scatter.add.f32 [tilespmem:s16], [sflag:$0x1], $0x80, s24, s18, $0xb8;
	[tilespmem:$0x1E800] =	vst v63  }
0x7a: {  	s24 =	sadd.s32 $0x180, s25  }
0x7b: {  	[spmem:s2] =	stream.indirect.scatter.add.f32 [tilespmem:s16], [sflag:$0x1], $0x80, s24, s18, $0xb8;
	[tilespmem:$0x1E800] =	vst v63  }
0x7c: {  	s24 =	sadd.s32 $0x200, s25  }
0x7d: {  	[spmem:s2] =	stream.indirect.scatter.add.f32 [tilespmem:s16], [sflag:$0x1], $0x80, s24, s18, $0xb8;
	[tilespmem:$0x1E800] =	vst v63  }
0x7e: {  	s24 =	sadd.s32 $0x280, s25  }
0x7f: {  	[spmem:s2] =	stream.indirect.scatter.add.f32 [tilespmem:s16], [sflag:$0x1], $0x80, s24, s18, $0xb8;
	[tilespmem:$0x1E800] =	vst v63  }
0x80: {  	s24 =	sadd.s32 $0x300, s25  }
0x81: {  	[spmem:s2] =	stream.indirect.scatter.add.f32 [tilespmem:s16], [sflag:$0x1], $0x80, s24, s18, $0xb8;
	[tilespmem:$0x1E800] =	vst v63  }
0x82: {  	s24 =	sadd.s32 $0x380, s25  }
0x83: {  	[spmem:s2] =	stream.indirect.scatter.add.f32 [tilespmem:s16], [sflag:$0x1], $0x80, s24, s18, $0xb8;
	[tilespmem:$0x1E800] =	vst v63  }
0x84: {  	_ =	swait.ge [sflag:s19], $0x4000  }
0x85: {  	[sflag:s19] =	ssyncset.done $0x0  }
0x86: {  	[sflag:s19] =	ssyncadd.s32 $0xFFFFC000  }
0x87: {  	_ =	swait.ge [sflag:s19], $0x4000  }
0x88: {  	[sflag:s19] =	ssyncset.done $0x0  }
0x89: {  	[sflag:s19] =	ssyncadd.s32 $0xFFFFC000  }
0x8a: {  	_ =	swait.ge [sflag:s19], $0x4000  }
0x8b: {  	[sflag:s19] =	ssyncset.done $0x0  }
0x8c: {  	[sflag:s19] =	ssyncadd.s32 $0xFFFFC000  }
0x8d: {  	_ =	swait.ge [sflag:s19], $0x4000  }
0x8e: {  	[sflag:s19] =	ssyncset.done $0x0  }
0x8f: {  	[sflag:s19] =	ssyncadd.s32 $0xFFFFC000  }
0x90: {  	_ =	swait.ge [sflag:s19], $0x4000  }
0x91: {  	[sflag:s19] =	ssyncset.done $0x0  }
0x92: {  	[sflag:s19] =	ssyncadd.s32 $0xFFFFC000  }
0x93: {  	_ =	swait.ge [sflag:s19], $0x4000  }
0x94: {  	[sflag:s19] =	ssyncset.done $0x0  }
0x95: {  	[sflag:s19] =	ssyncadd.s32 $0xFFFFC000  }
.Ltmp2:
0x96: {  	_ =	swait.ge [sflag:s19], $0x4000;
	(pc) =	sbr.rel @p0 .LBB2_6-.Ltmp2, $4  }
0x97: {  	[sflag:s19] =	ssyncset.done $0x0  }
0x98: {  	[sflag:s19] =	ssyncadd.s32 $0xFFFFC000  }
0x99: {  	_ =	swait.ge [sflag:s19], $0x4000  }
0x9a: {  	s24 =	smov.u32 s23;
	[sflag:s19] =	ssyncset.done $0x0  }
0x9b: {  	s22 =	sshra.s32 s22, $0x2;
	[sflag:s19] =	ssyncadd.s32 $0xFFFFC000  }
0x9c: {  	[spmem:s2] =	stream.indirect.scatter.add.f32 [tilespmem:s16], [sflag:$0x1], $0x80, s22, s18, $0xb8;
	[tilespmem:$0x1E800] =	vst v63  }
0x9d: {  	s23 =	sadd.s32 $0x80, s22  }
0x9e: {  	[spmem:s2] =	stream.indirect.scatter.add.f32 [tilespmem:s16], [sflag:$0x1], $0x80, s23, s18, $0xb8;
	[tilespmem:$0x1E800] =	vst v63  }
0x9f: {  	s26 =	sadd.s32 $0x100, s22  }
0xa0: {  	[spmem:s2] =	stream.indirect.scatter.add.f32 [tilespmem:s16], [sflag:$0x1], $0x80, s26, s18, $0xb8;
	[tilespmem:$0x1E800] =	vst v63  }
0xa1: {  	s28 =	sadd.s32 $0x180, s22  }
0xa2: {  	[spmem:s2] =	stream.indirect.scatter.add.f32 [tilespmem:s16], [sflag:$0x1], $0x80, s28, s18, $0xb8;
	[tilespmem:$0x1E800] =	vst v63  }
0xa3: {  	s29 =	sadd.s32 $0x200, s22  }
0xa4: {  	[spmem:s2] =	stream.indirect.scatter.add.f32 [tilespmem:s16], [sflag:$0x1], $0x80, s29, s18, $0xb8;
	[tilespmem:$0x1E800] =	vst v63  }
0xa5: {  	s30 =	sadd.s32 $0x280, s22  }
0xa6: {  	[spmem:s2] =	stream.indirect.scatter.add.f32 [tilespmem:s16], [sflag:$0x1], $0x80, s30, s18, $0xb8;
	[tilespmem:$0x1E800] =	vst v63  }
0xa7: {  	s31 =	sadd.s32 $0x300, s22  }
0xa8: {  	[spmem:s2] =	stream.indirect.scatter.add.f32 [tilespmem:s16], [sflag:$0x1], $0x80, s31, s18, $0xb8;
	[tilespmem:$0x1E800] =	vst v63  }
0xa9: {  	s22 =	sadd.s32 $0x380, s22  }
0xaa: {  	[spmem:s2] =	stream.indirect.scatter.add.f32 [tilespmem:s16], [sflag:$0x1], $0x80, s22, s18, $0xb8;
	[tilespmem:$0x1E800] =	vst v63  }
0xab: {  	_ =	swait.ge [sflag:s19], $0x4000  }
0xac: {  	[sflag:s19] =	ssyncset.done $0x0  }
0xad: {  	[sflag:s19] =	ssyncadd.s32 $0xFFFFC000  }
0xae: {  	_ =	swait.ge [sflag:s19], $0x4000  }
0xaf: {  	[sflag:s19] =	ssyncset.done $0x0  }
0xb0: {  	[sflag:s19] =	ssyncadd.s32 $0xFFFFC000  }
0xb1: {  	_ =	swait.ge [sflag:s19], $0x4000  }
0xb2: {  	[sflag:s19] =	ssyncset.done $0x0  }
0xb3: {  	[sflag:s19] =	ssyncadd.s32 $0xFFFFC000  }
0xb4: {  	_ =	swait.ge [sflag:s19], $0x4000  }
0xb5: {  	[sflag:s19] =	ssyncset.done $0x0  }
0xb6: {  	[sflag:s19] =	ssyncadd.s32 $0xFFFFC000  }
0xb7: {  	_ =	swait.ge [sflag:s19], $0x4000  }
0xb8: {  	[sflag:s19] =	ssyncset.done $0x0  }
0xb9: {  	[sflag:s19] =	ssyncadd.s32 $0xFFFFC000  }
0xba: {  	_ =	swait.ge [sflag:s19], $0x4000  }
0xbb: {  	[sflag:s19] =	ssyncset.done $0x0  }
0xbc: {  	[sflag:s19] =	ssyncadd.s32 $0xFFFFC000  }
0xbd: {  	_ =	swait.ge [sflag:s19], $0x4000  }
0xbe: {  	[sflag:s19] =	ssyncset.done $0x0  }
0xbf: {  	[sflag:s19] =	ssyncadd.s32 $0xFFFFC000  }
0xc0: {  	_ =	swait.ge [sflag:s19], $0x4000  }
0xc1: {  	[sflag:s19] =	ssyncset.done $0x0  }
0xc2: {  	[sflag:s19] =	ssyncadd.s32 $0xFFFFC000  }
0xc3: {  	[bflag:$0x0] =	sbarrier.arrive $0xFFFF  }
0xc4: {  	[tilespmem:s20], [sflag:$0x2] =	stream.linear.gather [spmem:s4], $0x4000, $0x38;
	[tilespmem:$0x1E800] =	vst v63  }
0xc5: {  	_ =	swait.ge [sflag:s17], $0x4000  }
0xc6: {  	[sflag:s17] =	ssyncset.done $0x0  }
0xc7: {  	[sflag:s17] =	ssyncadd.s32 $0xFFFFC000  }
0xc8: {  	[hbm4b:s10+s3] =	stream.linear.scatter [tilespmem:s20], [sflag:$0x2], $0x4000, $0x38;
	[tilespmem:$0x1E800] =	vst v63  }
0xc9: {  	_ =	swait.ge [sflag:s17], $0x4000  }
0xca: {  	[sflag:s17] =	ssyncset.done $0x0  }
0xcb: {  	[sflag:s17] =	ssyncadd.s32 $0xFFFFC000  }
0xcc: {  	[tilespmem:s20], [sflag:$0x2] =	stream.linear.gather [spmem:s5], $0x4000, $0x38;
	[tilespmem:$0x1E800] =	vst v63  }
0xcd: {  	_ =	swait.ge [sflag:s17], $0x4000  }
0xce: {  	[sflag:s17] =	ssyncset.done $0x0  }
0xcf: {  	[sflag:s17] =	ssyncadd.s32 $0xFFFFC000  }
0xd0: {  	[hbm4b:s11+s3] =	stream.linear.scatter [tilespmem:s20], [sflag:$0x2], $0x4000, $0x38;
	[tilespmem:$0x1E800] =	vst v63  }
0xd1: {  	_ =	swait.ge [sflag:s17], $0x4000  }
0xd2: {  	[sflag:s17] =	ssyncset.done $0x0  }
0xd3: {  	[sflag:s17] =	ssyncadd.s32 $0xFFFFC000  }
0xd4: {  	[tilespmem:s20], [sflag:$0x2] =	stream.linear.gather [spmem:s6], $0x4000, $0x38;
	[tilespmem:$0x1E800] =	vst v63  }
0xd5: {  	_ =	swait.ge [sflag:s17], $0x4000  }
0xd6: {  	[sflag:s17] =	ssyncset.done $0x0  }
0xd7: {  	[sflag:s17] =	ssyncadd.s32 $0xFFFFC000  }
0xd8: {  	[hbm4b:s12+s3] =	stream.linear.scatter [tilespmem:s20], [sflag:$0x2], $0x4000, $0x38;
	[tilespmem:$0x1E800] =	vst v63  }
0xd9: {  	_ =	swait.ge [sflag:s17], $0x4000  }
0xda: {  	[sflag:s17] =	ssyncset.done $0x0  }
0xdb: {  	[sflag:s17] =	ssyncadd.s32 $0xFFFFC000  }
0xdc: {  	[tilespmem:s20], [sflag:$0x2] =	stream.linear.gather [spmem:s7], $0x4000, $0x38;
	[tilespmem:$0x1E800] =	vst v63  }
0xdd: {  	_ =	swait.ge [sflag:s17], $0x4000  }
0xde: {  	[sflag:s17] =	ssyncset.done $0x0  }
0xdf: {  	[sflag:s17] =	ssyncadd.s32 $0xFFFFC000  }
0xe0: {  	[hbm4b:s13+s3] =	stream.linear.scatter [tilespmem:s20], [sflag:$0x2], $0x4000, $0x38;
	[tilespmem:$0x1E800] =	vst v63  }
0xe1: {  	_ =	swait.ge [sflag:s17], $0x4000  }
0xe2: {  	[sflag:s17] =	ssyncset.done $0x0  }
0xe3: {  	[sflag:s17] =	ssyncadd.s32 $0xFFFFC000  }
0xe4: {  	[tilespmem:s20], [sflag:$0x2] =	stream.linear.gather [spmem:s8], $0x4000, $0x38;
	[tilespmem:$0x1E800] =	vst v63  }
0xe5: {  	s21 =	sadd.s32 $0x1, s21;
	_ =	swait.ge [sflag:s17], $0x4000  }
0xe6: {  	p0 =	sne.s32 s21, s15;
	[sflag:s17] =	ssyncset.done $0x0  }
.Ltmp3:
0xe7: {  	[sflag:s17] =	ssyncadd.s32 $0xFFFFC000;
	(pc) =	sbr.rel @p0 .LBB2_1-.Ltmp3, $4  }
0xe8: {  	[hbm4b:s14+s3] =	stream.linear.scatter [tilespmem:s20], [sflag:$0x2], $0x4000, $0x38;
	[tilespmem:$0x1E800] =	vst v63  }
0xe9: {  	_ =	swait.ge [sflag:s17], $0x4000  }
0xea: {  	[sflag:s17] =	ssyncset.done $0x0  }
0xeb: {  	[sflag:s17] =	ssyncadd.s32 $0xFFFFC000  }
0xec: {  	_ =	sfence.sel $0x180000  }
0xed: {  	[bflag:$0x0] =	sbarrier.arrive $0xFFFF  }
0xee: {  	p0 =	sne.s32 s0, $0x0;
	_ =	strace $0x90000047  }
0xef: {  	s0 =	sadd.s32 @!p0 $0x100000, s1;
	[bflag:$0x2] =	sbarrier.arrive $0xFFFF  }
0xf0: {  	[sflag:s0] =	ssyncadd.tile.s32 @!p0 $0x1;
	_ =	shalt  }
.Lfunc_end2:
_tile_overlayer_lowered:
.L_overlay_start_2:
0xf1: {  	(tag) =	ssettag $0x2  }
0xf2: {  	s0 =	rddreg [dreg:$0x0];
	s2 =	stileid.u32  }
0xf3: {  	s1 =	rddreg [dreg:$0x1];
	p0 =	sne.s32 s2, $0x0  }
0xf4: {  	s3 =	rddreg [dreg:$0x2];
	[bflag:$0x3] =	sbarrier.arrive $0xFFFF;
	s2 =	simm.s32 @!p0 $0x1C02  }
0xf5: {  	[timem:s3], [sflag:s2] =	dma.local @!p0 [hbm:s0], s1  }
0xf6: {  	s0 =	simm.s32 @!p0 $0x2  }
0xf7: {  	_ =	swait.ge @!p0 [sflag:s0], s1  }
0xf8: {  	s1 =	ssub.s32 @!p0 $0x0, s1;
	[sflag:s0] =	ssyncset.done @!p0 $0x0  }
0xf9: {  	[sflag:s0] =	ssyncadd.s32 @!p0 s1  }
0xfa: {  	[bflag:$0x3] =	sbarrier.arrive $0xFFFF  }
0xfb: {  	_ =	shalt  }

</sc_bundles>
